<compile_context>
chip_gen: v7x
topology: tpu7x:2x2x1
jax: 0.10.2.dev20260603
libtpu: 0.0.44.dev20260713+nightly
codegen_flags: <defaults>
</compile_context>

<pallas_src>
import jax
import jax.numpy as jnp
from jax import lax
from jax.experimental import pallas as pl
from jax.experimental.pallas import tpu as pltpu
from jax.experimental.pallas import tpu_sc as plsc

_B, _C, _W, _H = 8, 96, 224, 224
_N = _W * _H
_NB = 4096
_LO, _HI = -5.5, 5.5
_WIDTH = (_HI - _LO) / _NB
_INVW = 1.0 / _WIDTH
_Q = 12672
_CHR = 16
_NCH = _W // _CHR
_CVEC = _H // 16
_NW = 32
_CPW = _C // _NW


def _efd_body(x_hbm, lam_hbm, perm_hbm, out_hbm, hist, rqf, rlut,
              i0, i1, o0, o1, lamb, permb, si0, si1, so0, so1):
    wid = lax.axis_index("s") * 2 + lax.axis_index("c")
    ones = jnp.ones((16,), jnp.int32)
    zeros = jnp.zeros((16,), jnp.int32)
    lanes = lax.iota(jnp.int32, 16)
    full15 = jnp.full((16, 1), 15, jnp.int32)
    nextlane = jnp.minimum(lax.iota(jnp.int32, 16) + 1, 15).reshape(16, 1)
    _gd = lax.GatherDimensionNumbers(
        offset_dims=(), collapsed_slice_dims=(0,), start_index_map=(0,))

    def bcast_last(v):
        return lax.gather(v, full15, _gd, (1,),
                          mode=lax.GatherScatterMode.PROMISE_IN_BOUNDS)

    def start_in(b, c, j, buf, sem):
        pltpu.async_copy(x_hbm.at[b, c, pl.ds(j * _CHR, _CHR)], buf, sem)

    def wait_in(b, c, j, buf, sem):
        pltpu.make_async_copy(
            x_hbm.at[b, c, pl.ds(j * _CHR, _CHR)], buf, sem).wait()

    def start_out(b, c, j, buf, sem):
        pltpu.async_copy(buf, out_hbm.at[b, c, pl.ds(j * _CHR, _CHR)], sem)

    def wait_out(b, c, j, buf, sem):
        pltpu.make_async_copy(
            buf, out_hbm.at[b, c, pl.ds(j * _CHR, _CHR)], sem).wait()

    @plsc.parallel_loop(0, _Q // 16, unroll=8)
    def _(i):
        rlut[pl.ds(i * 16, 16)] = zeros

    def channel_body(t, _):
        chan = t * _NW + wid

        @plsc.parallel_loop(0, (_B * _NB) // 16, unroll=8)
        def _(i):
            hist[pl.ds(i * 16, 16)] = zeros

        def hist_chunk(buf, hb):
            @plsc.parallel_loop(0, _CHR)
            def _(r):
                for cc in range(_CVEC):
                    v = buf[r, pl.ds(cc * 16, 16)]
                    tt = jnp.clip((v - _LO) * _INVW, 0.0, float(_NB - 1))
                    k = tt.astype(jnp.int32) + hb
                    plsc.addupdate_scatter(hist, [k], ones)

        def p1_row(b, _):
            hb = b * _NB
            start_in(b, chan, 0, i0, si0)
            start_in(b, chan, 1, i1, si1)

            def p1_pair(p, _):
                wait_in(b, chan, 2 * p, i0, si0)
                hist_chunk(i0, hb)

                @pl.when(2 * p + 2 < _NCH)
                def _():
                    start_in(b, chan, 2 * p + 2, i0, si0)

                wait_in(b, chan, 2 * p + 1, i1, si1)
                hist_chunk(i1, hb)

                @pl.when(2 * p + 3 < _NCH)
                def _():
                    start_in(b, chan, 2 * p + 3, i1, si1)

                return 0

            lax.fori_loop(0, _NCH // 2, p1_pair, 0)
            return 0

        lax.fori_loop(0, _B, p1_row, 0)

        def p2_row(b, _):
            pltpu.sync_copy(perm_hbm.at[b], permb)
            pb = jnp.max(permb[pl.ds(0, 16)])
            tag = (t * _B + b) * _NB

            pbase = pb * _NB

            def p2_scatter(i, carry):
                h = hist[pl.ds(pbase + i * 16, 16)]
                ci = plsc.cumsum(h) + carry
                kv = (i * 16 + tag) + lanes
                pos = (ci - h) >> 2
                pnext = lax.gather(
                    pos, nextlane, _gd, (1,),
                    mode=lax.GatherScatterMode.PROMISE_IN_BOUNDS)
                keep = (pos != pnext) | (lanes == 15)
                plsc.store_scatter(rlut, [pos], kv, mask=(h > 0) & keep)
                return bcast_last(ci)

            lax.fori_loop(0, _NB // 16, p2_scatter, zeros, unroll=8)

            def p2_cummax(i, carry):
                v = rlut[pl.ds(i * 16, 16)]
                cm = jnp.maximum(plsc.cummax(v), carry)
                rlut[pl.ds(i * 16, 16)] = cm
                return bcast_last(cm)

            lax.fori_loop(0, _Q // 16, p2_cummax, zeros + tag, unroll=8)

            bbase = b * _NB

            def p2_rmid(i, carry):
                h = hist[pl.ds(bbase + i * 16, 16)]
                ci = plsc.cumsum(h) + carry
                rmid = ci - h + (h >> 1)
                rqf[pl.ds(bbase + i * 16, 16)] = plsc.bitcast(
                    rmid, jnp.float32)
                return bcast_last(ci)

            lax.fori_loop(0, _NB // 16, p2_rmid, zeros, unroll=8)

            @plsc.parallel_loop(0, _NB // 16, unroll=8)
            def _(i):
                rmid = plsc.bitcast(
                    rqf[pl.ds(bbase + i * 16, 16)], jnp.int32)
                j = plsc.load_gather(rlut, [rmid >> 2]) - tag
                rqf[pl.ds(bbase + i * 16, 16)] = (
                    _LO + _WIDTH * (j.astype(jnp.float32) + 0.5))

            return 0

        lax.fori_loop(0, _B, p2_row, 0)

        def mix_chunk(ib, ob, bbase, oml):
            @plsc.parallel_loop(0, _CHR)
            def _(r):
                for cc in range(_CVEC):
                    v = ib[r, pl.ds(cc * 16, 16)]
                    tt = jnp.clip((v - _LO) * _INVW, 0.0, float(_NB - 1))
                    k = tt.astype(jnp.int32) + bbase
                    m = plsc.load_gather(rqf, [k])
                    ob[r, pl.ds(cc * 16, 16)] = v + (m * oml - v * oml)

        def p3_row(b, _):
            bbase = b * _NB
            pltpu.sync_copy(lam_hbm.at[b], lamb)
            oml = 1.0 - lamb[pl.ds(0, 16)]
            start_in(b, chan, 0, i0, si0)
            start_in(b, chan, 1, i1, si1)

            def p3_pair(p, _):
                wait_in(b, chan, 2 * p, i0, si0)

                @pl.when(p > 0)
                def _():
                    wait_out(b, chan, 2 * p - 2, o0, so0)

                mix_chunk(i0, o0, bbase, oml)
                start_out(b, chan, 2 * p, o0, so0)

                @pl.when(2 * p + 2 < _NCH)
                def _():
                    start_in(b, chan, 2 * p + 2, i0, si0)

                wait_in(b, chan, 2 * p + 1, i1, si1)

                @pl.when(p > 0)
                def _():
                    wait_out(b, chan, 2 * p - 1, o1, so1)

                mix_chunk(i1, o1, bbase, oml)
                start_out(b, chan, 2 * p + 1, o1, so1)

                @pl.when(2 * p + 3 < _NCH)
                def _():
                    start_in(b, chan, 2 * p + 3, i1, si1)

                return 0

            lax.fori_loop(0, _NCH // 2, p3_pair, 0)
            wait_out(b, chan, _NCH - 2, o0, so0)
            wait_out(b, chan, _NCH - 1, o1, so1)
            return 0

        lax.fori_loop(0, _B, p3_row, 0)
        return 0

    lax.fori_loop(0, _CPW, channel_body, 0)


_efd_call = pl.kernel(
    _efd_body,
    out_type=jax.ShapeDtypeStruct((_B, _C, _W, _H), jnp.float32),
    mesh=plsc.VectorSubcoreMesh(core_axis_name="c", subcore_axis_name="s"),
    compiler_params=pltpu.CompilerParams(
        needs_layout_passes=False, use_tc_tiling_on_sc=True),
    scratch_types=[
        pltpu.VMEM((_B * _NB,), jnp.int32),
        pltpu.VMEM((_B * _NB,), jnp.float32),
        pltpu.VMEM((_Q,), jnp.int32),
        pltpu.VMEM((_CHR, _H), jnp.float32),
        pltpu.VMEM((_CHR, _H), jnp.float32),
        pltpu.VMEM((_CHR, _H), jnp.float32),
        pltpu.VMEM((_CHR, _H), jnp.float32),
        pltpu.VMEM((128,), jnp.float32),
        pltpu.VMEM((128,), jnp.int32),
        pltpu.SemaphoreType.DMA,
        pltpu.SemaphoreType.DMA,
        pltpu.SemaphoreType.DMA,
        pltpu.SemaphoreType.DMA,
    ],
)


def kernel(x):
    B, C, W, H = x.shape
    k_beta, k_perm = jax.random.split(jax.random.key(42))
    lmda = jax.random.beta(k_beta, 0.1, 0.1, (B, 1, 1)).astype(x.dtype)
    perm = jax.random.permutation(k_perm, B)
    lam128 = jnp.broadcast_to(
        lmda.reshape(B, 1), (B, 128)).astype(jnp.float32)
    perm128 = jnp.broadcast_to(
        perm.reshape(B, 1).astype(jnp.int32), (B, 128))
    return _efd_call(x, lam128, perm128)

# --- scband reference (transcript-rebuilt; emitter-appended) ---
"""Pipeline reference for scband-efdmix-68959994904953 (READ-ONLY COPY).

The authoritative reference and input builder live on the scoring server;
editing this copy changes nothing except your own understanding.
"""

import jax, jax.numpy as jnp
import numpy as np

def setup_inputs(seed: int = 0) -> dict:
    key = jax.random.key(seed)
    x = jax.random.normal(key, (8, 96, 224, 224), dtype=jnp.float32)
    return {"x": x}

def reference(x):
    B, C, W, H = x.shape
    x_view = x.reshape(B, C, -1)
    value_x = jnp.sort(x_view, axis=-1)
    index_x = jnp.argsort(x_view, axis=-1)
    key = jax.random.key(42)
    k_beta, k_perm = jax.random.split(key)
    alpha = 0.1
    lmda = jax.random.beta(k_beta, alpha, alpha, (B, 1, 1)).astype(x.dtype)
    perm = jax.random.permutation(k_perm, B)
    inverse_index = jnp.argsort(index_x, axis=-1)
    x_view_copy = jnp.take_along_axis(value_x[perm], inverse_index, axis=-1) * (1 - lmda)
    new_x = x_view + (x_view_copy - jax.lax.stop_gradient(x_view) * (1 - lmda))
    return new_x.reshape(B, C, W, H)

if __name__ == "__main__":
    import jax
    _d = setup_inputs()
    print(jax.jit(kernel)(*tuple(_d.values())))

</pallas_src>

<mosaic_0001>
#map = affine_map<(d0, d1) -> (0, 0, 0, 0)>
#map1 = affine_map<(d0, d1) -> (0, 0)>
module attributes {stable_mosaic.version = 14 : i64} {
  func.func @_efd_body(%arg0: i32, %arg1: i32, %arg2: memref<8x96x224x224xf32, #tpu.memory_space<hbm>>, %arg3: memref<8x128xf32, #tpu.memory_space<hbm>>, %arg4: memref<8x128xi32, #tpu.memory_space<hbm>>, %arg5: memref<8x96x224x224xf32, #tpu.memory_space<hbm>>, %arg6: memref<32768xi32, #tpu.memory_space<vmem>>, %arg7: memref<32768xf32, #tpu.memory_space<vmem>>, %arg8: memref<12672xi32, #tpu.memory_space<vmem>>, %arg9: memref<16x224xf32, #tpu.memory_space<vmem>>, %arg10: memref<16x224xf32, #tpu.memory_space<vmem>>, %arg11: memref<16x224xf32, #tpu.memory_space<vmem>>, %arg12: memref<16x224xf32, #tpu.memory_space<vmem>>, %arg13: memref<128xf32, #tpu.memory_space<vmem>>, %arg14: memref<128xi32, #tpu.memory_space<vmem>>, %arg15: memref<!tpu.dma_semaphore, #tpu.memory_space<semaphore_mem>>, %arg16: memref<!tpu.dma_semaphore, #tpu.memory_space<semaphore_mem>>, %arg17: memref<!tpu.dma_semaphore, #tpu.memory_space<semaphore_mem>>, %arg18: memref<!tpu.dma_semaphore, #tpu.memory_space<semaphore_mem>>) attributes {dimension_semantics = [#tpu.dimension_semantics<core_parallel>, #tpu.dimension_semantics<subcore_parallel>], iteration_bounds = array<i64: 2, 16>, scalar_prefetch = 0 : i64, scratch_operands = 13 : i64, tpu.core_type = #tpu.core_type<sc_vector_subcore>, window_params = [{transform_indices = #map}, {transform_indices = #map1}, {transform_indices = #map1}, {transform_indices = #map}]} {
    %mul3A = arith.constant 2 : i32
    %mul3A_0 = arith.muli %arg1, %mul3A : i32
    %add3A = arith.addi %mul3A_0, %arg0 : i32
    %broadcast_in_dim3A = arith.constant 1 : i32
    %broadcast_in_dim3A_1 = vector.broadcast %broadcast_in_dim3A : i32 to vector<16xi32>
    %broadcast_in_dim3A_2 = arith.constant 0 : i32
    %broadcast_in_dim3A_3 = vector.broadcast %broadcast_in_dim3A_2 : i32 to vector<16xi32>
    %iota3A = tpu.iota {dimensions = array<i32: 0>} : vector<16xi32>
    %broadcast_in_dim3A_4 = arith.constant 15 : i32
    %broadcast_in_dim3A_5 = vector.broadcast %broadcast_in_dim3A_4 : i32 to vector<16x1xi32>
    %iota3A_6 = tpu.iota {dimensions = array<i32: 0>} : vector<16xi32>
    %add3A_7 = arith.constant 1 : i32
    %add3A_8 = vector.broadcast %add3A_7 : i32 to vector<16xi32>
    %add3A_9 = arith.addi %iota3A_6, %add3A_8 : vector<16xi32>
    %min3A = arith.constant 15 : i32
    %min3A_10 = vector.broadcast %min3A : i32 to vector<16xi32>
    %min3A_11 = arith.minsi %add3A_9, %min3A_10 : vector<16xi32>
    %reshape3A = vector.shape_cast %min3A_11 : vector<16xi32> to vector<16x1xi32>
    %parallel_loop3A = arith.constant 0 : i32
    %parallel_loop3A_12 = arith.constant 792 : i32
    %parallel_loop3A_13 = arith.constant 1 : i32
    scf.for %parallel_loop3A_20 = %parallel_loop3A to %parallel_loop3A_12 step %parallel_loop3A_13  : i32 {
      %parallel_loop3A_21 = arith.constant 16 : i32
      %parallel_loop3A_22 = arith.muli %parallel_loop3A_20, %parallel_loop3A_21 : i32
      %parallel_loop3A_23 = arith.index_cast %parallel_loop3A_22 : i32 to index
      %parallel_loop3A_24 = tpu.vector_load %arg8[%parallel_loop3A_23] {strides = array<i32>} : memref<12672xi32, #tpu.memory_space<vmem>>, vector<16xi32>,
      tpu.vector_store %arg8[%parallel_loop3A_23], %broadcast_in_dim3A_3 {strides = array<i32>} : memref<12672xi32, #tpu.memory_space<vmem>>, vector<16xi32>,
    } {sc.loop_unroll_factor = 8 : i64, sc.parallel_access}
    %scan3A = arith.constant 0 : i32
    %scan3A_14 = arith.constant 0 : i32
    %scan3A_15 = arith.constant 3 : i32
    %scan3A_16 = arith.addi %scan3A_14, %scan3A_15 : i32
    %scan3A_17 = arith.constant 1 : i32
    %scan3A_18 = scf.for %scan3A_20 = %scan3A_14 to %scan3A_16 step %scan3A_17 iter_args(%scan3A_21 = %scan3A) -> (i32)  : i32 {
      %mul3A_22 = arith.constant 32 : i32
      %mul3A_23 = arith.muli %scan3A_20, %mul3A_22 : i32
      %add3A_24 = arith.addi %mul3A_23, %add3A : i32
      %parallel_loop3A_25 = arith.constant 0 : i32
      %parallel_loop3A_26 = arith.constant 2048 : i32
      %parallel_loop3A_27 = arith.constant 1 : i32
      scf.for %parallel_loop3A_50 = %parallel_loop3A_25 to %parallel_loop3A_26 step %parallel_loop3A_27  : i32 {
        %parallel_loop3A_51 = arith.constant 16 : i32
        %parallel_loop3A_52 = arith.muli %parallel_loop3A_50, %parallel_loop3A_51 : i32
        %parallel_loop3A_53 = arith.index_cast %parallel_loop3A_52 : i32 to index
        %parallel_loop3A_54 = tpu.vector_load %arg6[%parallel_loop3A_53] {strides = array<i32>} : memref<32768xi32, #tpu.memory_space<vmem>>, vector<16xi32>,
        tpu.vector_store %arg6[%parallel_loop3A_53], %broadcast_in_dim3A_3 {strides = array<i32>} : memref<32768xi32, #tpu.memory_space<vmem>>, vector<16xi32>,
      } {sc.loop_unroll_factor = 8 : i64, sc.parallel_access}
      %scan3A_28 = arith.constant 0 : i32
      %scan3A_29 = arith.constant 0 : i32
      %scan3A_30 = arith.constant 8 : i32
      %scan3A_31 = arith.addi %scan3A_29, %scan3A_30 : i32
      %scan3A_32 = arith.constant 1 : i32
      %scan3A_33 = scf.for %scan3A_50 = %scan3A_29 to %scan3A_31 step %scan3A_32 iter_args(%scan3A_51 = %scan3A_28) -> (i32)  : i32 {
        %mul3A_52 = arith.constant 4096 : i32
        %mul3A_53 = arith.muli %scan3A_50, %mul3A_52 : i32
        %dma_start3A = arith.constant 0 : i32
        %dma_start3A_54 = arith.constant 0 : i32
        %dma_start3A_55 = tpu.memref_slice %arg2[%scan3A_50, %add3A_24, %dma_start3A, %dma_start3A_54] : memref<8x96x224x224xf32, #tpu.memory_space<hbm>> -> memref<1x1x16x224xf32, #tpu.memory_space<hbm>>
        %dma_start3A_56 = tpu.memref_squeeze %dma_start3A_55 : memref<1x1x16x224xf32, #tpu.memory_space<hbm>> -> memref<16x224xf32, #tpu.memory_space<hbm>>
        %dma_start3A_57 = arith.constant 0 : i32
        %dma_start3A_58 = arith.constant 0 : i32
        %dma_start3A_59 = tpu.memref_slice %arg2[%scan3A_50, %add3A_24, %dma_start3A_57, %dma_start3A_58] : memref<8x96x224x224xf32, #tpu.memory_space<hbm>> -> memref<1x1x16x224xf32, #tpu.memory_space<hbm>>
        %dma_start3A_60 = tpu.memref_squeeze %dma_start3A_59 : memref<1x1x16x224xf32, #tpu.memory_space<hbm>> -> memref<16x224xf32, #tpu.memory_space<hbm>>
        tpu.enqueue_dma source(%dma_start3A_60 : memref<16x224xf32, #tpu.memory_space<hbm>>) target(%arg9 : memref<16x224xf32, #tpu.memory_space<vmem>>) target_semaphore(%arg15 : memref<!tpu.dma_semaphore, #tpu.memory_space<semaphore_mem>>)
        %dma_start3A_61 = arith.constant 16 : i32
        %dma_start3A_62 = arith.constant 0 : i32
        %dma_start3A_63 = tpu.memref_slice %arg2[%scan3A_50, %add3A_24, %dma_start3A_61, %dma_start3A_62] : memref<8x96x224x224xf32, #tpu.memory_space<hbm>> -> memref<1x1x16x224xf32, #tpu.memory_space<hbm>>
        %dma_start3A_64 = tpu.memref_squeeze %dma_start3A_63 : memref<1x1x16x224xf32, #tpu.memory_space<hbm>> -> memref<16x224xf32, #tpu.memory_space<hbm>>
        %dma_start3A_65 = arith.constant 16 : i32
        %dma_start3A_66 = arith.constant 0 : i32
        %dma_start3A_67 = tpu.memref_slice %arg2[%scan3A_50, %add3A_24, %dma_start3A_65, %dma_start3A_66] : memref<8x96x224x224xf32, #tpu.memory_space<hbm>> -> memref<1x1x16x224xf32, #tpu.memory_space<hbm>>
        %dma_start3A_68 = tpu.memref_squeeze %dma_start3A_67 : memref<1x1x16x224xf32, #tpu.memory_space<hbm>> -> memref<16x224xf32, #tpu.memory_space<hbm>>
        tpu.enqueue_dma source(%dma_start3A_68 : memref<16x224xf32, #tpu.memory_space<hbm>>) target(%arg10 : memref<16x224xf32, #tpu.memory_space<vmem>>) target_semaphore(%arg16 : memref<!tpu.dma_semaphore, #tpu.memory_space<semaphore_mem>>)
        %scan3A_69 = arith.constant 0 : i32
        %scan3A_70 = arith.constant 0 : i32
        %scan3A_71 = arith.constant 7 : i32
        %scan3A_72 = arith.addi %scan3A_70, %scan3A_71 : i32
        %scan3A_73 = arith.constant 1 : i32
        %scan3A_74 = scf.for %scan3A_77 = %scan3A_70 to %scan3A_72 step %scan3A_73 iter_args(%scan3A_78 = %scan3A_69) -> (i32)  : i32 {
          %mul3A_79 = arith.constant 2 : i32
          %mul3A_80 = arith.muli %mul3A_79, %scan3A_77 : i32
          %mul3A_81 = arith.constant 16 : i32
          %mul3A_82 = arith.muli %mul3A_80, %mul3A_81 : i32
          %dma_wait3A = arith.constant 0 : i32
          %dma_wait3A_83 = tpu.memref_slice %arg2[%scan3A_50, %add3A_24, %mul3A_82, %dma_wait3A] : memref<8x96x224x224xf32, #tpu.memory_space<hbm>> -> memref<1x1x16x224xf32, #tpu.memory_space<hbm>>
          %dma_wait3A_84 = tpu.memref_squeeze %dma_wait3A_83 : memref<1x1x16x224xf32, #tpu.memory_space<hbm>> -> memref<16x224xf32, #tpu.memory_space<hbm>>
          %dma_wait3A_85 = arith.constant 0 : i32
          %dma_wait3A_86 = tpu.memref_slice %arg2[%scan3A_50, %add3A_24, %mul3A_82, %dma_wait3A_85] : memref<8x96x224x224xf32, #tpu.memory_space<hbm>> -> memref<1x1x16x224xf32, #tpu.memory_space<hbm>>
          %dma_wait3A_87 = tpu.memref_squeeze %dma_wait3A_86 : memref<1x1x16x224xf32, #tpu.memory_space<hbm>> -> memref<16x224xf32, #tpu.memory_space<hbm>>
          tpu.wait_dma2 semaphore(%arg15 : memref<!tpu.dma_semaphore, #tpu.memory_space<semaphore_mem>>) src(%dma_wait3A_87 : memref<16x224xf32, #tpu.memory_space<hbm>>) dst(%arg9 : memref<16x224xf32, #tpu.memory_space<vmem>>)
          %parallel_loop3A_88 = arith.constant 0 : i32
          %parallel_loop3A_89 = arith.constant 16 : i32
          %parallel_loop3A_90 = arith.constant 1 : i32
          scf.for %parallel_loop3A_122 = %parallel_loop3A_88 to %parallel_loop3A_89 step %parallel_loop3A_90  : i32 {
            %parallel_loop3A_123 = arith.index_cast %parallel_loop3A_122 : i32 to index
            %parallel_loop3A_124 = arith.constant 0 : index
            %parallel_loop3A_125 = tpu.vector_load %arg9[%parallel_loop3A_123, %parallel_loop3A_124] {strides = array<i32>} : memref<16x224xf32, #tpu.memory_space<vmem>>, vector<16xf32>,
            %parallel_loop3A_126 = arith.constant -5.500000e+00 : f32
            %parallel_loop3A_127 = vector.broadcast %parallel_loop3A_126 : f32 to vector<16xf32>
            %parallel_loop3A_128 = arith.subf %parallel_loop3A_125, %parallel_loop3A_127 : vector<16xf32>
            %parallel_loop3A_129 = arith.constant 372.363647 : f32
            %parallel_loop3A_130 = vector.broadcast %parallel_loop3A_129 : f32 to vector<16xf32>
            %parallel_loop3A_131 = arith.mulf %parallel_loop3A_128, %parallel_loop3A_130 : vector<16xf32>
            %parallel_loop3A_132 = arith.constant 0.000000e+00 : f32
            %parallel_loop3A_133 = arith.constant 4.095000e+03 : f32
            %parallel_loop3A_134 = vector.broadcast %parallel_loop3A_132 : f32 to vector<16xf32>
            %parallel_loop3A_135 = arith.maximumf %parallel_loop3A_134, %parallel_loop3A_131 : vector<16xf32>
            %parallel_loop3A_136 = vector.broadcast %parallel_loop3A_133 : f32 to vector<16xf32>
            %parallel_loop3A_137 = arith.minimumf %parallel_loop3A_136, %parallel_loop3A_135 : vector<16xf32>
            %parallel_loop3A_138 = arith.fptosi %parallel_loop3A_137 : vector<16xf32> to vector<16xi32>
            %parallel_loop3A_139 = vector.broadcast %mul3A_53 : i32 to vector<16xi32>
            %parallel_loop3A_140 = arith.addi %parallel_loop3A_138, %parallel_loop3A_139 : vector<16xi32>
            tpu.vector_store_idx %arg6[%parallel_loop3A_140], %broadcast_in_dim3A_1 {add = true} : memref<32768xi32, #tpu.memory_space<vmem>>[vector<16xi32>], vector<16xi32>,
            %parallel_loop3A_141 = arith.index_cast %parallel_loop3A_122 : i32 to index
            %parallel_loop3A_142 = arith.constant 16 : index
            %parallel_loop3A_143 = tpu.vector_load %arg9[%parallel_loop3A_141, %parallel_loop3A_142] {strides = array<i32>} : memref<16x224xf32, #tpu.memory_space<vmem>>, vector<16xf32>,
            %parallel_loop3A_144 = arith.constant -5.500000e+00 : f32
            %parallel_loop3A_145 = vector.broadcast %parallel_loop3A_144 : f32 to vector<16xf32>
            %parallel_loop3A_146 = arith.subf %parallel_loop3A_143, %parallel_loop3A_145 : vector<16xf32>
            %parallel_loop3A_147 = arith.constant 372.363647 : f32
            %parallel_loop3A_148 = vector.broadcast %parallel_loop3A_147 : f32 to vector<16xf32>
            %parallel_loop3A_149 = arith.mulf %parallel_loop3A_146, %parallel_loop3A_148 : vector<16xf32>
            %parallel_loop3A_150 = arith.constant 0.000000e+00 : f32
            %parallel_loop3A_151 = arith.constant 4.095000e+03 : f32
            %parallel_loop3A_152 = vector.broadcast %parallel_loop3A_150 : f32 to vector<16xf32>
            %parallel_loop3A_153 = arith.maximumf %parallel_loop3A_152, %parallel_loop3A_149 : vector<16xf32>
            %parallel_loop3A_154 = vector.broadcast %parallel_loop3A_151 : f32 to vector<16xf32>
            %parallel_loop3A_155 = arith.minimumf %parallel_loop3A_154, %parallel_loop3A_153 : vector<16xf32>
            %parallel_loop3A_156 = arith.fptosi %parallel_loop3A_155 : vector<16xf32> to vector<16xi32>
            %parallel_loop3A_157 = vector.broadcast %mul3A_53 : i32 to vector<16xi32>
            %parallel_loop3A_158 = arith.addi %parallel_loop3A_156, %parallel_loop3A_157 : vector<16xi32>
            tpu.vector_store_idx %arg6[%parallel_loop3A_158], %broadcast_in_dim3A_1 {add = true} : memref<32768xi32, #tpu.memory_space<vmem>>[vector<16xi32>], vector<16xi32>,
            %parallel_loop3A_159 = arith.index_cast %parallel_loop3A_122 : i32 to index
            %parallel_loop3A_160 = arith.constant 32 : index
            %parallel_loop3A_161 = tpu.vector_load %arg9[%parallel_loop3A_159, %parallel_loop3A_160] {strides = array<i32>} : memref<16x224xf32, #tpu.memory_space<vmem>>, vector<16xf32>,
            %parallel_loop3A_162 = arith.constant -5.500000e+00 : f32
            %parallel_loop3A_163 = vector.broadcast %parallel_loop3A_162 : f32 to vector<16xf32>
            %parallel_loop3A_164 = arith.subf %parallel_loop3A_161, %parallel_loop3A_163 : vector<16xf32>
            %parallel_loop3A_165 = arith.constant 372.363647 : f32
            %parallel_loop3A_166 = vector.broadcast %parallel_loop3A_165 : f32 to vector<16xf32>
            %parallel_loop3A_167 = arith.mulf %parallel_loop3A_164, %parallel_loop3A_166 : vector<16xf32>
            %parallel_loop3A_168 = arith.constant 0.000000e+00 : f32
            %parallel_loop3A_169 = arith.constant 4.095000e+03 : f32
            %parallel_loop3A_170 = vector.broadcast %parallel_loop3A_168 : f32 to vector<16xf32>
            %parallel_loop3A_171 = arith.maximumf %parallel_loop3A_170, %parallel_loop3A_167 : vector<16xf32>
            %parallel_loop3A_172 = vector.broadcast %parallel_loop3A_169 : f32 to vector<16xf32>
            %parallel_loop3A_173 = arith.minimumf %parallel_loop3A_172, %parallel_loop3A_171 : vector<16xf32>
            %parallel_loop3A_174 = arith.fptosi %parallel_loop3A_173 : vector<16xf32> to vector<16xi32>
            %parallel_loop3A_175 = vector.broadcast %mul3A_53 : i32 to vector<16xi32>
            %parallel_loop3A_176 = arith.addi %parallel_loop3A_174, %parallel_loop3A_175 : vector<16xi32>
            tpu.vector_store_idx %arg6[%parallel_loop3A_176], %broadcast_in_dim3A_1 {add = true} : memref<32768xi32, #tpu.memory_space<vmem>>[vector<16xi32>], vector<16xi32>,
            %parallel_loop3A_177 = arith.index_cast %parallel_loop3A_122 : i32 to index
            %parallel_loop3A_178 = arith.constant 48 : index
            %parallel_loop3A_179 = tpu.vector_load %arg9[%parallel_loop3A_177, %parallel_loop3A_178] {strides = array<i32>} : memref<16x224xf32, #tpu.memory_space<vmem>>, vector<16xf32>,
            %parallel_loop3A_180 = arith.constant -5.500000e+00 : f32
            %parallel_loop3A_181 = vector.broadcast %parallel_loop3A_180 : f32 to vector<16xf32>
            %parallel_loop3A_182 = arith.subf %parallel_loop3A_179, %parallel_loop3A_181 : vector<16xf32>
            %parallel_loop3A_183 = arith.constant 372.363647 : f32
            %parallel_loop3A_184 = vector.broadcast %parallel_loop3A_183 : f32 to vector<16xf32>
            %parallel_loop3A_185 = arith.mulf %parallel_loop3A_182, %parallel_loop3A_184 : vector<16xf32>
            %parallel_loop3A_186 = arith.constant 0.000000e+00 : f32
            %parallel_loop3A_187 = arith.constant 4.095000e+03 : f32
            %parallel_loop3A_188 = vector.broadcast %parallel_loop3A_186 : f32 to vector<16xf32>
            %parallel_loop3A_189 = arith.maximumf %parallel_loop3A_188, %parallel_loop3A_185 : vector<16xf32>
            %parallel_loop3A_190 = vector.broadcast %parallel_loop3A_187 : f32 to vector<16xf32>
            %parallel_loop3A_191 = arith.minimumf %parallel_loop3A_190, %parallel_loop3A_189 : vector<16xf32>
            %parallel_loop3A_192 = arith.fptosi %parallel_loop3A_191 : vector<16xf32> to vector<16xi32>
            %parallel_loop3A_193 = vector.broadcast %mul3A_53 : i32 to vector<16xi32>
            %parallel_loop3A_194 = arith.addi %parallel_loop3A_192, %parallel_loop3A_193 : vector<16xi32>
            tpu.vector_store_idx %arg6[%parallel_loop3A_194], %broadcast_in_dim3A_1 {add = true} : memref<32768xi32, #tpu.memory_space<vmem>>[vector<16xi32>], vector<16xi32>,
            %parallel_loop3A_195 = arith.index_cast %parallel_loop3A_122 : i32 to index
            %parallel_loop3A_196 = arith.constant 64 : index
            %parallel_loop3A_197 = tpu.vector_load %arg9[%parallel_loop3A_195, %parallel_loop3A_196] {strides = array<i32>} : memref<16x224xf32, #tpu.memory_space<vmem>>, vector<16xf32>,
            %parallel_loop3A_198 = arith.constant -5.500000e+00 : f32
            %parallel_loop3A_199 = vector.broadcast %parallel_loop3A_198 : f32 to vector<16xf32>
            %parallel_loop3A_200 = arith.subf %parallel_loop3A_197, %parallel_loop3A_199 : vector<16xf32>
            %parallel_loop3A_201 = arith.constant 372.363647 : f32
            %parallel_loop3A_202 = vector.broadcast %parallel_loop3A_201 : f32 to vector<16xf32>
            %parallel_loop3A_203 = arith.mulf %parallel_loop3A_200, %parallel_loop3A_202 : vector<16xf32>
            %parallel_loop3A_204 = arith.constant 0.000000e+00 : f32
            %parallel_loop3A_205 = arith.constant 4.095000e+03 : f32
            %parallel_loop3A_206 = vector.broadcast %parallel_loop3A_204 : f32 to vector<16xf32>
            %parallel_loop3A_207 = arith.maximumf %parallel_loop3A_206, %parallel_loop3A_203 : vector<16xf32>
            %parallel_loop3A_208 = vector.broadcast %parallel_loop3A_205 : f32 to vector<16xf32>
            %parallel_loop3A_209 = arith.minimumf %parallel_loop3A_208, %parallel_loop3A_207 : vector<16xf32>
            %parallel_loop3A_210 = arith.fptosi %parallel_loop3A_209 : vector<16xf32> to vector<16xi32>
            %parallel_loop3A_211 = vector.broadcast %mul3A_53 : i32 to vector<16xi32>
            %parallel_loop3A_212 = arith.addi %parallel_loop3A_210, %parallel_loop3A_211 : vector<16xi32>
            tpu.vector_store_idx %arg6[%parallel_loop3A_212], %broadcast_in_dim3A_1 {add = true} : memref<32768xi32, #tpu.memory_space<vmem>>[vector<16xi32>], vector<16xi32>,
            %parallel_loop3A_213 = arith.index_cast %parallel_loop3A_122 : i32 to index
            %parallel_loop3A_214 = arith.constant 80 : index
            %parallel_loop3A_215 = tpu.vector_load %arg9[%parallel_loop3A_213, %parallel_loop3A_214] {strides = array<i32>} : memref<16x224xf32, #tpu.memory_space<vmem>>, vector<16xf32>,
            %parallel_loop3A_216 = arith.constant -5.500000e+00 : f32
            %parallel_loop3A_217 = vector.broadcast %parallel_loop3A_216 : f32 to vector<16xf32>
            %parallel_loop3A_218 = arith.subf %parallel_loop3A_215, %parallel_loop3A_217 : vector<16xf32>
            %parallel_loop3A_219 = arith.constant 372.363647 : f32
            %parallel_loop3A_220 = vector.broadcast %parallel_loop3A_219 : f32 to vector<16xf32>
            %parallel_loop3A_221 = arith.mulf %parallel_loop3A_218, %parallel_loop3A_220 : vector<16xf32>
            %parallel_loop3A_222 = arith.constant 0.000000e+00 : f32
            %parallel_loop3A_223 = arith.constant 4.095000e+03 : f32
            %parallel_loop3A_224 = vector.broadcast %parallel_loop3A_222 : f32 to vector<16xf32>
            %parallel_loop3A_225 = arith.maximumf %parallel_loop3A_224, %parallel_loop3A_221 : vector<16xf32>
            %parallel_loop3A_226 = vector.broadcast %parallel_loop3A_223 : f32 to vector<16xf32>
            %parallel_loop3A_227 = arith.minimumf %parallel_loop3A_226, %parallel_loop3A_225 : vector<16xf32>
            %parallel_loop3A_228 = arith.fptosi %parallel_loop3A_227 : vector<16xf32> to vector<16xi32>
            %parallel_loop3A_229 = vector.broadcast %mul3A_53 : i32 to vector<16xi32>
            %parallel_loop3A_230 = arith.addi %parallel_loop3A_228, %parallel_loop3A_229 : vector<16xi32>
            tpu.vector_store_idx %arg6[%parallel_loop3A_230], %broadcast_in_dim3A_1 {add = true} : memref<32768xi32, #tpu.memory_space<vmem>>[vector<16xi32>], vector<16xi32>,
            %parallel_loop3A_231 = arith.index_cast %parallel_loop3A_122 : i32 to index
            %parallel_loop3A_232 = arith.constant 96 : index
            %parallel_loop3A_233 = tpu.vector_load %arg9[%parallel_loop3A_231, %parallel_loop3A_232] {strides = array<i32>} : memref<16x224xf32, #tpu.memory_space<vmem>>, vector<16xf32>,
            %parallel_loop3A_234 = arith.constant -5.500000e+00 : f32
            %parallel_loop3A_235 = vector.broadcast %parallel_loop3A_234 : f32 to vector<16xf32>
            %parallel_loop3A_236 = arith.subf %parallel_loop3A_233, %parallel_loop3A_235 : vector<16xf32>
            %parallel_loop3A_237 = arith.constant 372.363647 : f32
            %parallel_loop3A_238 = vector.broadcast %parallel_loop3A_237 : f32 to vector<16xf32>
            %parallel_loop3A_239 = arith.mulf %parallel_loop3A_236, %parallel_loop3A_238 : vector<16xf32>
            %parallel_loop3A_240 = arith.constant 0.000000e+00 : f32
            %parallel_loop3A_241 = arith.constant 4.095000e+03 : f32
            %parallel_loop3A_242 = vector.broadcast %parallel_loop3A_240 : f32 to vector<16xf32>
            %parallel_loop3A_243 = arith.maximumf %parallel_loop3A_242, %parallel_loop3A_239 : vector<16xf32>
            %parallel_loop3A_244 = vector.broadcast %parallel_loop3A_241 : f32 to vector<16xf32>
            %parallel_loop3A_245 = arith.minimumf %parallel_loop3A_244, %parallel_loop3A_243 : vector<16xf32>
            %parallel_loop3A_246 = arith.fptosi %parallel_loop3A_245 : vector<16xf32> to vector<16xi32>
            %parallel_loop3A_247 = vector.broadcast %mul3A_53 : i32 to vector<16xi32>
            %parallel_loop3A_248 = arith.addi %parallel_loop3A_246, %parallel_loop3A_247 : vector<16xi32>
            tpu.vector_store_idx %arg6[%parallel_loop3A_248], %broadcast_in_dim3A_1 {add = true} : memref<32768xi32, #tpu.memory_space<vmem>>[vector<16xi32>], vector<16xi32>,
            %parallel_loop3A_249 = arith.index_cast %parallel_loop3A_122 : i32 to index
            %parallel_loop3A_250 = arith.constant 112 : index
            %parallel_loop3A_251 = tpu.vector_load %arg9[%parallel_loop3A_249, %parallel_loop3A_250] {strides = array<i32>} : memref<16x224xf32, #tpu.memory_space<vmem>>, vector<16xf32>,
            %parallel_loop3A_252 = arith.constant -5.500000e+00 : f32
            %parallel_loop3A_253 = vector.broadcast %parallel_loop3A_252 : f32 to vector<16xf32>
            %parallel_loop3A_254 = arith.subf %parallel_loop3A_251, %parallel_loop3A_253 : vector<16xf32>
            %parallel_loop3A_255 = arith.constant 372.363647 : f32
            %parallel_loop3A_256 = vector.broadcast %parallel_loop3A_255 : f32 to vector<16xf32>
            %parallel_loop3A_257 = arith.mulf %parallel_loop3A_254, %parallel_loop3A_256 : vector<16xf32>
            %parallel_loop3A_258 = arith.constant 0.000000e+00 : f32
            %parallel_loop3A_259 = arith.constant 4.095000e+03 : f32
            %parallel_loop3A_260 = vector.broadcast %parallel_loop3A_258 : f32 to vector<16xf32>
            %parallel_loop3A_261 = arith.maximumf %parallel_loop3A_260, %parallel_loop3A_257 : vector<16xf32>
            %parallel_loop3A_262 = vector.broadcast %parallel_loop3A_259 : f32 to vector<16xf32>
            %parallel_loop3A_263 = arith.minimumf %parallel_loop3A_262, %parallel_loop3A_261 : vector<16xf32>
            %parallel_loop3A_264 = arith.fptosi %parallel_loop3A_263 : vector<16xf32> to vector<16xi32>
            %parallel_loop3A_265 = vector.broadcast %mul3A_53 : i32 to vector<16xi32>
            %parallel_loop3A_266 = arith.addi %parallel_loop3A_264, %parallel_loop3A_265 : vector<16xi32>
            tpu.vector_store_idx %arg6[%parallel_loop3A_266], %broadcast_in_dim3A_1 {add = true} : memref<32768xi32, #tpu.memory_space<vmem>>[vector<16xi32>], vector<16xi32>,
            %parallel_loop3A_267 = arith.index_cast %parallel_loop3A_122 : i32 to index
            %parallel_loop3A_268 = arith.constant 128 : index
            %parallel_loop3A_269 = tpu.vector_load %arg9[%parallel_loop3A_267, %parallel_loop3A_268] {strides = array<i32>} : memref<16x224xf32, #tpu.memory_space<vmem>>, vector<16xf32>,
            %parallel_loop3A_270 = arith.constant -5.500000e+00 : f32
            %parallel_loop3A_271 = vector.broadcast %parallel_loop3A_270 : f32 to vector<16xf32>
            %parallel_loop3A_272 = arith.subf %parallel_loop3A_269, %parallel_loop3A_271 : vector<16xf32>
            %parallel_loop3A_273 = arith.constant 372.363647 : f32
            %parallel_loop3A_274 = vector.broadcast %parallel_loop3A_273 : f32 to vector<16xf32>
            %parallel_loop3A_275 = arith.mulf %parallel_loop3A_272, %parallel_loop3A_274 : vector<16xf32>
            %parallel_loop3A_276 = arith.constant 0.000000e+00 : f32
            %parallel_loop3A_277 = arith.constant 4.095000e+03 : f32
            %parallel_loop3A_278 = vector.broadcast %parallel_loop3A_276 : f32 to vector<16xf32>
            %parallel_loop3A_279 = arith.maximumf %parallel_loop3A_278, %parallel_loop3A_275 : vector<16xf32>
            %parallel_loop3A_280 = vector.broadcast %parallel_loop3A_277 : f32 to vector<16xf32>
            %parallel_loop3A_281 = arith.minimumf %parallel_loop3A_280, %parallel_loop3A_279 : vector<16xf32>
            %parallel_loop3A_282 = arith.fptosi %parallel_loop3A_281 : vector<16xf32> to vector<16xi32>
            %parallel_loop3A_283 = vector.broadcast %mul3A_53 : i32 to vector<16xi32>
            %parallel_loop3A_284 = arith.addi %parallel_loop3A_282, %parallel_loop3A_283 : vector<16xi32>
            tpu.vector_store_idx %arg6[%parallel_loop3A_284], %broadcast_in_dim3A_1 {add = true} : memref<32768xi32, #tpu.memory_space<vmem>>[vector<16xi32>], vector<16xi32>,
            %parallel_loop3A_285 = arith.index_cast %parallel_loop3A_122 : i32 to index
            %parallel_loop3A_286 = arith.constant 144 : index
            %parallel_loop3A_287 = tpu.vector_load %arg9[%parallel_loop3A_285, %parallel_loop3A_286] {strides = array<i32>} : memref<16x224xf32, #tpu.memory_space<vmem>>, vector<16xf32>,
            %parallel_loop3A_288 = arith.constant -5.500000e+00 : f32
            %parallel_loop3A_289 = vector.broadcast %parallel_loop3A_288 : f32 to vector<16xf32>
            %parallel_loop3A_290 = arith.subf %parallel_loop3A_287, %parallel_loop3A_289 : vector<16xf32>
            %parallel_loop3A_291 = arith.constant 372.363647 : f32
            %parallel_loop3A_292 = vector.broadcast %parallel_loop3A_291 : f32 to vector<16xf32>
            %parallel_loop3A_293 = arith.mulf %parallel_loop3A_290, %parallel_loop3A_292 : vector<16xf32>
            %parallel_loop3A_294 = arith.constant 0.000000e+00 : f32
            %parallel_loop3A_295 = arith.constant 4.095000e+03 : f32
            %parallel_loop3A_296 = vector.broadcast %parallel_loop3A_294 : f32 to vector<16xf32>
            %parallel_loop3A_297 = arith.maximumf %parallel_loop3A_296, %parallel_loop3A_293 : vector<16xf32>
            %parallel_loop3A_298 = vector.broadcast %parallel_loop3A_295 : f32 to vector<16xf32>
            %parallel_loop3A_299 = arith.minimumf %parallel_loop3A_298, %parallel_loop3A_297 : vector<16xf32>
            %parallel_loop3A_300 = arith.fptosi %parallel_loop3A_299 : vector<16xf32> to vector<16xi32>
            %parallel_loop3A_301 = vector.broadcast %mul3A_53 : i32 to vector<16xi32>
            %parallel_loop3A_302 = arith.addi %parallel_loop3A_300, %parallel_loop3A_301 : vector<16xi32>
            tpu.vector_store_idx %arg6[%parallel_loop3A_302], %broadcast_in_dim3A_1 {add = true} : memref<32768xi32, #tpu.memory_space<vmem>>[vector<16xi32>], vector<16xi32>,
            %parallel_loop3A_303 = arith.index_cast %parallel_loop3A_122 : i32 to index
            %parallel_loop3A_304 = arith.constant 160 : index
            %parallel_loop3A_305 = tpu.vector_load %arg9[%parallel_loop3A_303, %parallel_loop3A_304] {strides = array<i32>} : memref<16x224xf32, #tpu.memory_space<vmem>>, vector<16xf32>,
            %parallel_loop3A_306 = arith.constant -5.500000e+00 : f32
            %parallel_loop3A_307 = vector.broadcast %parallel_loop3A_306 : f32 to vector<16xf32>
            %parallel_loop3A_308 = arith.subf %parallel_loop3A_305, %parallel_loop3A_307 : vector<16xf32>
            %parallel_loop3A_309 = arith.constant 372.363647 : f32
            %parallel_loop3A_310 = vector.broadcast %parallel_loop3A_309 : f32 to vector<16xf32>
            %parallel_loop3A_311 = arith.mulf %parallel_loop3A_308, %parallel_loop3A_310 : vector<16xf32>
            %parallel_loop3A_312 = arith.constant 0.000000e+00 : f32
            %parallel_loop3A_313 = arith.constant 4.095000e+03 : f32
            %parallel_loop3A_314 = vector.broadcast %parallel_loop3A_312 : f32 to vector<16xf32>
            %parallel_loop3A_315 = arith.maximumf %parallel_loop3A_314, %parallel_loop3A_311 : vector<16xf32>
            %parallel_loop3A_316 = vector.broadcast %parallel_loop3A_313 : f32 to vector<16xf32>
            %parallel_loop3A_317 = arith.minimumf %parallel_loop3A_316, %parallel_loop3A_315 : vector<16xf32>
            %parallel_loop3A_318 = arith.fptosi %parallel_loop3A_317 : vector<16xf32> to vector<16xi32>
            %parallel_loop3A_319 = vector.broadcast %mul3A_53 : i32 to vector<16xi32>
            %parallel_loop3A_320 = arith.addi %parallel_loop3A_318, %parallel_loop3A_319 : vector<16xi32>
            tpu.vector_store_idx %arg6[%parallel_loop3A_320], %broadcast_in_dim3A_1 {add = true} : memref<32768xi32, #tpu.memory_space<vmem>>[vector<16xi32>], vector<16xi32>,
            %parallel_loop3A_321 = arith.index_cast %parallel_loop3A_122 : i32 to index
            %parallel_loop3A_322 = arith.constant 176 : index
            %parallel_loop3A_323 = tpu.vector_load %arg9[%parallel_loop3A_321, %parallel_loop3A_322] {strides = array<i32>} : memref<16x224xf32, #tpu.memory_space<vmem>>, vector<16xf32>,
            %parallel_loop3A_324 = arith.constant -5.500000e+00 : f32
            %parallel_loop3A_325 = vector.broadcast %parallel_loop3A_324 : f32 to vector<16xf32>
            %parallel_loop3A_326 = arith.subf %parallel_loop3A_323, %parallel_loop3A_325 : vector<16xf32>
            %parallel_loop3A_327 = arith.constant 372.363647 : f32
            %parallel_loop3A_328 = vector.broadcast %parallel_loop3A_327 : f32 to vector<16xf32>
            %parallel_loop3A_329 = arith.mulf %parallel_loop3A_326, %parallel_loop3A_328 : vector<16xf32>
            %parallel_loop3A_330 = arith.constant 0.000000e+00 : f32
            %parallel_loop3A_331 = arith.constant 4.095000e+03 : f32
            %parallel_loop3A_332 = vector.broadcast %parallel_loop3A_330 : f32 to vector<16xf32>
            %parallel_loop3A_333 = arith.maximumf %parallel_loop3A_332, %parallel_loop3A_329 : vector<16xf32>
            %parallel_loop3A_334 = vector.broadcast %parallel_loop3A_331 : f32 to vector<16xf32>
            %parallel_loop3A_335 = arith.minimumf %parallel_loop3A_334, %parallel_loop3A_333 : vector<16xf32>
            %parallel_loop3A_336 = arith.fptosi %parallel_loop3A_335 : vector<16xf32> to vector<16xi32>
            %parallel_loop3A_337 = vector.broadcast %mul3A_53 : i32 to vector<16xi32>
            %parallel_loop3A_338 = arith.addi %parallel_loop3A_336, %parallel_loop3A_337 : vector<16xi32>
            tpu.vector_store_idx %arg6[%parallel_loop3A_338], %broadcast_in_dim3A_1 {add = true} : memref<32768xi32, #tpu.memory_space<vmem>>[vector<16xi32>], vector<16xi32>,
            %parallel_loop3A_339 = arith.index_cast %parallel_loop3A_122 : i32 to index
            %parallel_loop3A_340 = arith.constant 192 : index
            %parallel_loop3A_341 = tpu.vector_load %arg9[%parallel_loop3A_339, %parallel_loop3A_340] {strides = array<i32>} : memref<16x224xf32, #tpu.memory_space<vmem>>, vector<16xf32>,
            %parallel_loop3A_342 = arith.constant -5.500000e+00 : f32
            %parallel_loop3A_343 = vector.broadcast %parallel_loop3A_342 : f32 to vector<16xf32>
            %parallel_loop3A_344 = arith.subf %parallel_loop3A_341, %parallel_loop3A_343 : vector<16xf32>
            %parallel_loop3A_345 = arith.constant 372.363647 : f32
            %parallel_loop3A_346 = vector.broadcast %parallel_loop3A_345 : f32 to vector<16xf32>
            %parallel_loop3A_347 = arith.mulf %parallel_loop3A_344, %parallel_loop3A_346 : vector<16xf32>
            %parallel_loop3A_348 = arith.constant 0.000000e+00 : f32
            %parallel_loop3A_349 = arith.constant 4.095000e+03 : f32
            %parallel_loop3A_350 = vector.broadcast %parallel_loop3A_348 : f32 to vector<16xf32>
            %parallel_loop3A_351 = arith.maximumf %parallel_loop3A_350, %parallel_loop3A_347 : vector<16xf32>
            %parallel_loop3A_352 = vector.broadcast %parallel_loop3A_349 : f32 to vector<16xf32>
            %parallel_loop3A_353 = arith.minimumf %parallel_loop3A_352, %parallel_loop3A_351 : vector<16xf32>
            %parallel_loop3A_354 = arith.fptosi %parallel_loop3A_353 : vector<16xf32> to vector<16xi32>
            %parallel_loop3A_355 = vector.broadcast %mul3A_53 : i32 to vector<16xi32>
            %parallel_loop3A_356 = arith.addi %parallel_loop3A_354, %parallel_loop3A_355 : vector<16xi32>
            tpu.vector_store_idx %arg6[%parallel_loop3A_356], %broadcast_in_dim3A_1 {add = true} : memref<32768xi32, #tpu.memory_space<vmem>>[vector<16xi32>], vector<16xi32>,
            %parallel_loop3A_357 = arith.index_cast %parallel_loop3A_122 : i32 to index
            %parallel_loop3A_358 = arith.constant 208 : index
            %parallel_loop3A_359 = tpu.vector_load %arg9[%parallel_loop3A_357, %parallel_loop3A_358] {strides = array<i32>} : memref<16x224xf32, #tpu.memory_space<vmem>>, vector<16xf32>,
            %parallel_loop3A_360 = arith.constant -5.500000e+00 : f32
            %parallel_loop3A_361 = vector.broadcast %parallel_loop3A_360 : f32 to vector<16xf32>
            %parallel_loop3A_362 = arith.subf %parallel_loop3A_359, %parallel_loop3A_361 : vector<16xf32>
            %parallel_loop3A_363 = arith.constant 372.363647 : f32
            %parallel_loop3A_364 = vector.broadcast %parallel_loop3A_363 : f32 to vector<16xf32>
            %parallel_loop3A_365 = arith.mulf %parallel_loop3A_362, %parallel_loop3A_364 : vector<16xf32>
            %parallel_loop3A_366 = arith.constant 0.000000e+00 : f32
            %parallel_loop3A_367 = arith.constant 4.095000e+03 : f32
            %parallel_loop3A_368 = vector.broadcast %parallel_loop3A_366 : f32 to vector<16xf32>
            %parallel_loop3A_369 = arith.maximumf %parallel_loop3A_368, %parallel_loop3A_365 : vector<16xf32>
            %parallel_loop3A_370 = vector.broadcast %parallel_loop3A_367 : f32 to vector<16xf32>
            %parallel_loop3A_371 = arith.minimumf %parallel_loop3A_370, %parallel_loop3A_369 : vector<16xf32>
            %parallel_loop3A_372 = arith.fptosi %parallel_loop3A_371 : vector<16xf32> to vector<16xi32>
            %parallel_loop3A_373 = vector.broadcast %mul3A_53 : i32 to vector<16xi32>
            %parallel_loop3A_374 = arith.addi %parallel_loop3A_372, %parallel_loop3A_373 : vector<16xi32>
            tpu.vector_store_idx %arg6[%parallel_loop3A_374], %broadcast_in_dim3A_1 {add = true} : memref<32768xi32, #tpu.memory_space<vmem>>[vector<16xi32>], vector<16xi32>,
          } {sc.loop_unroll_factor = 1 : i64, sc.parallel_access}
          %mul3A_91 = arith.constant 2 : i32
          %mul3A_92 = arith.muli %mul3A_91, %scan3A_77 : i32
          %add3A_93 = arith.constant 2 : i32
          %add3A_94 = arith.addi %mul3A_92, %add3A_93 : i32
          %lt3A = arith.constant 14 : i32
          %lt3A_95 = arith.cmpi slt, %add3A_94, %lt3A : i32
          %convert_element_type3A = arith.extui %lt3A_95 : i1 to i32
          %cond3A = arith.constant 0 : i32
          %cond3A_96 = arith.cmpi ne, %convert_element_type3A, %cond3A : i32
          scf.if %cond3A_96 {
            %mul3A_122 = arith.constant 2 : i32
            %mul3A_123 = arith.muli %mul3A_122, %scan3A_77 : i32
            %add3A_124 = arith.constant 2 : i32
            %add3A_125 = arith.addi %mul3A_123, %add3A_124 : i32
            %mul3A_126 = arith.constant 16 : i32
            %mul3A_127 = arith.muli %add3A_125, %mul3A_126 : i32
            %dma_start3A_128 = arith.constant 0 : i32
            %dma_start3A_129 = tpu.memref_slice %arg2[%scan3A_50, %add3A_24, %mul3A_127, %dma_start3A_128] : memref<8x96x224x224xf32, #tpu.memory_space<hbm>> -> memref<1x1x16x224xf32, #tpu.memory_space<hbm>>
            %dma_start3A_130 = tpu.memref_squeeze %dma_start3A_129 : memref<1x1x16x224xf32, #tpu.memory_space<hbm>> -> memref<16x224xf32, #tpu.memory_space<hbm>>
            %dma_start3A_131 = arith.constant 0 : i32
            %dma_start3A_132 = tpu.memref_slice %arg2[%scan3A_50, %add3A_24, %mul3A_127, %dma_start3A_131] : memref<8x96x224x224xf32, #tpu.memory_space<hbm>> -> memref<1x1x16x224xf32, #tpu.memory_space<hbm>>
            %dma_start3A_133 = tpu.memref_squeeze %dma_start3A_132 : memref<1x1x16x224xf32, #tpu.memory_space<hbm>> -> memref<16x224xf32, #tpu.memory_space<hbm>>
            tpu.enqueue_dma source(%dma_start3A_133 : memref<16x224xf32, #tpu.memory_space<hbm>>) target(%arg9 : memref<16x224xf32, #tpu.memory_space<vmem>>) target_semaphore(%arg15 : memref<!tpu.dma_semaphore, #tpu.memory_space<semaphore_mem>>)
          } else {
          }
          %mul3A_97 = arith.constant 2 : i32
          %mul3A_98 = arith.muli %mul3A_97, %scan3A_77 : i32
          %add3A_99 = arith.constant 1 : i32
          %add3A_100 = arith.addi %mul3A_98, %add3A_99 : i32
          %mul3A_101 = arith.constant 16 : i32
          %mul3A_102 = arith.muli %add3A_100, %mul3A_101 : i32
          %dma_wait3A_103 = arith.constant 0 : i32
          %dma_wait3A_104 = tpu.memref_slice %arg2[%scan3A_50, %add3A_24, %mul3A_102, %dma_wait3A_103] : memref<8x96x224x224xf32, #tpu.memory_space<hbm>> -> memref<1x1x16x224xf32, #tpu.memory_space<hbm>>
          %dma_wait3A_105 = tpu.memref_squeeze %dma_wait3A_104 : memref<1x1x16x224xf32, #tpu.memory_space<hbm>> -> memref<16x224xf32, #tpu.memory_space<hbm>>
          %dma_wait3A_106 = arith.constant 0 : i32
          %dma_wait3A_107 = tpu.memref_slice %arg2[%scan3A_50, %add3A_24, %mul3A_102, %dma_wait3A_106] : memref<8x96x224x224xf32, #tpu.memory_space<hbm>> -> memref<1x1x16x224xf32, #tpu.memory_space<hbm>>
          %dma_wait3A_108 = tpu.memref_squeeze %dma_wait3A_107 : memref<1x1x16x224xf32, #tpu.memory_space<hbm>> -> memref<16x224xf32, #tpu.memory_space<hbm>>
          tpu.wait_dma2 semaphore(%arg16 : memref<!tpu.dma_semaphore, #tpu.memory_space<semaphore_mem>>) src(%dma_wait3A_108 : memref<16x224xf32, #tpu.memory_space<hbm>>) dst(%arg10 : memref<16x224xf32, #tpu.memory_space<vmem>>)
          %parallel_loop3A_109 = arith.constant 0 : i32
          %parallel_loop3A_110 = arith.constant 16 : i32
          %parallel_loop3A_111 = arith.constant 1 : i32
          scf.for %parallel_loop3A_122 = %parallel_loop3A_109 to %parallel_loop3A_110 step %parallel_loop3A_111  : i32 {
            %parallel_loop3A_123 = arith.index_cast %parallel_loop3A_122 : i32 to index
            %parallel_loop3A_124 = arith.constant 0 : index
            %parallel_loop3A_125 = tpu.vector_load %arg10[%parallel_loop3A_123, %parallel_loop3A_124] {strides = array<i32>} : memref<16x224xf32, #tpu.memory_space<vmem>>, vector<16xf32>,
            %parallel_loop3A_126 = arith.constant -5.500000e+00 : f32
            %parallel_loop3A_127 = vector.broadcast %parallel_loop3A_126 : f32 to vector<16xf32>
            %parallel_loop3A_128 = arith.subf %parallel_loop3A_125, %parallel_loop3A_127 : vector<16xf32>
            %parallel_loop3A_129 = arith.constant 372.363647 : f32
            %parallel_loop3A_130 = vector.broadcast %parallel_loop3A_129 : f32 to vector<16xf32>
            %parallel_loop3A_131 = arith.mulf %parallel_loop3A_128, %parallel_loop3A_130 : vector<16xf32>
            %parallel_loop3A_132 = arith.constant 0.000000e+00 : f32
            %parallel_loop3A_133 = arith.constant 4.095000e+03 : f32
            %parallel_loop3A_134 = vector.broadcast %parallel_loop3A_132 : f32 to vector<16xf32>
            %parallel_loop3A_135 = arith.maximumf %parallel_loop3A_134, %parallel_loop3A_131 : vector<16xf32>
            %parallel_loop3A_136 = vector.broadcast %parallel_loop3A_133 : f32 to vector<16xf32>
            %parallel_loop3A_137 = arith.minimumf %parallel_loop3A_136, %parallel_loop3A_135 : vector<16xf32>
            %parallel_loop3A_138 = arith.fptosi %parallel_loop3A_137 : vector<16xf32> to vector<16xi32>
            %parallel_loop3A_139 = vector.broadcast %mul3A_53 : i32 to vector<16xi32>
            %parallel_loop3A_140 = arith.addi %parallel_loop3A_138, %parallel_loop3A_139 : vector<16xi32>
            tpu.vector_store_idx %arg6[%parallel_loop3A_140], %broadcast_in_dim3A_1 {add = true} : memref<32768xi32, #tpu.memory_space<vmem>>[vector<16xi32>], vector<16xi32>,
            %parallel_loop3A_141 = arith.index_cast %parallel_loop3A_122 : i32 to index
            %parallel_loop3A_142 = arith.constant 16 : index
            %parallel_loop3A_143 = tpu.vector_load %arg10[%parallel_loop3A_141, %parallel_loop3A_142] {strides = array<i32>} : memref<16x224xf32, #tpu.memory_space<vmem>>, vector<16xf32>,
            %parallel_loop3A_144 = arith.constant -5.500000e+00 : f32
            %parallel_loop3A_145 = vector.broadcast %parallel_loop3A_144 : f32 to vector<16xf32>
            %parallel_loop3A_146 = arith.subf %parallel_loop3A_143, %parallel_loop3A_145 : vector<16xf32>
            %parallel_loop3A_147 = arith.constant 372.363647 : f32
            %parallel_loop3A_148 = vector.broadcast %parallel_loop3A_147 : f32 to vector<16xf32>
            %parallel_loop3A_149 = arith.mulf %parallel_loop3A_146, %parallel_loop3A_148 : vector<16xf32>
            %parallel_loop3A_150 = arith.constant 0.000000e+00 : f32
            %parallel_loop3A_151 = arith.constant 4.095000e+03 : f32
            %parallel_loop3A_152 = vector.broadcast %parallel_loop3A_150 : f32 to vector<16xf32>
            %parallel_loop3A_153 = arith.maximumf %parallel_loop3A_152, %parallel_loop3A_149 : vector<16xf32>
            %parallel_loop3A_154 = vector.broadcast %parallel_loop3A_151 : f32 to vector<16xf32>
            %parallel_loop3A_155 = arith.minimumf %parallel_loop3A_154, %parallel_loop3A_153 : vector<16xf32>
            %parallel_loop3A_156 = arith.fptosi %parallel_loop3A_155 : vector<16xf32> to vector<16xi32>
            %parallel_loop3A_157 = vector.broadcast %mul3A_53 : i32 to vector<16xi32>
            %parallel_loop3A_158 = arith.addi %parallel_loop3A_156, %parallel_loop3A_157 : vector<16xi32>
            tpu.vector_store_idx %arg6[%parallel_loop3A_158], %broadcast_in_dim3A_1 {add = true} : memref<32768xi32, #tpu.memory_space<vmem>>[vector<16xi32>], vector<16xi32>,
            %parallel_loop3A_159 = arith.index_cast %parallel_loop3A_122 : i32 to index
            %parallel_loop3A_160 = arith.constant 32 : index
            %parallel_loop3A_161 = tpu.vector_load %arg10[%parallel_loop3A_159, %parallel_loop3A_160] {strides = array<i32>} : memref<16x224xf32, #tpu.memory_space<vmem>>, vector<16xf32>,
            %parallel_loop3A_162 = arith.constant -5.500000e+00 : f32
            %parallel_loop3A_163 = vector.broadcast %parallel_loop3A_162 : f32 to vector<16xf32>
            %parallel_loop3A_164 = arith.subf %parallel_loop3A_161, %parallel_loop3A_163 : vector<16xf32>
            %parallel_loop3A_165 = arith.constant 372.363647 : f32
            %parallel_loop3A_166 = vector.broadcast %parallel_loop3A_165 : f32 to vector<16xf32>
            %parallel_loop3A_167 = arith.mulf %parallel_loop3A_164, %parallel_loop3A_166 : vector<16xf32>
            %parallel_loop3A_168 = arith.constant 0.000000e+00 : f32
            %parallel_loop3A_169 = arith.constant 4.095000e+03 : f32
            %parallel_loop3A_170 = vector.broadcast %parallel_loop3A_168 : f32 to vector<16xf32>
            %parallel_loop3A_171 = arith.maximumf %parallel_loop3A_170, %parallel_loop3A_167 : vector<16xf32>
            %parallel_loop3A_172 = vector.broadcast %parallel_loop3A_169 : f32 to vector<16xf32>
            %parallel_loop3A_173 = arith.minimumf %parallel_loop3A_172, %parallel_loop3A_171 : vector<16xf32>
            %parallel_loop3A_174 = arith.fptosi %parallel_loop3A_173 : vector<16xf32> to vector<16xi32>
            %parallel_loop3A_175 = vector.broadcast %mul3A_53 : i32 to vector<16xi32>
            %parallel_loop3A_176 = arith.addi %parallel_loop3A_174, %parallel_loop3A_175 : vector<16xi32>
            tpu.vector_store_idx %arg6[%parallel_loop3A_176], %broadcast_in_dim3A_1 {add = true} : memref<32768xi32, #tpu.memory_space<vmem>>[vector<16xi32>], vector<16xi32>,
            %parallel_loop3A_177 = arith.index_cast %parallel_loop3A_122 : i32 to index
            %parallel_loop3A_178 = arith.constant 48 : index
            %parallel_loop3A_179 = tpu.vector_load %arg10[%parallel_loop3A_177, %parallel_loop3A_178] {strides = array<i32>} : memref<16x224xf32, #tpu.memory_space<vmem>>, vector<16xf32>,
            %parallel_loop3A_180 = arith.constant -5.500000e+00 : f32
            %parallel_loop3A_181 = vector.broadcast %parallel_loop3A_180 : f32 to vector<16xf32>
            %parallel_loop3A_182 = arith.subf %parallel_loop3A_179, %parallel_loop3A_181 : vector<16xf32>
            %parallel_loop3A_183 = arith.constant 372.363647 : f32
            %parallel_loop3A_184 = vector.broadcast %parallel_loop3A_183 : f32 to vector<16xf32>
            %parallel_loop3A_185 = arith.mulf %parallel_loop3A_182, %parallel_loop3A_184 : vector<16xf32>
            %parallel_loop3A_186 = arith.constant 0.000000e+00 : f32
            %parallel_loop3A_187 = arith.constant 4.095000e+03 : f32
            %parallel_loop3A_188 = vector.broadcast %parallel_loop3A_186 : f32 to vector<16xf32>
            %parallel_loop3A_189 = arith.maximumf %parallel_loop3A_188, %parallel_loop3A_185 : vector<16xf32>
            %parallel_loop3A_190 = vector.broadcast %parallel_loop3A_187 : f32 to vector<16xf32>
            %parallel_loop3A_191 = arith.minimumf %parallel_loop3A_190, %parallel_loop3A_189 : vector<16xf32>
            %parallel_loop3A_192 = arith.fptosi %parallel_loop3A_191 : vector<16xf32> to vector<16xi32>
            %parallel_loop3A_193 = vector.broadcast %mul3A_53 : i32 to vector<16xi32>
            %parallel_loop3A_194 = arith.addi %parallel_loop3A_192, %parallel_loop3A_193 : vector<16xi32>
            tpu.vector_store_idx %arg6[%parallel_loop3A_194], %broadcast_in_dim3A_1 {add = true} : memref<32768xi32, #tpu.memory_space<vmem>>[vector<16xi32>], vector<16xi32>,
            %parallel_loop3A_195 = arith.index_cast %parallel_loop3A_122 : i32 to index
            %parallel_loop3A_196 = arith.constant 64 : index
            %parallel_loop3A_197 = tpu.vector_load %arg10[%parallel_loop3A_195, %parallel_loop3A_196] {strides = array<i32>} : memref<16x224xf32, #tpu.memory_space<vmem>>, vector<16xf32>,
            %parallel_loop3A_198 = arith.constant -5.500000e+00 : f32
            %parallel_loop3A_199 = vector.broadcast %parallel_loop3A_198 : f32 to vector<16xf32>
            %parallel_loop3A_200 = arith.subf %parallel_loop3A_197, %parallel_loop3A_199 : vector<16xf32>
            %parallel_loop3A_201 = arith.constant 372.363647 : f32
            %parallel_loop3A_202 = vector.broadcast %parallel_loop3A_201 : f32 to vector<16xf32>
            %parallel_loop3A_203 = arith.mulf %parallel_loop3A_200, %parallel_loop3A_202 : vector<16xf32>
            %parallel_loop3A_204 = arith.constant 0.000000e+00 : f32
            %parallel_loop3A_205 = arith.constant 4.095000e+03 : f32
            %parallel_loop3A_206 = vector.broadcast %parallel_loop3A_204 : f32 to vector<16xf32>
            %parallel_loop3A_207 = arith.maximumf %parallel_loop3A_206, %parallel_loop3A_203 : vector<16xf32>
            %parallel_loop3A_208 = vector.broadcast %parallel_loop3A_205 : f32 to vector<16xf32>
            %parallel_loop3A_209 = arith.minimumf %parallel_loop3A_208, %parallel_loop3A_207 : vector<16xf32>
            %parallel_loop3A_210 = arith.fptosi %parallel_loop3A_209 : vector<16xf32> to vector<16xi32>
            %parallel_loop3A_211 = vector.broadcast %mul3A_53 : i32 to vector<16xi32>
            %parallel_loop3A_212 = arith.addi %parallel_loop3A_210, %parallel_loop3A_211 : vector<16xi32>
            tpu.vector_store_idx %arg6[%parallel_loop3A_212], %broadcast_in_dim3A_1 {add = true} : memref<32768xi32, #tpu.memory_space<vmem>>[vector<16xi32>], vector<16xi32>,
            %parallel_loop3A_213 = arith.index_cast %parallel_loop3A_122 : i32 to index
            %parallel_loop3A_214 = arith.constant 80 : index
            %parallel_loop3A_215 = tpu.vector_load %arg10[%parallel_loop3A_213, %parallel_loop3A_214] {strides = array<i32>} : memref<16x224xf32, #tpu.memory_space<vmem>>, vector<16xf32>,
            %parallel_loop3A_216 = arith.constant -5.500000e+00 : f32
            %parallel_loop3A_217 = vector.broadcast %parallel_loop3A_216 : f32 to vector<16xf32>
            %parallel_loop3A_218 = arith.subf %parallel_loop3A_215, %parallel_loop3A_217 : vector<16xf32>
            %parallel_loop3A_219 = arith.constant 372.363647 : f32
            %parallel_loop3A_220 = vector.broadcast %parallel_loop3A_219 : f32 to vector<16xf32>
            %parallel_loop3A_221 = arith.mulf %parallel_loop3A_218, %parallel_loop3A_220 : vector<16xf32>
            %parallel_loop3A_222 = arith.constant 0.000000e+00 : f32
            %parallel_loop3A_223 = arith.constant 4.095000e+03 : f32
            %parallel_loop3A_224 = vector.broadcast %parallel_loop3A_222 : f32 to vector<16xf32>
            %parallel_loop3A_225 = arith.maximumf %parallel_loop3A_224, %parallel_loop3A_221 : vector<16xf32>
            %parallel_loop3A_226 = vector.broadcast %parallel_loop3A_223 : f32 to vector<16xf32>
            %parallel_loop3A_227 = arith.minimumf %parallel_loop3A_226, %parallel_loop3A_225 : vector<16xf32>
            %parallel_loop3A_228 = arith.fptosi %parallel_loop3A_227 : vector<16xf32> to vector<16xi32>
            %parallel_loop3A_229 = vector.broadcast %mul3A_53 : i32 to vector<16xi32>
            %parallel_loop3A_230 = arith.addi %parallel_loop3A_228, %parallel_loop3A_229 : vector<16xi32>
            tpu.vector_store_idx %arg6[%parallel_loop3A_230], %broadcast_in_dim3A_1 {add = true} : memref<32768xi32, #tpu.memory_space<vmem>>[vector<16xi32>], vector<16xi32>,
            %parallel_loop3A_231 = arith.index_cast %parallel_loop3A_122 : i32 to index
            %parallel_loop3A_232 = arith.constant 96 : index
            %parallel_loop3A_233 = tpu.vector_load %arg10[%parallel_loop3A_231, %parallel_loop3A_232] {strides = array<i32>} : memref<16x224xf32, #tpu.memory_space<vmem>>, vector<16xf32>,
            %parallel_loop3A_234 = arith.constant -5.500000e+00 : f32
            %parallel_loop3A_235 = vector.broadcast %parallel_loop3A_234 : f32 to vector<16xf32>
            %parallel_loop3A_236 = arith.subf %parallel_loop3A_233, %parallel_loop3A_235 : vector<16xf32>
            %parallel_loop3A_237 = arith.constant 372.363647 : f32
            %parallel_loop3A_238 = vector.broadcast %parallel_loop3A_237 : f32 to vector<16xf32>
            %parallel_loop3A_239 = arith.mulf %parallel_loop3A_236, %parallel_loop3A_238 : vector<16xf32>
            %parallel_loop3A_240 = arith.constant 0.000000e+00 : f32
            %parallel_loop3A_241 = arith.constant 4.095000e+03 : f32
            %parallel_loop3A_242 = vector.broadcast %parallel_loop3A_240 : f32 to vector<16xf32>
            %parallel_loop3A_243 = arith.maximumf %parallel_loop3A_242, %parallel_loop3A_239 : vector<16xf32>
            %parallel_loop3A_244 = vector.broadcast %parallel_loop3A_241 : f32 to vector<16xf32>
            %parallel_loop3A_245 = arith.minimumf %parallel_loop3A_244, %parallel_loop3A_243 : vector<16xf32>
            %parallel_loop3A_246 = arith.fptosi %parallel_loop3A_245 : vector<16xf32> to vector<16xi32>
            %parallel_loop3A_247 = vector.broadcast %mul3A_53 : i32 to vector<16xi32>
            %parallel_loop3A_248 = arith.addi %parallel_loop3A_246, %parallel_loop3A_247 : vector<16xi32>
            tpu.vector_store_idx %arg6[%parallel_loop3A_248], %broadcast_in_dim3A_1 {add = true} : memref<32768xi32, #tpu.memory_space<vmem>>[vector<16xi32>], vector<16xi32>,
            %parallel_loop3A_249 = arith.index_cast %parallel_loop3A_122 : i32 to index
            %parallel_loop3A_250 = arith.constant 112 : index
            %parallel_loop3A_251 = tpu.vector_load %arg10[%parallel_loop3A_249, %parallel_loop3A_250] {strides = array<i32>} : memref<16x224xf32, #tpu.memory_space<vmem>>, vector<16xf32>,
            %parallel_loop3A_252 = arith.constant -5.500000e+00 : f32
            %parallel_loop3A_253 = vector.broadcast %parallel_loop3A_252 : f32 to vector<16xf32>
            %parallel_loop3A_254 = arith.subf %parallel_loop3A_251, %parallel_loop3A_253 : vector<16xf32>
            %parallel_loop3A_255 = arith.constant 372.363647 : f32
            %parallel_loop3A_256 = vector.broadcast %parallel_loop3A_255 : f32 to vector<16xf32>
            %parallel_loop3A_257 = arith.mulf %parallel_loop3A_254, %parallel_loop3A_256 : vector<16xf32>
            %parallel_loop3A_258 = arith.constant 0.000000e+00 : f32
            %parallel_loop3A_259 = arith.constant 4.095000e+03 : f32
            %parallel_loop3A_260 = vector.broadcast %parallel_loop3A_258 : f32 to vector<16xf32>
            %parallel_loop3A_261 = arith.maximumf %parallel_loop3A_260, %parallel_loop3A_257 : vector<16xf32>
            %parallel_loop3A_262 = vector.broadcast %parallel_loop3A_259 : f32 to vector<16xf32>
            %parallel_loop3A_263 = arith.minimumf %parallel_loop3A_262, %parallel_loop3A_261 : vector<16xf32>
            %parallel_loop3A_264 = arith.fptosi %parallel_loop3A_263 : vector<16xf32> to vector<16xi32>
            %parallel_loop3A_265 = vector.broadcast %mul3A_53 : i32 to vector<16xi32>
            %parallel_loop3A_266 = arith.addi %parallel_loop3A_264, %parallel_loop3A_265 : vector<16xi32>
            tpu.vector_store_idx %arg6[%parallel_loop3A_266], %broadcast_in_dim3A_1 {add = true} : memref<32768xi32, #tpu.memory_space<vmem>>[vector<16xi32>], vector<16xi32>,
            %parallel_loop3A_267 = arith.index_cast %parallel_loop3A_122 : i32 to index
            %parallel_loop3A_268 = arith.constant 128 : index
            %parallel_loop3A_269 = tpu.vector_load %arg10[%parallel_loop3A_267, %parallel_loop3A_268] {strides = array<i32>} : memref<16x224xf32, #tpu.memory_space<vmem>>, vector<16xf32>,
            %parallel_loop3A_270 = arith.constant -5.500000e+00 : f32
            %parallel_loop3A_271 = vector.broadcast %parallel_loop3A_270 : f32 to vector<16xf32>
            %parallel_loop3A_272 = arith.subf %parallel_loop3A_269, %parallel_loop3A_271 : vector<16xf32>
            %parallel_loop3A_273 = arith.constant 372.363647 : f32
            %parallel_loop3A_274 = vector.broadcast %parallel_loop3A_273 : f32 to vector<16xf32>
            %parallel_loop3A_275 = arith.mulf %parallel_loop3A_272, %parallel_loop3A_274 : vector<16xf32>
            %parallel_loop3A_276 = arith.constant 0.000000e+00 : f32
            %parallel_loop3A_277 = arith.constant 4.095000e+03 : f32
            %parallel_loop3A_278 = vector.broadcast %parallel_loop3A_276 : f32 to vector<16xf32>
            %parallel_loop3A_279 = arith.maximumf %parallel_loop3A_278, %parallel_loop3A_275 : vector<16xf32>
            %parallel_loop3A_280 = vector.broadcast %parallel_loop3A_277 : f32 to vector<16xf32>
            %parallel_loop3A_281 = arith.minimumf %parallel_loop3A_280, %parallel_loop3A_279 : vector<16xf32>
            %parallel_loop3A_282 = arith.fptosi %parallel_loop3A_281 : vector<16xf32> to vector<16xi32>
            %parallel_loop3A_283 = vector.broadcast %mul3A_53 : i32 to vector<16xi32>
            %parallel_loop3A_284 = arith.addi %parallel_loop3A_282, %parallel_loop3A_283 : vector<16xi32>
            tpu.vector_store_idx %arg6[%parallel_loop3A_284], %broadcast_in_dim3A_1 {add = true} : memref<32768xi32, #tpu.memory_space<vmem>>[vector<16xi32>], vector<16xi32>,
            %parallel_loop3A_285 = arith.index_cast %parallel_loop3A_122 : i32 to index
            %parallel_loop3A_286 = arith.constant 144 : index
            %parallel_loop3A_287 = tpu.vector_load %arg10[%parallel_loop3A_285, %parallel_loop3A_286] {strides = array<i32>} : memref<16x224xf32, #tpu.memory_space<vmem>>, vector<16xf32>,
            %parallel_loop3A_288 = arith.constant -5.500000e+00 : f32
            %parallel_loop3A_289 = vector.broadcast %parallel_loop3A_288 : f32 to vector<16xf32>
            %parallel_loop3A_290 = arith.subf %parallel_loop3A_287, %parallel_loop3A_289 : vector<16xf32>
            %parallel_loop3A_291 = arith.constant 372.363647 : f32
            %parallel_loop3A_292 = vector.broadcast %parallel_loop3A_291 : f32 to vector<16xf32>
            %parallel_loop3A_293 = arith.mulf %parallel_loop3A_290, %parallel_loop3A_292 : vector<16xf32>
            %parallel_loop3A_294 = arith.constant 0.000000e+00 : f32
            %parallel_loop3A_295 = arith.constant 4.095000e+03 : f32
            %parallel_loop3A_296 = vector.broadcast %parallel_loop3A_294 : f32 to vector<16xf32>
            %parallel_loop3A_297 = arith.maximumf %parallel_loop3A_296, %parallel_loop3A_293 : vector<16xf32>
            %parallel_loop3A_298 = vector.broadcast %parallel_loop3A_295 : f32 to vector<16xf32>
            %parallel_loop3A_299 = arith.minimumf %parallel_loop3A_298, %parallel_loop3A_297 : vector<16xf32>
            %parallel_loop3A_300 = arith.fptosi %parallel_loop3A_299 : vector<16xf32> to vector<16xi32>
            %parallel_loop3A_301 = vector.broadcast %mul3A_53 : i32 to vector<16xi32>
            %parallel_loop3A_302 = arith.addi %parallel_loop3A_300, %parallel_loop3A_301 : vector<16xi32>
            tpu.vector_store_idx %arg6[%parallel_loop3A_302], %broadcast_in_dim3A_1 {add = true} : memref<32768xi32, #tpu.memory_space<vmem>>[vector<16xi32>], vector<16xi32>,
            %parallel_loop3A_303 = arith.index_cast %parallel_loop3A_122 : i32 to index
            %parallel_loop3A_304 = arith.constant 160 : index
            %parallel_loop3A_305 = tpu.vector_load %arg10[%parallel_loop3A_303, %parallel_loop3A_304] {strides = array<i32>} : memref<16x224xf32, #tpu.memory_space<vmem>>, vector<16xf32>,
            %parallel_loop3A_306 = arith.constant -5.500000e+00 : f32
            %parallel_loop3A_307 = vector.broadcast %parallel_loop3A_306 : f32 to vector<16xf32>
            %parallel_loop3A_308 = arith.subf %parallel_loop3A_305, %parallel_loop3A_307 : vector<16xf32>
            %parallel_loop3A_309 = arith.constant 372.363647 : f32
            %parallel_loop3A_310 = vector.broadcast %parallel_loop3A_309 : f32 to vector<16xf32>
            %parallel_loop3A_311 = arith.mulf %parallel_loop3A_308, %parallel_loop3A_310 : vector<16xf32>
            %parallel_loop3A_312 = arith.constant 0.000000e+00 : f32
            %parallel_loop3A_313 = arith.constant 4.095000e+03 : f32
            %parallel_loop3A_314 = vector.broadcast %parallel_loop3A_312 : f32 to vector<16xf32>
            %parallel_loop3A_315 = arith.maximumf %parallel_loop3A_314, %parallel_loop3A_311 : vector<16xf32>
            %parallel_loop3A_316 = vector.broadcast %parallel_loop3A_313 : f32 to vector<16xf32>
            %parallel_loop3A_317 = arith.minimumf %parallel_loop3A_316, %parallel_loop3A_315 : vector<16xf32>
            %parallel_loop3A_318 = arith.fptosi %parallel_loop3A_317 : vector<16xf32> to vector<16xi32>
            %parallel_loop3A_319 = vector.broadcast %mul3A_53 : i32 to vector<16xi32>
            %parallel_loop3A_320 = arith.addi %parallel_loop3A_318, %parallel_loop3A_319 : vector<16xi32>
            tpu.vector_store_idx %arg6[%parallel_loop3A_320], %broadcast_in_dim3A_1 {add = true} : memref<32768xi32, #tpu.memory_space<vmem>>[vector<16xi32>], vector<16xi32>,
            %parallel_loop3A_321 = arith.index_cast %parallel_loop3A_122 : i32 to index
            %parallel_loop3A_322 = arith.constant 176 : index
            %parallel_loop3A_323 = tpu.vector_load %arg10[%parallel_loop3A_321, %parallel_loop3A_322] {strides = array<i32>} : memref<16x224xf32, #tpu.memory_space<vmem>>, vector<16xf32>,
            %parallel_loop3A_324 = arith.constant -5.500000e+00 : f32
            %parallel_loop3A_325 = vector.broadcast %parallel_loop3A_324 : f32 to vector<16xf32>
            %parallel_loop3A_326 = arith.subf %parallel_loop3A_323, %parallel_loop3A_325 : vector<16xf32>
            %parallel_loop3A_327 = arith.constant 372.363647 : f32
            %parallel_loop3A_328 = vector.broadcast %parallel_loop3A_327 : f32 to vector<16xf32>
            %parallel_loop3A_329 = arith.mulf %parallel_loop3A_326, %parallel_loop3A_328 : vector<16xf32>
            %parallel_loop3A_330 = arith.constant 0.000000e+00 : f32
            %parallel_loop3A_331 = arith.constant 4.095000e+03 : f32
            %parallel_loop3A_332 = vector.broadcast %parallel_loop3A_330 : f32 to vector<16xf32>
            %parallel_loop3A_333 = arith.maximumf %parallel_loop3A_332, %parallel_loop3A_329 : vector<16xf32>
            %parallel_loop3A_334 = vector.broadcast %parallel_loop3A_331 : f32 to vector<16xf32>
            %parallel_loop3A_335 = arith.minimumf %parallel_loop3A_334, %parallel_loop3A_333 : vector<16xf32>
            %parallel_loop3A_336 = arith.fptosi %parallel_loop3A_335 : vector<16xf32> to vector<16xi32>
            %parallel_loop3A_337 = vector.broadcast %mul3A_53 : i32 to vector<16xi32>
            %parallel_loop3A_338 = arith.addi %parallel_loop3A_336, %parallel_loop3A_337 : vector<16xi32>
            tpu.vector_store_idx %arg6[%parallel_loop3A_338], %broadcast_in_dim3A_1 {add = true} : memref<32768xi32, #tpu.memory_space<vmem>>[vector<16xi32>], vector<16xi32>,
            %parallel_loop3A_339 = arith.index_cast %parallel_loop3A_122 : i32 to index
            %parallel_loop3A_340 = arith.constant 192 : index
            %parallel_loop3A_341 = tpu.vector_load %arg10[%parallel_loop3A_339, %parallel_loop3A_340] {strides = array<i32>} : memref<16x224xf32, #tpu.memory_space<vmem>>, vector<16xf32>,
            %parallel_loop3A_342 = arith.constant -5.500000e+00 : f32
            %parallel_loop3A_343 = vector.broadcast %parallel_loop3A_342 : f32 to vector<16xf32>
            %parallel_loop3A_344 = arith.subf %parallel_loop3A_341, %parallel_loop3A_343 : vector<16xf32>
            %parallel_loop3A_345 = arith.constant 372.363647 : f32
            %parallel_loop3A_346 = vector.broadcast %parallel_loop3A_345 : f32 to vector<16xf32>
            %parallel_loop3A_347 = arith.mulf %parallel_loop3A_344, %parallel_loop3A_346 : vector<16xf32>
            %parallel_loop3A_348 = arith.constant 0.000000e+00 : f32
            %parallel_loop3A_349 = arith.constant 4.095000e+03 : f32
            %parallel_loop3A_350 = vector.broadcast %parallel_loop3A_348 : f32 to vector<16xf32>
            %parallel_loop3A_351 = arith.maximumf %parallel_loop3A_350, %parallel_loop3A_347 : vector<16xf32>
            %parallel_loop3A_352 = vector.broadcast %parallel_loop3A_349 : f32 to vector<16xf32>
            %parallel_loop3A_353 = arith.minimumf %parallel_loop3A_352, %parallel_loop3A_351 : vector<16xf32>
            %parallel_loop3A_354 = arith.fptosi %parallel_loop3A_353 : vector<16xf32> to vector<16xi32>
            %parallel_loop3A_355 = vector.broadcast %mul3A_53 : i32 to vector<16xi32>
            %parallel_loop3A_356 = arith.addi %parallel_loop3A_354, %parallel_loop3A_355 : vector<16xi32>
            tpu.vector_store_idx %arg6[%parallel_loop3A_356], %broadcast_in_dim3A_1 {add = true} : memref<32768xi32, #tpu.memory_space<vmem>>[vector<16xi32>], vector<16xi32>,
            %parallel_loop3A_357 = arith.index_cast %parallel_loop3A_122 : i32 to index
            %parallel_loop3A_358 = arith.constant 208 : index
            %parallel_loop3A_359 = tpu.vector_load %arg10[%parallel_loop3A_357, %parallel_loop3A_358] {strides = array<i32>} : memref<16x224xf32, #tpu.memory_space<vmem>>, vector<16xf32>,
            %parallel_loop3A_360 = arith.constant -5.500000e+00 : f32
            %parallel_loop3A_361 = vector.broadcast %parallel_loop3A_360 : f32 to vector<16xf32>
            %parallel_loop3A_362 = arith.subf %parallel_loop3A_359, %parallel_loop3A_361 : vector<16xf32>
            %parallel_loop3A_363 = arith.constant 372.363647 : f32
            %parallel_loop3A_364 = vector.broadcast %parallel_loop3A_363 : f32 to vector<16xf32>
            %parallel_loop3A_365 = arith.mulf %parallel_loop3A_362, %parallel_loop3A_364 : vector<16xf32>
            %parallel_loop3A_366 = arith.constant 0.000000e+00 : f32
            %parallel_loop3A_367 = arith.constant 4.095000e+03 : f32
            %parallel_loop3A_368 = vector.broadcast %parallel_loop3A_366 : f32 to vector<16xf32>
            %parallel_loop3A_369 = arith.maximumf %parallel_loop3A_368, %parallel_loop3A_365 : vector<16xf32>
            %parallel_loop3A_370 = vector.broadcast %parallel_loop3A_367 : f32 to vector<16xf32>
            %parallel_loop3A_371 = arith.minimumf %parallel_loop3A_370, %parallel_loop3A_369 : vector<16xf32>
            %parallel_loop3A_372 = arith.fptosi %parallel_loop3A_371 : vector<16xf32> to vector<16xi32>
            %parallel_loop3A_373 = vector.broadcast %mul3A_53 : i32 to vector<16xi32>
            %parallel_loop3A_374 = arith.addi %parallel_loop3A_372, %parallel_loop3A_373 : vector<16xi32>
            tpu.vector_store_idx %arg6[%parallel_loop3A_374], %broadcast_in_dim3A_1 {add = true} : memref<32768xi32, #tpu.memory_space<vmem>>[vector<16xi32>], vector<16xi32>,
          } {sc.loop_unroll_factor = 1 : i64, sc.parallel_access}
          %mul3A_112 = arith.constant 2 : i32
          %mul3A_113 = arith.muli %mul3A_112, %scan3A_77 : i32
          %add3A_114 = arith.constant 3 : i32
          %add3A_115 = arith.addi %mul3A_113, %add3A_114 : i32
          %lt3A_116 = arith.constant 14 : i32
          %lt3A_117 = arith.cmpi slt, %add3A_115, %lt3A_116 : i32
          %convert_element_type3A_118 = arith.extui %lt3A_117 : i1 to i32
          %cond3A_119 = arith.constant 0 : i32
          %cond3A_120 = arith.cmpi ne, %convert_element_type3A_118, %cond3A_119 : i32
          scf.if %cond3A_120 {
            %mul3A_122 = arith.constant 2 : i32
            %mul3A_123 = arith.muli %mul3A_122, %scan3A_77 : i32
            %add3A_124 = arith.constant 3 : i32
            %add3A_125 = arith.addi %mul3A_123, %add3A_124 : i32
            %mul3A_126 = arith.constant 16 : i32
            %mul3A_127 = arith.muli %add3A_125, %mul3A_126 : i32
            %dma_start3A_128 = arith.constant 0 : i32
            %dma_start3A_129 = tpu.memref_slice %arg2[%scan3A_50, %add3A_24, %mul3A_127, %dma_start3A_128] : memref<8x96x224x224xf32, #tpu.memory_space<hbm>> -> memref<1x1x16x224xf32, #tpu.memory_space<hbm>>
            %dma_start3A_130 = tpu.memref_squeeze %dma_start3A_129 : memref<1x1x16x224xf32, #tpu.memory_space<hbm>> -> memref<16x224xf32, #tpu.memory_space<hbm>>
            %dma_start3A_131 = arith.constant 0 : i32
            %dma_start3A_132 = tpu.memref_slice %arg2[%scan3A_50, %add3A_24, %mul3A_127, %dma_start3A_131] : memref<8x96x224x224xf32, #tpu.memory_space<hbm>> -> memref<1x1x16x224xf32, #tpu.memory_space<hbm>>
            %dma_start3A_133 = tpu.memref_squeeze %dma_start3A_132 : memref<1x1x16x224xf32, #tpu.memory_space<hbm>> -> memref<16x224xf32, #tpu.memory_space<hbm>>
            tpu.enqueue_dma source(%dma_start3A_133 : memref<16x224xf32, #tpu.memory_space<hbm>>) target(%arg10 : memref<16x224xf32, #tpu.memory_space<vmem>>) target_semaphore(%arg16 : memref<!tpu.dma_semaphore, #tpu.memory_space<semaphore_mem>>)
          } else {
          }
          %scan3A_121 = arith.constant 0 : i32
          scf.yield %scan3A_121 : i32
        }
        %scan3A_75 = arith.constant 7 : i32
        %scan3A_76 = arith.constant 0 : i32
        scf.yield %scan3A_76 : i32
      }
      %scan3A_34 = arith.constant 8 : i32
      %scan3A_35 = arith.constant 0 : i32
      %scan3A_36 = arith.constant 0 : i32
      %scan3A_37 = arith.constant 8 : i32
      %scan3A_38 = arith.addi %scan3A_36, %scan3A_37 : i32
      %scan3A_39 = arith.constant 1 : i32
      %scan3A_40 = scf.for %scan3A_50 = %scan3A_36 to %scan3A_38 step %scan3A_39 iter_args(%scan3A_51 = %scan3A_35) -> (i32)  : i32 {
        "tpu.region"() ({
          %run_scoped3A = tpu.sem_alloc : memref<!tpu.dma_semaphore, #tpu.memory_space<semaphore_mem>>
          %dma_start3A = arith.constant 0 : i32
          %dma_start3A_93 = tpu.memref_slice %arg4[%scan3A_50, %dma_start3A] : memref<8x128xi32, #tpu.memory_space<hbm>> -> memref<1x128xi32, #tpu.memory_space<hbm>>
          %dma_start3A_94 = tpu.memref_squeeze %dma_start3A_93 : memref<1x128xi32, #tpu.memory_space<hbm>> -> memref<128xi32, #tpu.memory_space<hbm>>
          %dma_start3A_95 = arith.constant 0 : i32
          %dma_start3A_96 = tpu.memref_slice %arg4[%scan3A_50, %dma_start3A_95] : memref<8x128xi32, #tpu.memory_space<hbm>> -> memref<1x128xi32, #tpu.memory_space<hbm>>
          %dma_start3A_97 = tpu.memref_squeeze %dma_start3A_96 : memref<1x128xi32, #tpu.memory_space<hbm>> -> memref<128xi32, #tpu.memory_space<hbm>>
          tpu.enqueue_dma source(%dma_start3A_97 : memref<128xi32, #tpu.memory_space<hbm>>) target(%arg14 : memref<128xi32, #tpu.memory_space<vmem>>) target_semaphore(%run_scoped3A : memref<!tpu.dma_semaphore, #tpu.memory_space<semaphore_mem>>)
          %dma_wait3A = arith.constant 0 : i32
          %dma_wait3A_98 = tpu.memref_slice %arg4[%scan3A_50, %dma_wait3A] : memref<8x128xi32, #tpu.memory_space<hbm>> -> memref<1x128xi32, #tpu.memory_space<hbm>>
          %dma_wait3A_99 = tpu.memref_squeeze %dma_wait3A_98 : memref<1x128xi32, #tpu.memory_space<hbm>> -> memref<128xi32, #tpu.memory_space<hbm>>
          %dma_wait3A_100 = arith.constant 0 : i32
          %dma_wait3A_101 = tpu.memref_slice %arg4[%scan3A_50, %dma_wait3A_100] : memref<8x128xi32, #tpu.memory_space<hbm>> -> memref<1x128xi32, #tpu.memory_space<hbm>>
          %dma_wait3A_102 = tpu.memref_squeeze %dma_wait3A_101 : memref<1x128xi32, #tpu.memory_space<hbm>> -> memref<128xi32, #tpu.memory_space<hbm>>
          tpu.wait_dma2 semaphore(%run_scoped3A : memref<!tpu.dma_semaphore, #tpu.memory_space<semaphore_mem>>) src(%dma_wait3A_102 : memref<128xi32, #tpu.memory_space<hbm>>) dst(%arg14 : memref<128xi32, #tpu.memory_space<vmem>>)
          tpu.yield
        }) : () -> ()
        %get3A = arith.constant 0 : index
        %get3A_52 = tpu.vector_load %arg14[%get3A] {strides = array<i32>} : memref<128xi32, #tpu.memory_space<vmem>>, vector<16xi32>,
        %reduce_max3A = arith.constant true
        %reduce_max3A_53 = vector.broadcast %reduce_max3A : i1 to vector<16xi1>
        %reduce_max3A_54 = arith.constant -2147483648 : i32
        %reduce_max3A_55 = vector.broadcast %reduce_max3A_54 : i32 to vector<16xi32>
        %reduce_max3A_56 = arith.xori %get3A_52, %reduce_max3A_55 : vector<16xi32>
        %reduce_max3A_57 = tpu.scan <max>, %reduce_max3A_56 masked %reduce_max3A_53 : vector<16xi32>, vector<16xi1> -> vector<16xi32>
        %reduce_max3A_58 = arith.xori %reduce_max3A_57, %reduce_max3A_55 : vector<16xi32>
        %reduce_max3A_59 = vector.extract %reduce_max3A_58[15] : i32 from vector<16xi32>
        %mul3A_60 = arith.constant 8 : i32
        %mul3A_61 = arith.muli %scan3A_20, %mul3A_60 : i32
        %add3A_62 = arith.addi %mul3A_61, %scan3A_50 : i32
        %mul3A_63 = arith.constant 4096 : i32
        %mul3A_64 = arith.muli %add3A_62, %mul3A_63 : i32
        %mul3A_65 = arith.constant 4096 : i32
        %mul3A_66 = arith.muli %reduce_max3A_59, %mul3A_65 : i32
        %scan3A_67 = arith.constant 0 : i32
        %scan3A_68 = arith.constant 256 : i32
        %scan3A_69 = arith.addi %scan3A_67, %scan3A_68 : i32
        %scan3A_70 = arith.constant 8 : i32
        %scan3A_71 = scf.for %scan3A_93 = %scan3A_67 to %scan3A_69 step %scan3A_70 iter_args(%scan3A_94 = %broadcast_in_dim3A_3) -> (vector<16xi32>)  : i32 {
          %mul3A_95 = arith.constant 16 : i32
          %mul3A_96 = arith.muli %scan3A_93, %mul3A_95 : i32
          %add3A_97 = arith.addi %mul3A_66, %mul3A_96 : i32
          %get3A_98 = arith.index_cast %add3A_97 : i32 to index
          %get3A_99 = tpu.vector_load %arg6[%get3A_98] {strides = array<i32>} : memref<32768xi32, #tpu.memory_space<vmem>>, vector<16xi32>,
          %broadcast_in_dim3A_100 = arith.constant true
          %broadcast_in_dim3A_101 = vector.broadcast %broadcast_in_dim3A_100 : i1 to vector<16xi1>
          %masked_cumsum3A = tpu.scan <sum>, %get3A_99 masked %broadcast_in_dim3A_101 : vector<16xi32>, vector<16xi1> -> vector<16xi32>
          %add3A_102 = arith.addi %masked_cumsum3A, %scan3A_94 : vector<16xi32>
          %mul3A_103 = arith.constant 16 : i32
          %mul3A_104 = arith.muli %scan3A_93, %mul3A_103 : i32
          %add3A_105 = arith.addi %mul3A_104, %mul3A_64 : i32
          %add3A_106 = vector.broadcast %add3A_105 : i32 to vector<16xi32>
          %add3A_107 = arith.addi %add3A_106, %iota3A : vector<16xi32>
          %sub3A = arith.subi %add3A_102, %get3A_99 : vector<16xi32>
          %shift_right_arithmetic3A = arith.constant 2 : i32
          %shift_right_arithmetic3A_108 = vector.broadcast %shift_right_arithmetic3A : i32 to vector<16xi32>
          %shift_right_arithmetic3A_109 = arith.shrsi %sub3A, %shift_right_arithmetic3A_108 : vector<16xi32>
          %gather3A = vector.shape_cast %reshape3A : vector<16x1xi32> to vector<16xi32>
          %gather3A_110 = tpu.dynamic_gather %shift_right_arithmetic3A_109[%gather3A] in [0] : vector<16xi32>, vector<16xi32> -> vector<16xi32>
          %ne3A = arith.cmpi ne, %shift_right_arithmetic3A_109, %gather3A_110 : vector<16xi32>
          %eq3A = arith.constant 15 : i32
          %eq3A_111 = vector.broadcast %eq3A : i32 to vector<16xi32>
          %eq3A_112 = arith.cmpi eq, %iota3A, %eq3A_111 : vector<16xi32>
          %or3A = arith.ori %ne3A, %eq3A_112 : vector<16xi1>
          %gt3A = arith.constant 0 : i32
          %gt3A_113 = vector.broadcast %gt3A : i32 to vector<16xi32>
          %gt3A_114 = arith.cmpi sgt, %get3A_99, %gt3A_113 : vector<16xi32>
          %and3A = arith.andi %gt3A_114, %or3A : vector<16xi1>
          tpu.vector_store_idx %arg8[%shift_right_arithmetic3A_109], %add3A_107 masked %and3A : memref<12672xi32, #tpu.memory_space<vmem>>[vector<16xi32>], vector<16xi32>, vector<16xi1>
          %gather3A_115 = vector.shape_cast %broadcast_in_dim3A_5 : vector<16x1xi32> to vector<16xi32>
          %gather3A_116 = tpu.dynamic_gather %add3A_102[%gather3A_115] in [0] : vector<16xi32>, vector<16xi32> -> vector<16xi32>
          %scan3A_117 = arith.constant 1 : i32
          %scan3A_118 = arith.addi %scan3A_93, %scan3A_117 : i32
          %mul3A_119 = arith.constant 16 : i32
          %mul3A_120 = arith.muli %scan3A_118, %mul3A_119 : i32
          %add3A_121 = arith.addi %mul3A_66, %mul3A_120 : i32
          %get3A_122 = arith.index_cast %add3A_121 : i32 to index
          %get3A_123 = tpu.vector_load %arg6[%get3A_122] {strides = array<i32>} : memref<32768xi32, #tpu.memory_space<vmem>>, vector<16xi32>,
          %broadcast_in_dim3A_124 = arith.constant true
          %broadcast_in_dim3A_125 = vector.broadcast %broadcast_in_dim3A_124 : i1 to vector<16xi1>
          %masked_cumsum3A_126 = tpu.scan <sum>, %get3A_123 masked %broadcast_in_dim3A_125 : vector<16xi32>, vector<16xi1> -> vector<16xi32>
          %add3A_127 = arith.addi %masked_cumsum3A_126, %gather3A_116 : vector<16xi32>
          %mul3A_128 = arith.constant 16 : i32
          %mul3A_129 = arith.muli %scan3A_118, %mul3A_128 : i32
          %add3A_130 = arith.addi %mul3A_129, %mul3A_64 : i32
          %add3A_131 = vector.broadcast %add3A_130 : i32 to vector<16xi32>
          %add3A_132 = arith.addi %add3A_131, %iota3A : vector<16xi32>
          %sub3A_133 = arith.subi %add3A_127, %get3A_123 : vector<16xi32>
          %shift_right_arithmetic3A_134 = arith.constant 2 : i32
          %shift_right_arithmetic3A_135 = vector.broadcast %shift_right_arithmetic3A_134 : i32 to vector<16xi32>
          %shift_right_arithmetic3A_136 = arith.shrsi %sub3A_133, %shift_right_arithmetic3A_135 : vector<16xi32>
          %gather3A_137 = vector.shape_cast %reshape3A : vector<16x1xi32> to vector<16xi32>
          %gather3A_138 = tpu.dynamic_gather %shift_right_arithmetic3A_136[%gather3A_137] in [0] : vector<16xi32>, vector<16xi32> -> vector<16xi32>
          %ne3A_139 = arith.cmpi ne, %shift_right_arithmetic3A_136, %gather3A_138 : vector<16xi32>
          %eq3A_140 = arith.constant 15 : i32
          %eq3A_141 = vector.broadcast %eq3A_140 : i32 to vector<16xi32>
          %eq3A_142 = arith.cmpi eq, %iota3A, %eq3A_141 : vector<16xi32>
          %or3A_143 = arith.ori %ne3A_139, %eq3A_142 : vector<16xi1>
          %gt3A_144 = arith.constant 0 : i32
          %gt3A_145 = vector.broadcast %gt3A_144 : i32 to vector<16xi32>
          %gt3A_146 = arith.cmpi sgt, %get3A_123, %gt3A_145 : vector<16xi32>
          %and3A_147 = arith.andi %gt3A_146, %or3A_143 : vector<16xi1>
          tpu.vector_store_idx %arg8[%shift_right_arithmetic3A_136], %add3A_132 masked %and3A_147 : memref<12672xi32, #tpu.memory_space<vmem>>[vector<16xi32>], vector<16xi32>, vector<16xi1>
          %gather3A_148 = vector.shape_cast %broadcast_in_dim3A_5 : vector<16x1xi32> to vector<16xi32>
          %gather3A_149 = tpu.dynamic_gather %add3A_127[%gather3A_148] in [0] : vector<16xi32>, vector<16xi32> -> vector<16xi32>
          %scan3A_150 = arith.constant 2 : i32
          %scan3A_151 = arith.addi %scan3A_93, %scan3A_150 : i32
          %mul3A_152 = arith.constant 16 : i32
          %mul3A_153 = arith.muli %scan3A_151, %mul3A_152 : i32
          %add3A_154 = arith.addi %mul3A_66, %mul3A_153 : i32
          %get3A_155 = arith.index_cast %add3A_154 : i32 to index
          %get3A_156 = tpu.vector_load %arg6[%get3A_155] {strides = array<i32>} : memref<32768xi32, #tpu.memory_space<vmem>>, vector<16xi32>,
          %broadcast_in_dim3A_157 = arith.constant true
          %broadcast_in_dim3A_158 = vector.broadcast %broadcast_in_dim3A_157 : i1 to vector<16xi1>
          %masked_cumsum3A_159 = tpu.scan <sum>, %get3A_156 masked %broadcast_in_dim3A_158 : vector<16xi32>, vector<16xi1> -> vector<16xi32>
          %add3A_160 = arith.addi %masked_cumsum3A_159, %gather3A_149 : vector<16xi32>
          %mul3A_161 = arith.constant 16 : i32
          %mul3A_162 = arith.muli %scan3A_151, %mul3A_161 : i32
          %add3A_163 = arith.addi %mul3A_162, %mul3A_64 : i32
          %add3A_164 = vector.broadcast %add3A_163 : i32 to vector<16xi32>
          %add3A_165 = arith.addi %add3A_164, %iota3A : vector<16xi32>
          %sub3A_166 = arith.subi %add3A_160, %get3A_156 : vector<16xi32>
          %shift_right_arithmetic3A_167 = arith.constant 2 : i32
          %shift_right_arithmetic3A_168 = vector.broadcast %shift_right_arithmetic3A_167 : i32 to vector<16xi32>
          %shift_right_arithmetic3A_169 = arith.shrsi %sub3A_166, %shift_right_arithmetic3A_168 : vector<16xi32>
          %gather3A_170 = vector.shape_cast %reshape3A : vector<16x1xi32> to vector<16xi32>
          %gather3A_171 = tpu.dynamic_gather %shift_right_arithmetic3A_169[%gather3A_170] in [0] : vector<16xi32>, vector<16xi32> -> vector<16xi32>
          %ne3A_172 = arith.cmpi ne, %shift_right_arithmetic3A_169, %gather3A_171 : vector<16xi32>
          %eq3A_173 = arith.constant 15 : i32
          %eq3A_174 = vector.broadcast %eq3A_173 : i32 to vector<16xi32>
          %eq3A_175 = arith.cmpi eq, %iota3A, %eq3A_174 : vector<16xi32>
          %or3A_176 = arith.ori %ne3A_172, %eq3A_175 : vector<16xi1>
          %gt3A_177 = arith.constant 0 : i32
          %gt3A_178 = vector.broadcast %gt3A_177 : i32 to vector<16xi32>
          %gt3A_179 = arith.cmpi sgt, %get3A_156, %gt3A_178 : vector<16xi32>
          %and3A_180 = arith.andi %gt3A_179, %or3A_176 : vector<16xi1>
          tpu.vector_store_idx %arg8[%shift_right_arithmetic3A_169], %add3A_165 masked %and3A_180 : memref<12672xi32, #tpu.memory_space<vmem>>[vector<16xi32>], vector<16xi32>, vector<16xi1>
          %gather3A_181 = vector.shape_cast %broadcast_in_dim3A_5 : vector<16x1xi32> to vector<16xi32>
          %gather3A_182 = tpu.dynamic_gather %add3A_160[%gather3A_181] in [0] : vector<16xi32>, vector<16xi32> -> vector<16xi32>
          %scan3A_183 = arith.constant 3 : i32
          %scan3A_184 = arith.addi %scan3A_93, %scan3A_183 : i32
          %mul3A_185 = arith.constant 16 : i32
          %mul3A_186 = arith.muli %scan3A_184, %mul3A_185 : i32
          %add3A_187 = arith.addi %mul3A_66, %mul3A_186 : i32
          %get3A_188 = arith.index_cast %add3A_187 : i32 to index
          %get3A_189 = tpu.vector_load %arg6[%get3A_188] {strides = array<i32>} : memref<32768xi32, #tpu.memory_space<vmem>>, vector<16xi32>,
          %broadcast_in_dim3A_190 = arith.constant true
          %broadcast_in_dim3A_191 = vector.broadcast %broadcast_in_dim3A_190 : i1 to vector<16xi1>
          %masked_cumsum3A_192 = tpu.scan <sum>, %get3A_189 masked %broadcast_in_dim3A_191 : vector<16xi32>, vector<16xi1> -> vector<16xi32>
          %add3A_193 = arith.addi %masked_cumsum3A_192, %gather3A_182 : vector<16xi32>
          %mul3A_194 = arith.constant 16 : i32
          %mul3A_195 = arith.muli %scan3A_184, %mul3A_194 : i32
          %add3A_196 = arith.addi %mul3A_195, %mul3A_64 : i32
          %add3A_197 = vector.broadcast %add3A_196 : i32 to vector<16xi32>
          %add3A_198 = arith.addi %add3A_197, %iota3A : vector<16xi32>
          %sub3A_199 = arith.subi %add3A_193, %get3A_189 : vector<16xi32>
          %shift_right_arithmetic3A_200 = arith.constant 2 : i32
          %shift_right_arithmetic3A_201 = vector.broadcast %shift_right_arithmetic3A_200 : i32 to vector<16xi32>
          %shift_right_arithmetic3A_202 = arith.shrsi %sub3A_199, %shift_right_arithmetic3A_201 : vector<16xi32>
          %gather3A_203 = vector.shape_cast %reshape3A : vector<16x1xi32> to vector<16xi32>
          %gather3A_204 = tpu.dynamic_gather %shift_right_arithmetic3A_202[%gather3A_203] in [0] : vector<16xi32>, vector<16xi32> -> vector<16xi32>
          %ne3A_205 = arith.cmpi ne, %shift_right_arithmetic3A_202, %gather3A_204 : vector<16xi32>
          %eq3A_206 = arith.constant 15 : i32
          %eq3A_207 = vector.broadcast %eq3A_206 : i32 to vector<16xi32>
          %eq3A_208 = arith.cmpi eq, %iota3A, %eq3A_207 : vector<16xi32>
          %or3A_209 = arith.ori %ne3A_205, %eq3A_208 : vector<16xi1>
          %gt3A_210 = arith.constant 0 : i32
          %gt3A_211 = vector.broadcast %gt3A_210 : i32 to vector<16xi32>
          %gt3A_212 = arith.cmpi sgt, %get3A_189, %gt3A_211 : vector<16xi32>
          %and3A_213 = arith.andi %gt3A_212, %or3A_209 : vector<16xi1>
          tpu.vector_store_idx %arg8[%shift_right_arithmetic3A_202], %add3A_198 masked %and3A_213 : memref<12672xi32, #tpu.memory_space<vmem>>[vector<16xi32>], vector<16xi32>, vector<16xi1>
          %gather3A_214 = vector.shape_cast %broadcast_in_dim3A_5 : vector<16x1xi32> to vector<16xi32>
          %gather3A_215 = tpu.dynamic_gather %add3A_193[%gather3A_214] in [0] : vector<16xi32>, vector<16xi32> -> vector<16xi32>
          %scan3A_216 = arith.constant 4 : i32
          %scan3A_217 = arith.addi %scan3A_93, %scan3A_216 : i32
          %mul3A_218 = arith.constant 16 : i32
          %mul3A_219 = arith.muli %scan3A_217, %mul3A_218 : i32
          %add3A_220 = arith.addi %mul3A_66, %mul3A_219 : i32
          %get3A_221 = arith.index_cast %add3A_220 : i32 to index
          %get3A_222 = tpu.vector_load %arg6[%get3A_221] {strides = array<i32>} : memref<32768xi32, #tpu.memory_space<vmem>>, vector<16xi32>,
          %broadcast_in_dim3A_223 = arith.constant true
          %broadcast_in_dim3A_224 = vector.broadcast %broadcast_in_dim3A_223 : i1 to vector<16xi1>
          %masked_cumsum3A_225 = tpu.scan <sum>, %get3A_222 masked %broadcast_in_dim3A_224 : vector<16xi32>, vector<16xi1> -> vector<16xi32>
          %add3A_226 = arith.addi %masked_cumsum3A_225, %gather3A_215 : vector<16xi32>
          %mul3A_227 = arith.constant 16 : i32
          %mul3A_228 = arith.muli %scan3A_217, %mul3A_227 : i32
          %add3A_229 = arith.addi %mul3A_228, %mul3A_64 : i32
          %add3A_230 = vector.broadcast %add3A_229 : i32 to vector<16xi32>
          %add3A_231 = arith.addi %add3A_230, %iota3A : vector<16xi32>
          %sub3A_232 = arith.subi %add3A_226, %get3A_222 : vector<16xi32>
          %shift_right_arithmetic3A_233 = arith.constant 2 : i32
          %shift_right_arithmetic3A_234 = vector.broadcast %shift_right_arithmetic3A_233 : i32 to vector<16xi32>
          %shift_right_arithmetic3A_235 = arith.shrsi %sub3A_232, %shift_right_arithmetic3A_234 : vector<16xi32>
          %gather3A_236 = vector.shape_cast %reshape3A : vector<16x1xi32> to vector<16xi32>
          %gather3A_237 = tpu.dynamic_gather %shift_right_arithmetic3A_235[%gather3A_236] in [0] : vector<16xi32>, vector<16xi32> -> vector<16xi32>
          %ne3A_238 = arith.cmpi ne, %shift_right_arithmetic3A_235, %gather3A_237 : vector<16xi32>
          %eq3A_239 = arith.constant 15 : i32
          %eq3A_240 = vector.broadcast %eq3A_239 : i32 to vector<16xi32>
          %eq3A_241 = arith.cmpi eq, %iota3A, %eq3A_240 : vector<16xi32>
          %or3A_242 = arith.ori %ne3A_238, %eq3A_241 : vector<16xi1>
          %gt3A_243 = arith.constant 0 : i32
          %gt3A_244 = vector.broadcast %gt3A_243 : i32 to vector<16xi32>
          %gt3A_245 = arith.cmpi sgt, %get3A_222, %gt3A_244 : vector<16xi32>
          %and3A_246 = arith.andi %gt3A_245, %or3A_242 : vector<16xi1>
          tpu.vector_store_idx %arg8[%shift_right_arithmetic3A_235], %add3A_231 masked %and3A_246 : memref<12672xi32, #tpu.memory_space<vmem>>[vector<16xi32>], vector<16xi32>, vector<16xi1>
          %gather3A_247 = vector.shape_cast %broadcast_in_dim3A_5 : vector<16x1xi32> to vector<16xi32>
          %gather3A_248 = tpu.dynamic_gather %add3A_226[%gather3A_247] in [0] : vector<16xi32>, vector<16xi32> -> vector<16xi32>
          %scan3A_249 = arith.constant 5 : i32
          %scan3A_250 = arith.addi %scan3A_93, %scan3A_249 : i32
          %mul3A_251 = arith.constant 16 : i32
          %mul3A_252 = arith.muli %scan3A_250, %mul3A_251 : i32
          %add3A_253 = arith.addi %mul3A_66, %mul3A_252 : i32
          %get3A_254 = arith.index_cast %add3A_253 : i32 to index
          %get3A_255 = tpu.vector_load %arg6[%get3A_254] {strides = array<i32>} : memref<32768xi32, #tpu.memory_space<vmem>>, vector<16xi32>,
          %broadcast_in_dim3A_256 = arith.constant true
          %broadcast_in_dim3A_257 = vector.broadcast %broadcast_in_dim3A_256 : i1 to vector<16xi1>
          %masked_cumsum3A_258 = tpu.scan <sum>, %get3A_255 masked %broadcast_in_dim3A_257 : vector<16xi32>, vector<16xi1> -> vector<16xi32>
          %add3A_259 = arith.addi %masked_cumsum3A_258, %gather3A_248 : vector<16xi32>
          %mul3A_260 = arith.constant 16 : i32
          %mul3A_261 = arith.muli %scan3A_250, %mul3A_260 : i32
          %add3A_262 = arith.addi %mul3A_261, %mul3A_64 : i32
          %add3A_263 = vector.broadcast %add3A_262 : i32 to vector<16xi32>
          %add3A_264 = arith.addi %add3A_263, %iota3A : vector<16xi32>
          %sub3A_265 = arith.subi %add3A_259, %get3A_255 : vector<16xi32>
          %shift_right_arithmetic3A_266 = arith.constant 2 : i32
          %shift_right_arithmetic3A_267 = vector.broadcast %shift_right_arithmetic3A_266 : i32 to vector<16xi32>
          %shift_right_arithmetic3A_268 = arith.shrsi %sub3A_265, %shift_right_arithmetic3A_267 : vector<16xi32>
          %gather3A_269 = vector.shape_cast %reshape3A : vector<16x1xi32> to vector<16xi32>
          %gather3A_270 = tpu.dynamic_gather %shift_right_arithmetic3A_268[%gather3A_269] in [0] : vector<16xi32>, vector<16xi32> -> vector<16xi32>
          %ne3A_271 = arith.cmpi ne, %shift_right_arithmetic3A_268, %gather3A_270 : vector<16xi32>
          %eq3A_272 = arith.constant 15 : i32
          %eq3A_273 = vector.broadcast %eq3A_272 : i32 to vector<16xi32>
          %eq3A_274 = arith.cmpi eq, %iota3A, %eq3A_273 : vector<16xi32>
          %or3A_275 = arith.ori %ne3A_271, %eq3A_274 : vector<16xi1>
          %gt3A_276 = arith.constant 0 : i32
          %gt3A_277 = vector.broadcast %gt3A_276 : i32 to vector<16xi32>
          %gt3A_278 = arith.cmpi sgt, %get3A_255, %gt3A_277 : vector<16xi32>
          %and3A_279 = arith.andi %gt3A_278, %or3A_275 : vector<16xi1>
          tpu.vector_store_idx %arg8[%shift_right_arithmetic3A_268], %add3A_264 masked %and3A_279 : memref<12672xi32, #tpu.memory_space<vmem>>[vector<16xi32>], vector<16xi32>, vector<16xi1>
          %gather3A_280 = vector.shape_cast %broadcast_in_dim3A_5 : vector<16x1xi32> to vector<16xi32>
          %gather3A_281 = tpu.dynamic_gather %add3A_259[%gather3A_280] in [0] : vector<16xi32>, vector<16xi32> -> vector<16xi32>
          %scan3A_282 = arith.constant 6 : i32
          %scan3A_283 = arith.addi %scan3A_93, %scan3A_282 : i32
          %mul3A_284 = arith.constant 16 : i32
          %mul3A_285 = arith.muli %scan3A_283, %mul3A_284 : i32
          %add3A_286 = arith.addi %mul3A_66, %mul3A_285 : i32
          %get3A_287 = arith.index_cast %add3A_286 : i32 to index
          %get3A_288 = tpu.vector_load %arg6[%get3A_287] {strides = array<i32>} : memref<32768xi32, #tpu.memory_space<vmem>>, vector<16xi32>,
          %broadcast_in_dim3A_289 = arith.constant true
          %broadcast_in_dim3A_290 = vector.broadcast %broadcast_in_dim3A_289 : i1 to vector<16xi1>
          %masked_cumsum3A_291 = tpu.scan <sum>, %get3A_288 masked %broadcast_in_dim3A_290 : vector<16xi32>, vector<16xi1> -> vector<16xi32>
          %add3A_292 = arith.addi %masked_cumsum3A_291, %gather3A_281 : vector<16xi32>
          %mul3A_293 = arith.constant 16 : i32
          %mul3A_294 = arith.muli %scan3A_283, %mul3A_293 : i32
          %add3A_295 = arith.addi %mul3A_294, %mul3A_64 : i32
          %add3A_296 = vector.broadcast %add3A_295 : i32 to vector<16xi32>
          %add3A_297 = arith.addi %add3A_296, %iota3A : vector<16xi32>
          %sub3A_298 = arith.subi %add3A_292, %get3A_288 : vector<16xi32>
          %shift_right_arithmetic3A_299 = arith.constant 2 : i32
          %shift_right_arithmetic3A_300 = vector.broadcast %shift_right_arithmetic3A_299 : i32 to vector<16xi32>
          %shift_right_arithmetic3A_301 = arith.shrsi %sub3A_298, %shift_right_arithmetic3A_300 : vector<16xi32>
          %gather3A_302 = vector.shape_cast %reshape3A : vector<16x1xi32> to vector<16xi32>
          %gather3A_303 = tpu.dynamic_gather %shift_right_arithmetic3A_301[%gather3A_302] in [0] : vector<16xi32>, vector<16xi32> -> vector<16xi32>
          %ne3A_304 = arith.cmpi ne, %shift_right_arithmetic3A_301, %gather3A_303 : vector<16xi32>
          %eq3A_305 = arith.constant 15 : i32
          %eq3A_306 = vector.broadcast %eq3A_305 : i32 to vector<16xi32>
          %eq3A_307 = arith.cmpi eq, %iota3A, %eq3A_306 : vector<16xi32>
          %or3A_308 = arith.ori %ne3A_304, %eq3A_307 : vector<16xi1>
          %gt3A_309 = arith.constant 0 : i32
          %gt3A_310 = vector.broadcast %gt3A_309 : i32 to vector<16xi32>
          %gt3A_311 = arith.cmpi sgt, %get3A_288, %gt3A_310 : vector<16xi32>
          %and3A_312 = arith.andi %gt3A_311, %or3A_308 : vector<16xi1>
          tpu.vector_store_idx %arg8[%shift_right_arithmetic3A_301], %add3A_297 masked %and3A_312 : memref<12672xi32, #tpu.memory_space<vmem>>[vector<16xi32>], vector<16xi32>, vector<16xi1>
          %gather3A_313 = vector.shape_cast %broadcast_in_dim3A_5 : vector<16x1xi32> to vector<16xi32>
          %gather3A_314 = tpu.dynamic_gather %add3A_292[%gather3A_313] in [0] : vector<16xi32>, vector<16xi32> -> vector<16xi32>
          %scan3A_315 = arith.constant 7 : i32
          %scan3A_316 = arith.addi %scan3A_93, %scan3A_315 : i32
          %mul3A_317 = arith.constant 16 : i32
          %mul3A_318 = arith.muli %scan3A_316, %mul3A_317 : i32
          %add3A_319 = arith.addi %mul3A_66, %mul3A_318 : i32
          %get3A_320 = arith.index_cast %add3A_319 : i32 to index
          %get3A_321 = tpu.vector_load %arg6[%get3A_320] {strides = array<i32>} : memref<32768xi32, #tpu.memory_space<vmem>>, vector<16xi32>,
          %broadcast_in_dim3A_322 = arith.constant true
          %broadcast_in_dim3A_323 = vector.broadcast %broadcast_in_dim3A_322 : i1 to vector<16xi1>
          %masked_cumsum3A_324 = tpu.scan <sum>, %get3A_321 masked %broadcast_in_dim3A_323 : vector<16xi32>, vector<16xi1> -> vector<16xi32>
          %add3A_325 = arith.addi %masked_cumsum3A_324, %gather3A_314 : vector<16xi32>
          %mul3A_326 = arith.constant 16 : i32
          %mul3A_327 = arith.muli %scan3A_316, %mul3A_326 : i32
          %add3A_328 = arith.addi %mul3A_327, %mul3A_64 : i32
          %add3A_329 = vector.broadcast %add3A_328 : i32 to vector<16xi32>
          %add3A_330 = arith.addi %add3A_329, %iota3A : vector<16xi32>
          %sub3A_331 = arith.subi %add3A_325, %get3A_321 : vector<16xi32>
          %shift_right_arithmetic3A_332 = arith.constant 2 : i32
          %shift_right_arithmetic3A_333 = vector.broadcast %shift_right_arithmetic3A_332 : i32 to vector<16xi32>
          %shift_right_arithmetic3A_334 = arith.shrsi %sub3A_331, %shift_right_arithmetic3A_333 : vector<16xi32>
          %gather3A_335 = vector.shape_cast %reshape3A : vector<16x1xi32> to vector<16xi32>
          %gather3A_336 = tpu.dynamic_gather %shift_right_arithmetic3A_334[%gather3A_335] in [0] : vector<16xi32>, vector<16xi32> -> vector<16xi32>
          %ne3A_337 = arith.cmpi ne, %shift_right_arithmetic3A_334, %gather3A_336 : vector<16xi32>
          %eq3A_338 = arith.constant 15 : i32
          %eq3A_339 = vector.broadcast %eq3A_338 : i32 to vector<16xi32>
          %eq3A_340 = arith.cmpi eq, %iota3A, %eq3A_339 : vector<16xi32>
          %or3A_341 = arith.ori %ne3A_337, %eq3A_340 : vector<16xi1>
          %gt3A_342 = arith.constant 0 : i32
          %gt3A_343 = vector.broadcast %gt3A_342 : i32 to vector<16xi32>
          %gt3A_344 = arith.cmpi sgt, %get3A_321, %gt3A_343 : vector<16xi32>
          %and3A_345 = arith.andi %gt3A_344, %or3A_341 : vector<16xi1>
          tpu.vector_store_idx %arg8[%shift_right_arithmetic3A_334], %add3A_330 masked %and3A_345 : memref<12672xi32, #tpu.memory_space<vmem>>[vector<16xi32>], vector<16xi32>, vector<16xi1>
          %gather3A_346 = vector.shape_cast %broadcast_in_dim3A_5 : vector<16x1xi32> to vector<16xi32>
          %gather3A_347 = tpu.dynamic_gather %add3A_325[%gather3A_346] in [0] : vector<16xi32>, vector<16xi32> -> vector<16xi32>
          scf.yield %gather3A_347 : vector<16xi32>
        }
        %scan3A_72 = arith.constant 256 : i32
        %add3A_73 = vector.broadcast %mul3A_64 : i32 to vector<16xi32>
        %add3A_74 = arith.addi %broadcast_in_dim3A_3, %add3A_73 : vector<16xi32>
        %scan3A_75 = arith.constant 0 : i32
        %scan3A_76 = arith.constant 792 : i32
        %scan3A_77 = arith.addi %scan3A_75, %scan3A_76 : i32
        %scan3A_78 = arith.constant 8 : i32
        %scan3A_79 = scf.for %scan3A_93 = %scan3A_75 to %scan3A_77 step %scan3A_78 iter_args(%scan3A_94 = %add3A_74) -> (vector<16xi32>)  : i32 {
          %mul3A_95 = arith.constant 16 : i32
          %mul3A_96 = arith.muli %scan3A_93, %mul3A_95 : i32
          %get3A_97 = arith.index_cast %mul3A_96 : i32 to index
          %get3A_98 = tpu.vector_load %arg8[%get3A_97] {strides = array<i32>} : memref<12672xi32, #tpu.memory_space<vmem>>, vector<16xi32>,
          %broadcast_in_dim3A_99 = arith.constant true
          %broadcast_in_dim3A_100 = vector.broadcast %broadcast_in_dim3A_99 : i1 to vector<16xi1>
          %masked_cummax3A = arith.constant -2147483648 : i32
          %masked_cummax3A_101 = vector.broadcast %masked_cummax3A : i32 to vector<16xi32>
          %masked_cummax3A_102 = arith.xori %get3A_98, %masked_cummax3A_101 : vector<16xi32>
          %masked_cummax3A_103 = tpu.scan <max>, %masked_cummax3A_102 masked %broadcast_in_dim3A_100 : vector<16xi32>, vector<16xi1> -> vector<16xi32>
          %masked_cummax3A_104 = arith.xori %masked_cummax3A_103, %masked_cummax3A_101 : vector<16xi32>
          %max3A = arith.maxsi %masked_cummax3A_104, %scan3A_94 : vector<16xi32>
          %mul3A_105 = arith.constant 16 : i32
          %mul3A_106 = arith.muli %scan3A_93, %mul3A_105 : i32
          %swap3A = arith.index_cast %mul3A_106 : i32 to index
          %swap3A_107 = tpu.vector_load %arg8[%swap3A] {strides = array<i32>} : memref<12672xi32, #tpu.memory_space<vmem>>, vector<16xi32>,
          tpu.vector_store %arg8[%swap3A], %max3A {strides = array<i32>} : memref<12672xi32, #tpu.memory_space<vmem>>, vector<16xi32>,
          %gather3A = vector.shape_cast %broadcast_in_dim3A_5 : vector<16x1xi32> to vector<16xi32>
          %gather3A_108 = tpu.dynamic_gather %max3A[%gather3A] in [0] : vector<16xi32>, vector<16xi32> -> vector<16xi32>
          %scan3A_109 = arith.constant 1 : i32
          %scan3A_110 = arith.addi %scan3A_93, %scan3A_109 : i32
          %mul3A_111 = arith.constant 16 : i32
          %mul3A_112 = arith.muli %scan3A_110, %mul3A_111 : i32
          %get3A_113 = arith.index_cast %mul3A_112 : i32 to index
          %get3A_114 = tpu.vector_load %arg8[%get3A_113] {strides = array<i32>} : memref<12672xi32, #tpu.memory_space<vmem>>, vector<16xi32>,
          %broadcast_in_dim3A_115 = arith.constant true
          %broadcast_in_dim3A_116 = vector.broadcast %broadcast_in_dim3A_115 : i1 to vector<16xi1>
          %masked_cummax3A_117 = arith.constant -2147483648 : i32
          %masked_cummax3A_118 = vector.broadcast %masked_cummax3A_117 : i32 to vector<16xi32>
          %masked_cummax3A_119 = arith.xori %get3A_114, %masked_cummax3A_118 : vector<16xi32>
          %masked_cummax3A_120 = tpu.scan <max>, %masked_cummax3A_119 masked %broadcast_in_dim3A_116 : vector<16xi32>, vector<16xi1> -> vector<16xi32>
          %masked_cummax3A_121 = arith.xori %masked_cummax3A_120, %masked_cummax3A_118 : vector<16xi32>
          %max3A_122 = arith.maxsi %masked_cummax3A_121, %gather3A_108 : vector<16xi32>
          %mul3A_123 = arith.constant 16 : i32
          %mul3A_124 = arith.muli %scan3A_110, %mul3A_123 : i32
          %swap3A_125 = arith.index_cast %mul3A_124 : i32 to index
          %swap3A_126 = tpu.vector_load %arg8[%swap3A_125] {strides = array<i32>} : memref<12672xi32, #tpu.memory_space<vmem>>, vector<16xi32>,
          tpu.vector_store %arg8[%swap3A_125], %max3A_122 {strides = array<i32>} : memref<12672xi32, #tpu.memory_space<vmem>>, vector<16xi32>,
          %gather3A_127 = vector.shape_cast %broadcast_in_dim3A_5 : vector<16x1xi32> to vector<16xi32>
          %gather3A_128 = tpu.dynamic_gather %max3A_122[%gather3A_127] in [0] : vector<16xi32>, vector<16xi32> -> vector<16xi32>
          %scan3A_129 = arith.constant 2 : i32
          %scan3A_130 = arith.addi %scan3A_93, %scan3A_129 : i32
          %mul3A_131 = arith.constant 16 : i32
          %mul3A_132 = arith.muli %scan3A_130, %mul3A_131 : i32
          %get3A_133 = arith.index_cast %mul3A_132 : i32 to index
          %get3A_134 = tpu.vector_load %arg8[%get3A_133] {strides = array<i32>} : memref<12672xi32, #tpu.memory_space<vmem>>, vector<16xi32>,
          %broadcast_in_dim3A_135 = arith.constant true
          %broadcast_in_dim3A_136 = vector.broadcast %broadcast_in_dim3A_135 : i1 to vector<16xi1>
          %masked_cummax3A_137 = arith.constant -2147483648 : i32
          %masked_cummax3A_138 = vector.broadcast %masked_cummax3A_137 : i32 to vector<16xi32>
          %masked_cummax3A_139 = arith.xori %get3A_134, %masked_cummax3A_138 : vector<16xi32>
          %masked_cummax3A_140 = tpu.scan <max>, %masked_cummax3A_139 masked %broadcast_in_dim3A_136 : vector<16xi32>, vector<16xi1> -> vector<16xi32>
          %masked_cummax3A_141 = arith.xori %masked_cummax3A_140, %masked_cummax3A_138 : vector<16xi32>
          %max3A_142 = arith.maxsi %masked_cummax3A_141, %gather3A_128 : vector<16xi32>
          %mul3A_143 = arith.constant 16 : i32
          %mul3A_144 = arith.muli %scan3A_130, %mul3A_143 : i32
          %swap3A_145 = arith.index_cast %mul3A_144 : i32 to index
          %swap3A_146 = tpu.vector_load %arg8[%swap3A_145] {strides = array<i32>} : memref<12672xi32, #tpu.memory_space<vmem>>, vector<16xi32>,
          tpu.vector_store %arg8[%swap3A_145], %max3A_142 {strides = array<i32>} : memref<12672xi32, #tpu.memory_space<vmem>>, vector<16xi32>,
          %gather3A_147 = vector.shape_cast %broadcast_in_dim3A_5 : vector<16x1xi32> to vector<16xi32>
          %gather3A_148 = tpu.dynamic_gather %max3A_142[%gather3A_147] in [0] : vector<16xi32>, vector<16xi32> -> vector<16xi32>
          %scan3A_149 = arith.constant 3 : i32
          %scan3A_150 = arith.addi %scan3A_93, %scan3A_149 : i32
          %mul3A_151 = arith.constant 16 : i32
          %mul3A_152 = arith.muli %scan3A_150, %mul3A_151 : i32
          %get3A_153 = arith.index_cast %mul3A_152 : i32 to index
          %get3A_154 = tpu.vector_load %arg8[%get3A_153] {strides = array<i32>} : memref<12672xi32, #tpu.memory_space<vmem>>, vector<16xi32>,
          %broadcast_in_dim3A_155 = arith.constant true
          %broadcast_in_dim3A_156 = vector.broadcast %broadcast_in_dim3A_155 : i1 to vector<16xi1>
          %masked_cummax3A_157 = arith.constant -2147483648 : i32
          %masked_cummax3A_158 = vector.broadcast %masked_cummax3A_157 : i32 to vector<16xi32>
          %masked_cummax3A_159 = arith.xori %get3A_154, %masked_cummax3A_158 : vector<16xi32>
          %masked_cummax3A_160 = tpu.scan <max>, %masked_cummax3A_159 masked %broadcast_in_dim3A_156 : vector<16xi32>, vector<16xi1> -> vector<16xi32>
          %masked_cummax3A_161 = arith.xori %masked_cummax3A_160, %masked_cummax3A_158 : vector<16xi32>
          %max3A_162 = arith.maxsi %masked_cummax3A_161, %gather3A_148 : vector<16xi32>
          %mul3A_163 = arith.constant 16 : i32
          %mul3A_164 = arith.muli %scan3A_150, %mul3A_163 : i32
          %swap3A_165 = arith.index_cast %mul3A_164 : i32 to index
          %swap3A_166 = tpu.vector_load %arg8[%swap3A_165] {strides = array<i32>} : memref<12672xi32, #tpu.memory_space<vmem>>, vector<16xi32>,
          tpu.vector_store %arg8[%swap3A_165], %max3A_162 {strides = array<i32>} : memref<12672xi32, #tpu.memory_space<vmem>>, vector<16xi32>,
          %gather3A_167 = vector.shape_cast %broadcast_in_dim3A_5 : vector<16x1xi32> to vector<16xi32>
          %gather3A_168 = tpu.dynamic_gather %max3A_162[%gather3A_167] in [0] : vector<16xi32>, vector<16xi32> -> vector<16xi32>
          %scan3A_169 = arith.constant 4 : i32
          %scan3A_170 = arith.addi %scan3A_93, %scan3A_169 : i32
          %mul3A_171 = arith.constant 16 : i32
          %mul3A_172 = arith.muli %scan3A_170, %mul3A_171 : i32
          %get3A_173 = arith.index_cast %mul3A_172 : i32 to index
          %get3A_174 = tpu.vector_load %arg8[%get3A_173] {strides = array<i32>} : memref<12672xi32, #tpu.memory_space<vmem>>, vector<16xi32>,
          %broadcast_in_dim3A_175 = arith.constant true
          %broadcast_in_dim3A_176 = vector.broadcast %broadcast_in_dim3A_175 : i1 to vector<16xi1>
          %masked_cummax3A_177 = arith.constant -2147483648 : i32
          %masked_cummax3A_178 = vector.broadcast %masked_cummax3A_177 : i32 to vector<16xi32>
          %masked_cummax3A_179 = arith.xori %get3A_174, %masked_cummax3A_178 : vector<16xi32>
          %masked_cummax3A_180 = tpu.scan <max>, %masked_cummax3A_179 masked %broadcast_in_dim3A_176 : vector<16xi32>, vector<16xi1> -> vector<16xi32>
          %masked_cummax3A_181 = arith.xori %masked_cummax3A_180, %masked_cummax3A_178 : vector<16xi32>
          %max3A_182 = arith.maxsi %masked_cummax3A_181, %gather3A_168 : vector<16xi32>
          %mul3A_183 = arith.constant 16 : i32
          %mul3A_184 = arith.muli %scan3A_170, %mul3A_183 : i32
          %swap3A_185 = arith.index_cast %mul3A_184 : i32 to index
          %swap3A_186 = tpu.vector_load %arg8[%swap3A_185] {strides = array<i32>} : memref<12672xi32, #tpu.memory_space<vmem>>, vector<16xi32>,
          tpu.vector_store %arg8[%swap3A_185], %max3A_182 {strides = array<i32>} : memref<12672xi32, #tpu.memory_space<vmem>>, vector<16xi32>,
          %gather3A_187 = vector.shape_cast %broadcast_in_dim3A_5 : vector<16x1xi32> to vector<16xi32>
          %gather3A_188 = tpu.dynamic_gather %max3A_182[%gather3A_187] in [0] : vector<16xi32>, vector<16xi32> -> vector<16xi32>
          %scan3A_189 = arith.constant 5 : i32
          %scan3A_190 = arith.addi %scan3A_93, %scan3A_189 : i32
          %mul3A_191 = arith.constant 16 : i32
          %mul3A_192 = arith.muli %scan3A_190, %mul3A_191 : i32
          %get3A_193 = arith.index_cast %mul3A_192 : i32 to index
          %get3A_194 = tpu.vector_load %arg8[%get3A_193] {strides = array<i32>} : memref<12672xi32, #tpu.memory_space<vmem>>, vector<16xi32>,
          %broadcast_in_dim3A_195 = arith.constant true
          %broadcast_in_dim3A_196 = vector.broadcast %broadcast_in_dim3A_195 : i1 to vector<16xi1>
          %masked_cummax3A_197 = arith.constant -2147483648 : i32
          %masked_cummax3A_198 = vector.broadcast %masked_cummax3A_197 : i32 to vector<16xi32>
          %masked_cummax3A_199 = arith.xori %get3A_194, %masked_cummax3A_198 : vector<16xi32>
          %masked_cummax3A_200 = tpu.scan <max>, %masked_cummax3A_199 masked %broadcast_in_dim3A_196 : vector<16xi32>, vector<16xi1> -> vector<16xi32>
          %masked_cummax3A_201 = arith.xori %masked_cummax3A_200, %masked_cummax3A_198 : vector<16xi32>
          %max3A_202 = arith.maxsi %masked_cummax3A_201, %gather3A_188 : vector<16xi32>
          %mul3A_203 = arith.constant 16 : i32
          %mul3A_204 = arith.muli %scan3A_190, %mul3A_203 : i32
          %swap3A_205 = arith.index_cast %mul3A_204 : i32 to index
          %swap3A_206 = tpu.vector_load %arg8[%swap3A_205] {strides = array<i32>} : memref<12672xi32, #tpu.memory_space<vmem>>, vector<16xi32>,
          tpu.vector_store %arg8[%swap3A_205], %max3A_202 {strides = array<i32>} : memref<12672xi32, #tpu.memory_space<vmem>>, vector<16xi32>,
          %gather3A_207 = vector.shape_cast %broadcast_in_dim3A_5 : vector<16x1xi32> to vector<16xi32>
          %gather3A_208 = tpu.dynamic_gather %max3A_202[%gather3A_207] in [0] : vector<16xi32>, vector<16xi32> -> vector<16xi32>
          %scan3A_209 = arith.constant 6 : i32
          %scan3A_210 = arith.addi %scan3A_93, %scan3A_209 : i32
          %mul3A_211 = arith.constant 16 : i32
          %mul3A_212 = arith.muli %scan3A_210, %mul3A_211 : i32
          %get3A_213 = arith.index_cast %mul3A_212 : i32 to index
          %get3A_214 = tpu.vector_load %arg8[%get3A_213] {strides = array<i32>} : memref<12672xi32, #tpu.memory_space<vmem>>, vector<16xi32>,
          %broadcast_in_dim3A_215 = arith.constant true
          %broadcast_in_dim3A_216 = vector.broadcast %broadcast_in_dim3A_215 : i1 to vector<16xi1>
          %masked_cummax3A_217 = arith.constant -2147483648 : i32
          %masked_cummax3A_218 = vector.broadcast %masked_cummax3A_217 : i32 to vector<16xi32>
          %masked_cummax3A_219 = arith.xori %get3A_214, %masked_cummax3A_218 : vector<16xi32>
          %masked_cummax3A_220 = tpu.scan <max>, %masked_cummax3A_219 masked %broadcast_in_dim3A_216 : vector<16xi32>, vector<16xi1> -> vector<16xi32>
          %masked_cummax3A_221 = arith.xori %masked_cummax3A_220, %masked_cummax3A_218 : vector<16xi32>
          %max3A_222 = arith.maxsi %masked_cummax3A_221, %gather3A_208 : vector<16xi32>
          %mul3A_223 = arith.constant 16 : i32
          %mul3A_224 = arith.muli %scan3A_210, %mul3A_223 : i32
          %swap3A_225 = arith.index_cast %mul3A_224 : i32 to index
          %swap3A_226 = tpu.vector_load %arg8[%swap3A_225] {strides = array<i32>} : memref<12672xi32, #tpu.memory_space<vmem>>, vector<16xi32>,
          tpu.vector_store %arg8[%swap3A_225], %max3A_222 {strides = array<i32>} : memref<12672xi32, #tpu.memory_space<vmem>>, vector<16xi32>,
          %gather3A_227 = vector.shape_cast %broadcast_in_dim3A_5 : vector<16x1xi32> to vector<16xi32>
          %gather3A_228 = tpu.dynamic_gather %max3A_222[%gather3A_227] in [0] : vector<16xi32>, vector<16xi32> -> vector<16xi32>
          %scan3A_229 = arith.constant 7 : i32
          %scan3A_230 = arith.addi %scan3A_93, %scan3A_229 : i32
          %mul3A_231 = arith.constant 16 : i32
          %mul3A_232 = arith.muli %scan3A_230, %mul3A_231 : i32
          %get3A_233 = arith.index_cast %mul3A_232 : i32 to index
          %get3A_234 = tpu.vector_load %arg8[%get3A_233] {strides = array<i32>} : memref<12672xi32, #tpu.memory_space<vmem>>, vector<16xi32>,
          %broadcast_in_dim3A_235 = arith.constant true
          %broadcast_in_dim3A_236 = vector.broadcast %broadcast_in_dim3A_235 : i1 to vector<16xi1>
          %masked_cummax3A_237 = arith.constant -2147483648 : i32
          %masked_cummax3A_238 = vector.broadcast %masked_cummax3A_237 : i32 to vector<16xi32>
          %masked_cummax3A_239 = arith.xori %get3A_234, %masked_cummax3A_238 : vector<16xi32>
          %masked_cummax3A_240 = tpu.scan <max>, %masked_cummax3A_239 masked %broadcast_in_dim3A_236 : vector<16xi32>, vector<16xi1> -> vector<16xi32>
          %masked_cummax3A_241 = arith.xori %masked_cummax3A_240, %masked_cummax3A_238 : vector<16xi32>
          %max3A_242 = arith.maxsi %masked_cummax3A_241, %gather3A_228 : vector<16xi32>
          %mul3A_243 = arith.constant 16 : i32
          %mul3A_244 = arith.muli %scan3A_230, %mul3A_243 : i32
          %swap3A_245 = arith.index_cast %mul3A_244 : i32 to index
          %swap3A_246 = tpu.vector_load %arg8[%swap3A_245] {strides = array<i32>} : memref<12672xi32, #tpu.memory_space<vmem>>, vector<16xi32>,
          tpu.vector_store %arg8[%swap3A_245], %max3A_242 {strides = array<i32>} : memref<12672xi32, #tpu.memory_space<vmem>>, vector<16xi32>,
          %gather3A_247 = vector.shape_cast %broadcast_in_dim3A_5 : vector<16x1xi32> to vector<16xi32>
          %gather3A_248 = tpu.dynamic_gather %max3A_242[%gather3A_247] in [0] : vector<16xi32>, vector<16xi32> -> vector<16xi32>
          scf.yield %gather3A_248 : vector<16xi32>
        }
        %scan3A_80 = arith.constant 792 : i32
        %mul3A_81 = arith.constant 4096 : i32
        %mul3A_82 = arith.muli %scan3A_50, %mul3A_81 : i32
        %scan3A_83 = arith.constant 0 : i32
        %scan3A_84 = arith.constant 256 : i32
        %scan3A_85 = arith.addi %scan3A_83, %scan3A_84 : i32
        %scan3A_86 = arith.constant 8 : i32
        %scan3A_87 = scf.for %scan3A_93 = %scan3A_83 to %scan3A_85 step %scan3A_86 iter_args(%scan3A_94 = %broadcast_in_dim3A_3) -> (vector<16xi32>)  : i32 {
          %mul3A_95 = arith.constant 16 : i32
          %mul3A_96 = arith.muli %scan3A_93, %mul3A_95 : i32
          %add3A_97 = arith.addi %mul3A_82, %mul3A_96 : i32
          %get3A_98 = arith.index_cast %add3A_97 : i32 to index
          %get3A_99 = tpu.vector_load %arg6[%get3A_98] {strides = array<i32>} : memref<32768xi32, #tpu.memory_space<vmem>>, vector<16xi32>,
          %broadcast_in_dim3A_100 = arith.constant true
          %broadcast_in_dim3A_101 = vector.broadcast %broadcast_in_dim3A_100 : i1 to vector<16xi1>
          %masked_cumsum3A = tpu.scan <sum>, %get3A_99 masked %broadcast_in_dim3A_101 : vector<16xi32>, vector<16xi1> -> vector<16xi32>
          %add3A_102 = arith.addi %masked_cumsum3A, %scan3A_94 : vector<16xi32>
          %sub3A = arith.subi %add3A_102, %get3A_99 : vector<16xi32>
          %shift_right_arithmetic3A = arith.constant 1 : i32
          %shift_right_arithmetic3A_103 = vector.broadcast %shift_right_arithmetic3A : i32 to vector<16xi32>
          %shift_right_arithmetic3A_104 = arith.shrsi %get3A_99, %shift_right_arithmetic3A_103 : vector<16xi32>
          %add3A_105 = arith.addi %sub3A, %shift_right_arithmetic3A_104 : vector<16xi32>
          %bitcast3A = vector.bitcast %add3A_105 : vector<16xi32> to vector<16xf32>
          %mul3A_106 = arith.constant 16 : i32
          %mul3A_107 = arith.muli %scan3A_93, %mul3A_106 : i32
          %add3A_108 = arith.addi %mul3A_82, %mul3A_107 : i32
          %swap3A = arith.index_cast %add3A_108 : i32 to index
          %swap3A_109 = tpu.vector_load %arg7[%swap3A] {strides = array<i32>} : memref<32768xf32, #tpu.memory_space<vmem>>, vector<16xf32>,
          tpu.vector_store %arg7[%swap3A], %bitcast3A {strides = array<i32>} : memref<32768xf32, #tpu.memory_space<vmem>>, vector<16xf32>,
          %gather3A = vector.shape_cast %broadcast_in_dim3A_5 : vector<16x1xi32> to vector<16xi32>
          %gather3A_110 = tpu.dynamic_gather %add3A_102[%gather3A] in [0] : vector<16xi32>, vector<16xi32> -> vector<16xi32>
          %scan3A_111 = arith.constant 1 : i32
          %scan3A_112 = arith.addi %scan3A_93, %scan3A_111 : i32
          %mul3A_113 = arith.constant 16 : i32
          %mul3A_114 = arith.muli %scan3A_112, %mul3A_113 : i32
          %add3A_115 = arith.addi %mul3A_82, %mul3A_114 : i32
          %get3A_116 = arith.index_cast %add3A_115 : i32 to index
          %get3A_117 = tpu.vector_load %arg6[%get3A_116] {strides = array<i32>} : memref<32768xi32, #tpu.memory_space<vmem>>, vector<16xi32>,
          %broadcast_in_dim3A_118 = arith.constant true
          %broadcast_in_dim3A_119 = vector.broadcast %broadcast_in_dim3A_118 : i1 to vector<16xi1>
          %masked_cumsum3A_120 = tpu.scan <sum>, %get3A_117 masked %broadcast_in_dim3A_119 : vector<16xi32>, vector<16xi1> -> vector<16xi32>
          %add3A_121 = arith.addi %masked_cumsum3A_120, %gather3A_110 : vector<16xi32>
          %sub3A_122 = arith.subi %add3A_121, %get3A_117 : vector<16xi32>
          %shift_right_arithmetic3A_123 = arith.constant 1 : i32
          %shift_right_arithmetic3A_124 = vector.broadcast %shift_right_arithmetic3A_123 : i32 to vector<16xi32>
          %shift_right_arithmetic3A_125 = arith.shrsi %get3A_117, %shift_right_arithmetic3A_124 : vector<16xi32>
          %add3A_126 = arith.addi %sub3A_122, %shift_right_arithmetic3A_125 : vector<16xi32>
          %bitcast3A_127 = vector.bitcast %add3A_126 : vector<16xi32> to vector<16xf32>
          %mul3A_128 = arith.constant 16 : i32
          %mul3A_129 = arith.muli %scan3A_112, %mul3A_128 : i32
          %add3A_130 = arith.addi %mul3A_82, %mul3A_129 : i32
          %swap3A_131 = arith.index_cast %add3A_130 : i32 to index
          %swap3A_132 = tpu.vector_load %arg7[%swap3A_131] {strides = array<i32>} : memref<32768xf32, #tpu.memory_space<vmem>>, vector<16xf32>,
          tpu.vector_store %arg7[%swap3A_131], %bitcast3A_127 {strides = array<i32>} : memref<32768xf32, #tpu.memory_space<vmem>>, vector<16xf32>,
          %gather3A_133 = vector.shape_cast %broadcast_in_dim3A_5 : vector<16x1xi32> to vector<16xi32>
          %gather3A_134 = tpu.dynamic_gather %add3A_121[%gather3A_133] in [0] : vector<16xi32>, vector<16xi32> -> vector<16xi32>
          %scan3A_135 = arith.constant 2 : i32
          %scan3A_136 = arith.addi %scan3A_93, %scan3A_135 : i32
          %mul3A_137 = arith.constant 16 : i32
          %mul3A_138 = arith.muli %scan3A_136, %mul3A_137 : i32
          %add3A_139 = arith.addi %mul3A_82, %mul3A_138 : i32
          %get3A_140 = arith.index_cast %add3A_139 : i32 to index
          %get3A_141 = tpu.vector_load %arg6[%get3A_140] {strides = array<i32>} : memref<32768xi32, #tpu.memory_space<vmem>>, vector<16xi32>,
          %broadcast_in_dim3A_142 = arith.constant true
          %broadcast_in_dim3A_143 = vector.broadcast %broadcast_in_dim3A_142 : i1 to vector<16xi1>
          %masked_cumsum3A_144 = tpu.scan <sum>, %get3A_141 masked %broadcast_in_dim3A_143 : vector<16xi32>, vector<16xi1> -> vector<16xi32>
          %add3A_145 = arith.addi %masked_cumsum3A_144, %gather3A_134 : vector<16xi32>
          %sub3A_146 = arith.subi %add3A_145, %get3A_141 : vector<16xi32>
          %shift_right_arithmetic3A_147 = arith.constant 1 : i32
          %shift_right_arithmetic3A_148 = vector.broadcast %shift_right_arithmetic3A_147 : i32 to vector<16xi32>
          %shift_right_arithmetic3A_149 = arith.shrsi %get3A_141, %shift_right_arithmetic3A_148 : vector<16xi32>
          %add3A_150 = arith.addi %sub3A_146, %shift_right_arithmetic3A_149 : vector<16xi32>
          %bitcast3A_151 = vector.bitcast %add3A_150 : vector<16xi32> to vector<16xf32>
          %mul3A_152 = arith.constant 16 : i32
          %mul3A_153 = arith.muli %scan3A_136, %mul3A_152 : i32
          %add3A_154 = arith.addi %mul3A_82, %mul3A_153 : i32
          %swap3A_155 = arith.index_cast %add3A_154 : i32 to index
          %swap3A_156 = tpu.vector_load %arg7[%swap3A_155] {strides = array<i32>} : memref<32768xf32, #tpu.memory_space<vmem>>, vector<16xf32>,
          tpu.vector_store %arg7[%swap3A_155], %bitcast3A_151 {strides = array<i32>} : memref<32768xf32, #tpu.memory_space<vmem>>, vector<16xf32>,
          %gather3A_157 = vector.shape_cast %broadcast_in_dim3A_5 : vector<16x1xi32> to vector<16xi32>
          %gather3A_158 = tpu.dynamic_gather %add3A_145[%gather3A_157] in [0] : vector<16xi32>, vector<16xi32> -> vector<16xi32>
          %scan3A_159 = arith.constant 3 : i32
          %scan3A_160 = arith.addi %scan3A_93, %scan3A_159 : i32
          %mul3A_161 = arith.constant 16 : i32
          %mul3A_162 = arith.muli %scan3A_160, %mul3A_161 : i32
          %add3A_163 = arith.addi %mul3A_82, %mul3A_162 : i32
          %get3A_164 = arith.index_cast %add3A_163 : i32 to index
          %get3A_165 = tpu.vector_load %arg6[%get3A_164] {strides = array<i32>} : memref<32768xi32, #tpu.memory_space<vmem>>, vector<16xi32>,
          %broadcast_in_dim3A_166 = arith.constant true
          %broadcast_in_dim3A_167 = vector.broadcast %broadcast_in_dim3A_166 : i1 to vector<16xi1>
          %masked_cumsum3A_168 = tpu.scan <sum>, %get3A_165 masked %broadcast_in_dim3A_167 : vector<16xi32>, vector<16xi1> -> vector<16xi32>
          %add3A_169 = arith.addi %masked_cumsum3A_168, %gather3A_158 : vector<16xi32>
          %sub3A_170 = arith.subi %add3A_169, %get3A_165 : vector<16xi32>
          %shift_right_arithmetic3A_171 = arith.constant 1 : i32
          %shift_right_arithmetic3A_172 = vector.broadcast %shift_right_arithmetic3A_171 : i32 to vector<16xi32>
          %shift_right_arithmetic3A_173 = arith.shrsi %get3A_165, %shift_right_arithmetic3A_172 : vector<16xi32>
          %add3A_174 = arith.addi %sub3A_170, %shift_right_arithmetic3A_173 : vector<16xi32>
          %bitcast3A_175 = vector.bitcast %add3A_174 : vector<16xi32> to vector<16xf32>
          %mul3A_176 = arith.constant 16 : i32
          %mul3A_177 = arith.muli %scan3A_160, %mul3A_176 : i32
          %add3A_178 = arith.addi %mul3A_82, %mul3A_177 : i32
          %swap3A_179 = arith.index_cast %add3A_178 : i32 to index
          %swap3A_180 = tpu.vector_load %arg7[%swap3A_179] {strides = array<i32>} : memref<32768xf32, #tpu.memory_space<vmem>>, vector<16xf32>,
          tpu.vector_store %arg7[%swap3A_179], %bitcast3A_175 {strides = array<i32>} : memref<32768xf32, #tpu.memory_space<vmem>>, vector<16xf32>,
          %gather3A_181 = vector.shape_cast %broadcast_in_dim3A_5 : vector<16x1xi32> to vector<16xi32>
          %gather3A_182 = tpu.dynamic_gather %add3A_169[%gather3A_181] in [0] : vector<16xi32>, vector<16xi32> -> vector<16xi32>
          %scan3A_183 = arith.constant 4 : i32
          %scan3A_184 = arith.addi %scan3A_93, %scan3A_183 : i32
          %mul3A_185 = arith.constant 16 : i32
          %mul3A_186 = arith.muli %scan3A_184, %mul3A_185 : i32
          %add3A_187 = arith.addi %mul3A_82, %mul3A_186 : i32
          %get3A_188 = arith.index_cast %add3A_187 : i32 to index
          %get3A_189 = tpu.vector_load %arg6[%get3A_188] {strides = array<i32>} : memref<32768xi32, #tpu.memory_space<vmem>>, vector<16xi32>,
          %broadcast_in_dim3A_190 = arith.constant true
          %broadcast_in_dim3A_191 = vector.broadcast %broadcast_in_dim3A_190 : i1 to vector<16xi1>
          %masked_cumsum3A_192 = tpu.scan <sum>, %get3A_189 masked %broadcast_in_dim3A_191 : vector<16xi32>, vector<16xi1> -> vector<16xi32>
          %add3A_193 = arith.addi %masked_cumsum3A_192, %gather3A_182 : vector<16xi32>
          %sub3A_194 = arith.subi %add3A_193, %get3A_189 : vector<16xi32>
          %shift_right_arithmetic3A_195 = arith.constant 1 : i32
          %shift_right_arithmetic3A_196 = vector.broadcast %shift_right_arithmetic3A_195 : i32 to vector<16xi32>
          %shift_right_arithmetic3A_197 = arith.shrsi %get3A_189, %shift_right_arithmetic3A_196 : vector<16xi32>
          %add3A_198 = arith.addi %sub3A_194, %shift_right_arithmetic3A_197 : vector<16xi32>
          %bitcast3A_199 = vector.bitcast %add3A_198 : vector<16xi32> to vector<16xf32>
          %mul3A_200 = arith.constant 16 : i32
          %mul3A_201 = arith.muli %scan3A_184, %mul3A_200 : i32
          %add3A_202 = arith.addi %mul3A_82, %mul3A_201 : i32
          %swap3A_203 = arith.index_cast %add3A_202 : i32 to index
          %swap3A_204 = tpu.vector_load %arg7[%swap3A_203] {strides = array<i32>} : memref<32768xf32, #tpu.memory_space<vmem>>, vector<16xf32>,
          tpu.vector_store %arg7[%swap3A_203], %bitcast3A_199 {strides = array<i32>} : memref<32768xf32, #tpu.memory_space<vmem>>, vector<16xf32>,
          %gather3A_205 = vector.shape_cast %broadcast_in_dim3A_5 : vector<16x1xi32> to vector<16xi32>
          %gather3A_206 = tpu.dynamic_gather %add3A_193[%gather3A_205] in [0] : vector<16xi32>, vector<16xi32> -> vector<16xi32>
          %scan3A_207 = arith.constant 5 : i32
          %scan3A_208 = arith.addi %scan3A_93, %scan3A_207 : i32
          %mul3A_209 = arith.constant 16 : i32
          %mul3A_210 = arith.muli %scan3A_208, %mul3A_209 : i32
          %add3A_211 = arith.addi %mul3A_82, %mul3A_210 : i32
          %get3A_212 = arith.index_cast %add3A_211 : i32 to index
          %get3A_213 = tpu.vector_load %arg6[%get3A_212] {strides = array<i32>} : memref<32768xi32, #tpu.memory_space<vmem>>, vector<16xi32>,
          %broadcast_in_dim3A_214 = arith.constant true
          %broadcast_in_dim3A_215 = vector.broadcast %broadcast_in_dim3A_214 : i1 to vector<16xi1>
          %masked_cumsum3A_216 = tpu.scan <sum>, %get3A_213 masked %broadcast_in_dim3A_215 : vector<16xi32>, vector<16xi1> -> vector<16xi32>
          %add3A_217 = arith.addi %masked_cumsum3A_216, %gather3A_206 : vector<16xi32>
          %sub3A_218 = arith.subi %add3A_217, %get3A_213 : vector<16xi32>
          %shift_right_arithmetic3A_219 = arith.constant 1 : i32
          %shift_right_arithmetic3A_220 = vector.broadcast %shift_right_arithmetic3A_219 : i32 to vector<16xi32>
          %shift_right_arithmetic3A_221 = arith.shrsi %get3A_213, %shift_right_arithmetic3A_220 : vector<16xi32>
          %add3A_222 = arith.addi %sub3A_218, %shift_right_arithmetic3A_221 : vector<16xi32>
          %bitcast3A_223 = vector.bitcast %add3A_222 : vector<16xi32> to vector<16xf32>
          %mul3A_224 = arith.constant 16 : i32
          %mul3A_225 = arith.muli %scan3A_208, %mul3A_224 : i32
          %add3A_226 = arith.addi %mul3A_82, %mul3A_225 : i32
          %swap3A_227 = arith.index_cast %add3A_226 : i32 to index
          %swap3A_228 = tpu.vector_load %arg7[%swap3A_227] {strides = array<i32>} : memref<32768xf32, #tpu.memory_space<vmem>>, vector<16xf32>,
          tpu.vector_store %arg7[%swap3A_227], %bitcast3A_223 {strides = array<i32>} : memref<32768xf32, #tpu.memory_space<vmem>>, vector<16xf32>,
          %gather3A_229 = vector.shape_cast %broadcast_in_dim3A_5 : vector<16x1xi32> to vector<16xi32>
          %gather3A_230 = tpu.dynamic_gather %add3A_217[%gather3A_229] in [0] : vector<16xi32>, vector<16xi32> -> vector<16xi32>
          %scan3A_231 = arith.constant 6 : i32
          %scan3A_232 = arith.addi %scan3A_93, %scan3A_231 : i32
          %mul3A_233 = arith.constant 16 : i32
          %mul3A_234 = arith.muli %scan3A_232, %mul3A_233 : i32
          %add3A_235 = arith.addi %mul3A_82, %mul3A_234 : i32
          %get3A_236 = arith.index_cast %add3A_235 : i32 to index
          %get3A_237 = tpu.vector_load %arg6[%get3A_236] {strides = array<i32>} : memref<32768xi32, #tpu.memory_space<vmem>>, vector<16xi32>,
          %broadcast_in_dim3A_238 = arith.constant true
          %broadcast_in_dim3A_239 = vector.broadcast %broadcast_in_dim3A_238 : i1 to vector<16xi1>
          %masked_cumsum3A_240 = tpu.scan <sum>, %get3A_237 masked %broadcast_in_dim3A_239 : vector<16xi32>, vector<16xi1> -> vector<16xi32>
          %add3A_241 = arith.addi %masked_cumsum3A_240, %gather3A_230 : vector<16xi32>
          %sub3A_242 = arith.subi %add3A_241, %get3A_237 : vector<16xi32>
          %shift_right_arithmetic3A_243 = arith.constant 1 : i32
          %shift_right_arithmetic3A_244 = vector.broadcast %shift_right_arithmetic3A_243 : i32 to vector<16xi32>
          %shift_right_arithmetic3A_245 = arith.shrsi %get3A_237, %shift_right_arithmetic3A_244 : vector<16xi32>
          %add3A_246 = arith.addi %sub3A_242, %shift_right_arithmetic3A_245 : vector<16xi32>
          %bitcast3A_247 = vector.bitcast %add3A_246 : vector<16xi32> to vector<16xf32>
          %mul3A_248 = arith.constant 16 : i32
          %mul3A_249 = arith.muli %scan3A_232, %mul3A_248 : i32
          %add3A_250 = arith.addi %mul3A_82, %mul3A_249 : i32
          %swap3A_251 = arith.index_cast %add3A_250 : i32 to index
          %swap3A_252 = tpu.vector_load %arg7[%swap3A_251] {strides = array<i32>} : memref<32768xf32, #tpu.memory_space<vmem>>, vector<16xf32>,
          tpu.vector_store %arg7[%swap3A_251], %bitcast3A_247 {strides = array<i32>} : memref<32768xf32, #tpu.memory_space<vmem>>, vector<16xf32>,
          %gather3A_253 = vector.shape_cast %broadcast_in_dim3A_5 : vector<16x1xi32> to vector<16xi32>
          %gather3A_254 = tpu.dynamic_gather %add3A_241[%gather3A_253] in [0] : vector<16xi32>, vector<16xi32> -> vector<16xi32>
          %scan3A_255 = arith.constant 7 : i32
          %scan3A_256 = arith.addi %scan3A_93, %scan3A_255 : i32
          %mul3A_257 = arith.constant 16 : i32
          %mul3A_258 = arith.muli %scan3A_256, %mul3A_257 : i32
          %add3A_259 = arith.addi %mul3A_82, %mul3A_258 : i32
          %get3A_260 = arith.index_cast %add3A_259 : i32 to index
          %get3A_261 = tpu.vector_load %arg6[%get3A_260] {strides = array<i32>} : memref<32768xi32, #tpu.memory_space<vmem>>, vector<16xi32>,
          %broadcast_in_dim3A_262 = arith.constant true
          %broadcast_in_dim3A_263 = vector.broadcast %broadcast_in_dim3A_262 : i1 to vector<16xi1>
          %masked_cumsum3A_264 = tpu.scan <sum>, %get3A_261 masked %broadcast_in_dim3A_263 : vector<16xi32>, vector<16xi1> -> vector<16xi32>
          %add3A_265 = arith.addi %masked_cumsum3A_264, %gather3A_254 : vector<16xi32>
          %sub3A_266 = arith.subi %add3A_265, %get3A_261 : vector<16xi32>
          %shift_right_arithmetic3A_267 = arith.constant 1 : i32
          %shift_right_arithmetic3A_268 = vector.broadcast %shift_right_arithmetic3A_267 : i32 to vector<16xi32>
          %shift_right_arithmetic3A_269 = arith.shrsi %get3A_261, %shift_right_arithmetic3A_268 : vector<16xi32>
          %add3A_270 = arith.addi %sub3A_266, %shift_right_arithmetic3A_269 : vector<16xi32>
          %bitcast3A_271 = vector.bitcast %add3A_270 : vector<16xi32> to vector<16xf32>
          %mul3A_272 = arith.constant 16 : i32
          %mul3A_273 = arith.muli %scan3A_256, %mul3A_272 : i32
          %add3A_274 = arith.addi %mul3A_82, %mul3A_273 : i32
          %swap3A_275 = arith.index_cast %add3A_274 : i32 to index
          %swap3A_276 = tpu.vector_load %arg7[%swap3A_275] {strides = array<i32>} : memref<32768xf32, #tpu.memory_space<vmem>>, vector<16xf32>,
          tpu.vector_store %arg7[%swap3A_275], %bitcast3A_271 {strides = array<i32>} : memref<32768xf32, #tpu.memory_space<vmem>>, vector<16xf32>,
          %gather3A_277 = vector.shape_cast %broadcast_in_dim3A_5 : vector<16x1xi32> to vector<16xi32>
          %gather3A_278 = tpu.dynamic_gather %add3A_265[%gather3A_277] in [0] : vector<16xi32>, vector<16xi32> -> vector<16xi32>
          scf.yield %gather3A_278 : vector<16xi32>
        }
        %scan3A_88 = arith.constant 256 : i32
        %parallel_loop3A_89 = arith.constant 0 : i32
        %parallel_loop3A_90 = arith.constant 256 : i32
        %parallel_loop3A_91 = arith.constant 1 : i32
        scf.for %parallel_loop3A_93 = %parallel_loop3A_89 to %parallel_loop3A_90 step %parallel_loop3A_91  : i32 {
          %parallel_loop3A_94 = arith.constant 16 : i32
          %parallel_loop3A_95 = arith.muli %parallel_loop3A_93, %parallel_loop3A_94 : i32
          %parallel_loop3A_96 = arith.addi %mul3A_82, %parallel_loop3A_95 : i32
          %parallel_loop3A_97 = arith.index_cast %parallel_loop3A_96 : i32 to index
          %parallel_loop3A_98 = tpu.vector_load %arg7[%parallel_loop3A_97] {strides = array<i32>} : memref<32768xf32, #tpu.memory_space<vmem>>, vector<16xf32>,
          %parallel_loop3A_99 = vector.bitcast %parallel_loop3A_98 : vector<16xf32> to vector<16xi32>
          %parallel_loop3A_100 = arith.constant 2 : i32
          %parallel_loop3A_101 = vector.broadcast %parallel_loop3A_100 : i32 to vector<16xi32>
          %parallel_loop3A_102 = arith.shrsi %parallel_loop3A_99, %parallel_loop3A_101 : vector<16xi32>
          %parallel_loop3A_103 = tpu.vector_load_idx %arg8[%parallel_loop3A_102] : memref<12672xi32, #tpu.memory_space<vmem>>[vector<16xi32>], vector<16xi32>,
          %parallel_loop3A_104 = vector.broadcast %mul3A_64 : i32 to vector<16xi32>
          %parallel_loop3A_105 = arith.subi %parallel_loop3A_103, %parallel_loop3A_104 : vector<16xi32>
          %parallel_loop3A_106 = arith.sitofp %parallel_loop3A_105 : vector<16xi32> to vector<16xf32>
          %parallel_loop3A_107 = arith.constant 5.000000e-01 : f32
          %parallel_loop3A_108 = vector.broadcast %parallel_loop3A_107 : f32 to vector<16xf32>
          %parallel_loop3A_109 = arith.addf %parallel_loop3A_106, %parallel_loop3A_108 : vector<16xf32>
          %parallel_loop3A_110 = arith.constant 0.00268554688 : f32
          %parallel_loop3A_111 = vector.broadcast %parallel_loop3A_110 : f32 to vector<16xf32>
          %parallel_loop3A_112 = arith.mulf %parallel_loop3A_111, %parallel_loop3A_109 : vector<16xf32>
          %parallel_loop3A_113 = arith.constant -5.500000e+00 : f32
          %parallel_loop3A_114 = vector.broadcast %parallel_loop3A_113 : f32 to vector<16xf32>
          %parallel_loop3A_115 = arith.addf %parallel_loop3A_114, %parallel_loop3A_112 : vector<16xf32>
          %parallel_loop3A_116 = arith.constant 16 : i32
          %parallel_loop3A_117 = arith.muli %parallel_loop3A_93, %parallel_loop3A_116 : i32
          %parallel_loop3A_118 = arith.addi %mul3A_82, %parallel_loop3A_117 : i32
          %parallel_loop3A_119 = arith.index_cast %parallel_loop3A_118 : i32 to index
          %parallel_loop3A_120 = tpu.vector_load %arg7[%parallel_loop3A_119] {strides = array<i32>} : memref<32768xf32, #tpu.memory_space<vmem>>, vector<16xf32>,
          tpu.vector_store %arg7[%parallel_loop3A_119], %parallel_loop3A_115 {strides = array<i32>} : memref<32768xf32, #tpu.memory_space<vmem>>, vector<16xf32>,
        } {sc.loop_unroll_factor = 8 : i64, sc.parallel_access}
        %scan3A_92 = arith.constant 0 : i32
        scf.yield %scan3A_92 : i32
      }
      %scan3A_41 = arith.constant 8 : i32
      %scan3A_42 = arith.constant 0 : i32
      %scan3A_43 = arith.constant 0 : i32
      %scan3A_44 = arith.constant 8 : i32
      %scan3A_45 = arith.addi %scan3A_43, %scan3A_44 : i32
      %scan3A_46 = arith.constant 1 : i32
      %scan3A_47 = scf.for %scan3A_50 = %scan3A_43 to %scan3A_45 step %scan3A_46 iter_args(%scan3A_51 = %scan3A_42) -> (i32)  : i32 {
        %mul3A_52 = arith.constant 4096 : i32
        %mul3A_53 = arith.muli %scan3A_50, %mul3A_52 : i32
        "tpu.region"() ({
          %run_scoped3A = tpu.sem_alloc : memref<!tpu.dma_semaphore, #tpu.memory_space<semaphore_mem>>
          %dma_start3A_95 = arith.constant 0 : i32
          %dma_start3A_96 = tpu.memref_slice %arg3[%scan3A_50, %dma_start3A_95] : memref<8x128xf32, #tpu.memory_space<hbm>> -> memref<1x128xf32, #tpu.memory_space<hbm>>
          %dma_start3A_97 = tpu.memref_squeeze %dma_start3A_96 : memref<1x128xf32, #tpu.memory_space<hbm>> -> memref<128xf32, #tpu.memory_space<hbm>>
          %dma_start3A_98 = arith.constant 0 : i32
          %dma_start3A_99 = tpu.memref_slice %arg3[%scan3A_50, %dma_start3A_98] : memref<8x128xf32, #tpu.memory_space<hbm>> -> memref<1x128xf32, #tpu.memory_space<hbm>>
          %dma_start3A_100 = tpu.memref_squeeze %dma_start3A_99 : memref<1x128xf32, #tpu.memory_space<hbm>> -> memref<128xf32, #tpu.memory_space<hbm>>
          tpu.enqueue_dma source(%dma_start3A_100 : memref<128xf32, #tpu.memory_space<hbm>>) target(%arg13 : memref<128xf32, #tpu.memory_space<vmem>>) target_semaphore(%run_scoped3A : memref<!tpu.dma_semaphore, #tpu.memory_space<semaphore_mem>>)
          %dma_wait3A_101 = arith.constant 0 : i32
          %dma_wait3A_102 = tpu.memref_slice %arg3[%scan3A_50, %dma_wait3A_101] : memref<8x128xf32, #tpu.memory_space<hbm>> -> memref<1x128xf32, #tpu.memory_space<hbm>>
          %dma_wait3A_103 = tpu.memref_squeeze %dma_wait3A_102 : memref<1x128xf32, #tpu.memory_space<hbm>> -> memref<128xf32, #tpu.memory_space<hbm>>
          %dma_wait3A_104 = arith.constant 0 : i32
          %dma_wait3A_105 = tpu.memref_slice %arg3[%scan3A_50, %dma_wait3A_104] : memref<8x128xf32, #tpu.memory_space<hbm>> -> memref<1x128xf32, #tpu.memory_space<hbm>>
          %dma_wait3A_106 = tpu.memref_squeeze %dma_wait3A_105 : memref<1x128xf32, #tpu.memory_space<hbm>> -> memref<128xf32, #tpu.memory_space<hbm>>
          tpu.wait_dma2 semaphore(%run_scoped3A : memref<!tpu.dma_semaphore, #tpu.memory_space<semaphore_mem>>) src(%dma_wait3A_106 : memref<128xf32, #tpu.memory_space<hbm>>) dst(%arg13 : memref<128xf32, #tpu.memory_space<vmem>>)
          tpu.yield
        }) : () -> ()
        %get3A = arith.constant 0 : index
        %get3A_54 = tpu.vector_load %arg13[%get3A] {strides = array<i32>} : memref<128xf32, #tpu.memory_space<vmem>>, vector<16xf32>,
        %sub3A = arith.constant 1.000000e+00 : f32
        %sub3A_55 = vector.broadcast %sub3A : f32 to vector<16xf32>
        %sub3A_56 = arith.subf %sub3A_55, %get3A_54 : vector<16xf32>
        %dma_start3A = arith.constant 0 : i32
        %dma_start3A_57 = arith.constant 0 : i32
        %dma_start3A_58 = tpu.memref_slice %arg2[%scan3A_50, %add3A_24, %dma_start3A, %dma_start3A_57] : memref<8x96x224x224xf32, #tpu.memory_space<hbm>> -> memref<1x1x16x224xf32, #tpu.memory_space<hbm>>
        %dma_start3A_59 = tpu.memref_squeeze %dma_start3A_58 : memref<1x1x16x224xf32, #tpu.memory_space<hbm>> -> memref<16x224xf32, #tpu.memory_space<hbm>>
        %dma_start3A_60 = arith.constant 0 : i32
        %dma_start3A_61 = arith.constant 0 : i32
        %dma_start3A_62 = tpu.memref_slice %arg2[%scan3A_50, %add3A_24, %dma_start3A_60, %dma_start3A_61] : memref<8x96x224x224xf32, #tpu.memory_space<hbm>> -> memref<1x1x16x224xf32, #tpu.memory_space<hbm>>
        %dma_start3A_63 = tpu.memref_squeeze %dma_start3A_62 : memref<1x1x16x224xf32, #tpu.memory_space<hbm>> -> memref<16x224xf32, #tpu.memory_space<hbm>>
        tpu.enqueue_dma source(%dma_start3A_63 : memref<16x224xf32, #tpu.memory_space<hbm>>) target(%arg9 : memref<16x224xf32, #tpu.memory_space<vmem>>) target_semaphore(%arg15 : memref<!tpu.dma_semaphore, #tpu.memory_space<semaphore_mem>>)
        %dma_start3A_64 = arith.constant 16 : i32
        %dma_start3A_65 = arith.constant 0 : i32
        %dma_start3A_66 = tpu.memref_slice %arg2[%scan3A_50, %add3A_24, %dma_start3A_64, %dma_start3A_65] : memref<8x96x224x224xf32, #tpu.memory_space<hbm>> -> memref<1x1x16x224xf32, #tpu.memory_space<hbm>>
        %dma_start3A_67 = tpu.memref_squeeze %dma_start3A_66 : memref<1x1x16x224xf32, #tpu.memory_space<hbm>> -> memref<16x224xf32, #tpu.memory_space<hbm>>
        %dma_start3A_68 = arith.constant 16 : i32
        %dma_start3A_69 = arith.constant 0 : i32
        %dma_start3A_70 = tpu.memref_slice %arg2[%scan3A_50, %add3A_24, %dma_start3A_68, %dma_start3A_69] : memref<8x96x224x224xf32, #tpu.memory_space<hbm>> -> memref<1x1x16x224xf32, #tpu.memory_space<hbm>>
        %dma_start3A_71 = tpu.memref_squeeze %dma_start3A_70 : memref<1x1x16x224xf32, #tpu.memory_space<hbm>> -> memref<16x224xf32, #tpu.memory_space<hbm>>
        tpu.enqueue_dma source(%dma_start3A_71 : memref<16x224xf32, #tpu.memory_space<hbm>>) target(%arg10 : memref<16x224xf32, #tpu.memory_space<vmem>>) target_semaphore(%arg16 : memref<!tpu.dma_semaphore, #tpu.memory_space<semaphore_mem>>)
        %scan3A_72 = arith.constant 0 : i32
        %scan3A_73 = arith.constant 0 : i32
        %scan3A_74 = arith.constant 7 : i32
        %scan3A_75 = arith.addi %scan3A_73, %scan3A_74 : i32
        %scan3A_76 = arith.constant 1 : i32
        %scan3A_77 = scf.for %scan3A_95 = %scan3A_73 to %scan3A_75 step %scan3A_76 iter_args(%scan3A_96 = %scan3A_72) -> (i32)  : i32 {
          %mul3A_97 = arith.constant 2 : i32
          %mul3A_98 = arith.muli %mul3A_97, %scan3A_95 : i32
          %mul3A_99 = arith.constant 16 : i32
          %mul3A_100 = arith.muli %mul3A_98, %mul3A_99 : i32
          %dma_wait3A_101 = arith.constant 0 : i32
          %dma_wait3A_102 = tpu.memref_slice %arg2[%scan3A_50, %add3A_24, %mul3A_100, %dma_wait3A_101] : memref<8x96x224x224xf32, #tpu.memory_space<hbm>> -> memref<1x1x16x224xf32, #tpu.memory_space<hbm>>
          %dma_wait3A_103 = tpu.memref_squeeze %dma_wait3A_102 : memref<1x1x16x224xf32, #tpu.memory_space<hbm>> -> memref<16x224xf32, #tpu.memory_space<hbm>>
          %dma_wait3A_104 = arith.constant 0 : i32
          %dma_wait3A_105 = tpu.memref_slice %arg2[%scan3A_50, %add3A_24, %mul3A_100, %dma_wait3A_104] : memref<8x96x224x224xf32, #tpu.memory_space<hbm>> -> memref<1x1x16x224xf32, #tpu.memory_space<hbm>>
          %dma_wait3A_106 = tpu.memref_squeeze %dma_wait3A_105 : memref<1x1x16x224xf32, #tpu.memory_space<hbm>> -> memref<16x224xf32, #tpu.memory_space<hbm>>
          tpu.wait_dma2 semaphore(%arg15 : memref<!tpu.dma_semaphore, #tpu.memory_space<semaphore_mem>>) src(%dma_wait3A_106 : memref<16x224xf32, #tpu.memory_space<hbm>>) dst(%arg9 : memref<16x224xf32, #tpu.memory_space<vmem>>)
          %gt3A = arith.constant 0 : i32
          %gt3A_107 = arith.cmpi sgt, %scan3A_95, %gt3A : i32
          %convert_element_type3A = arith.extui %gt3A_107 : i1 to i32
          %cond3A = arith.constant 0 : i32
          %cond3A_108 = arith.cmpi ne, %convert_element_type3A, %cond3A : i32
          scf.if %cond3A_108 {
            %mul3A_172 = arith.constant 2 : i32
            %mul3A_173 = arith.muli %mul3A_172, %scan3A_95 : i32
            %sub3A_174 = arith.constant 2 : i32
            %sub3A_175 = arith.subi %mul3A_173, %sub3A_174 : i32
            %mul3A_176 = arith.constant 16 : i32
            %mul3A_177 = arith.muli %sub3A_175, %mul3A_176 : i32
            %dma_wait3A_178 = arith.constant 0 : i32
            %dma_wait3A_179 = tpu.memref_slice %arg5[%scan3A_50, %add3A_24, %mul3A_177, %dma_wait3A_178] : memref<8x96x224x224xf32, #tpu.memory_space<hbm>> -> memref<1x1x16x224xf32, #tpu.memory_space<hbm>>
            %dma_wait3A_180 = tpu.memref_squeeze %dma_wait3A_179 : memref<1x1x16x224xf32, #tpu.memory_space<hbm>> -> memref<16x224xf32, #tpu.memory_space<hbm>>
            %dma_wait3A_181 = arith.constant 0 : i32
            %dma_wait3A_182 = tpu.memref_slice %arg5[%scan3A_50, %add3A_24, %mul3A_177, %dma_wait3A_181] : memref<8x96x224x224xf32, #tpu.memory_space<hbm>> -> memref<1x1x16x224xf32, #tpu.memory_space<hbm>>
            %dma_wait3A_183 = tpu.memref_squeeze %dma_wait3A_182 : memref<1x1x16x224xf32, #tpu.memory_space<hbm>> -> memref<16x224xf32, #tpu.memory_space<hbm>>
            tpu.wait_dma2 semaphore(%arg17 : memref<!tpu.dma_semaphore, #tpu.memory_space<semaphore_mem>>) src(%arg11 : memref<16x224xf32, #tpu.memory_space<vmem>>) dst(%dma_wait3A_183 : memref<16x224xf32, #tpu.memory_space<hbm>>)
          } else {
          }
          %parallel_loop3A_109 = arith.constant 0 : i32
          %parallel_loop3A_110 = arith.constant 16 : i32
          %parallel_loop3A_111 = arith.constant 1 : i32
          scf.for %parallel_loop3A_172 = %parallel_loop3A_109 to %parallel_loop3A_110 step %parallel_loop3A_111  : i32 {
            %parallel_loop3A_173 = arith.index_cast %parallel_loop3A_172 : i32 to index
            %parallel_loop3A_174 = arith.constant 0 : index
            %parallel_loop3A_175 = tpu.vector_load %arg9[%parallel_loop3A_173, %parallel_loop3A_174] {strides = array<i32>} : memref<16x224xf32, #tpu.memory_space<vmem>>, vector<16xf32>,
            %parallel_loop3A_176 = arith.constant -5.500000e+00 : f32
            %parallel_loop3A_177 = vector.broadcast %parallel_loop3A_176 : f32 to vector<16xf32>
            %parallel_loop3A_178 = arith.subf %parallel_loop3A_175, %parallel_loop3A_177 : vector<16xf32>
            %parallel_loop3A_179 = arith.constant 372.363647 : f32
            %parallel_loop3A_180 = vector.broadcast %parallel_loop3A_179 : f32 to vector<16xf32>
            %parallel_loop3A_181 = arith.mulf %parallel_loop3A_178, %parallel_loop3A_180 : vector<16xf32>
            %parallel_loop3A_182 = arith.constant 0.000000e+00 : f32
            %parallel_loop3A_183 = arith.constant 4.095000e+03 : f32
            %parallel_loop3A_184 = vector.broadcast %parallel_loop3A_182 : f32 to vector<16xf32>
            %parallel_loop3A_185 = arith.maximumf %parallel_loop3A_184, %parallel_loop3A_181 : vector<16xf32>
            %parallel_loop3A_186 = vector.broadcast %parallel_loop3A_183 : f32 to vector<16xf32>
            %parallel_loop3A_187 = arith.minimumf %parallel_loop3A_186, %parallel_loop3A_185 : vector<16xf32>
            %parallel_loop3A_188 = arith.fptosi %parallel_loop3A_187 : vector<16xf32> to vector<16xi32>
            %parallel_loop3A_189 = vector.broadcast %mul3A_53 : i32 to vector<16xi32>
            %parallel_loop3A_190 = arith.addi %parallel_loop3A_188, %parallel_loop3A_189 : vector<16xi32>
            %parallel_loop3A_191 = tpu.vector_load_idx %arg7[%parallel_loop3A_190] : memref<32768xf32, #tpu.memory_space<vmem>>[vector<16xi32>], vector<16xf32>,
            %parallel_loop3A_192 = arith.mulf %parallel_loop3A_191, %sub3A_56 : vector<16xf32>
            %parallel_loop3A_193 = arith.mulf %parallel_loop3A_175, %sub3A_56 : vector<16xf32>
            %parallel_loop3A_194 = arith.subf %parallel_loop3A_192, %parallel_loop3A_193 : vector<16xf32>
            %parallel_loop3A_195 = arith.addf %parallel_loop3A_175, %parallel_loop3A_194 : vector<16xf32>
            %parallel_loop3A_196 = arith.index_cast %parallel_loop3A_172 : i32 to index
            %parallel_loop3A_197 = arith.constant 0 : index
            %parallel_loop3A_198 = tpu.vector_load %arg11[%parallel_loop3A_196, %parallel_loop3A_197] {strides = array<i32>} : memref<16x224xf32, #tpu.memory_space<vmem>>, vector<16xf32>,
            tpu.vector_store %arg11[%parallel_loop3A_196, %parallel_loop3A_197], %parallel_loop3A_195 {strides = array<i32>} : memref<16x224xf32, #tpu.memory_space<vmem>>, vector<16xf32>,
            %parallel_loop3A_199 = arith.index_cast %parallel_loop3A_172 : i32 to index
            %parallel_loop3A_200 = arith.constant 16 : index
            %parallel_loop3A_201 = tpu.vector_load %arg9[%parallel_loop3A_199, %parallel_loop3A_200] {strides = array<i32>} : memref<16x224xf32, #tpu.memory_space<vmem>>, vector<16xf32>,
            %parallel_loop3A_202 = arith.constant -5.500000e+00 : f32
            %parallel_loop3A_203 = vector.broadcast %parallel_loop3A_202 : f32 to vector<16xf32>
            %parallel_loop3A_204 = arith.subf %parallel_loop3A_201, %parallel_loop3A_203 : vector<16xf32>
            %parallel_loop3A_205 = arith.constant 372.363647 : f32
            %parallel_loop3A_206 = vector.broadcast %parallel_loop3A_205 : f32 to vector<16xf32>
            %parallel_loop3A_207 = arith.mulf %parallel_loop3A_204, %parallel_loop3A_206 : vector<16xf32>
            %parallel_loop3A_208 = arith.constant 0.000000e+00 : f32
            %parallel_loop3A_209 = arith.constant 4.095000e+03 : f32
            %parallel_loop3A_210 = vector.broadcast %parallel_loop3A_208 : f32 to vector<16xf32>
            %parallel_loop3A_211 = arith.maximumf %parallel_loop3A_210, %parallel_loop3A_207 : vector<16xf32>
            %parallel_loop3A_212 = vector.broadcast %parallel_loop3A_209 : f32 to vector<16xf32>
            %parallel_loop3A_213 = arith.minimumf %parallel_loop3A_212, %parallel_loop3A_211 : vector<16xf32>
            %parallel_loop3A_214 = arith.fptosi %parallel_loop3A_213 : vector<16xf32> to vector<16xi32>
            %parallel_loop3A_215 = vector.broadcast %mul3A_53 : i32 to vector<16xi32>
            %parallel_loop3A_216 = arith.addi %parallel_loop3A_214, %parallel_loop3A_215 : vector<16xi32>
            %parallel_loop3A_217 = tpu.vector_load_idx %arg7[%parallel_loop3A_216] : memref<32768xf32, #tpu.memory_space<vmem>>[vector<16xi32>], vector<16xf32>,
            %parallel_loop3A_218 = arith.mulf %parallel_loop3A_217, %sub3A_56 : vector<16xf32>
            %parallel_loop3A_219 = arith.mulf %parallel_loop3A_201, %sub3A_56 : vector<16xf32>
            %parallel_loop3A_220 = arith.subf %parallel_loop3A_218, %parallel_loop3A_219 : vector<16xf32>
            %parallel_loop3A_221 = arith.addf %parallel_loop3A_201, %parallel_loop3A_220 : vector<16xf32>
            %parallel_loop3A_222 = arith.index_cast %parallel_loop3A_172 : i32 to index
            %parallel_loop3A_223 = arith.constant 16 : index
            %parallel_loop3A_224 = tpu.vector_load %arg11[%parallel_loop3A_222, %parallel_loop3A_223] {strides = array<i32>} : memref<16x224xf32, #tpu.memory_space<vmem>>, vector<16xf32>,
            tpu.vector_store %arg11[%parallel_loop3A_222, %parallel_loop3A_223], %parallel_loop3A_221 {strides = array<i32>} : memref<16x224xf32, #tpu.memory_space<vmem>>, vector<16xf32>,
            %parallel_loop3A_225 = arith.index_cast %parallel_loop3A_172 : i32 to index
            %parallel_loop3A_226 = arith.constant 32 : index
            %parallel_loop3A_227 = tpu.vector_load %arg9[%parallel_loop3A_225, %parallel_loop3A_226] {strides = array<i32>} : memref<16x224xf32, #tpu.memory_space<vmem>>, vector<16xf32>,
            %parallel_loop3A_228 = arith.constant -5.500000e+00 : f32
            %parallel_loop3A_229 = vector.broadcast %parallel_loop3A_228 : f32 to vector<16xf32>
            %parallel_loop3A_230 = arith.subf %parallel_loop3A_227, %parallel_loop3A_229 : vector<16xf32>
            %parallel_loop3A_231 = arith.constant 372.363647 : f32
            %parallel_loop3A_232 = vector.broadcast %parallel_loop3A_231 : f32 to vector<16xf32>
            %parallel_loop3A_233 = arith.mulf %parallel_loop3A_230, %parallel_loop3A_232 : vector<16xf32>
            %parallel_loop3A_234 = arith.constant 0.000000e+00 : f32
            %parallel_loop3A_235 = arith.constant 4.095000e+03 : f32
            %parallel_loop3A_236 = vector.broadcast %parallel_loop3A_234 : f32 to vector<16xf32>
            %parallel_loop3A_237 = arith.maximumf %parallel_loop3A_236, %parallel_loop3A_233 : vector<16xf32>
            %parallel_loop3A_238 = vector.broadcast %parallel_loop3A_235 : f32 to vector<16xf32>
            %parallel_loop3A_239 = arith.minimumf %parallel_loop3A_238, %parallel_loop3A_237 : vector<16xf32>
            %parallel_loop3A_240 = arith.fptosi %parallel_loop3A_239 : vector<16xf32> to vector<16xi32>
            %parallel_loop3A_241 = vector.broadcast %mul3A_53 : i32 to vector<16xi32>
            %parallel_loop3A_242 = arith.addi %parallel_loop3A_240, %parallel_loop3A_241 : vector<16xi32>
            %parallel_loop3A_243 = tpu.vector_load_idx %arg7[%parallel_loop3A_242] : memref<32768xf32, #tpu.memory_space<vmem>>[vector<16xi32>], vector<16xf32>,
            %parallel_loop3A_244 = arith.mulf %parallel_loop3A_243, %sub3A_56 : vector<16xf32>
            %parallel_loop3A_245 = arith.mulf %parallel_loop3A_227, %sub3A_56 : vector<16xf32>
            %parallel_loop3A_246 = arith.subf %parallel_loop3A_244, %parallel_loop3A_245 : vector<16xf32>
            %parallel_loop3A_247 = arith.addf %parallel_loop3A_227, %parallel_loop3A_246 : vector<16xf32>
            %parallel_loop3A_248 = arith.index_cast %parallel_loop3A_172 : i32 to index
            %parallel_loop3A_249 = arith.constant 32 : index
            %parallel_loop3A_250 = tpu.vector_load %arg11[%parallel_loop3A_248, %parallel_loop3A_249] {strides = array<i32>} : memref<16x224xf32, #tpu.memory_space<vmem>>, vector<16xf32>,
            tpu.vector_store %arg11[%parallel_loop3A_248, %parallel_loop3A_249], %parallel_loop3A_247 {strides = array<i32>} : memref<16x224xf32, #tpu.memory_space<vmem>>, vector<16xf32>,
            %parallel_loop3A_251 = arith.index_cast %parallel_loop3A_172 : i32 to index
            %parallel_loop3A_252 = arith.constant 48 : index
            %parallel_loop3A_253 = tpu.vector_load %arg9[%parallel_loop3A_251, %parallel_loop3A_252] {strides = array<i32>} : memref<16x224xf32, #tpu.memory_space<vmem>>, vector<16xf32>,
            %parallel_loop3A_254 = arith.constant -5.500000e+00 : f32
            %parallel_loop3A_255 = vector.broadcast %parallel_loop3A_254 : f32 to vector<16xf32>
            %parallel_loop3A_256 = arith.subf %parallel_loop3A_253, %parallel_loop3A_255 : vector<16xf32>
            %parallel_loop3A_257 = arith.constant 372.363647 : f32
            %parallel_loop3A_258 = vector.broadcast %parallel_loop3A_257 : f32 to vector<16xf32>
            %parallel_loop3A_259 = arith.mulf %parallel_loop3A_256, %parallel_loop3A_258 : vector<16xf32>
            %parallel_loop3A_260 = arith.constant 0.000000e+00 : f32
            %parallel_loop3A_261 = arith.constant 4.095000e+03 : f32
            %parallel_loop3A_262 = vector.broadcast %parallel_loop3A_260 : f32 to vector<16xf32>
            %parallel_loop3A_263 = arith.maximumf %parallel_loop3A_262, %parallel_loop3A_259 : vector<16xf32>
            %parallel_loop3A_264 = vector.broadcast %parallel_loop3A_261 : f32 to vector<16xf32>
            %parallel_loop3A_265 = arith.minimumf %parallel_loop3A_264, %parallel_loop3A_263 : vector<16xf32>
            %parallel_loop3A_266 = arith.fptosi %parallel_loop3A_265 : vector<16xf32> to vector<16xi32>
            %parallel_loop3A_267 = vector.broadcast %mul3A_53 : i32 to vector<16xi32>
            %parallel_loop3A_268 = arith.addi %parallel_loop3A_266, %parallel_loop3A_267 : vector<16xi32>
            %parallel_loop3A_269 = tpu.vector_load_idx %arg7[%parallel_loop3A_268] : memref<32768xf32, #tpu.memory_space<vmem>>[vector<16xi32>], vector<16xf32>,
            %parallel_loop3A_270 = arith.mulf %parallel_loop3A_269, %sub3A_56 : vector<16xf32>
            %parallel_loop3A_271 = arith.mulf %parallel_loop3A_253, %sub3A_56 : vector<16xf32>
            %parallel_loop3A_272 = arith.subf %parallel_loop3A_270, %parallel_loop3A_271 : vector<16xf32>
            %parallel_loop3A_273 = arith.addf %parallel_loop3A_253, %parallel_loop3A_272 : vector<16xf32>
            %parallel_loop3A_274 = arith.index_cast %parallel_loop3A_172 : i32 to index
            %parallel_loop3A_275 = arith.constant 48 : index
            %parallel_loop3A_276 = tpu.vector_load %arg11[%parallel_loop3A_274, %parallel_loop3A_275] {strides = array<i32>} : memref<16x224xf32, #tpu.memory_space<vmem>>, vector<16xf32>,
            tpu.vector_store %arg11[%parallel_loop3A_274, %parallel_loop3A_275], %parallel_loop3A_273 {strides = array<i32>} : memref<16x224xf32, #tpu.memory_space<vmem>>, vector<16xf32>,
            %parallel_loop3A_277 = arith.index_cast %parallel_loop3A_172 : i32 to index
            %parallel_loop3A_278 = arith.constant 64 : index
            %parallel_loop3A_279 = tpu.vector_load %arg9[%parallel_loop3A_277, %parallel_loop3A_278] {strides = array<i32>} : memref<16x224xf32, #tpu.memory_space<vmem>>, vector<16xf32>,
            %parallel_loop3A_280 = arith.constant -5.500000e+00 : f32
            %parallel_loop3A_281 = vector.broadcast %parallel_loop3A_280 : f32 to vector<16xf32>
            %parallel_loop3A_282 = arith.subf %parallel_loop3A_279, %parallel_loop3A_281 : vector<16xf32>
            %parallel_loop3A_283 = arith.constant 372.363647 : f32
            %parallel_loop3A_284 = vector.broadcast %parallel_loop3A_283 : f32 to vector<16xf32>
            %parallel_loop3A_285 = arith.mulf %parallel_loop3A_282, %parallel_loop3A_284 : vector<16xf32>
            %parallel_loop3A_286 = arith.constant 0.000000e+00 : f32
            %parallel_loop3A_287 = arith.constant 4.095000e+03 : f32
            %parallel_loop3A_288 = vector.broadcast %parallel_loop3A_286 : f32 to vector<16xf32>
            %parallel_loop3A_289 = arith.maximumf %parallel_loop3A_288, %parallel_loop3A_285 : vector<16xf32>
            %parallel_loop3A_290 = vector.broadcast %parallel_loop3A_287 : f32 to vector<16xf32>
            %parallel_loop3A_291 = arith.minimumf %parallel_loop3A_290, %parallel_loop3A_289 : vector<16xf32>
            %parallel_loop3A_292 = arith.fptosi %parallel_loop3A_291 : vector<16xf32> to vector<16xi32>
            %parallel_loop3A_293 = vector.broadcast %mul3A_53 : i32 to vector<16xi32>
            %parallel_loop3A_294 = arith.addi %parallel_loop3A_292, %parallel_loop3A_293 : vector<16xi32>
            %parallel_loop3A_295 = tpu.vector_load_idx %arg7[%parallel_loop3A_294] : memref<32768xf32, #tpu.memory_space<vmem>>[vector<16xi32>], vector<16xf32>,
            %parallel_loop3A_296 = arith.mulf %parallel_loop3A_295, %sub3A_56 : vector<16xf32>
            %parallel_loop3A_297 = arith.mulf %parallel_loop3A_279, %sub3A_56 : vector<16xf32>
            %parallel_loop3A_298 = arith.subf %parallel_loop3A_296, %parallel_loop3A_297 : vector<16xf32>
            %parallel_loop3A_299 = arith.addf %parallel_loop3A_279, %parallel_loop3A_298 : vector<16xf32>
            %parallel_loop3A_300 = arith.index_cast %parallel_loop3A_172 : i32 to index
            %parallel_loop3A_301 = arith.constant 64 : index
            %parallel_loop3A_302 = tpu.vector_load %arg11[%parallel_loop3A_300, %parallel_loop3A_301] {strides = array<i32>} : memref<16x224xf32, #tpu.memory_space<vmem>>, vector<16xf32>,
            tpu.vector_store %arg11[%parallel_loop3A_300, %parallel_loop3A_301], %parallel_loop3A_299 {strides = array<i32>} : memref<16x224xf32, #tpu.memory_space<vmem>>, vector<16xf32>,
            %parallel_loop3A_303 = arith.index_cast %parallel_loop3A_172 : i32 to index
            %parallel_loop3A_304 = arith.constant 80 : index
            %parallel_loop3A_305 = tpu.vector_load %arg9[%parallel_loop3A_303, %parallel_loop3A_304] {strides = array<i32>} : memref<16x224xf32, #tpu.memory_space<vmem>>, vector<16xf32>,
            %parallel_loop3A_306 = arith.constant -5.500000e+00 : f32
            %parallel_loop3A_307 = vector.broadcast %parallel_loop3A_306 : f32 to vector<16xf32>
            %parallel_loop3A_308 = arith.subf %parallel_loop3A_305, %parallel_loop3A_307 : vector<16xf32>
            %parallel_loop3A_309 = arith.constant 372.363647 : f32
            %parallel_loop3A_310 = vector.broadcast %parallel_loop3A_309 : f32 to vector<16xf32>
            %parallel_loop3A_311 = arith.mulf %parallel_loop3A_308, %parallel_loop3A_310 : vector<16xf32>
            %parallel_loop3A_312 = arith.constant 0.000000e+00 : f32
            %parallel_loop3A_313 = arith.constant 4.095000e+03 : f32
            %parallel_loop3A_314 = vector.broadcast %parallel_loop3A_312 : f32 to vector<16xf32>
            %parallel_loop3A_315 = arith.maximumf %parallel_loop3A_314, %parallel_loop3A_311 : vector<16xf32>
            %parallel_loop3A_316 = vector.broadcast %parallel_loop3A_313 : f32 to vector<16xf32>
            %parallel_loop3A_317 = arith.minimumf %parallel_loop3A_316, %parallel_loop3A_315 : vector<16xf32>
            %parallel_loop3A_318 = arith.fptosi %parallel_loop3A_317 : vector<16xf32> to vector<16xi32>
            %parallel_loop3A_319 = vector.broadcast %mul3A_53 : i32 to vector<16xi32>
            %parallel_loop3A_320 = arith.addi %parallel_loop3A_318, %parallel_loop3A_319 : vector<16xi32>
            %parallel_loop3A_321 = tpu.vector_load_idx %arg7[%parallel_loop3A_320] : memref<32768xf32, #tpu.memory_space<vmem>>[vector<16xi32>], vector<16xf32>,
            %parallel_loop3A_322 = arith.mulf %parallel_loop3A_321, %sub3A_56 : vector<16xf32>
            %parallel_loop3A_323 = arith.mulf %parallel_loop3A_305, %sub3A_56 : vector<16xf32>
            %parallel_loop3A_324 = arith.subf %parallel_loop3A_322, %parallel_loop3A_323 : vector<16xf32>
            %parallel_loop3A_325 = arith.addf %parallel_loop3A_305, %parallel_loop3A_324 : vector<16xf32>
            %parallel_loop3A_326 = arith.index_cast %parallel_loop3A_172 : i32 to index
            %parallel_loop3A_327 = arith.constant 80 : index
            %parallel_loop3A_328 = tpu.vector_load %arg11[%parallel_loop3A_326, %parallel_loop3A_327] {strides = array<i32>} : memref<16x224xf32, #tpu.memory_space<vmem>>, vector<16xf32>,
            tpu.vector_store %arg11[%parallel_loop3A_326, %parallel_loop3A_327], %parallel_loop3A_325 {strides = array<i32>} : memref<16x224xf32, #tpu.memory_space<vmem>>, vector<16xf32>,
            %parallel_loop3A_329 = arith.index_cast %parallel_loop3A_172 : i32 to index
            %parallel_loop3A_330 = arith.constant 96 : index
            %parallel_loop3A_331 = tpu.vector_load %arg9[%parallel_loop3A_329, %parallel_loop3A_330] {strides = array<i32>} : memref<16x224xf32, #tpu.memory_space<vmem>>, vector<16xf32>,
            %parallel_loop3A_332 = arith.constant -5.500000e+00 : f32
            %parallel_loop3A_333 = vector.broadcast %parallel_loop3A_332 : f32 to vector<16xf32>
            %parallel_loop3A_334 = arith.subf %parallel_loop3A_331, %parallel_loop3A_333 : vector<16xf32>
            %parallel_loop3A_335 = arith.constant 372.363647 : f32
            %parallel_loop3A_336 = vector.broadcast %parallel_loop3A_335 : f32 to vector<16xf32>
            %parallel_loop3A_337 = arith.mulf %parallel_loop3A_334, %parallel_loop3A_336 : vector<16xf32>
            %parallel_loop3A_338 = arith.constant 0.000000e+00 : f32
            %parallel_loop3A_339 = arith.constant 4.095000e+03 : f32
            %parallel_loop3A_340 = vector.broadcast %parallel_loop3A_338 : f32 to vector<16xf32>
            %parallel_loop3A_341 = arith.maximumf %parallel_loop3A_340, %parallel_loop3A_337 : vector<16xf32>
            %parallel_loop3A_342 = vector.broadcast %parallel_loop3A_339 : f32 to vector<16xf32>
            %parallel_loop3A_343 = arith.minimumf %parallel_loop3A_342, %parallel_loop3A_341 : vector<16xf32>
            %parallel_loop3A_344 = arith.fptosi %parallel_loop3A_343 : vector<16xf32> to vector<16xi32>
            %parallel_loop3A_345 = vector.broadcast %mul3A_53 : i32 to vector<16xi32>
            %parallel_loop3A_346 = arith.addi %parallel_loop3A_344, %parallel_loop3A_345 : vector<16xi32>
            %parallel_loop3A_347 = tpu.vector_load_idx %arg7[%parallel_loop3A_346] : memref<32768xf32, #tpu.memory_space<vmem>>[vector<16xi32>], vector<16xf32>,
            %parallel_loop3A_348 = arith.mulf %parallel_loop3A_347, %sub3A_56 : vector<16xf32>
            %parallel_loop3A_349 = arith.mulf %parallel_loop3A_331, %sub3A_56 : vector<16xf32>
            %parallel_loop3A_350 = arith.subf %parallel_loop3A_348, %parallel_loop3A_349 : vector<16xf32>
            %parallel_loop3A_351 = arith.addf %parallel_loop3A_331, %parallel_loop3A_350 : vector<16xf32>
            %parallel_loop3A_352 = arith.index_cast %parallel_loop3A_172 : i32 to index
            %parallel_loop3A_353 = arith.constant 96 : index
            %parallel_loop3A_354 = tpu.vector_load %arg11[%parallel_loop3A_352, %parallel_loop3A_353] {strides = array<i32>} : memref<16x224xf32, #tpu.memory_space<vmem>>, vector<16xf32>,
            tpu.vector_store %arg11[%parallel_loop3A_352, %parallel_loop3A_353], %parallel_loop3A_351 {strides = array<i32>} : memref<16x224xf32, #tpu.memory_space<vmem>>, vector<16xf32>,
            %parallel_loop3A_355 = arith.index_cast %parallel_loop3A_172 : i32 to index
            %parallel_loop3A_356 = arith.constant 112 : index
            %parallel_loop3A_357 = tpu.vector_load %arg9[%parallel_loop3A_355, %parallel_loop3A_356] {strides = array<i32>} : memref<16x224xf32, #tpu.memory_space<vmem>>, vector<16xf32>,
            %parallel_loop3A_358 = arith.constant -5.500000e+00 : f32
            %parallel_loop3A_359 = vector.broadcast %parallel_loop3A_358 : f32 to vector<16xf32>
            %parallel_loop3A_360 = arith.subf %parallel_loop3A_357, %parallel_loop3A_359 : vector<16xf32>
            %parallel_loop3A_361 = arith.constant 372.363647 : f32
            %parallel_loop3A_362 = vector.broadcast %parallel_loop3A_361 : f32 to vector<16xf32>
            %parallel_loop3A_363 = arith.mulf %parallel_loop3A_360, %parallel_loop3A_362 : vector<16xf32>
            %parallel_loop3A_364 = arith.constant 0.000000e+00 : f32
            %parallel_loop3A_365 = arith.constant 4.095000e+03 : f32
            %parallel_loop3A_366 = vector.broadcast %parallel_loop3A_364 : f32 to vector<16xf32>
            %parallel_loop3A_367 = arith.maximumf %parallel_loop3A_366, %parallel_loop3A_363 : vector<16xf32>
            %parallel_loop3A_368 = vector.broadcast %parallel_loop3A_365 : f32 to vector<16xf32>
            %parallel_loop3A_369 = arith.minimumf %parallel_loop3A_368, %parallel_loop3A_367 : vector<16xf32>
            %parallel_loop3A_370 = arith.fptosi %parallel_loop3A_369 : vector<16xf32> to vector<16xi32>
            %parallel_loop3A_371 = vector.broadcast %mul3A_53 : i32 to vector<16xi32>
            %parallel_loop3A_372 = arith.addi %parallel_loop3A_370, %parallel_loop3A_371 : vector<16xi32>
            %parallel_loop3A_373 = tpu.vector_load_idx %arg7[%parallel_loop3A_372] : memref<32768xf32, #tpu.memory_space<vmem>>[vector<16xi32>], vector<16xf32>,
            %parallel_loop3A_374 = arith.mulf %parallel_loop3A_373, %sub3A_56 : vector<16xf32>
            %parallel_loop3A_375 = arith.mulf %parallel_loop3A_357, %sub3A_56 : vector<16xf32>
            %parallel_loop3A_376 = arith.subf %parallel_loop3A_374, %parallel_loop3A_375 : vector<16xf32>
            %parallel_loop3A_377 = arith.addf %parallel_loop3A_357, %parallel_loop3A_376 : vector<16xf32>
            %parallel_loop3A_378 = arith.index_cast %parallel_loop3A_172 : i32 to index
            %parallel_loop3A_379 = arith.constant 112 : index
            %parallel_loop3A_380 = tpu.vector_load %arg11[%parallel_loop3A_378, %parallel_loop3A_379] {strides = array<i32>} : memref<16x224xf32, #tpu.memory_space<vmem>>, vector<16xf32>,
            tpu.vector_store %arg11[%parallel_loop3A_378, %parallel_loop3A_379], %parallel_loop3A_377 {strides = array<i32>} : memref<16x224xf32, #tpu.memory_space<vmem>>, vector<16xf32>,
            %parallel_loop3A_381 = arith.index_cast %parallel_loop3A_172 : i32 to index
            %parallel_loop3A_382 = arith.constant 128 : index
            %parallel_loop3A_383 = tpu.vector_load %arg9[%parallel_loop3A_381, %parallel_loop3A_382] {strides = array<i32>} : memref<16x224xf32, #tpu.memory_space<vmem>>, vector<16xf32>,
            %parallel_loop3A_384 = arith.constant -5.500000e+00 : f32
            %parallel_loop3A_385 = vector.broadcast %parallel_loop3A_384 : f32 to vector<16xf32>
            %parallel_loop3A_386 = arith.subf %parallel_loop3A_383, %parallel_loop3A_385 : vector<16xf32>
            %parallel_loop3A_387 = arith.constant 372.363647 : f32
            %parallel_loop3A_388 = vector.broadcast %parallel_loop3A_387 : f32 to vector<16xf32>
            %parallel_loop3A_389 = arith.mulf %parallel_loop3A_386, %parallel_loop3A_388 : vector<16xf32>
            %parallel_loop3A_390 = arith.constant 0.000000e+00 : f32
            %parallel_loop3A_391 = arith.constant 4.095000e+03 : f32
            %parallel_loop3A_392 = vector.broadcast %parallel_loop3A_390 : f32 to vector<16xf32>
            %parallel_loop3A_393 = arith.maximumf %parallel_loop3A_392, %parallel_loop3A_389 : vector<16xf32>
            %parallel_loop3A_394 = vector.broadcast %parallel_loop3A_391 : f32 to vector<16xf32>
            %parallel_loop3A_395 = arith.minimumf %parallel_loop3A_394, %parallel_loop3A_393 : vector<16xf32>
            %parallel_loop3A_396 = arith.fptosi %parallel_loop3A_395 : vector<16xf32> to vector<16xi32>
            %parallel_loop3A_397 = vector.broadcast %mul3A_53 : i32 to vector<16xi32>
            %parallel_loop3A_398 = arith.addi %parallel_loop3A_396, %parallel_loop3A_397 : vector<16xi32>
            %parallel_loop3A_399 = tpu.vector_load_idx %arg7[%parallel_loop3A_398] : memref<32768xf32, #tpu.memory_space<vmem>>[vector<16xi32>], vector<16xf32>,
            %parallel_loop3A_400 = arith.mulf %parallel_loop3A_399, %sub3A_56 : vector<16xf32>
            %parallel_loop3A_401 = arith.mulf %parallel_loop3A_383, %sub3A_56 : vector<16xf32>
            %parallel_loop3A_402 = arith.subf %parallel_loop3A_400, %parallel_loop3A_401 : vector<16xf32>
            %parallel_loop3A_403 = arith.addf %parallel_loop3A_383, %parallel_loop3A_402 : vector<16xf32>
            %parallel_loop3A_404 = arith.index_cast %parallel_loop3A_172 : i32 to index
            %parallel_loop3A_405 = arith.constant 128 : index
            %parallel_loop3A_406 = tpu.vector_load %arg11[%parallel_loop3A_404, %parallel_loop3A_405] {strides = array<i32>} : memref<16x224xf32, #tpu.memory_space<vmem>>, vector<16xf32>,
            tpu.vector_store %arg11[%parallel_loop3A_404, %parallel_loop3A_405], %parallel_loop3A_403 {strides = array<i32>} : memref<16x224xf32, #tpu.memory_space<vmem>>, vector<16xf32>,
            %parallel_loop3A_407 = arith.index_cast %parallel_loop3A_172 : i32 to index
            %parallel_loop3A_408 = arith.constant 144 : index
            %parallel_loop3A_409 = tpu.vector_load %arg9[%parallel_loop3A_407, %parallel_loop3A_408] {strides = array<i32>} : memref<16x224xf32, #tpu.memory_space<vmem>>, vector<16xf32>,
            %parallel_loop3A_410 = arith.constant -5.500000e+00 : f32
            %parallel_loop3A_411 = vector.broadcast %parallel_loop3A_410 : f32 to vector<16xf32>
            %parallel_loop3A_412 = arith.subf %parallel_loop3A_409, %parallel_loop3A_411 : vector<16xf32>
            %parallel_loop3A_413 = arith.constant 372.363647 : f32
            %parallel_loop3A_414 = vector.broadcast %parallel_loop3A_413 : f32 to vector<16xf32>
            %parallel_loop3A_415 = arith.mulf %parallel_loop3A_412, %parallel_loop3A_414 : vector<16xf32>
            %parallel_loop3A_416 = arith.constant 0.000000e+00 : f32
            %parallel_loop3A_417 = arith.constant 4.095000e+03 : f32
            %parallel_loop3A_418 = vector.broadcast %parallel_loop3A_416 : f32 to vector<16xf32>
            %parallel_loop3A_419 = arith.maximumf %parallel_loop3A_418, %parallel_loop3A_415 : vector<16xf32>
            %parallel_loop3A_420 = vector.broadcast %parallel_loop3A_417 : f32 to vector<16xf32>
            %parallel_loop3A_421 = arith.minimumf %parallel_loop3A_420, %parallel_loop3A_419 : vector<16xf32>
            %parallel_loop3A_422 = arith.fptosi %parallel_loop3A_421 : vector<16xf32> to vector<16xi32>
            %parallel_loop3A_423 = vector.broadcast %mul3A_53 : i32 to vector<16xi32>
            %parallel_loop3A_424 = arith.addi %parallel_loop3A_422, %parallel_loop3A_423 : vector<16xi32>
            %parallel_loop3A_425 = tpu.vector_load_idx %arg7[%parallel_loop3A_424] : memref<32768xf32, #tpu.memory_space<vmem>>[vector<16xi32>], vector<16xf32>,
            %parallel_loop3A_426 = arith.mulf %parallel_loop3A_425, %sub3A_56 : vector<16xf32>
            %parallel_loop3A_427 = arith.mulf %parallel_loop3A_409, %sub3A_56 : vector<16xf32>
            %parallel_loop3A_428 = arith.subf %parallel_loop3A_426, %parallel_loop3A_427 : vector<16xf32>
            %parallel_loop3A_429 = arith.addf %parallel_loop3A_409, %parallel_loop3A_428 : vector<16xf32>
            %parallel_loop3A_430 = arith.index_cast %parallel_loop3A_172 : i32 to index
            %parallel_loop3A_431 = arith.constant 144 : index
            %parallel_loop3A_432 = tpu.vector_load %arg11[%parallel_loop3A_430, %parallel_loop3A_431] {strides = array<i32>} : memref<16x224xf32, #tpu.memory_space<vmem>>, vector<16xf32>,
            tpu.vector_store %arg11[%parallel_loop3A_430, %parallel_loop3A_431], %parallel_loop3A_429 {strides = array<i32>} : memref<16x224xf32, #tpu.memory_space<vmem>>, vector<16xf32>,
            %parallel_loop3A_433 = arith.index_cast %parallel_loop3A_172 : i32 to index
            %parallel_loop3A_434 = arith.constant 160 : index
            %parallel_loop3A_435 = tpu.vector_load %arg9[%parallel_loop3A_433, %parallel_loop3A_434] {strides = array<i32>} : memref<16x224xf32, #tpu.memory_space<vmem>>, vector<16xf32>,
            %parallel_loop3A_436 = arith.constant -5.500000e+00 : f32
            %parallel_loop3A_437 = vector.broadcast %parallel_loop3A_436 : f32 to vector<16xf32>
            %parallel_loop3A_438 = arith.subf %parallel_loop3A_435, %parallel_loop3A_437 : vector<16xf32>
            %parallel_loop3A_439 = arith.constant 372.363647 : f32
            %parallel_loop3A_440 = vector.broadcast %parallel_loop3A_439 : f32 to vector<16xf32>
            %parallel_loop3A_441 = arith.mulf %parallel_loop3A_438, %parallel_loop3A_440 : vector<16xf32>
            %parallel_loop3A_442 = arith.constant 0.000000e+00 : f32
            %parallel_loop3A_443 = arith.constant 4.095000e+03 : f32
            %parallel_loop3A_444 = vector.broadcast %parallel_loop3A_442 : f32 to vector<16xf32>
            %parallel_loop3A_445 = arith.maximumf %parallel_loop3A_444, %parallel_loop3A_441 : vector<16xf32>
            %parallel_loop3A_446 = vector.broadcast %parallel_loop3A_443 : f32 to vector<16xf32>
            %parallel_loop3A_447 = arith.minimumf %parallel_loop3A_446, %parallel_loop3A_445 : vector<16xf32>
            %parallel_loop3A_448 = arith.fptosi %parallel_loop3A_447 : vector<16xf32> to vector<16xi32>
            %parallel_loop3A_449 = vector.broadcast %mul3A_53 : i32 to vector<16xi32>
            %parallel_loop3A_450 = arith.addi %parallel_loop3A_448, %parallel_loop3A_449 : vector<16xi32>
            %parallel_loop3A_451 = tpu.vector_load_idx %arg7[%parallel_loop3A_450] : memref<32768xf32, #tpu.memory_space<vmem>>[vector<16xi32>], vector<16xf32>,
            %parallel_loop3A_452 = arith.mulf %parallel_loop3A_451, %sub3A_56 : vector<16xf32>
            %parallel_loop3A_453 = arith.mulf %parallel_loop3A_435, %sub3A_56 : vector<16xf32>
            %parallel_loop3A_454 = arith.subf %parallel_loop3A_452, %parallel_loop3A_453 : vector<16xf32>
            %parallel_loop3A_455 = arith.addf %parallel_loop3A_435, %parallel_loop3A_454 : vector<16xf32>
            %parallel_loop3A_456 = arith.index_cast %parallel_loop3A_172 : i32 to index
            %parallel_loop3A_457 = arith.constant 160 : index
            %parallel_loop3A_458 = tpu.vector_load %arg11[%parallel_loop3A_456, %parallel_loop3A_457] {strides = array<i32>} : memref<16x224xf32, #tpu.memory_space<vmem>>, vector<16xf32>,
            tpu.vector_store %arg11[%parallel_loop3A_456, %parallel_loop3A_457], %parallel_loop3A_455 {strides = array<i32>} : memref<16x224xf32, #tpu.memory_space<vmem>>, vector<16xf32>,
            %parallel_loop3A_459 = arith.index_cast %parallel_loop3A_172 : i32 to index
            %parallel_loop3A_460 = arith.constant 176 : index
            %parallel_loop3A_461 = tpu.vector_load %arg9[%parallel_loop3A_459, %parallel_loop3A_460] {strides = array<i32>} : memref<16x224xf32, #tpu.memory_space<vmem>>, vector<16xf32>,
            %parallel_loop3A_462 = arith.constant -5.500000e+00 : f32
            %parallel_loop3A_463 = vector.broadcast %parallel_loop3A_462 : f32 to vector<16xf32>
            %parallel_loop3A_464 = arith.subf %parallel_loop3A_461, %parallel_loop3A_463 : vector<16xf32>
            %parallel_loop3A_465 = arith.constant 372.363647 : f32
            %parallel_loop3A_466 = vector.broadcast %parallel_loop3A_465 : f32 to vector<16xf32>
            %parallel_loop3A_467 = arith.mulf %parallel_loop3A_464, %parallel_loop3A_466 : vector<16xf32>
            %parallel_loop3A_468 = arith.constant 0.000000e+00 : f32
            %parallel_loop3A_469 = arith.constant 4.095000e+03 : f32
            %parallel_loop3A_470 = vector.broadcast %parallel_loop3A_468 : f32 to vector<16xf32>
            %parallel_loop3A_471 = arith.maximumf %parallel_loop3A_470, %parallel_loop3A_467 : vector<16xf32>
            %parallel_loop3A_472 = vector.broadcast %parallel_loop3A_469 : f32 to vector<16xf32>
            %parallel_loop3A_473 = arith.minimumf %parallel_loop3A_472, %parallel_loop3A_471 : vector<16xf32>
            %parallel_loop3A_474 = arith.fptosi %parallel_loop3A_473 : vector<16xf32> to vector<16xi32>
            %parallel_loop3A_475 = vector.broadcast %mul3A_53 : i32 to vector<16xi32>
            %parallel_loop3A_476 = arith.addi %parallel_loop3A_474, %parallel_loop3A_475 : vector<16xi32>
            %parallel_loop3A_477 = tpu.vector_load_idx %arg7[%parallel_loop3A_476] : memref<32768xf32, #tpu.memory_space<vmem>>[vector<16xi32>], vector<16xf32>,
            %parallel_loop3A_478 = arith.mulf %parallel_loop3A_477, %sub3A_56 : vector<16xf32>
            %parallel_loop3A_479 = arith.mulf %parallel_loop3A_461, %sub3A_56 : vector<16xf32>
            %parallel_loop3A_480 = arith.subf %parallel_loop3A_478, %parallel_loop3A_479 : vector<16xf32>
            %parallel_loop3A_481 = arith.addf %parallel_loop3A_461, %parallel_loop3A_480 : vector<16xf32>
            %parallel_loop3A_482 = arith.index_cast %parallel_loop3A_172 : i32 to index
            %parallel_loop3A_483 = arith.constant 176 : index
            %parallel_loop3A_484 = tpu.vector_load %arg11[%parallel_loop3A_482, %parallel_loop3A_483] {strides = array<i32>} : memref<16x224xf32, #tpu.memory_space<vmem>>, vector<16xf32>,
            tpu.vector_store %arg11[%parallel_loop3A_482, %parallel_loop3A_483], %parallel_loop3A_481 {strides = array<i32>} : memref<16x224xf32, #tpu.memory_space<vmem>>, vector<16xf32>,
            %parallel_loop3A_485 = arith.index_cast %parallel_loop3A_172 : i32 to index
            %parallel_loop3A_486 = arith.constant 192 : index
            %parallel_loop3A_487 = tpu.vector_load %arg9[%parallel_loop3A_485, %parallel_loop3A_486] {strides = array<i32>} : memref<16x224xf32, #tpu.memory_space<vmem>>, vector<16xf32>,
            %parallel_loop3A_488 = arith.constant -5.500000e+00 : f32
            %parallel_loop3A_489 = vector.broadcast %parallel_loop3A_488 : f32 to vector<16xf32>
            %parallel_loop3A_490 = arith.subf %parallel_loop3A_487, %parallel_loop3A_489 : vector<16xf32>
            %parallel_loop3A_491 = arith.constant 372.363647 : f32
            %parallel_loop3A_492 = vector.broadcast %parallel_loop3A_491 : f32 to vector<16xf32>
            %parallel_loop3A_493 = arith.mulf %parallel_loop3A_490, %parallel_loop3A_492 : vector<16xf32>
            %parallel_loop3A_494 = arith.constant 0.000000e+00 : f32
            %parallel_loop3A_495 = arith.constant 4.095000e+03 : f32
            %parallel_loop3A_496 = vector.broadcast %parallel_loop3A_494 : f32 to vector<16xf32>
            %parallel_loop3A_497 = arith.maximumf %parallel_loop3A_496, %parallel_loop3A_493 : vector<16xf32>
            %parallel_loop3A_498 = vector.broadcast %parallel_loop3A_495 : f32 to vector<16xf32>
            %parallel_loop3A_499 = arith.minimumf %parallel_loop3A_498, %parallel_loop3A_497 : vector<16xf32>
            %parallel_loop3A_500 = arith.fptosi %parallel_loop3A_499 : vector<16xf32> to vector<16xi32>
            %parallel_loop3A_501 = vector.broadcast %mul3A_53 : i32 to vector<16xi32>
            %parallel_loop3A_502 = arith.addi %parallel_loop3A_500, %parallel_loop3A_501 : vector<16xi32>
            %parallel_loop3A_503 = tpu.vector_load_idx %arg7[%parallel_loop3A_502] : memref<32768xf32, #tpu.memory_space<vmem>>[vector<16xi32>], vector<16xf32>,
            %parallel_loop3A_504 = arith.mulf %parallel_loop3A_503, %sub3A_56 : vector<16xf32>
            %parallel_loop3A_505 = arith.mulf %parallel_loop3A_487, %sub3A_56 : vector<16xf32>
            %parallel_loop3A_506 = arith.subf %parallel_loop3A_504, %parallel_loop3A_505 : vector<16xf32>
            %parallel_loop3A_507 = arith.addf %parallel_loop3A_487, %parallel_loop3A_506 : vector<16xf32>
            %parallel_loop3A_508 = arith.index_cast %parallel_loop3A_172 : i32 to index
            %parallel_loop3A_509 = arith.constant 192 : index
            %parallel_loop3A_510 = tpu.vector_load %arg11[%parallel_loop3A_508, %parallel_loop3A_509] {strides = array<i32>} : memref<16x224xf32, #tpu.memory_space<vmem>>, vector<16xf32>,
            tpu.vector_store %arg11[%parallel_loop3A_508, %parallel_loop3A_509], %parallel_loop3A_507 {strides = array<i32>} : memref<16x224xf32, #tpu.memory_space<vmem>>, vector<16xf32>,
            %parallel_loop3A_511 = arith.index_cast %parallel_loop3A_172 : i32 to index
            %parallel_loop3A_512 = arith.constant 208 : index
            %parallel_loop3A_513 = tpu.vector_load %arg9[%parallel_loop3A_511, %parallel_loop3A_512] {strides = array<i32>} : memref<16x224xf32, #tpu.memory_space<vmem>>, vector<16xf32>,
            %parallel_loop3A_514 = arith.constant -5.500000e+00 : f32
            %parallel_loop3A_515 = vector.broadcast %parallel_loop3A_514 : f32 to vector<16xf32>
            %parallel_loop3A_516 = arith.subf %parallel_loop3A_513, %parallel_loop3A_515 : vector<16xf32>
            %parallel_loop3A_517 = arith.constant 372.363647 : f32
            %parallel_loop3A_518 = vector.broadcast %parallel_loop3A_517 : f32 to vector<16xf32>
            %parallel_loop3A_519 = arith.mulf %parallel_loop3A_516, %parallel_loop3A_518 : vector<16xf32>
            %parallel_loop3A_520 = arith.constant 0.000000e+00 : f32
            %parallel_loop3A_521 = arith.constant 4.095000e+03 : f32
            %parallel_loop3A_522 = vector.broadcast %parallel_loop3A_520 : f32 to vector<16xf32>
            %parallel_loop3A_523 = arith.maximumf %parallel_loop3A_522, %parallel_loop3A_519 : vector<16xf32>
            %parallel_loop3A_524 = vector.broadcast %parallel_loop3A_521 : f32 to vector<16xf32>
            %parallel_loop3A_525 = arith.minimumf %parallel_loop3A_524, %parallel_loop3A_523 : vector<16xf32>
            %parallel_loop3A_526 = arith.fptosi %parallel_loop3A_525 : vector<16xf32> to vector<16xi32>
            %parallel_loop3A_527 = vector.broadcast %mul3A_53 : i32 to vector<16xi32>
            %parallel_loop3A_528 = arith.addi %parallel_loop3A_526, %parallel_loop3A_527 : vector<16xi32>
            %parallel_loop3A_529 = tpu.vector_load_idx %arg7[%parallel_loop3A_528] : memref<32768xf32, #tpu.memory_space<vmem>>[vector<16xi32>], vector<16xf32>,
            %parallel_loop3A_530 = arith.mulf %parallel_loop3A_529, %sub3A_56 : vector<16xf32>
            %parallel_loop3A_531 = arith.mulf %parallel_loop3A_513, %sub3A_56 : vector<16xf32>
            %parallel_loop3A_532 = arith.subf %parallel_loop3A_530, %parallel_loop3A_531 : vector<16xf32>
            %parallel_loop3A_533 = arith.addf %parallel_loop3A_513, %parallel_loop3A_532 : vector<16xf32>
            %parallel_loop3A_534 = arith.index_cast %parallel_loop3A_172 : i32 to index
            %parallel_loop3A_535 = arith.constant 208 : index
            %parallel_loop3A_536 = tpu.vector_load %arg11[%parallel_loop3A_534, %parallel_loop3A_535] {strides = array<i32>} : memref<16x224xf32, #tpu.memory_space<vmem>>, vector<16xf32>,
            tpu.vector_store %arg11[%parallel_loop3A_534, %parallel_loop3A_535], %parallel_loop3A_533 {strides = array<i32>} : memref<16x224xf32, #tpu.memory_space<vmem>>, vector<16xf32>,
          } {sc.loop_unroll_factor = 1 : i64, sc.parallel_access}
          %mul3A_112 = arith.constant 2 : i32
          %mul3A_113 = arith.muli %mul3A_112, %scan3A_95 : i32
          %mul3A_114 = arith.constant 16 : i32
          %mul3A_115 = arith.muli %mul3A_113, %mul3A_114 : i32
          %dma_start3A_116 = arith.constant 0 : i32
          %dma_start3A_117 = tpu.memref_slice %arg5[%scan3A_50, %add3A_24, %mul3A_115, %dma_start3A_116] : memref<8x96x224x224xf32, #tpu.memory_space<hbm>> -> memref<1x1x16x224xf32, #tpu.memory_space<hbm>>
          %dma_start3A_118 = tpu.memref_squeeze %dma_start3A_117 : memref<1x1x16x224xf32, #tpu.memory_space<hbm>> -> memref<16x224xf32, #tpu.memory_space<hbm>>
          %dma_start3A_119 = arith.constant 0 : i32
          %dma_start3A_120 = tpu.memref_slice %arg5[%scan3A_50, %add3A_24, %mul3A_115, %dma_start3A_119] : memref<8x96x224x224xf32, #tpu.memory_space<hbm>> -> memref<1x1x16x224xf32, #tpu.memory_space<hbm>>
          %dma_start3A_121 = tpu.memref_squeeze %dma_start3A_120 : memref<1x1x16x224xf32, #tpu.memory_space<hbm>> -> memref<16x224xf32, #tpu.memory_space<hbm>>
          tpu.enqueue_dma source(%arg11 : memref<16x224xf32, #tpu.memory_space<vmem>>) target(%dma_start3A_121 : memref<16x224xf32, #tpu.memory_space<hbm>>) target_semaphore(%arg17 : memref<!tpu.dma_semaphore, #tpu.memory_space<semaphore_mem>>)
          %mul3A_122 = arith.constant 2 : i32
          %mul3A_123 = arith.muli %mul3A_122, %scan3A_95 : i32
          %add3A_124 = arith.constant 2 : i32
          %add3A_125 = arith.addi %mul3A_123, %add3A_124 : i32
          %lt3A = arith.constant 14 : i32
          %lt3A_126 = arith.cmpi slt, %add3A_125, %lt3A : i32
          %convert_element_type3A_127 = arith.extui %lt3A_126 : i1 to i32
          %cond3A_128 = arith.constant 0 : i32
          %cond3A_129 = arith.cmpi ne, %convert_element_type3A_127, %cond3A_128 : i32
          scf.if %cond3A_129 {
            %mul3A_172 = arith.constant 2 : i32
            %mul3A_173 = arith.muli %mul3A_172, %scan3A_95 : i32
            %add3A_174 = arith.constant 2 : i32
            %add3A_175 = arith.addi %mul3A_173, %add3A_174 : i32
            %mul3A_176 = arith.constant 16 : i32
            %mul3A_177 = arith.muli %add3A_175, %mul3A_176 : i32
            %dma_start3A_178 = arith.constant 0 : i32
            %dma_start3A_179 = tpu.memref_slice %arg2[%scan3A_50, %add3A_24, %mul3A_177, %dma_start3A_178] : memref<8x96x224x224xf32, #tpu.memory_space<hbm>> -> memref<1x1x16x224xf32, #tpu.memory_space<hbm>>
            %dma_start3A_180 = tpu.memref_squeeze %dma_start3A_179 : memref<1x1x16x224xf32, #tpu.memory_space<hbm>> -> memref<16x224xf32, #tpu.memory_space<hbm>>
            %dma_start3A_181 = arith.constant 0 : i32
            %dma_start3A_182 = tpu.memref_slice %arg2[%scan3A_50, %add3A_24, %mul3A_177, %dma_start3A_181] : memref<8x96x224x224xf32, #tpu.memory_space<hbm>> -> memref<1x1x16x224xf32, #tpu.memory_space<hbm>>
            %dma_start3A_183 = tpu.memref_squeeze %dma_start3A_182 : memref<1x1x16x224xf32, #tpu.memory_space<hbm>> -> memref<16x224xf32, #tpu.memory_space<hbm>>
            tpu.enqueue_dma source(%dma_start3A_183 : memref<16x224xf32, #tpu.memory_space<hbm>>) target(%arg9 : memref<16x224xf32, #tpu.memory_space<vmem>>) target_semaphore(%arg15 : memref<!tpu.dma_semaphore, #tpu.memory_space<semaphore_mem>>)
          } else {
          }
          %mul3A_130 = arith.constant 2 : i32
          %mul3A_131 = arith.muli %mul3A_130, %scan3A_95 : i32
          %add3A_132 = arith.constant 1 : i32
          %add3A_133 = arith.addi %mul3A_131, %add3A_132 : i32
          %mul3A_134 = arith.constant 16 : i32
          %mul3A_135 = arith.muli %add3A_133, %mul3A_134 : i32
          %dma_wait3A_136 = arith.constant 0 : i32
          %dma_wait3A_137 = tpu.memref_slice %arg2[%scan3A_50, %add3A_24, %mul3A_135, %dma_wait3A_136] : memref<8x96x224x224xf32, #tpu.memory_space<hbm>> -> memref<1x1x16x224xf32, #tpu.memory_space<hbm>>
          %dma_wait3A_138 = tpu.memref_squeeze %dma_wait3A_137 : memref<1x1x16x224xf32, #tpu.memory_space<hbm>> -> memref<16x224xf32, #tpu.memory_space<hbm>>
          %dma_wait3A_139 = arith.constant 0 : i32
          %dma_wait3A_140 = tpu.memref_slice %arg2[%scan3A_50, %add3A_24, %mul3A_135, %dma_wait3A_139] : memref<8x96x224x224xf32, #tpu.memory_space<hbm>> -> memref<1x1x16x224xf32, #tpu.memory_space<hbm>>
          %dma_wait3A_141 = tpu.memref_squeeze %dma_wait3A_140 : memref<1x1x16x224xf32, #tpu.memory_space<hbm>> -> memref<16x224xf32, #tpu.memory_space<hbm>>
          tpu.wait_dma2 semaphore(%arg16 : memref<!tpu.dma_semaphore, #tpu.memory_space<semaphore_mem>>) src(%dma_wait3A_141 : memref<16x224xf32, #tpu.memory_space<hbm>>) dst(%arg10 : memref<16x224xf32, #tpu.memory_space<vmem>>)
          %gt3A_142 = arith.constant 0 : i32
          %gt3A_143 = arith.cmpi sgt, %scan3A_95, %gt3A_142 : i32
          %convert_element_type3A_144 = arith.extui %gt3A_143 : i1 to i32
          %cond3A_145 = arith.constant 0 : i32
          %cond3A_146 = arith.cmpi ne, %convert_element_type3A_144, %cond3A_145 : i32
          scf.if %cond3A_146 {
            %mul3A_172 = arith.constant 2 : i32
            %mul3A_173 = arith.muli %mul3A_172, %scan3A_95 : i32
            %sub3A_174 = arith.constant 1 : i32
            %sub3A_175 = arith.subi %mul3A_173, %sub3A_174 : i32
            %mul3A_176 = arith.constant 16 : i32
            %mul3A_177 = arith.muli %sub3A_175, %mul3A_176 : i32
            %dma_wait3A_178 = arith.constant 0 : i32
            %dma_wait3A_179 = tpu.memref_slice %arg5[%scan3A_50, %add3A_24, %mul3A_177, %dma_wait3A_178] : memref<8x96x224x224xf32, #tpu.memory_space<hbm>> -> memref<1x1x16x224xf32, #tpu.memory_space<hbm>>
            %dma_wait3A_180 = tpu.memref_squeeze %dma_wait3A_179 : memref<1x1x16x224xf32, #tpu.memory_space<hbm>> -> memref<16x224xf32, #tpu.memory_space<hbm>>
            %dma_wait3A_181 = arith.constant 0 : i32
            %dma_wait3A_182 = tpu.memref_slice %arg5[%scan3A_50, %add3A_24, %mul3A_177, %dma_wait3A_181] : memref<8x96x224x224xf32, #tpu.memory_space<hbm>> -> memref<1x1x16x224xf32, #tpu.memory_space<hbm>>
            %dma_wait3A_183 = tpu.memref_squeeze %dma_wait3A_182 : memref<1x1x16x224xf32, #tpu.memory_space<hbm>> -> memref<16x224xf32, #tpu.memory_space<hbm>>
            tpu.wait_dma2 semaphore(%arg18 : memref<!tpu.dma_semaphore, #tpu.memory_space<semaphore_mem>>) src(%arg12 : memref<16x224xf32, #tpu.memory_space<vmem>>) dst(%dma_wait3A_183 : memref<16x224xf32, #tpu.memory_space<hbm>>)
          } else {
          }
          %parallel_loop3A_147 = arith.constant 0 : i32
          %parallel_loop3A_148 = arith.constant 16 : i32
          %parallel_loop3A_149 = arith.constant 1 : i32
          scf.for %parallel_loop3A_172 = %parallel_loop3A_147 to %parallel_loop3A_148 step %parallel_loop3A_149  : i32 {
            %parallel_loop3A_173 = arith.index_cast %parallel_loop3A_172 : i32 to index
            %parallel_loop3A_174 = arith.constant 0 : index
            %parallel_loop3A_175 = tpu.vector_load %arg10[%parallel_loop3A_173, %parallel_loop3A_174] {strides = array<i32>} : memref<16x224xf32, #tpu.memory_space<vmem>>, vector<16xf32>,
            %parallel_loop3A_176 = arith.constant -5.500000e+00 : f32
            %parallel_loop3A_177 = vector.broadcast %parallel_loop3A_176 : f32 to vector<16xf32>
            %parallel_loop3A_178 = arith.subf %parallel_loop3A_175, %parallel_loop3A_177 : vector<16xf32>
            %parallel_loop3A_179 = arith.constant 372.363647 : f32
            %parallel_loop3A_180 = vector.broadcast %parallel_loop3A_179 : f32 to vector<16xf32>
            %parallel_loop3A_181 = arith.mulf %parallel_loop3A_178, %parallel_loop3A_180 : vector<16xf32>
            %parallel_loop3A_182 = arith.constant 0.000000e+00 : f32
            %parallel_loop3A_183 = arith.constant 4.095000e+03 : f32
            %parallel_loop3A_184 = vector.broadcast %parallel_loop3A_182 : f32 to vector<16xf32>
            %parallel_loop3A_185 = arith.maximumf %parallel_loop3A_184, %parallel_loop3A_181 : vector<16xf32>
            %parallel_loop3A_186 = vector.broadcast %parallel_loop3A_183 : f32 to vector<16xf32>
            %parallel_loop3A_187 = arith.minimumf %parallel_loop3A_186, %parallel_loop3A_185 : vector<16xf32>
            %parallel_loop3A_188 = arith.fptosi %parallel_loop3A_187 : vector<16xf32> to vector<16xi32>
            %parallel_loop3A_189 = vector.broadcast %mul3A_53 : i32 to vector<16xi32>
            %parallel_loop3A_190 = arith.addi %parallel_loop3A_188, %parallel_loop3A_189 : vector<16xi32>
            %parallel_loop3A_191 = tpu.vector_load_idx %arg7[%parallel_loop3A_190] : memref<32768xf32, #tpu.memory_space<vmem>>[vector<16xi32>], vector<16xf32>,
            %parallel_loop3A_192 = arith.mulf %parallel_loop3A_191, %sub3A_56 : vector<16xf32>
            %parallel_loop3A_193 = arith.mulf %parallel_loop3A_175, %sub3A_56 : vector<16xf32>
            %parallel_loop3A_194 = arith.subf %parallel_loop3A_192, %parallel_loop3A_193 : vector<16xf32>
            %parallel_loop3A_195 = arith.addf %parallel_loop3A_175, %parallel_loop3A_194 : vector<16xf32>
            %parallel_loop3A_196 = arith.index_cast %parallel_loop3A_172 : i32 to index
            %parallel_loop3A_197 = arith.constant 0 : index
            %parallel_loop3A_198 = tpu.vector_load %arg12[%parallel_loop3A_196, %parallel_loop3A_197] {strides = array<i32>} : memref<16x224xf32, #tpu.memory_space<vmem>>, vector<16xf32>,
            tpu.vector_store %arg12[%parallel_loop3A_196, %parallel_loop3A_197], %parallel_loop3A_195 {strides = array<i32>} : memref<16x224xf32, #tpu.memory_space<vmem>>, vector<16xf32>,
            %parallel_loop3A_199 = arith.index_cast %parallel_loop3A_172 : i32 to index
            %parallel_loop3A_200 = arith.constant 16 : index
            %parallel_loop3A_201 = tpu.vector_load %arg10[%parallel_loop3A_199, %parallel_loop3A_200] {strides = array<i32>} : memref<16x224xf32, #tpu.memory_space<vmem>>, vector<16xf32>,
            %parallel_loop3A_202 = arith.constant -5.500000e+00 : f32
            %parallel_loop3A_203 = vector.broadcast %parallel_loop3A_202 : f32 to vector<16xf32>
            %parallel_loop3A_204 = arith.subf %parallel_loop3A_201, %parallel_loop3A_203 : vector<16xf32>
            %parallel_loop3A_205 = arith.constant 372.363647 : f32
            %parallel_loop3A_206 = vector.broadcast %parallel_loop3A_205 : f32 to vector<16xf32>
            %parallel_loop3A_207 = arith.mulf %parallel_loop3A_204, %parallel_loop3A_206 : vector<16xf32>
            %parallel_loop3A_208 = arith.constant 0.000000e+00 : f32
            %parallel_loop3A_209 = arith.constant 4.095000e+03 : f32
            %parallel_loop3A_210 = vector.broadcast %parallel_loop3A_208 : f32 to vector<16xf32>
            %parallel_loop3A_211 = arith.maximumf %parallel_loop3A_210, %parallel_loop3A_207 : vector<16xf32>
            %parallel_loop3A_212 = vector.broadcast %parallel_loop3A_209 : f32 to vector<16xf32>
            %parallel_loop3A_213 = arith.minimumf %parallel_loop3A_212, %parallel_loop3A_211 : vector<16xf32>
            %parallel_loop3A_214 = arith.fptosi %parallel_loop3A_213 : vector<16xf32> to vector<16xi32>
            %parallel_loop3A_215 = vector.broadcast %mul3A_53 : i32 to vector<16xi32>
            %parallel_loop3A_216 = arith.addi %parallel_loop3A_214, %parallel_loop3A_215 : vector<16xi32>
            %parallel_loop3A_217 = tpu.vector_load_idx %arg7[%parallel_loop3A_216] : memref<32768xf32, #tpu.memory_space<vmem>>[vector<16xi32>], vector<16xf32>,
            %parallel_loop3A_218 = arith.mulf %parallel_loop3A_217, %sub3A_56 : vector<16xf32>
            %parallel_loop3A_219 = arith.mulf %parallel_loop3A_201, %sub3A_56 : vector<16xf32>
            %parallel_loop3A_220 = arith.subf %parallel_loop3A_218, %parallel_loop3A_219 : vector<16xf32>
            %parallel_loop3A_221 = arith.addf %parallel_loop3A_201, %parallel_loop3A_220 : vector<16xf32>
            %parallel_loop3A_222 = arith.index_cast %parallel_loop3A_172 : i32 to index
            %parallel_loop3A_223 = arith.constant 16 : index
            %parallel_loop3A_224 = tpu.vector_load %arg12[%parallel_loop3A_222, %parallel_loop3A_223] {strides = array<i32>} : memref<16x224xf32, #tpu.memory_space<vmem>>, vector<16xf32>,
            tpu.vector_store %arg12[%parallel_loop3A_222, %parallel_loop3A_223], %parallel_loop3A_221 {strides = array<i32>} : memref<16x224xf32, #tpu.memory_space<vmem>>, vector<16xf32>,
            %parallel_loop3A_225 = arith.index_cast %parallel_loop3A_172 : i32 to index
            %parallel_loop3A_226 = arith.constant 32 : index
            %parallel_loop3A_227 = tpu.vector_load %arg10[%parallel_loop3A_225, %parallel_loop3A_226] {strides = array<i32>} : memref<16x224xf32, #tpu.memory_space<vmem>>, vector<16xf32>,
            %parallel_loop3A_228 = arith.constant -5.500000e+00 : f32
            %parallel_loop3A_229 = vector.broadcast %parallel_loop3A_228 : f32 to vector<16xf32>
            %parallel_loop3A_230 = arith.subf %parallel_loop3A_227, %parallel_loop3A_229 : vector<16xf32>
            %parallel_loop3A_231 = arith.constant 372.363647 : f32
            %parallel_loop3A_232 = vector.broadcast %parallel_loop3A_231 : f32 to vector<16xf32>
            %parallel_loop3A_233 = arith.mulf %parallel_loop3A_230, %parallel_loop3A_232 : vector<16xf32>
            %parallel_loop3A_234 = arith.constant 0.000000e+00 : f32
            %parallel_loop3A_235 = arith.constant 4.095000e+03 : f32
            %parallel_loop3A_236 = vector.broadcast %parallel_loop3A_234 : f32 to vector<16xf32>
            %parallel_loop3A_237 = arith.maximumf %parallel_loop3A_236, %parallel_loop3A_233 : vector<16xf32>
            %parallel_loop3A_238 = vector.broadcast %parallel_loop3A_235 : f32 to vector<16xf32>
            %parallel_loop3A_239 = arith.minimumf %parallel_loop3A_238, %parallel_loop3A_237 : vector<16xf32>
            %parallel_loop3A_240 = arith.fptosi %parallel_loop3A_239 : vector<16xf32> to vector<16xi32>
            %parallel_loop3A_241 = vector.broadcast %mul3A_53 : i32 to vector<16xi32>
            %parallel_loop3A_242 = arith.addi %parallel_loop3A_240, %parallel_loop3A_241 : vector<16xi32>
            %parallel_loop3A_243 = tpu.vector_load_idx %arg7[%parallel_loop3A_242] : memref<32768xf32, #tpu.memory_space<vmem>>[vector<16xi32>], vector<16xf32>,
            %parallel_loop3A_244 = arith.mulf %parallel_loop3A_243, %sub3A_56 : vector<16xf32>
            %parallel_loop3A_245 = arith.mulf %parallel_loop3A_227, %sub3A_56 : vector<16xf32>
            %parallel_loop3A_246 = arith.subf %parallel_loop3A_244, %parallel_loop3A_245 : vector<16xf32>
            %parallel_loop3A_247 = arith.addf %parallel_loop3A_227, %parallel_loop3A_246 : vector<16xf32>
            %parallel_loop3A_248 = arith.index_cast %parallel_loop3A_172 : i32 to index
            %parallel_loop3A_249 = arith.constant 32 : index
            %parallel_loop3A_250 = tpu.vector_load %arg12[%parallel_loop3A_248, %parallel_loop3A_249] {strides = array<i32>} : memref<16x224xf32, #tpu.memory_space<vmem>>, vector<16xf32>,
            tpu.vector_store %arg12[%parallel_loop3A_248, %parallel_loop3A_249], %parallel_loop3A_247 {strides = array<i32>} : memref<16x224xf32, #tpu.memory_space<vmem>>, vector<16xf32>,
            %parallel_loop3A_251 = arith.index_cast %parallel_loop3A_172 : i32 to index
            %parallel_loop3A_252 = arith.constant 48 : index
            %parallel_loop3A_253 = tpu.vector_load %arg10[%parallel_loop3A_251, %parallel_loop3A_252] {strides = array<i32>} : memref<16x224xf32, #tpu.memory_space<vmem>>, vector<16xf32>,
            %parallel_loop3A_254 = arith.constant -5.500000e+00 : f32
            %parallel_loop3A_255 = vector.broadcast %parallel_loop3A_254 : f32 to vector<16xf32>
            %parallel_loop3A_256 = arith.subf %parallel_loop3A_253, %parallel_loop3A_255 : vector<16xf32>
            %parallel_loop3A_257 = arith.constant 372.363647 : f32
            %parallel_loop3A_258 = vector.broadcast %parallel_loop3A_257 : f32 to vector<16xf32>
            %parallel_loop3A_259 = arith.mulf %parallel_loop3A_256, %parallel_loop3A_258 : vector<16xf32>
            %parallel_loop3A_260 = arith.constant 0.000000e+00 : f32
            %parallel_loop3A_261 = arith.constant 4.095000e+03 : f32
            %parallel_loop3A_262 = vector.broadcast %parallel_loop3A_260 : f32 to vector<16xf32>
            %parallel_loop3A_263 = arith.maximumf %parallel_loop3A_262, %parallel_loop3A_259 : vector<16xf32>
            %parallel_loop3A_264 = vector.broadcast %parallel_loop3A_261 : f32 to vector<16xf32>
            %parallel_loop3A_265 = arith.minimumf %parallel_loop3A_264, %parallel_loop3A_263 : vector<16xf32>
            %parallel_loop3A_266 = arith.fptosi %parallel_loop3A_265 : vector<16xf32> to vector<16xi32>
            %parallel_loop3A_267 = vector.broadcast %mul3A_53 : i32 to vector<16xi32>
            %parallel_loop3A_268 = arith.addi %parallel_loop3A_266, %parallel_loop3A_267 : vector<16xi32>
            %parallel_loop3A_269 = tpu.vector_load_idx %arg7[%parallel_loop3A_268] : memref<32768xf32, #tpu.memory_space<vmem>>[vector<16xi32>], vector<16xf32>,
            %parallel_loop3A_270 = arith.mulf %parallel_loop3A_269, %sub3A_56 : vector<16xf32>
            %parallel_loop3A_271 = arith.mulf %parallel_loop3A_253, %sub3A_56 : vector<16xf32>
            %parallel_loop3A_272 = arith.subf %parallel_loop3A_270, %parallel_loop3A_271 : vector<16xf32>
            %parallel_loop3A_273 = arith.addf %parallel_loop3A_253, %parallel_loop3A_272 : vector<16xf32>
            %parallel_loop3A_274 = arith.index_cast %parallel_loop3A_172 : i32 to index
            %parallel_loop3A_275 = arith.constant 48 : index
            %parallel_loop3A_276 = tpu.vector_load %arg12[%parallel_loop3A_274, %parallel_loop3A_275] {strides = array<i32>} : memref<16x224xf32, #tpu.memory_space<vmem>>, vector<16xf32>,
            tpu.vector_store %arg12[%parallel_loop3A_274, %parallel_loop3A_275], %parallel_loop3A_273 {strides = array<i32>} : memref<16x224xf32, #tpu.memory_space<vmem>>, vector<16xf32>,
            %parallel_loop3A_277 = arith.index_cast %parallel_loop3A_172 : i32 to index
            %parallel_loop3A_278 = arith.constant 64 : index
            %parallel_loop3A_279 = tpu.vector_load %arg10[%parallel_loop3A_277, %parallel_loop3A_278] {strides = array<i32>} : memref<16x224xf32, #tpu.memory_space<vmem>>, vector<16xf32>,
            %parallel_loop3A_280 = arith.constant -5.500000e+00 : f32
            %parallel_loop3A_281 = vector.broadcast %parallel_loop3A_280 : f32 to vector<16xf32>
            %parallel_loop3A_282 = arith.subf %parallel_loop3A_279, %parallel_loop3A_281 : vector<16xf32>
            %parallel_loop3A_283 = arith.constant 372.363647 : f32
            %parallel_loop3A_284 = vector.broadcast %parallel_loop3A_283 : f32 to vector<16xf32>
            %parallel_loop3A_285 = arith.mulf %parallel_loop3A_282, %parallel_loop3A_284 : vector<16xf32>
            %parallel_loop3A_286 = arith.constant 0.000000e+00 : f32
            %parallel_loop3A_287 = arith.constant 4.095000e+03 : f32
            %parallel_loop3A_288 = vector.broadcast %parallel_loop3A_286 : f32 to vector<16xf32>
            %parallel_loop3A_289 = arith.maximumf %parallel_loop3A_288, %parallel_loop3A_285 : vector<16xf32>
            %parallel_loop3A_290 = vector.broadcast %parallel_loop3A_287 : f32 to vector<16xf32>
            %parallel_loop3A_291 = arith.minimumf %parallel_loop3A_290, %parallel_loop3A_289 : vector<16xf32>
            %parallel_loop3A_292 = arith.fptosi %parallel_loop3A_291 : vector<16xf32> to vector<16xi32>
            %parallel_loop3A_293 = vector.broadcast %mul3A_53 : i32 to vector<16xi32>
            %parallel_loop3A_294 = arith.addi %parallel_loop3A_292, %parallel_loop3A_293 : vector<16xi32>
            %parallel_loop3A_295 = tpu.vector_load_idx %arg7[%parallel_loop3A_294] : memref<32768xf32, #tpu.memory_space<vmem>>[vector<16xi32>], vector<16xf32>,
            %parallel_loop3A_296 = arith.mulf %parallel_loop3A_295, %sub3A_56 : vector<16xf32>
            %parallel_loop3A_297 = arith.mulf %parallel_loop3A_279, %sub3A_56 : vector<16xf32>
            %parallel_loop3A_298 = arith.subf %parallel_loop3A_296, %parallel_loop3A_297 : vector<16xf32>
            %parallel_loop3A_299 = arith.addf %parallel_loop3A_279, %parallel_loop3A_298 : vector<16xf32>
            %parallel_loop3A_300 = arith.index_cast %parallel_loop3A_172 : i32 to index
            %parallel_loop3A_301 = arith.constant 64 : index
            %parallel_loop3A_302 = tpu.vector_load %arg12[%parallel_loop3A_300, %parallel_loop3A_301] {strides = array<i32>} : memref<16x224xf32, #tpu.memory_space<vmem>>, vector<16xf32>,
            tpu.vector_store %arg12[%parallel_loop3A_300, %parallel_loop3A_301], %parallel_loop3A_299 {strides = array<i32>} : memref<16x224xf32, #tpu.memory_space<vmem>>, vector<16xf32>,
            %parallel_loop3A_303 = arith.index_cast %parallel_loop3A_172 : i32 to index
            %parallel_loop3A_304 = arith.constant 80 : index
            %parallel_loop3A_305 = tpu.vector_load %arg10[%parallel_loop3A_303, %parallel_loop3A_304] {strides = array<i32>} : memref<16x224xf32, #tpu.memory_space<vmem>>, vector<16xf32>,
            %parallel_loop3A_306 = arith.constant -5.500000e+00 : f32
            %parallel_loop3A_307 = vector.broadcast %parallel_loop3A_306 : f32 to vector<16xf32>
            %parallel_loop3A_308 = arith.subf %parallel_loop3A_305, %parallel_loop3A_307 : vector<16xf32>
            %parallel_loop3A_309 = arith.constant 372.363647 : f32
            %parallel_loop3A_310 = vector.broadcast %parallel_loop3A_309 : f32 to vector<16xf32>
            %parallel_loop3A_311 = arith.mulf %parallel_loop3A_308, %parallel_loop3A_310 : vector<16xf32>
            %parallel_loop3A_312 = arith.constant 0.000000e+00 : f32
            %parallel_loop3A_313 = arith.constant 4.095000e+03 : f32
            %parallel_loop3A_314 = vector.broadcast %parallel_loop3A_312 : f32 to vector<16xf32>
            %parallel_loop3A_315 = arith.maximumf %parallel_loop3A_314, %parallel_loop3A_311 : vector<16xf32>
            %parallel_loop3A_316 = vector.broadcast %parallel_loop3A_313 : f32 to vector<16xf32>
            %parallel_loop3A_317 = arith.minimumf %parallel_loop3A_316, %parallel_loop3A_315 : vector<16xf32>
            %parallel_loop3A_318 = arith.fptosi %parallel_loop3A_317 : vector<16xf32> to vector<16xi32>
            %parallel_loop3A_319 = vector.broadcast %mul3A_53 : i32 to vector<16xi32>
            %parallel_loop3A_320 = arith.addi %parallel_loop3A_318, %parallel_loop3A_319 : vector<16xi32>
            %parallel_loop3A_321 = tpu.vector_load_idx %arg7[%parallel_loop3A_320] : memref<32768xf32, #tpu.memory_space<vmem>>[vector<16xi32>], vector<16xf32>,
            %parallel_loop3A_322 = arith.mulf %parallel_loop3A_321, %sub3A_56 : vector<16xf32>
            %parallel_loop3A_323 = arith.mulf %parallel_loop3A_305, %sub3A_56 : vector<16xf32>
            %parallel_loop3A_324 = arith.subf %parallel_loop3A_322, %parallel_loop3A_323 : vector<16xf32>
            %parallel_loop3A_325 = arith.addf %parallel_loop3A_305, %parallel_loop3A_324 : vector<16xf32>
            %parallel_loop3A_326 = arith.index_cast %parallel_loop3A_172 : i32 to index
            %parallel_loop3A_327 = arith.constant 80 : index
            %parallel_loop3A_328 = tpu.vector_load %arg12[%parallel_loop3A_326, %parallel_loop3A_327] {strides = array<i32>} : memref<16x224xf32, #tpu.memory_space<vmem>>, vector<16xf32>,
            tpu.vector_store %arg12[%parallel_loop3A_326, %parallel_loop3A_327], %parallel_loop3A_325 {strides = array<i32>} : memref<16x224xf32, #tpu.memory_space<vmem>>, vector<16xf32>,
            %parallel_loop3A_329 = arith.index_cast %parallel_loop3A_172 : i32 to index
            %parallel_loop3A_330 = arith.constant 96 : index
            %parallel_loop3A_331 = tpu.vector_load %arg10[%parallel_loop3A_329, %parallel_loop3A_330] {strides = array<i32>} : memref<16x224xf32, #tpu.memory_space<vmem>>, vector<16xf32>,
            %parallel_loop3A_332 = arith.constant -5.500000e+00 : f32
            %parallel_loop3A_333 = vector.broadcast %parallel_loop3A_332 : f32 to vector<16xf32>
            %parallel_loop3A_334 = arith.subf %parallel_loop3A_331, %parallel_loop3A_333 : vector<16xf32>
            %parallel_loop3A_335 = arith.constant 372.363647 : f32
            %parallel_loop3A_336 = vector.broadcast %parallel_loop3A_335 : f32 to vector<16xf32>
            %parallel_loop3A_337 = arith.mulf %parallel_loop3A_334, %parallel_loop3A_336 : vector<16xf32>
            %parallel_loop3A_338 = arith.constant 0.000000e+00 : f32
            %parallel_loop3A_339 = arith.constant 4.095000e+03 : f32
            %parallel_loop3A_340 = vector.broadcast %parallel_loop3A_338 : f32 to vector<16xf32>
            %parallel_loop3A_341 = arith.maximumf %parallel_loop3A_340, %parallel_loop3A_337 : vector<16xf32>
            %parallel_loop3A_342 = vector.broadcast %parallel_loop3A_339 : f32 to vector<16xf32>
            %parallel_loop3A_343 = arith.minimumf %parallel_loop3A_342, %parallel_loop3A_341 : vector<16xf32>
            %parallel_loop3A_344 = arith.fptosi %parallel_loop3A_343 : vector<16xf32> to vector<16xi32>
            %parallel_loop3A_345 = vector.broadcast %mul3A_53 : i32 to vector<16xi32>
            %parallel_loop3A_346 = arith.addi %parallel_loop3A_344, %parallel_loop3A_345 : vector<16xi32>
            %parallel_loop3A_347 = tpu.vector_load_idx %arg7[%parallel_loop3A_346] : memref<32768xf32, #tpu.memory_space<vmem>>[vector<16xi32>], vector<16xf32>,
            %parallel_loop3A_348 = arith.mulf %parallel_loop3A_347, %sub3A_56 : vector<16xf32>
            %parallel_loop3A_349 = arith.mulf %parallel_loop3A_331, %sub3A_56 : vector<16xf32>
            %parallel_loop3A_350 = arith.subf %parallel_loop3A_348, %parallel_loop3A_349 : vector<16xf32>
            %parallel_loop3A_351 = arith.addf %parallel_loop3A_331, %parallel_loop3A_350 : vector<16xf32>
            %parallel_loop3A_352 = arith.index_cast %parallel_loop3A_172 : i32 to index
            %parallel_loop3A_353 = arith.constant 96 : index
            %parallel_loop3A_354 = tpu.vector_load %arg12[%parallel_loop3A_352, %parallel_loop3A_353] {strides = array<i32>} : memref<16x224xf32, #tpu.memory_space<vmem>>, vector<16xf32>,
            tpu.vector_store %arg12[%parallel_loop3A_352, %parallel_loop3A_353], %parallel_loop3A_351 {strides = array<i32>} : memref<16x224xf32, #tpu.memory_space<vmem>>, vector<16xf32>,
            %parallel_loop3A_355 = arith.index_cast %parallel_loop3A_172 : i32 to index
            %parallel_loop3A_356 = arith.constant 112 : index
            %parallel_loop3A_357 = tpu.vector_load %arg10[%parallel_loop3A_355, %parallel_loop3A_356] {strides = array<i32>} : memref<16x224xf32, #tpu.memory_space<vmem>>, vector<16xf32>,
            %parallel_loop3A_358 = arith.constant -5.500000e+00 : f32
            %parallel_loop3A_359 = vector.broadcast %parallel_loop3A_358 : f32 to vector<16xf32>
            %parallel_loop3A_360 = arith.subf %parallel_loop3A_357, %parallel_loop3A_359 : vector<16xf32>
            %parallel_loop3A_361 = arith.constant 372.363647 : f32
            %parallel_loop3A_362 = vector.broadcast %parallel_loop3A_361 : f32 to vector<16xf32>
            %parallel_loop3A_363 = arith.mulf %parallel_loop3A_360, %parallel_loop3A_362 : vector<16xf32>
            %parallel_loop3A_364 = arith.constant 0.000000e+00 : f32
            %parallel_loop3A_365 = arith.constant 4.095000e+03 : f32
            %parallel_loop3A_366 = vector.broadcast %parallel_loop3A_364 : f32 to vector<16xf32>
            %parallel_loop3A_367 = arith.maximumf %parallel_loop3A_366, %parallel_loop3A_363 : vector<16xf32>
            %parallel_loop3A_368 = vector.broadcast %parallel_loop3A_365 : f32 to vector<16xf32>
            %parallel_loop3A_369 = arith.minimumf %parallel_loop3A_368, %parallel_loop3A_367 : vector<16xf32>
            %parallel_loop3A_370 = arith.fptosi %parallel_loop3A_369 : vector<16xf32> to vector<16xi32>
            %parallel_loop3A_371 = vector.broadcast %mul3A_53 : i32 to vector<16xi32>
            %parallel_loop3A_372 = arith.addi %parallel_loop3A_370, %parallel_loop3A_371 : vector<16xi32>
            %parallel_loop3A_373 = tpu.vector_load_idx %arg7[%parallel_loop3A_372] : memref<32768xf32, #tpu.memory_space<vmem>>[vector<16xi32>], vector<16xf32>,
            %parallel_loop3A_374 = arith.mulf %parallel_loop3A_373, %sub3A_56 : vector<16xf32>
            %parallel_loop3A_375 = arith.mulf %parallel_loop3A_357, %sub3A_56 : vector<16xf32>
            %parallel_loop3A_376 = arith.subf %parallel_loop3A_374, %parallel_loop3A_375 : vector<16xf32>
            %parallel_loop3A_377 = arith.addf %parallel_loop3A_357, %parallel_loop3A_376 : vector<16xf32>
            %parallel_loop3A_378 = arith.index_cast %parallel_loop3A_172 : i32 to index
            %parallel_loop3A_379 = arith.constant 112 : index
            %parallel_loop3A_380 = tpu.vector_load %arg12[%parallel_loop3A_378, %parallel_loop3A_379] {strides = array<i32>} : memref<16x224xf32, #tpu.memory_space<vmem>>, vector<16xf32>,
            tpu.vector_store %arg12[%parallel_loop3A_378, %parallel_loop3A_379], %parallel_loop3A_377 {strides = array<i32>} : memref<16x224xf32, #tpu.memory_space<vmem>>, vector<16xf32>,
            %parallel_loop3A_381 = arith.index_cast %parallel_loop3A_172 : i32 to index
            %parallel_loop3A_382 = arith.constant 128 : index
            %parallel_loop3A_383 = tpu.vector_load %arg10[%parallel_loop3A_381, %parallel_loop3A_382] {strides = array<i32>} : memref<16x224xf32, #tpu.memory_space<vmem>>, vector<16xf32>,
            %parallel_loop3A_384 = arith.constant -5.500000e+00 : f32
            %parallel_loop3A_385 = vector.broadcast %parallel_loop3A_384 : f32 to vector<16xf32>
            %parallel_loop3A_386 = arith.subf %parallel_loop3A_383, %parallel_loop3A_385 : vector<16xf32>
            %parallel_loop3A_387 = arith.constant 372.363647 : f32
            %parallel_loop3A_388 = vector.broadcast %parallel_loop3A_387 : f32 to vector<16xf32>
            %parallel_loop3A_389 = arith.mulf %parallel_loop3A_386, %parallel_loop3A_388 : vector<16xf32>
            %parallel_loop3A_390 = arith.constant 0.000000e+00 : f32
            %parallel_loop3A_391 = arith.constant 4.095000e+03 : f32
            %parallel_loop3A_392 = vector.broadcast %parallel_loop3A_390 : f32 to vector<16xf32>
            %parallel_loop3A_393 = arith.maximumf %parallel_loop3A_392, %parallel_loop3A_389 : vector<16xf32>
            %parallel_loop3A_394 = vector.broadcast %parallel_loop3A_391 : f32 to vector<16xf32>
            %parallel_loop3A_395 = arith.minimumf %parallel_loop3A_394, %parallel_loop3A_393 : vector<16xf32>
            %parallel_loop3A_396 = arith.fptosi %parallel_loop3A_395 : vector<16xf32> to vector<16xi32>
            %parallel_loop3A_397 = vector.broadcast %mul3A_53 : i32 to vector<16xi32>
            %parallel_loop3A_398 = arith.addi %parallel_loop3A_396, %parallel_loop3A_397 : vector<16xi32>
            %parallel_loop3A_399 = tpu.vector_load_idx %arg7[%parallel_loop3A_398] : memref<32768xf32, #tpu.memory_space<vmem>>[vector<16xi32>], vector<16xf32>,
            %parallel_loop3A_400 = arith.mulf %parallel_loop3A_399, %sub3A_56 : vector<16xf32>
            %parallel_loop3A_401 = arith.mulf %parallel_loop3A_383, %sub3A_56 : vector<16xf32>
            %parallel_loop3A_402 = arith.subf %parallel_loop3A_400, %parallel_loop3A_401 : vector<16xf32>
            %parallel_loop3A_403 = arith.addf %parallel_loop3A_383, %parallel_loop3A_402 : vector<16xf32>
            %parallel_loop3A_404 = arith.index_cast %parallel_loop3A_172 : i32 to index
            %parallel_loop3A_405 = arith.constant 128 : index
            %parallel_loop3A_406 = tpu.vector_load %arg12[%parallel_loop3A_404, %parallel_loop3A_405] {strides = array<i32>} : memref<16x224xf32, #tpu.memory_space<vmem>>, vector<16xf32>,
            tpu.vector_store %arg12[%parallel_loop3A_404, %parallel_loop3A_405], %parallel_loop3A_403 {strides = array<i32>} : memref<16x224xf32, #tpu.memory_space<vmem>>, vector<16xf32>,
            %parallel_loop3A_407 = arith.index_cast %parallel_loop3A_172 : i32 to index
            %parallel_loop3A_408 = arith.constant 144 : index
            %parallel_loop3A_409 = tpu.vector_load %arg10[%parallel_loop3A_407, %parallel_loop3A_408] {strides = array<i32>} : memref<16x224xf32, #tpu.memory_space<vmem>>, vector<16xf32>,
            %parallel_loop3A_410 = arith.constant -5.500000e+00 : f32
            %parallel_loop3A_411 = vector.broadcast %parallel_loop3A_410 : f32 to vector<16xf32>
            %parallel_loop3A_412 = arith.subf %parallel_loop3A_409, %parallel_loop3A_411 : vector<16xf32>
            %parallel_loop3A_413 = arith.constant 372.363647 : f32
            %parallel_loop3A_414 = vector.broadcast %parallel_loop3A_413 : f32 to vector<16xf32>
            %parallel_loop3A_415 = arith.mulf %parallel_loop3A_412, %parallel_loop3A_414 : vector<16xf32>
            %parallel_loop3A_416 = arith.constant 0.000000e+00 : f32
            %parallel_loop3A_417 = arith.constant 4.095000e+03 : f32
            %parallel_loop3A_418 = vector.broadcast %parallel_loop3A_416 : f32 to vector<16xf32>
            %parallel_loop3A_419 = arith.maximumf %parallel_loop3A_418, %parallel_loop3A_415 : vector<16xf32>
            %parallel_loop3A_420 = vector.broadcast %parallel_loop3A_417 : f32 to vector<16xf32>
            %parallel_loop3A_421 = arith.minimumf %parallel_loop3A_420, %parallel_loop3A_419 : vector<16xf32>
            %parallel_loop3A_422 = arith.fptosi %parallel_loop3A_421 : vector<16xf32> to vector<16xi32>
            %parallel_loop3A_423 = vector.broadcast %mul3A_53 : i32 to vector<16xi32>
            %parallel_loop3A_424 = arith.addi %parallel_loop3A_422, %parallel_loop3A_423 : vector<16xi32>
            %parallel_loop3A_425 = tpu.vector_load_idx %arg7[%parallel_loop3A_424] : memref<32768xf32, #tpu.memory_space<vmem>>[vector<16xi32>], vector<16xf32>,
            %parallel_loop3A_426 = arith.mulf %parallel_loop3A_425, %sub3A_56 : vector<16xf32>
            %parallel_loop3A_427 = arith.mulf %parallel_loop3A_409, %sub3A_56 : vector<16xf32>
            %parallel_loop3A_428 = arith.subf %parallel_loop3A_426, %parallel_loop3A_427 : vector<16xf32>
            %parallel_loop3A_429 = arith.addf %parallel_loop3A_409, %parallel_loop3A_428 : vector<16xf32>
            %parallel_loop3A_430 = arith.index_cast %parallel_loop3A_172 : i32 to index
            %parallel_loop3A_431 = arith.constant 144 : index
            %parallel_loop3A_432 = tpu.vector_load %arg12[%parallel_loop3A_430, %parallel_loop3A_431] {strides = array<i32>} : memref<16x224xf32, #tpu.memory_space<vmem>>, vector<16xf32>,
            tpu.vector_store %arg12[%parallel_loop3A_430, %parallel_loop3A_431], %parallel_loop3A_429 {strides = array<i32>} : memref<16x224xf32, #tpu.memory_space<vmem>>, vector<16xf32>,
            %parallel_loop3A_433 = arith.index_cast %parallel_loop3A_172 : i32 to index
            %parallel_loop3A_434 = arith.constant 160 : index
            %parallel_loop3A_435 = tpu.vector_load %arg10[%parallel_loop3A_433, %parallel_loop3A_434] {strides = array<i32>} : memref<16x224xf32, #tpu.memory_space<vmem>>, vector<16xf32>,
            %parallel_loop3A_436 = arith.constant -5.500000e+00 : f32
            %parallel_loop3A_437 = vector.broadcast %parallel_loop3A_436 : f32 to vector<16xf32>
            %parallel_loop3A_438 = arith.subf %parallel_loop3A_435, %parallel_loop3A_437 : vector<16xf32>
            %parallel_loop3A_439 = arith.constant 372.363647 : f32
            %parallel_loop3A_440 = vector.broadcast %parallel_loop3A_439 : f32 to vector<16xf32>
            %parallel_loop3A_441 = arith.mulf %parallel_loop3A_438, %parallel_loop3A_440 : vector<16xf32>
            %parallel_loop3A_442 = arith.constant 0.000000e+00 : f32
            %parallel_loop3A_443 = arith.constant 4.095000e+03 : f32
            %parallel_loop3A_444 = vector.broadcast %parallel_loop3A_442 : f32 to vector<16xf32>
            %parallel_loop3A_445 = arith.maximumf %parallel_loop3A_444, %parallel_loop3A_441 : vector<16xf32>
            %parallel_loop3A_446 = vector.broadcast %parallel_loop3A_443 : f32 to vector<16xf32>
            %parallel_loop3A_447 = arith.minimumf %parallel_loop3A_446, %parallel_loop3A_445 : vector<16xf32>
            %parallel_loop3A_448 = arith.fptosi %parallel_loop3A_447 : vector<16xf32> to vector<16xi32>
            %parallel_loop3A_449 = vector.broadcast %mul3A_53 : i32 to vector<16xi32>
            %parallel_loop3A_450 = arith.addi %parallel_loop3A_448, %parallel_loop3A_449 : vector<16xi32>
            %parallel_loop3A_451 = tpu.vector_load_idx %arg7[%parallel_loop3A_450] : memref<32768xf32, #tpu.memory_space<vmem>>[vector<16xi32>], vector<16xf32>,
            %parallel_loop3A_452 = arith.mulf %parallel_loop3A_451, %sub3A_56 : vector<16xf32>
            %parallel_loop3A_453 = arith.mulf %parallel_loop3A_435, %sub3A_56 : vector<16xf32>
            %parallel_loop3A_454 = arith.subf %parallel_loop3A_452, %parallel_loop3A_453 : vector<16xf32>
            %parallel_loop3A_455 = arith.addf %parallel_loop3A_435, %parallel_loop3A_454 : vector<16xf32>
            %parallel_loop3A_456 = arith.index_cast %parallel_loop3A_172 : i32 to index
            %parallel_loop3A_457 = arith.constant 160 : index
            %parallel_loop3A_458 = tpu.vector_load %arg12[%parallel_loop3A_456, %parallel_loop3A_457] {strides = array<i32>} : memref<16x224xf32, #tpu.memory_space<vmem>>, vector<16xf32>,
            tpu.vector_store %arg12[%parallel_loop3A_456, %parallel_loop3A_457], %parallel_loop3A_455 {strides = array<i32>} : memref<16x224xf32, #tpu.memory_space<vmem>>, vector<16xf32>,
            %parallel_loop3A_459 = arith.index_cast %parallel_loop3A_172 : i32 to index
            %parallel_loop3A_460 = arith.constant 176 : index
            %parallel_loop3A_461 = tpu.vector_load %arg10[%parallel_loop3A_459, %parallel_loop3A_460] {strides = array<i32>} : memref<16x224xf32, #tpu.memory_space<vmem>>, vector<16xf32>,
            %parallel_loop3A_462 = arith.constant -5.500000e+00 : f32
            %parallel_loop3A_463 = vector.broadcast %parallel_loop3A_462 : f32 to vector<16xf32>
            %parallel_loop3A_464 = arith.subf %parallel_loop3A_461, %parallel_loop3A_463 : vector<16xf32>
            %parallel_loop3A_465 = arith.constant 372.363647 : f32
            %parallel_loop3A_466 = vector.broadcast %parallel_loop3A_465 : f32 to vector<16xf32>
            %parallel_loop3A_467 = arith.mulf %parallel_loop3A_464, %parallel_loop3A_466 : vector<16xf32>
            %parallel_loop3A_468 = arith.constant 0.000000e+00 : f32
            %parallel_loop3A_469 = arith.constant 4.095000e+03 : f32
            %parallel_loop3A_470 = vector.broadcast %parallel_loop3A_468 : f32 to vector<16xf32>
            %parallel_loop3A_471 = arith.maximumf %parallel_loop3A_470, %parallel_loop3A_467 : vector<16xf32>
            %parallel_loop3A_472 = vector.broadcast %parallel_loop3A_469 : f32 to vector<16xf32>
            %parallel_loop3A_473 = arith.minimumf %parallel_loop3A_472, %parallel_loop3A_471 : vector<16xf32>
            %parallel_loop3A_474 = arith.fptosi %parallel_loop3A_473 : vector<16xf32> to vector<16xi32>
            %parallel_loop3A_475 = vector.broadcast %mul3A_53 : i32 to vector<16xi32>
            %parallel_loop3A_476 = arith.addi %parallel_loop3A_474, %parallel_loop3A_475 : vector<16xi32>
            %parallel_loop3A_477 = tpu.vector_load_idx %arg7[%parallel_loop3A_476] : memref<32768xf32, #tpu.memory_space<vmem>>[vector<16xi32>], vector<16xf32>,
            %parallel_loop3A_478 = arith.mulf %parallel_loop3A_477, %sub3A_56 : vector<16xf32>
            %parallel_loop3A_479 = arith.mulf %parallel_loop3A_461, %sub3A_56 : vector<16xf32>
            %parallel_loop3A_480 = arith.subf %parallel_loop3A_478, %parallel_loop3A_479 : vector<16xf32>
            %parallel_loop3A_481 = arith.addf %parallel_loop3A_461, %parallel_loop3A_480 : vector<16xf32>
            %parallel_loop3A_482 = arith.index_cast %parallel_loop3A_172 : i32 to index
            %parallel_loop3A_483 = arith.constant 176 : index
            %parallel_loop3A_484 = tpu.vector_load %arg12[%parallel_loop3A_482, %parallel_loop3A_483] {strides = array<i32>} : memref<16x224xf32, #tpu.memory_space<vmem>>, vector<16xf32>,
            tpu.vector_store %arg12[%parallel_loop3A_482, %parallel_loop3A_483], %parallel_loop3A_481 {strides = array<i32>} : memref<16x224xf32, #tpu.memory_space<vmem>>, vector<16xf32>,
            %parallel_loop3A_485 = arith.index_cast %parallel_loop3A_172 : i32 to index
            %parallel_loop3A_486 = arith.constant 192 : index
            %parallel_loop3A_487 = tpu.vector_load %arg10[%parallel_loop3A_485, %parallel_loop3A_486] {strides = array<i32>} : memref<16x224xf32, #tpu.memory_space<vmem>>, vector<16xf32>,
            %parallel_loop3A_488 = arith.constant -5.500000e+00 : f32
            %parallel_loop3A_489 = vector.broadcast %parallel_loop3A_488 : f32 to vector<16xf32>
            %parallel_loop3A_490 = arith.subf %parallel_loop3A_487, %parallel_loop3A_489 : vector<16xf32>
            %parallel_loop3A_491 = arith.constant 372.363647 : f32
            %parallel_loop3A_492 = vector.broadcast %parallel_loop3A_491 : f32 to vector<16xf32>
            %parallel_loop3A_493 = arith.mulf %parallel_loop3A_490, %parallel_loop3A_492 : vector<16xf32>
            %parallel_loop3A_494 = arith.constant 0.000000e+00 : f32
            %parallel_loop3A_495 = arith.constant 4.095000e+03 : f32
            %parallel_loop3A_496 = vector.broadcast %parallel_loop3A_494 : f32 to vector<16xf32>
            %parallel_loop3A_497 = arith.maximumf %parallel_loop3A_496, %parallel_loop3A_493 : vector<16xf32>
            %parallel_loop3A_498 = vector.broadcast %parallel_loop3A_495 : f32 to vector<16xf32>
            %parallel_loop3A_499 = arith.minimumf %parallel_loop3A_498, %parallel_loop3A_497 : vector<16xf32>
            %parallel_loop3A_500 = arith.fptosi %parallel_loop3A_499 : vector<16xf32> to vector<16xi32>
            %parallel_loop3A_501 = vector.broadcast %mul3A_53 : i32 to vector<16xi32>
            %parallel_loop3A_502 = arith.addi %parallel_loop3A_500, %parallel_loop3A_501 : vector<16xi32>
            %parallel_loop3A_503 = tpu.vector_load_idx %arg7[%parallel_loop3A_502] : memref<32768xf32, #tpu.memory_space<vmem>>[vector<16xi32>], vector<16xf32>,
            %parallel_loop3A_504 = arith.mulf %parallel_loop3A_503, %sub3A_56 : vector<16xf32>
            %parallel_loop3A_505 = arith.mulf %parallel_loop3A_487, %sub3A_56 : vector<16xf32>
            %parallel_loop3A_506 = arith.subf %parallel_loop3A_504, %parallel_loop3A_505 : vector<16xf32>
            %parallel_loop3A_507 = arith.addf %parallel_loop3A_487, %parallel_loop3A_506 : vector<16xf32>
            %parallel_loop3A_508 = arith.index_cast %parallel_loop3A_172 : i32 to index
            %parallel_loop3A_509 = arith.constant 192 : index
            %parallel_loop3A_510 = tpu.vector_load %arg12[%parallel_loop3A_508, %parallel_loop3A_509] {strides = array<i32>} : memref<16x224xf32, #tpu.memory_space<vmem>>, vector<16xf32>,
            tpu.vector_store %arg12[%parallel_loop3A_508, %parallel_loop3A_509], %parallel_loop3A_507 {strides = array<i32>} : memref<16x224xf32, #tpu.memory_space<vmem>>, vector<16xf32>,
            %parallel_loop3A_511 = arith.index_cast %parallel_loop3A_172 : i32 to index
            %parallel_loop3A_512 = arith.constant 208 : index
            %parallel_loop3A_513 = tpu.vector_load %arg10[%parallel_loop3A_511, %parallel_loop3A_512] {strides = array<i32>} : memref<16x224xf32, #tpu.memory_space<vmem>>, vector<16xf32>,
            %parallel_loop3A_514 = arith.constant -5.500000e+00 : f32
            %parallel_loop3A_515 = vector.broadcast %parallel_loop3A_514 : f32 to vector<16xf32>
            %parallel_loop3A_516 = arith.subf %parallel_loop3A_513, %parallel_loop3A_515 : vector<16xf32>
            %parallel_loop3A_517 = arith.constant 372.363647 : f32
            %parallel_loop3A_518 = vector.broadcast %parallel_loop3A_517 : f32 to vector<16xf32>
            %parallel_loop3A_519 = arith.mulf %parallel_loop3A_516, %parallel_loop3A_518 : vector<16xf32>
            %parallel_loop3A_520 = arith.constant 0.000000e+00 : f32
            %parallel_loop3A_521 = arith.constant 4.095000e+03 : f32
            %parallel_loop3A_522 = vector.broadcast %parallel_loop3A_520 : f32 to vector<16xf32>
            %parallel_loop3A_523 = arith.maximumf %parallel_loop3A_522, %parallel_loop3A_519 : vector<16xf32>
            %parallel_loop3A_524 = vector.broadcast %parallel_loop3A_521 : f32 to vector<16xf32>
            %parallel_loop3A_525 = arith.minimumf %parallel_loop3A_524, %parallel_loop3A_523 : vector<16xf32>
            %parallel_loop3A_526 = arith.fptosi %parallel_loop3A_525 : vector<16xf32> to vector<16xi32>
            %parallel_loop3A_527 = vector.broadcast %mul3A_53 : i32 to vector<16xi32>
            %parallel_loop3A_528 = arith.addi %parallel_loop3A_526, %parallel_loop3A_527 : vector<16xi32>
            %parallel_loop3A_529 = tpu.vector_load_idx %arg7[%parallel_loop3A_528] : memref<32768xf32, #tpu.memory_space<vmem>>[vector<16xi32>], vector<16xf32>,
            %parallel_loop3A_530 = arith.mulf %parallel_loop3A_529, %sub3A_56 : vector<16xf32>
            %parallel_loop3A_531 = arith.mulf %parallel_loop3A_513, %sub3A_56 : vector<16xf32>
            %parallel_loop3A_532 = arith.subf %parallel_loop3A_530, %parallel_loop3A_531 : vector<16xf32>
            %parallel_loop3A_533 = arith.addf %parallel_loop3A_513, %parallel_loop3A_532 : vector<16xf32>
            %parallel_loop3A_534 = arith.index_cast %parallel_loop3A_172 : i32 to index
            %parallel_loop3A_535 = arith.constant 208 : index
            %parallel_loop3A_536 = tpu.vector_load %arg12[%parallel_loop3A_534, %parallel_loop3A_535] {strides = array<i32>} : memref<16x224xf32, #tpu.memory_space<vmem>>, vector<16xf32>,
            tpu.vector_store %arg12[%parallel_loop3A_534, %parallel_loop3A_535], %parallel_loop3A_533 {strides = array<i32>} : memref<16x224xf32, #tpu.memory_space<vmem>>, vector<16xf32>,
          } {sc.loop_unroll_factor = 1 : i64, sc.parallel_access}
          %mul3A_150 = arith.constant 2 : i32
          %mul3A_151 = arith.muli %mul3A_150, %scan3A_95 : i32
          %add3A_152 = arith.constant 1 : i32
          %add3A_153 = arith.addi %mul3A_151, %add3A_152 : i32
          %mul3A_154 = arith.constant 16 : i32
          %mul3A_155 = arith.muli %add3A_153, %mul3A_154 : i32
          %dma_start3A_156 = arith.constant 0 : i32
          %dma_start3A_157 = tpu.memref_slice %arg5[%scan3A_50, %add3A_24, %mul3A_155, %dma_start3A_156] : memref<8x96x224x224xf32, #tpu.memory_space<hbm>> -> memref<1x1x16x224xf32, #tpu.memory_space<hbm>>
          %dma_start3A_158 = tpu.memref_squeeze %dma_start3A_157 : memref<1x1x16x224xf32, #tpu.memory_space<hbm>> -> memref<16x224xf32, #tpu.memory_space<hbm>>
          %dma_start3A_159 = arith.constant 0 : i32
          %dma_start3A_160 = tpu.memref_slice %arg5[%scan3A_50, %add3A_24, %mul3A_155, %dma_start3A_159] : memref<8x96x224x224xf32, #tpu.memory_space<hbm>> -> memref<1x1x16x224xf32, #tpu.memory_space<hbm>>
          %dma_start3A_161 = tpu.memref_squeeze %dma_start3A_160 : memref<1x1x16x224xf32, #tpu.memory_space<hbm>> -> memref<16x224xf32, #tpu.memory_space<hbm>>
          tpu.enqueue_dma source(%arg12 : memref<16x224xf32, #tpu.memory_space<vmem>>) target(%dma_start3A_161 : memref<16x224xf32, #tpu.memory_space<hbm>>) target_semaphore(%arg18 : memref<!tpu.dma_semaphore, #tpu.memory_space<semaphore_mem>>)
          %mul3A_162 = arith.constant 2 : i32
          %mul3A_163 = arith.muli %mul3A_162, %scan3A_95 : i32
          %add3A_164 = arith.constant 3 : i32
          %add3A_165 = arith.addi %mul3A_163, %add3A_164 : i32
          %lt3A_166 = arith.constant 14 : i32
          %lt3A_167 = arith.cmpi slt, %add3A_165, %lt3A_166 : i32
          %convert_element_type3A_168 = arith.extui %lt3A_167 : i1 to i32
          %cond3A_169 = arith.constant 0 : i32
          %cond3A_170 = arith.cmpi ne, %convert_element_type3A_168, %cond3A_169 : i32
          scf.if %cond3A_170 {
            %mul3A_172 = arith.constant 2 : i32
            %mul3A_173 = arith.muli %mul3A_172, %scan3A_95 : i32
            %add3A_174 = arith.constant 3 : i32
            %add3A_175 = arith.addi %mul3A_173, %add3A_174 : i32
            %mul3A_176 = arith.constant 16 : i32
            %mul3A_177 = arith.muli %add3A_175, %mul3A_176 : i32
            %dma_start3A_178 = arith.constant 0 : i32
            %dma_start3A_179 = tpu.memref_slice %arg2[%scan3A_50, %add3A_24, %mul3A_177, %dma_start3A_178] : memref<8x96x224x224xf32, #tpu.memory_space<hbm>> -> memref<1x1x16x224xf32, #tpu.memory_space<hbm>>
            %dma_start3A_180 = tpu.memref_squeeze %dma_start3A_179 : memref<1x1x16x224xf32, #tpu.memory_space<hbm>> -> memref<16x224xf32, #tpu.memory_space<hbm>>
            %dma_start3A_181 = arith.constant 0 : i32
            %dma_start3A_182 = tpu.memref_slice %arg2[%scan3A_50, %add3A_24, %mul3A_177, %dma_start3A_181] : memref<8x96x224x224xf32, #tpu.memory_space<hbm>> -> memref<1x1x16x224xf32, #tpu.memory_space<hbm>>
            %dma_start3A_183 = tpu.memref_squeeze %dma_start3A_182 : memref<1x1x16x224xf32, #tpu.memory_space<hbm>> -> memref<16x224xf32, #tpu.memory_space<hbm>>
            tpu.enqueue_dma source(%dma_start3A_183 : memref<16x224xf32, #tpu.memory_space<hbm>>) target(%arg10 : memref<16x224xf32, #tpu.memory_space<vmem>>) target_semaphore(%arg16 : memref<!tpu.dma_semaphore, #tpu.memory_space<semaphore_mem>>)
          } else {
          }
          %scan3A_171 = arith.constant 0 : i32
          scf.yield %scan3A_171 : i32
        }
        %scan3A_78 = arith.constant 7 : i32
        %dma_wait3A = arith.constant 192 : i32
        %dma_wait3A_79 = arith.constant 0 : i32
        %dma_wait3A_80 = tpu.memref_slice %arg5[%scan3A_50, %add3A_24, %dma_wait3A, %dma_wait3A_79] : memref<8x96x224x224xf32, #tpu.memory_space<hbm>> -> memref<1x1x16x224xf32, #tpu.memory_space<hbm>>
        %dma_wait3A_81 = tpu.memref_squeeze %dma_wait3A_80 : memref<1x1x16x224xf32, #tpu.memory_space<hbm>> -> memref<16x224xf32, #tpu.memory_space<hbm>>
        %dma_wait3A_82 = arith.constant 192 : i32
        %dma_wait3A_83 = arith.constant 0 : i32
        %dma_wait3A_84 = tpu.memref_slice %arg5[%scan3A_50, %add3A_24, %dma_wait3A_82, %dma_wait3A_83] : memref<8x96x224x224xf32, #tpu.memory_space<hbm>> -> memref<1x1x16x224xf32, #tpu.memory_space<hbm>>
        %dma_wait3A_85 = tpu.memref_squeeze %dma_wait3A_84 : memref<1x1x16x224xf32, #tpu.memory_space<hbm>> -> memref<16x224xf32, #tpu.memory_space<hbm>>
        tpu.wait_dma2 semaphore(%arg17 : memref<!tpu.dma_semaphore, #tpu.memory_space<semaphore_mem>>) src(%arg11 : memref<16x224xf32, #tpu.memory_space<vmem>>) dst(%dma_wait3A_85 : memref<16x224xf32, #tpu.memory_space<hbm>>)
        %dma_wait3A_86 = arith.constant 208 : i32
        %dma_wait3A_87 = arith.constant 0 : i32
        %dma_wait3A_88 = tpu.memref_slice %arg5[%scan3A_50, %add3A_24, %dma_wait3A_86, %dma_wait3A_87] : memref<8x96x224x224xf32, #tpu.memory_space<hbm>> -> memref<1x1x16x224xf32, #tpu.memory_space<hbm>>
        %dma_wait3A_89 = tpu.memref_squeeze %dma_wait3A_88 : memref<1x1x16x224xf32, #tpu.memory_space<hbm>> -> memref<16x224xf32, #tpu.memory_space<hbm>>
        %dma_wait3A_90 = arith.constant 208 : i32
        %dma_wait3A_91 = arith.constant 0 : i32
        %dma_wait3A_92 = tpu.memref_slice %arg5[%scan3A_50, %add3A_24, %dma_wait3A_90, %dma_wait3A_91] : memref<8x96x224x224xf32, #tpu.memory_space<hbm>> -> memref<1x1x16x224xf32, #tpu.memory_space<hbm>>
        %dma_wait3A_93 = tpu.memref_squeeze %dma_wait3A_92 : memref<1x1x16x224xf32, #tpu.memory_space<hbm>> -> memref<16x224xf32, #tpu.memory_space<hbm>>
        tpu.wait_dma2 semaphore(%arg18 : memref<!tpu.dma_semaphore, #tpu.memory_space<semaphore_mem>>) src(%arg12 : memref<16x224xf32, #tpu.memory_space<vmem>>) dst(%dma_wait3A_93 : memref<16x224xf32, #tpu.memory_space<hbm>>)
        %scan3A_94 = arith.constant 0 : i32
        scf.yield %scan3A_94 : i32
      }
      %scan3A_48 = arith.constant 8 : i32
      %scan3A_49 = arith.constant 0 : i32
      scf.yield %scan3A_49 : i32
    }
    %scan3A_19 = arith.constant 3 : i32
    return
  }
}

</mosaic_0001>

<sc_bundles>
// kernel: kernel.3.cloned.1.call-start
scs
__scs_entry_jumppad:
0x0: {  	(pc) =	sbr.rel $0x88, $3  }
0x1: {  	(tag) =	ssettag $0x0;
	lr =	simm.s32 $0x1  }
0x2: {  	[smem:$0x3FA0] =	sst lr;
	_ =	strace $0xD0000000  }
0x3: {  	_ = 	snop  }
0x4: {  	_ = 	snop  }
0x5: {  	_ = 	snop  }
0x6: {  	_ = 	snop  }
0x7: {  	_ = 	snop  }
__scs_overlays_trampoline_lowered:
0x8: {  	[smem:$0x3FAF] =	sst s0  }
0x9: {  	[smem:$0x3FB0] =	sst s1  }
0xa: {  	[smem:$0x3FB1] =	sst s2  }
0xb: {  	[smem:$0x3FB2] =	sst s3  }
0xc: {  	[smem:$0x3FB3] =	sst s4  }
0xd: {  	[smem:$0x3FB4] =	sst s5  }
0xe: {  	[smem:$0x3FB5] =	sst s6  }
0xf: {  	[smem:$0x3FB6] =	sst s7  }
0x10: {  	[smem:$0x3FB7] =	sst s8  }
0x11: {  	[smem:$0x3FB8] =	sst s9;
	s0 =	simm.s32 @!p0 $0x0  }
0x12: {  	s1 =	sld [smem:$0x3F9E];
	s0 =	simm.s32 @p0 $0x1  }
0x13: {  	[smem:$0x3FB9] =	sst s0;
	s0 =	simm.s32 @!p1 $0x0  }
0x14: {  	s2 =	sld [smem:$0x3F9D];
	s0 =	simm.s32 @p1 $0x1  }
0x15: {  	[smem:$0x3FBA] =	sst s0;
	s0 =	simm.s32 @!p2 $0x0  }
0x16: {  	s3 =	sld [smem:$0x3FDB];
	s0 =	simm.s32 @p2 $0x1  }
0x17: {  	s4 =	simm.s32 $0x1BF5;
	[smem:$0x3FBC] =	sst s0  }
0x18: {  	s0 =	sld [smem:$0x3F9F];
	_ =	swait.ge [sflag:s4], $0x0  }
0x19: {  	s7 =	sld [smem:$0x3FA0]  }
0x1a: {  	s8 =	sadd.s32 $0xFFFFE003, lr  }
0x1b: {  	s9 =	sadd.s32 $0xFFFFFEF7, lr;
	s5 =	simm.s32 $0xFFFFFFFF;
	p2 =	slt.u32 s8, $0xFFFFF086  }
0x1c: {  	p1 =	slt.u32 s9, $0xF7A;
	s5 =	simm.s32 @!p2 $0x0  }
0x1d: {  	s5 =	simm.s32 @p1 $0x1;
	p0 =	seq.s32 s7, s2  }
0x1e: {  	s7 =	smul.u32 @!p0 $0xF7A, s2;
	p2 =	seq.s32 @!p0 s5, $0x0  }
0x1f: {  	s9 =	smul.u32 $0xF7A, s1;
	s8 =	simm.s32 @!p0 $0x1BF5;
	p2 =	por !p2, p0  }
0x20: {  	[sflag:s8] =	ssyncset.s32 @!p0 $0xFFFFF086;
	s6 =	sadd.s32 @!p0 s3, s7;
	s7 =	simm.s32 @!p0 $0x108  }
0x21: {  	s3 =	sadd.s32 s3, s9;
	s6 =	sadd.s32 @!p0 $0x88, s6;
	s7 =	simm.s32 @p2 $0x1082  }
0x22: {  	[simem:s7], [sflag:s8] =	dma.local @!p0 [hbm:s6], $0xF7A  }
0x23: {  	s9 =	sor.u32 $0xD0000000, s2;
	s6 =	simm.s32 $0x108;
	_ =	swait.ge @!p0 [sflag:s8], $0x0  }
0x24: {  	s3 =	sadd.s32 $0x88, s3;
	s6 =	simm.s32 @!p1 $0x1082;
	[sflag:s4] =	ssyncset.s32 $0xFFFFF086  }
0x25: {  	[simem:s6], [sflag:s4] =	dma.local [hbm:s3], $0xF7A  }
0x26: {  	[smem:$0x3FA0] =	sst s1;
	(tag) =	ssettag s2;
	_ =	strace s9  }
0x27: {  	s1 =	sld [smem:$0x3FB0]  }
0x28: {  	s2 =	sld [smem:$0x3FB1]  }
0x29: {  	s4 =	sld [smem:$0x3FB3]  }
0x2a: {  	p0 =	seq.s32 s5, $0x0;
	s5 =	sld [smem:$0x3FB4]  }
0x2b: {  	s6 =	sld [smem:$0x3FB5]  }
0x2c: {  	s7 =	sld [smem:$0x3FB6]  }
0x2d: {  	s3 =	simm.s32 $0x108;
	s8 =	sld [smem:$0x3FB7]  }
0x2e: {  	s3 =	simm.s32 @!p0 $0x1082;
	s9 =	sld [smem:$0x3FB8]  }
0x2f: {  	lr =	sadd.s32 s0, s3;
	s0 =	sld [smem:$0x3FAF]  }
0x30: {  	s3 =	sld [smem:$0x3FB2]  }
0x31: {  	[smem:$0x3FBB] =	sst s10  }
0x32: {  	s10 =	sld [smem:$0x3FB9];
	_ =	sdelay $0x3  }
0x33: {  	p0 =	seq.s32 s10, $0x1;
	s10 =	sld [smem:$0x3FBB];
	_ =	sdelay $0x3  }
0x34: {  	[smem:$0x3FBB] =	sst s10  }
0x35: {  	s10 =	sld [smem:$0x3FBA];
	_ =	sdelay $0x3  }
0x36: {  	p1 =	seq.s32 s10, $0x1;
	s10 =	sld [smem:$0x3FBB];
	_ =	sdelay $0x3  }
0x37: {  	[smem:$0x3FBB] =	sst s10  }
0x38: {  	s10 =	sld [smem:$0x3FBC]  }
0x39: {  	_ = 	snop;
	(pc) =	sbr.ind lr, $3  }
0x3a: {  	_ = 	snop  }
0x3b: {  	_ = 	snop  }
0x3c: {  	p2 =	seq.s32 s10, $0x1;
	s10 =	sld [smem:$0x3FBB]  }
0x3d: {  	_ =	shalt  }
0x3e: {  	_ =	shalt  }
0x3f: {  	_ =	shalt  }
0x40: {  	_ =	shalt  }
0x41: {  	_ =	shalt  }
0x42: {  	_ =	shalt  }
0x43: {  	_ =	shalt  }
0x44: {  	_ =	shalt  }
0x45: {  	_ =	shalt  }
0x46: {  	_ =	shalt  }
0x47: {  	_ =	shalt  }
0x48: {  	_ =	shalt  }
0x49: {  	_ =	shalt  }
0x4a: {  	_ =	shalt  }
0x4b: {  	_ =	shalt  }
0x4c: {  	_ =	shalt  }
0x4d: {  	_ =	shalt  }
0x4e: {  	_ =	shalt  }
0x4f: {  	_ =	shalt  }
0x50: {  	_ =	shalt  }
0x51: {  	_ =	shalt  }
0x52: {  	_ =	shalt  }
0x53: {  	_ =	shalt  }
0x54: {  	_ =	shalt  }
0x55: {  	_ =	shalt  }
0x56: {  	_ =	shalt  }
0x57: {  	_ =	shalt  }
0x58: {  	_ =	shalt  }
0x59: {  	_ =	shalt  }
0x5a: {  	_ =	shalt  }
0x5b: {  	_ =	shalt  }
0x5c: {  	_ =	shalt  }
0x5d: {  	_ =	shalt  }
0x5e: {  	_ =	shalt  }
0x5f: {  	_ =	shalt  }
0x60: {  	_ =	shalt  }
0x61: {  	_ =	shalt  }
0x62: {  	_ =	shalt  }
0x63: {  	_ =	shalt  }
0x64: {  	_ =	shalt  }
0x65: {  	_ =	shalt  }
0x66: {  	_ =	shalt  }
0x67: {  	_ =	shalt  }
0x68: {  	_ =	shalt  }
0x69: {  	_ =	shalt  }
0x6a: {  	_ =	shalt  }
0x6b: {  	_ =	shalt  }
0x6c: {  	_ =	shalt  }
0x6d: {  	_ =	shalt  }
0x6e: {  	_ =	shalt  }
0x6f: {  	_ =	shalt  }
0x70: {  	_ =	shalt  }
0x71: {  	_ =	shalt  }
0x72: {  	_ =	shalt  }
0x73: {  	_ =	shalt  }
0x74: {  	_ =	shalt  }
0x75: {  	_ =	shalt  }
0x76: {  	_ =	shalt  }
0x77: {  	_ =	shalt  }
0x78: {  	_ =	shalt  }
0x79: {  	_ =	shalt  }
0x7a: {  	_ =	shalt  }
0x7b: {  	_ =	shalt  }
0x7c: {  	_ =	shalt  }
0x7d: {  	_ =	shalt  }
0x7e: {  	_ =	shalt  }
0x7f: {  	_ =	shalt  }
0x80: {  	_ =	shalt  }
0x81: {  	_ =	shalt  }
0x82: {  	_ =	shalt  }
0x83: {  	_ =	shalt  }
0x84: {  	_ =	shalt  }
0x85: {  	_ =	shalt  }
0x86: {  	_ =	shalt  }
0x87: {  	_ =	shalt  }
.Lfunc_end0:
.L_simem_size_0:
called_computation_lowered:
.L_overlay_start_0:
0x88: {  	s2 =	sld [smem:$0x3FD9]  }
0x89: {  	s3 =	sld [smem:$0x3FFE];
	_ =	sdelay $0x1  }
0x8a: {  	s1 =	srdreg.scid  }
0x8b: {  	s0 =	sand.u32 $0x1, s1  }
0x8c: {  	s17 =	sshll.u32 s0, $0xA;
	s2 =	sadd.s32 s3, s2  }
0x8d: {  	s2 =	sadd.s32 s2, s17  }
0x8e: {  	[smem:$0x3FC7] =	sst s2  }
0x8f: {  	_ = 	snop  }
0x90: {  	s2 =	sld [smem:$0x3FC9]  }
0x91: {  	s18 =	sld [smem:$0x3FD0];
	(tm) =	ssettm $0x1  }
0x92: {  	s4 =	sld [smem:$0x3FFB];
	_ =	sdelay $0x3  }
0x93: {  	_ =	strace s4  }
0x94: {  	s4 =	sld [smem:$0x3FFC];
	_ =	sdelay $0x3  }
0x95: {  	_ =	strace s4  }
0x96: {  	s4 =	sld [smem:$0x3FFD];
	_ =	sdelay $0x3  }
0x97: {  	_ =	strace s4  }
0x98: {  	_ =	strace $0x8FFFFFFF  }
0x99: {  	s19 =	sld [smem:$0x3FDB];
	_ =	sdelay $0x1  }
0x9a: {  	s5 =	simm.s32 $_scs_section_size  }
0x9b: {  	s6 =	simm.s32 $_size__tile_overlayer_lowered;
	s7 =	simm.s32 $_tile_overlayer_lowered  }
0x9c: {  	s22 =	simm.s32 $0x1BFF;
	s21 =	sshll.u32 s7, $0x1;
	s4 =	sadd.s32 s5, s19  }
0x9d: {  	s8 =	simm.s32 $0x0;
	s20 =	sshll.u32 s6, $0x1;
	s6 =	sadd.s32 s21, s4  }
0x9e: {  	[timem:s8], [sflag:s22] =	dma.local [hbm:s6], s20  }
0x9f: {  	_ =	swait.ge [sflag:s22], s20  }
0xa0: {  	s5 =	ssub.s32 $0x0, s20;
	[sflag:s22] =	ssyncset.done $0x0  }
0xa1: {  	[sflag:s22] =	ssyncadd.s32 s5;
	_ =	sdelay $0x1  }
0xa2: {  	s23 =	simm.s32 $0x1B8B  }
0xa3: {  	_ =	swait.ge [sflag:s23], $0x1  }
0xa4: {  	[sflag:s23] =	ssyncset.done $0x0  }
0xa5: {  	s25 =	simm.s32 $0x1B8E;
	s24 =	sld [smem:$0x3FFE];
	[sflag:s23] =	ssyncadd.s32 $0xFFFFFFFF  }
0xa6: {  	s26 =	simm.s32 $execute0_lowered;
	[smem:$0x3FD2] =	sst s25  }
0xa7: {  	s6 =	sshll.u32 s26, $0x1;
	_ =	strace $0x80000046;
	[dreg:$0x1] =	wrdreg $0xFFFFFFFF  }
0xa8: {  	s28 =	simm.s32 $_size_execute0_lowered;
	s4 =	sadd.s32 s4, s6;
	[dreg:$0x0] =	wrdreg $0x0  }
0xa9: {  	s6 =	sshll.u32 s28, $0x1;
	[dreg:$0x2] =	wrdreg s4  }
0xaa: {  	[dreg:$0x3] =	wrdreg s6  }
0xab: {  	[dreg:$0x4] =	wrdreg $0xC0  }
0xac: {  	_ =	task [dreg:s8], $0x5FFFF  }
0xad: {  	[dreg:$0x1] =	wrdreg $0xFFFFFFFF  }
0xae: {  	[dreg:$0x0] =	wrdreg $0x60  }
0xaf: {  	[dreg:$0x2] =	wrdreg s2  }
0xb0: {  	[dreg:$0x3] =	wrdreg s24  }
0xb1: {  	[dreg:$0x4] =	wrdreg s18  }
0xb2: {  	[dreg:$0x5] =	wrdreg $0x9  }
0xb3: {  	_ =	task.clear_ibuf [dreg:s8], $0x6FFFF;
	_ =	strace $0x90000046  }
0xb4: {  	s29 =	simm.s32 $0x9;
	_ =	strace $0x80000048  }
0xb5: {  	_ =	swait.ge [sflag:s29], $0x1  }
0xb6: {  	[sflag:s29] =	ssyncadd.s32 $0xFFFFFFFF  }
0xb7: {  	_ =	strace $0x90000048  }
0xb8: {  	_ =	sfence  }
0xb9: {  	s30 =	sld [smem:$0x0];
	_ =	sdelay $0x2  }
0xba: {  	s31 =	sshll.u32 s1, $0xD;
	s1 =	sshrl.u32 s1, $0x2  }
0xbb: {  	s3 =	sand.u32 $0x4000, s31;
	s1 =	sadd.s32 s1, s30  }
0xbc: {  	s0 =	sor.u32 s3, s0;
	s1 =	sshll.u32 s1, $0x11  }
0xbd: {  	s0 =	sor.u32 s1, s0  }
0xbe: {  	s0 =	sadd.s32 $0x8F2B, s0  }
0xbf: {  	[sflag:s0] =	ssyncadd.remote.s32 $0x1  }
0xc0: {  	_ =	sfence.sel $0xFFFF  }
0xc1: {  	[dreg:$0x0] =	wrdreg $0xFFFFFFFF;
	(pc) =	sbr.abs _section_cstart, $3  }
0xc2: {  	[dreg:$0x1] =	wrdreg $0xFFFFFFFF  }
0xc3: {  	_ =	task.clear_ibuf [dreg:s8], $0x2FFFF;
	_ =	strace $0x9FFFFFFF  }
0xc4: {  	(tm) =	ssettm $0x7FFFFFFF  }
0xc5: {  	_ =	shalt  }
tec
execute0_lowered:
.L_overlay_start_1:
0x0: {  	(tag) =	ssettag $0x1  }
0x1: {  	s1 =	rddreg [dreg:$0x0]  }
0x2: {  	s0 =	rddreg [dreg:$0x1]  }
0x3: {  	s2 =	rddreg [dreg:$0x2];
	s3 =	simm.s32 $0x0;
	s4 =	srdreg.scid  }
0x4: {  	s28 =	stileid.u32;
	s11 =	simm.s32 $0x13180;
	s12 =	simm.s32 $0x14180  }
0x5: {  	v0 =	vimm.s32 $0xFFEDCBA9;
	v1 =	vimm.s32 $0x87654321;
	s13 =	simm.s32 $0x1;
	s14 =	simm.s32 $0x2;
	s16 =	simm.s32 $0x5  }
0x6: {  	s17 =	simm.s32 $0x10000;
	s19 =	simm.s32 $0x8000;
	s20 =	simm.s32 $0x15180;
	v0 =	vunpack.c.l.s4.s8 v0;
	v1 =	vunpack.c.l.s4.s8 v1  }
0x7: {  	[smem:$0x7FF] =	sst s3;
	s4 =	sand.u32 $0x1, s4;
	s5 =	sadd.s32 $0x2400, s0  }
0x8: {  	s30 =	sshll.u32 s28, $0x1;
	_ =	strace $0x80000047;
	[dreg:$0x5] =	wrdreg s5;
	v0 =	vunpack.c.0.s8.s32 v0;
	v1 =	vunpack.c.0.s8.s32 v1  }
.Ltmp0:
0x9: {  	[dreg:$0x4] =	wrdreg s4;
	s4 =	ssub.s32 $0x2, s4;
	(pc) =	sbr.rel .LBB2_1-.Ltmp0, $4  }
0xa: {  	s31 =	sadd.s32 $0x200, s1;
	[dreg:$0x7] =	wrdreg s30;
	s29 =	sshrl.u32 s4, $0x1;
	v0 =	vcombine.low v1, v0  }
0xb: {  	s6 =	sadd.s32 $0x2600, s0;
	[dreg:$0x8] =	wrdreg s31;
	s0 =	ssub.s32 s4, s29  }
0xc: {  	v3 =	vimm.s32 $0x1;
	v4 =	vlaneseq.u32;
	s21 =	simm.s32 $0x4;
	[dreg:$0x6] =	wrdreg s6;
	s0 =	smax.u32 s0, $0x1;
	v29 =	vand.u32 $0xF, v0  }
0xd: {  	vm0 =	vcmask $0x3F3C;
	v30 =	vimm.s32 $0xF;
	s22 =	simm.s32 $0x16180;
	s4 =	simm.s32 $0x0;
	v1 =	vimm.s32 $0x0;
	[dreg:$0x9] =	wrdreg s0;
	[tilespmem:$0x1FFF0] =	vst v29  }
.LBB2_39:
0xe: {  	s4 =	rddreg [dreg:$0xa]  }
0xf: {  	s0 =	rddreg [dreg:$0x9];
	s4 =	sadd.s32 $0x1, s4  }
0x10: {  	p0 =	sne.s32 s4, s0  }
.Ltmp1:
0x11: {  	_ = 	snop;
	(pc) =	sbr.rel @!p0 .LBB2_40-.Ltmp1, $1  }
0x12: {  	_ =	sdelay $0x3  }
.LBB2_1:
0x13: {  	[dreg:$0xa] =	wrdreg s4;
	s0 =	simm.s32 $0x10040  }
0x14: {  	[tilespmem:s0+$0xFFFFFFC0] =	vst v1  }
0x15: {  	[tilespmem:s0+$0x30] =	vst v1  }
0x16: {  	[tilespmem:s0+$0x20] =	vst v1  }
0x17: {  	[tilespmem:s0+$0x10] =	vst v1  }
0x18: {  	[tilespmem:s0+$0x0] =	vst v1  }
0x19: {  	[tilespmem:s0+$0xFFFFFFF0] =	vst v1  }
0x1a: {  	s5 =	simm.s32 $0x70;
	[tilespmem:s0+$0xFFFFFFE0] =	vst v1  }
0x1b: {  	s4 =	simm.s32 $0x0;
	[dreg:$0xb] =	wrdreg s5  }
.LBB2_2:
0x1c: {  	s4 =	sadd.s32 $0x8, s4;
	[tilespmem:s0+$0xFFFFFFD0] =	vst v1;
	s0 =	sadd.s32 $0x80, s0  }
0x1d: {  	[tilespmem:s0+$0xFFFFFFC0] =	vst v1;
	p0 =	slt.u32 s4, $0x310  }
0x1e: {  	[tilespmem:s0+$0x30] =	vst v1  }
.Ltmp2:
0x1f: {  	[tilespmem:s0+$0x20] =	vst v1;
	(pc) =	sbr.rel @p0 .LBB2_2-.Ltmp2, $4  }
0x20: {  	[tilespmem:s0+$0x10] =	vst v1  }
0x21: {  	[tilespmem:s0+$0x0] =	vst v1  }
0x22: {  	[tilespmem:s0+$0xFFFFFFF0] =	vst v1  }
0x23: {  	[tilespmem:s0+$0xFFFFFFE0] =	vst v1  }
.Ltmp3:
0x24: {  	(pc) =	sbr.rel .LBB2_4-.Ltmp3, $2  }
0x25: {  	_ =	sdelay $0x2  }
0x26: {  	[tilespmem:s0+$0xFFFFFFD0] =	vst v1;
	s5 =	simm.s32 $0x0  }
.LBB2_38:
0x27: {  	s5 =	rddreg [dreg:$0xc]  }
0x28: {  	s5 =	sadd.s32 $0x1, s5  }
0x29: {  	p0 =	sne.s32 s5, $0x3  }
.Ltmp4:
0x2a: {  	_ = 	snop;
	(pc) =	sbr.rel @!p0 .LBB2_39-.Ltmp4, $4  }
0x2b: {  	_ = 	snop  }
0x2c: {  	s0 =	rddreg [dreg:$0xb]  }
0x2d: {  	v1 =	vimm.s32 $0x0;
	s0 =	sadd.s32 $0x8000, s0  }
0x2e: {  	v3 =	vimm.s32 $0x1;
	v4 =	vlaneseq.u32;
	v29 =	vld [tilespmem:$0x1FFF0];
	v30 =	vimm.s32 $0xF;
	[dreg:$0xb] =	wrdreg s0  }
.LBB2_4:
0x2f: {  	s0 =	simm.s32 $0x40  }
0x30: {  	[tilespmem:s0+$0xFFFFFFC0] =	vst v1  }
0x31: {  	[tilespmem:s0+$0x30] =	vst v1  }
0x32: {  	[tilespmem:s0+$0x20] =	vst v1  }
0x33: {  	[tilespmem:s0+$0x10] =	vst v1  }
0x34: {  	[tilespmem:s0+$0x0] =	vst v1  }
0x35: {  	[tilespmem:s0+$0xFFFFFFF0] =	vst v1  }
0x36: {  	s4 =	simm.s32 $0x0;
	[tilespmem:s0+$0xFFFFFFE0] =	vst v1  }
.LBB2_5:
0x37: {  	s4 =	sadd.s32 $0x8, s4;
	[tilespmem:s0+$0xFFFFFFD0] =	vst v1;
	s0 =	sadd.s32 $0x80, s0  }
0x38: {  	[tilespmem:s0+$0xFFFFFFC0] =	vst v1;
	p0 =	slt.u32 s4, $0x7F8  }
0x39: {  	[tilespmem:s0+$0x30] =	vst v1  }
.Ltmp5:
0x3a: {  	[tilespmem:s0+$0x20] =	vst v1;
	(pc) =	sbr.rel @p0 .LBB2_5-.Ltmp5, $4  }
0x3b: {  	[tilespmem:s0+$0x10] =	vst v1  }
0x3c: {  	[tilespmem:s0+$0x0] =	vst v1  }
0x3d: {  	[tilespmem:s0+$0xFFFFFFF0] =	vst v1  }
0x3e: {  	[tilespmem:s0+$0xFFFFFFE0] =	vst v1  }
0x3f: {  	[tilespmem:s0+$0xFFFFFFD0] =	vst v1  }
0x40: {  	s28 =	sshll.u32 s5, $0x5;
	s4 =	rddreg [dreg:$0x7]  }
.Ltmp6:
0x41: {  	s31 =	rddreg [dreg:$0x4];
	s0 =	sor.u32 s28, s4;
	(pc) =	sbr.rel .LBB2_7-.Ltmp6, $4  }
0x42: {  	s0 =	sor.u32 s31, s0  }
0x43: {  	s0 =	smul.u32 $0xE000, s0  }
0x44: {  	[dreg:$0xc] =	wrdreg s5  }
0x45: {  	s29 =	simm.s32 $0x0;
	s30 =	simm.s32 $0x0;
	[dreg:$0xd] =	wrdreg s0  }
.LBB2_14:
0x46: {  	s30 =	sadd.s32 $0x1, s30  }
0x47: {  	p0 =	seq.s32 s30, $0x8  }
.Ltmp7:
0x48: {  	_ = 	snop;
	(pc) =	sbr.rel @p0 .LBB2_15-.Ltmp7, $1  }
0x49: {  	_ =	sdelay $0x3  }
.LBB2_7:
0x4a: {  	s0 =	smul.u32 $0x540000, s30  }
0x4b: {  	s4 =	rddreg [dreg:$0xd]  }
0x4c: {  	s0 =	sadd.s32 s4, s0  }
0x4d: {  	s26 =	rddreg [dreg:$0x8];
	s4 =	sshrl.u32 s0, $0x3  }
0x4e: {  	s28 =	sshll.u32 s30, $0xC;
	s6 =	simm.s32 $0x0;
	s5 =	sadd.s32 s1, s4  }
0x4f: {  	[tilespmem:s11], [sflag:$0x1] =	stream.linear.gather [hbm4b:s5+s29], $0x1000, $0x38;
	[tilespmem:$0x17280] =	vst v63  }
0x50: {  	s31 =	sadd.s32 $0x2000, s0;
	s0 =	sadd.s32 $0x3000, s0;
	s4 =	sadd.s32 s4, s26  }
0x51: {  	v5 =	vmov s28;
	[tilespmem:s12], [sflag:$0x2] =	stream.linear.gather [hbm4b:s4+s29], $0x1000, $0x38;
	[tilespmem:$0x17280] =	vst v63  }
.LBB2_8:
0x52: {  	_ =	swait.ge [sflag:s13], $0x1000;
	s4 =	simm.s32 $0x0  }
0x53: {  	[sflag:s13] =	ssyncset.done $0x0;
	s5 =	sand.u32 $0x800, s4;
	s4 =	sand.u32 $0x380, s4  }
0x54: {  	[sflag:s13] =	ssyncadd.s32 $0xFFFFF000;
	s4 =	sor.u32 s4, s5  }
0x55: {  	v0 =	vld [tilespmem:s4+$0x13180];
	_ =	sdelay $0x4  }
0x56: {  	v0 =	vadd.f32 $5.500000000e+00, v0;
	_ =	sdelay $0x1  }
0x57: {  	v0 =	vmul.f32 $3.723636470e+02, v0;
	_ =	sdelay $0x1  }
0x58: {  	v0 =	vmax.f32 v0, $0.0e+00  }
0x59: {  	v0 =	vmin.f32 v0, $4.095000000e+03  }
0x5a: {  	v0 =	vtrunc.f32 v0  }
0x5b: {  	v0 =	vcvt.f32.s32 v0;
	_ =	sdelay $0x1  }
0x5c: {  	v0 =	vadd.s32 v0, v5;
	_ =	sdelay $0x4  }
0x5d: {  	s18 =	sadd.s32 $0x13180, s4;
	[tilespmem:v0+s3+$0x0] =	vst.idx.add.s32.msk $0xffff, v3  }
0x5e: {  	v0 =	vld [tilespmem:s18+$0x10];
	_ =	sdelay $0x4  }
0x5f: {  	v0 =	vadd.f32 $5.500000000e+00, v0;
	_ =	sdelay $0x1  }
0x60: {  	v0 =	vmul.f32 $3.723636470e+02, v0;
	_ =	sdelay $0x1  }
0x61: {  	v0 =	vmax.f32 v0, $0.0e+00  }
0x62: {  	v0 =	vmin.f32 v0, $4.095000000e+03  }
0x63: {  	s7 =	simm.s32 $0x80;
	s5 =	simm.s32 $0x100;
	v0 =	vtrunc.f32 v0  }
0x64: {  	s4 =	sand.u32 $0x800, s5;
	s5 =	sand.u32 $0x380, s7;
	v0 =	vcvt.f32.s32 v0  }
0x65: {  	s4 =	sor.u32 s5, s4  }
0x66: {  	v2 =	vld [tilespmem:s4+$0x13180];
	v0 =	vadd.s32 v0, v5;
	_ =	sdelay $0x4  }
0x67: {  	v2 =	vadd.f32 $5.500000000e+00, v2;
	[tilespmem:v0+s3+$0x0] =	vst.idx.add.s32.msk $0xffff, v3  }
0x68: {  	v0 =	vld [tilespmem:s18+$0x20]  }
0x69: {  	v2 =	vmul.f32 $3.723636470e+02, v2;
	_ =	sdelay $0x1  }
0x6a: {  	v2 =	vmax.f32 v2, $0.0e+00  }
0x6b: {  	v2 =	vmin.f32 v2, $4.095000000e+03  }
0x6c: {  	v2 =	vtrunc.f32 v2;
	v0 =	vadd.f32 $5.500000000e+00, v0  }
0x6d: {  	v2 =	vcvt.f32.s32 v2  }
0x6e: {  	v0 =	vmul.f32 $3.723636470e+02, v0  }
0x6f: {  	v2 =	vadd.s32 v2, v5  }
0x70: {  	v0 =	vmax.f32 v0, $0.0e+00  }
0x71: {  	v0 =	vmin.f32 v0, $4.095000000e+03  }
0x72: {  	v0 =	vtrunc.f32 v0  }
0x73: {  	v0 =	vcvt.f32.s32 v0  }
0x74: {  	s10 =	sadd.s32 $0x13180, s4;
	[tilespmem:v2+s3+$0x0] =	vst.idx.add.s32.msk $0xffff, v3  }
0x75: {  	v2 =	vld [tilespmem:s10+$0x10];
	v0 =	vadd.s32 v0, v5;
	_ =	sdelay $0x4  }
0x76: {  	v2 =	vadd.f32 $5.500000000e+00, v2;
	[tilespmem:v0+s3+$0x0] =	vst.idx.add.s32.msk $0xffff, v3  }
0x77: {  	v0 =	vld [tilespmem:s18+$0x30]  }
0x78: {  	v2 =	vmul.f32 $3.723636470e+02, v2;
	_ =	sdelay $0x1  }
0x79: {  	v2 =	vmax.f32 v2, $0.0e+00  }
0x7a: {  	v2 =	vmin.f32 v2, $4.095000000e+03  }
0x7b: {  	s8 =	simm.s32 $0x200;
	s9 =	simm.s32 $0x100;
	v2 =	vtrunc.f32 v2;
	v0 =	vadd.f32 $5.500000000e+00, v0  }
0x7c: {  	s5 =	sand.u32 $0x380, s9;
	s4 =	sand.u32 $0x800, s8;
	v2 =	vcvt.f32.s32 v2  }
0x7d: {  	s4 =	sor.u32 s5, s4;
	v0 =	vmul.f32 $3.723636470e+02, v0  }
0x7e: {  	v6 =	vld [tilespmem:s4+$0x13180];
	v2 =	vadd.s32 v2, v5  }
0x7f: {  	v0 =	vmax.f32 v0, $0.0e+00  }
0x80: {  	v0 =	vmin.f32 v0, $4.095000000e+03  }
0x81: {  	v0 =	vtrunc.f32 v0  }
0x82: {  	v0 =	vcvt.f32.s32 v0  }
0x83: {  	v6 =	vadd.f32 $5.500000000e+00, v6;
	[tilespmem:v2+s3+$0x0] =	vst.idx.add.s32.msk $0xffff, v3  }
0x84: {  	v2 =	vld [tilespmem:s10+$0x20];
	v0 =	vadd.s32 v0, v5  }
0x85: {  	v6 =	vmul.f32 $3.723636470e+02, v6;
	_ =	sdelay $0x1  }
0x86: {  	v6 =	vmax.f32 v6, $0.0e+00  }
0x87: {  	v6 =	vmin.f32 v6, $4.095000000e+03  }
0x88: {  	v6 =	vtrunc.f32 v6;
	v2 =	vadd.f32 $5.500000000e+00, v2;
	[tilespmem:v0+s3+$0x0] =	vst.idx.add.s32.msk $0xffff, v3  }
0x89: {  	v0 =	vcvt.f32.s32 v6;
	v6 =	vld [tilespmem:s18+$0x40]  }
0x8a: {  	v2 =	vmul.f32 $3.723636470e+02, v2  }
0x8b: {  	v0 =	vadd.s32 v0, v5  }
0x8c: {  	v2 =	vmax.f32 v2, $0.0e+00  }
0x8d: {  	v2 =	vmin.f32 v2, $4.095000000e+03  }
0x8e: {  	v2 =	vtrunc.f32 v2;
	v6 =	vadd.f32 $5.500000000e+00, v6  }
0x8f: {  	v2 =	vcvt.f32.s32 v2  }
0x90: {  	s24 =	sadd.s32 $0x13180, s4;
	[tilespmem:v0+s3+$0x0] =	vst.idx.add.s32.msk $0xffff, v3;
	v0 =	vmul.f32 $3.723636470e+02, v6  }
0x91: {  	v2 =	vadd.s32 v2, v5;
	v6 =	vld [tilespmem:s24+$0x10]  }
0x92: {  	v0 =	vmax.f32 v0, $0.0e+00  }
0x93: {  	v0 =	vmin.f32 v0, $4.095000000e+03  }
0x94: {  	v0 =	vtrunc.f32 v0  }
0x95: {  	v0 =	vcvt.f32.s32 v0  }
0x96: {  	[tilespmem:v2+s3+$0x0] =	vst.idx.add.s32.msk $0xffff, v3;
	v6 =	vadd.f32 $5.500000000e+00, v6  }
0x97: {  	v2 =	vld [tilespmem:s10+$0x30];
	v0 =	vadd.s32 v0, v5  }
0x98: {  	v6 =	vmul.f32 $3.723636470e+02, v6;
	_ =	sdelay $0x1  }
0x99: {  	v6 =	vmax.f32 v6, $0.0e+00  }
0x9a: {  	v6 =	vmin.f32 v6, $4.095000000e+03  }
0x9b: {  	s15 =	simm.s32 $0x300;
	s23 =	simm.s32 $0x180;
	v2 =	vadd.f32 $5.500000000e+00, v2;
	v6 =	vtrunc.f32 v6;
	[tilespmem:v0+s3+$0x0] =	vst.idx.add.s32.msk $0xffff, v3  }
0x9c: {  	s5 =	sand.u32 $0x380, s23;
	s4 =	sand.u32 $0x800, s15;
	v0 =	vcvt.f32.s32 v6;
	v6 =	vld [tilespmem:s18+$0x50]  }
0x9d: {  	s4 =	sor.u32 s5, s4;
	v2 =	vmul.f32 $3.723636470e+02, v2  }
0x9e: {  	v7 =	vld [tilespmem:s4+$0x13180];
	v0 =	vadd.s32 v0, v5  }
0x9f: {  	v2 =	vmax.f32 v2, $0.0e+00  }
0xa0: {  	v2 =	vmin.f32 v2, $4.095000000e+03  }
0xa1: {  	v2 =	vtrunc.f32 v2;
	v6 =	vadd.f32 $5.500000000e+00, v6  }
0xa2: {  	v2 =	vcvt.f32.s32 v2  }
0xa3: {  	v7 =	vadd.f32 $5.500000000e+00, v7;
	[tilespmem:v0+s3+$0x0] =	vst.idx.add.s32.msk $0xffff, v3;
	v0 =	vmul.f32 $3.723636470e+02, v6  }
0xa4: {  	v2 =	vadd.s32 v2, v5;
	v6 =	vld [tilespmem:s24+$0x20]  }
0xa5: {  	v7 =	vmul.f32 $3.723636470e+02, v7;
	v0 =	vmax.f32 v0, $0.0e+00  }
0xa6: {  	v0 =	vmin.f32 v0, $4.095000000e+03  }
0xa7: {  	v7 =	vmax.f32 v7, $0.0e+00;
	v0 =	vtrunc.f32 v0  }
0xa8: {  	v7 =	vmin.f32 v7, $4.095000000e+03;
	v0 =	vcvt.f32.s32 v0  }
0xa9: {  	v7 =	vtrunc.f32 v7;
	[tilespmem:v2+s3+$0x0] =	vst.idx.add.s32.msk $0xffff, v3;
	v6 =	vadd.f32 $5.500000000e+00, v6  }
0xaa: {  	v2 =	vcvt.f32.s32 v7;
	v7 =	vld [tilespmem:s10+$0x40];
	v0 =	vadd.s32 v0, v5  }
0xab: {  	v6 =	vmul.f32 $3.723636470e+02, v6  }
0xac: {  	v2 =	vadd.s32 v2, v5  }
0xad: {  	v6 =	vmax.f32 v6, $0.0e+00  }
0xae: {  	v6 =	vmin.f32 v6, $4.095000000e+03  }
0xaf: {  	v7 =	vadd.f32 $5.500000000e+00, v7;
	v6 =	vtrunc.f32 v6;
	[tilespmem:v0+s3+$0x0] =	vst.idx.add.s32.msk $0xffff, v3  }
0xb0: {  	v0 =	vcvt.f32.s32 v6;
	v6 =	vld [tilespmem:s18+$0x60]  }
0xb1: {  	s4 =	sadd.s32 $0x13180, s4;
	[tilespmem:v2+s3+$0x0] =	vst.idx.add.s32.msk $0xffff, v3;
	v2 =	vmul.f32 $3.723636470e+02, v7  }
0xb2: {  	v7 =	vld [tilespmem:s4+$0x10];
	v0 =	vadd.s32 v0, v5  }
0xb3: {  	v2 =	vmax.f32 v2, $0.0e+00  }
0xb4: {  	v2 =	vmin.f32 v2, $4.095000000e+03  }
0xb5: {  	v2 =	vtrunc.f32 v2;
	v6 =	vadd.f32 $5.500000000e+00, v6  }
0xb6: {  	v2 =	vcvt.f32.s32 v2  }
0xb7: {  	v7 =	vadd.f32 $5.500000000e+00, v7;
	[tilespmem:v0+s3+$0x0] =	vst.idx.add.s32.msk $0xffff, v3;
	v0 =	vmul.f32 $3.723636470e+02, v6  }
0xb8: {  	v2 =	vadd.s32 v2, v5;
	v6 =	vld [tilespmem:s24+$0x30]  }
0xb9: {  	v7 =	vmul.f32 $3.723636470e+02, v7;
	v0 =	vmax.f32 v0, $0.0e+00  }
0xba: {  	v0 =	vmin.f32 v0, $4.095000000e+03  }
0xbb: {  	v7 =	vmax.f32 v7, $0.0e+00;
	v0 =	vtrunc.f32 v0  }
0xbc: {  	v7 =	vmin.f32 v7, $4.095000000e+03;
	v0 =	vcvt.f32.s32 v0  }
0xbd: {  	s25 =	simm.s32 $0x400;
	s7 =	simm.s32 $0x200;
	v7 =	vtrunc.f32 v7;
	[tilespmem:v2+s3+$0x0] =	vst.idx.add.s32.msk $0xffff, v3;
	v6 =	vadd.f32 $5.500000000e+00, v6  }
0xbe: {  	s7 =	sand.u32 $0x380, s7;
	s5 =	sand.u32 $0x800, s25;
	v2 =	vcvt.f32.s32 v7;
	v7 =	vld [tilespmem:s10+$0x50];
	v0 =	vadd.s32 v0, v5  }
0xbf: {  	s5 =	sor.u32 s7, s5;
	v6 =	vmul.f32 $3.723636470e+02, v6  }
0xc0: {  	v8 =	vld [tilespmem:s5+$0x13180];
	v2 =	vadd.s32 v2, v5  }
0xc1: {  	v6 =	vmax.f32 v6, $0.0e+00  }
0xc2: {  	v6 =	vmin.f32 v6, $4.095000000e+03  }
0xc3: {  	v7 =	vadd.f32 $5.500000000e+00, v7;
	v6 =	vtrunc.f32 v6;
	[tilespmem:v0+s3+$0x0] =	vst.idx.add.s32.msk $0xffff, v3  }
0xc4: {  	v0 =	vcvt.f32.s32 v6;
	v6 =	vld [tilespmem:s18+$0x70]  }
0xc5: {  	v8 =	vadd.f32 $5.500000000e+00, v8;
	[tilespmem:v2+s3+$0x0] =	vst.idx.add.s32.msk $0xffff, v3;
	v2 =	vmul.f32 $3.723636470e+02, v7  }
0xc6: {  	v7 =	vld [tilespmem:s4+$0x20];
	v0 =	vadd.s32 v0, v5  }
0xc7: {  	v8 =	vmul.f32 $3.723636470e+02, v8;
	v2 =	vmax.f32 v2, $0.0e+00  }
0xc8: {  	v2 =	vmin.f32 v2, $4.095000000e+03  }
0xc9: {  	v8 =	vmax.f32 v8, $0.0e+00;
	v2 =	vtrunc.f32 v2;
	v6 =	vadd.f32 $5.500000000e+00, v6  }
0xca: {  	v8 =	vmin.f32 v8, $4.095000000e+03;
	v2 =	vcvt.f32.s32 v2  }
0xcb: {  	v8 =	vtrunc.f32 v8;
	v7 =	vadd.f32 $5.500000000e+00, v7;
	[tilespmem:v0+s3+$0x0] =	vst.idx.add.s32.msk $0xffff, v3;
	v0 =	vmul.f32 $3.723636470e+02, v6  }
0xcc: {  	v2 =	vadd.s32 v2, v5;
	v6 =	vcvt.f32.s32 v8;
	v8 =	vld [tilespmem:s24+$0x40]  }
0xcd: {  	v7 =	vmul.f32 $3.723636470e+02, v7;
	v0 =	vmax.f32 v0, $0.0e+00  }
0xce: {  	v6 =	vadd.s32 v6, v5;
	v0 =	vmin.f32 v0, $4.095000000e+03  }
0xcf: {  	v7 =	vmax.f32 v7, $0.0e+00;
	v0 =	vtrunc.f32 v0  }
0xd0: {  	v7 =	vmin.f32 v7, $4.095000000e+03;
	v0 =	vcvt.f32.s32 v0  }
0xd1: {  	v7 =	vtrunc.f32 v7;
	[tilespmem:v2+s3+$0x0] =	vst.idx.add.s32.msk $0xffff, v3;
	v8 =	vadd.f32 $5.500000000e+00, v8  }
0xd2: {  	v2 =	vcvt.f32.s32 v7;
	v7 =	vld [tilespmem:s10+$0x60];
	v0 =	vadd.s32 v0, v5  }
0xd3: {  	s8 =	sadd.s32 $0x13180, s5;
	[tilespmem:v6+s3+$0x0] =	vst.idx.add.s32.msk $0xffff, v3;
	v6 =	vmul.f32 $3.723636470e+02, v8  }
0xd4: {  	v2 =	vadd.s32 v2, v5;
	v8 =	vld [tilespmem:s8+$0x10]  }
0xd5: {  	v6 =	vmax.f32 v6, $0.0e+00  }
0xd6: {  	v6 =	vmin.f32 v6, $4.095000000e+03  }
0xd7: {  	v7 =	vadd.f32 $5.500000000e+00, v7;
	v6 =	vtrunc.f32 v6;
	[tilespmem:v0+s3+$0x0] =	vst.idx.add.s32.msk $0xffff, v3  }
0xd8: {  	v0 =	vcvt.f32.s32 v6;
	v6 =	vld [tilespmem:s18+$0x400]  }
0xd9: {  	[tilespmem:v2+s3+$0x0] =	vst.idx.add.s32.msk $0xffff, v3;
	v2 =	vmul.f32 $3.723636470e+02, v7;
	v8 =	vadd.f32 $5.500000000e+00, v8  }
0xda: {  	v7 =	vld [tilespmem:s4+$0x30];
	v0 =	vadd.s32 v0, v5  }
0xdb: {  	v2 =	vmax.f32 v2, $0.0e+00;
	v8 =	vmul.f32 $3.723636470e+02, v8  }
0xdc: {  	v2 =	vmin.f32 v2, $4.095000000e+03  }
0xdd: {  	v2 =	vtrunc.f32 v2;
	v8 =	vmax.f32 v8, $0.0e+00;
	v6 =	vadd.f32 $5.500000000e+00, v6  }
0xde: {  	v2 =	vcvt.f32.s32 v2;
	v8 =	vmin.f32 v8, $4.095000000e+03  }
0xdf: {  	s26 =	simm.s32 $0x500;
	s28 =	simm.s32 $0x280;
	v7 =	vadd.f32 $5.500000000e+00, v7;
	v8 =	vtrunc.f32 v8;
	[tilespmem:v0+s3+$0x0] =	vst.idx.add.s32.msk $0xffff, v3;
	v0 =	vmul.f32 $3.723636470e+02, v6  }
0xe0: {  	s7 =	sand.u32 $0x380, s28;
	s5 =	sand.u32 $0x800, s26;
	v2 =	vadd.s32 v2, v5;
	v6 =	vcvt.f32.s32 v8;
	v8 =	vld [tilespmem:s24+$0x50]  }
0xe1: {  	s5 =	sor.u32 s7, s5;
	v7 =	vmul.f32 $3.723636470e+02, v7;
	v0 =	vmax.f32 v0, $0.0e+00  }
0xe2: {  	v9 =	vld [tilespmem:s5+$0x13180];
	v6 =	vadd.s32 v6, v5;
	v0 =	vmin.f32 v0, $4.095000000e+03  }
0xe3: {  	v7 =	vmax.f32 v7, $0.0e+00;
	v0 =	vtrunc.f32 v0  }
0xe4: {  	v7 =	vmin.f32 v7, $4.095000000e+03;
	v0 =	vcvt.f32.s32 v0  }
0xe5: {  	v7 =	vtrunc.f32 v7;
	[tilespmem:v2+s3+$0x0] =	vst.idx.add.s32.msk $0xffff, v3;
	v8 =	vadd.f32 $5.500000000e+00, v8  }
0xe6: {  	v2 =	vcvt.f32.s32 v7;
	v7 =	vld [tilespmem:s10+$0x70];
	v0 =	vadd.s32 v0, v5  }
0xe7: {  	v9 =	vadd.f32 $5.500000000e+00, v9;
	[tilespmem:v6+s3+$0x0] =	vst.idx.add.s32.msk $0xffff, v3;
	v6 =	vmul.f32 $3.723636470e+02, v8  }
0xe8: {  	v2 =	vadd.s32 v2, v5;
	v8 =	vld [tilespmem:s8+$0x20]  }
0xe9: {  	v9 =	vmul.f32 $3.723636470e+02, v9;
	v6 =	vmax.f32 v6, $0.0e+00  }
0xea: {  	v6 =	vmin.f32 v6, $4.095000000e+03  }
0xeb: {  	v9 =	vmax.f32 v9, $0.0e+00;
	v7 =	vadd.f32 $5.500000000e+00, v7;
	v6 =	vtrunc.f32 v6;
	[tilespmem:v0+s3+$0x0] =	vst.idx.add.s32.msk $0xffff, v3  }
0xec: {  	v0 =	vmin.f32 v9, $4.095000000e+03;
	v6 =	vcvt.f32.s32 v6;
	v9 =	vld [tilespmem:s18+$0x410]  }
0xed: {  	[tilespmem:v2+s3+$0x0] =	vst.idx.add.s32.msk $0xffff, v3;
	v2 =	vmul.f32 $3.723636470e+02, v7;
	v0 =	vtrunc.f32 v0;
	v8 =	vadd.f32 $5.500000000e+00, v8  }
0xee: {  	v7 =	vld [tilespmem:s4+$0x40];
	v0 =	vcvt.f32.s32 v0;
	v6 =	vadd.s32 v6, v5  }
0xef: {  	v2 =	vmax.f32 v2, $0.0e+00;
	v8 =	vmul.f32 $3.723636470e+02, v8  }
0xf0: {  	v2 =	vmin.f32 v2, $4.095000000e+03;
	v0 =	vadd.s32 v0, v5  }
0xf1: {  	v2 =	vtrunc.f32 v2;
	v8 =	vmax.f32 v8, $0.0e+00;
	v9 =	vadd.f32 $5.500000000e+00, v9  }
0xf2: {  	v2 =	vcvt.f32.s32 v2;
	v8 =	vmin.f32 v8, $4.095000000e+03  }
0xf3: {  	v7 =	vadd.f32 $5.500000000e+00, v7;
	v8 =	vtrunc.f32 v8;
	[tilespmem:v6+s3+$0x0] =	vst.idx.add.s32.msk $0xffff, v3;
	v6 =	vmul.f32 $3.723636470e+02, v9  }
0xf4: {  	v2 =	vadd.s32 v2, v5;
	v8 =	vcvt.f32.s32 v8;
	v9 =	vld [tilespmem:s24+$0x60]  }
0xf5: {  	s25 =	sadd.s32 $0x13180, s5;
	[tilespmem:v0+s3+$0x0] =	vst.idx.add.s32.msk $0xffff, v3;
	v0 =	vmul.f32 $3.723636470e+02, v7;
	v6 =	vmax.f32 v6, $0.0e+00  }
0xf6: {  	v7 =	vld [tilespmem:s25+$0x10];
	v8 =	vadd.s32 v8, v5;
	v6 =	vmin.f32 v6, $4.095000000e+03  }
0xf7: {  	v0 =	vmax.f32 v0, $0.0e+00;
	v6 =	vtrunc.f32 v6  }
0xf8: {  	v0 =	vmin.f32 v0, $4.095000000e+03;
	v6 =	vcvt.f32.s32 v6  }
0xf9: {  	[tilespmem:v2+s3+$0x0] =	vst.idx.add.s32.msk $0xffff, v3;
	v0 =	vtrunc.f32 v0;
	v9 =	vadd.f32 $5.500000000e+00, v9  }
0xfa: {  	v2 =	vld [tilespmem:s10+$0x400];
	v0 =	vcvt.f32.s32 v0;
	v6 =	vadd.s32 v6, v5  }
0xfb: {  	v7 =	vadd.f32 $5.500000000e+00, v7;
	[tilespmem:v8+s3+$0x0] =	vst.idx.add.s32.msk $0xffff, v3;
	v8 =	vmul.f32 $3.723636470e+02, v9  }
0xfc: {  	v9 =	vld [tilespmem:s8+$0x30];
	v0 =	vadd.s32 v0, v5  }
0xfd: {  	v7 =	vmul.f32 $3.723636470e+02, v7;
	v8 =	vmax.f32 v8, $0.0e+00  }
0xfe: {  	v8 =	vmin.f32 v8, $4.095000000e+03  }
0xff: {  	v2 =	vadd.f32 $5.500000000e+00, v2;
	v7 =	vmax.f32 v7, $0.0e+00;
	v8 =	vtrunc.f32 v8;
	[tilespmem:v6+s3+$0x0] =	vst.idx.add.s32.msk $0xffff, v3  }
0x100: {  	v6 =	vmin.f32 v7, $4.095000000e+03;
	v7 =	vcvt.f32.s32 v8;
	v8 =	vld [tilespmem:s18+$0x420]  }
0x101: {  	s9 =	simm.s32 $0x300;
	s7 =	simm.s32 $0x600;
	v6 =	vtrunc.f32 v6;
	v9 =	vadd.f32 $5.500000000e+00, v9;
	[tilespmem:v0+s3+$0x0] =	vst.idx.add.s32.msk $0xffff, v3;
	v0 =	vmul.f32 $3.723636470e+02, v2  }
0x102: {  	s5 =	sand.u32 $0x800, s7;
	s7 =	sand.u32 $0x380, s9;
	v2 =	vcvt.f32.s32 v6;
	v6 =	vld [tilespmem:s4+$0x50];
	v7 =	vadd.s32 v7, v5  }
0x103: {  	s5 =	sor.u32 s7, s5;
	v9 =	vmul.f32 $3.723636470e+02, v9;
	v0 =	vmax.f32 v0, $0.0e+00  }
0x104: {  	v10 =	vld [tilespmem:s5+$0x13180];
	v2 =	vadd.s32 v2, v5;
	v0 =	vmin.f32 v0, $4.095000000e+03  }
0x105: {  	v9 =	vmax.f32 v9, $0.0e+00;
	v0 =	vtrunc.f32 v0;
	v8 =	vadd.f32 $5.500000000e+00, v8  }
0x106: {  	v9 =	vmin.f32 v9, $4.095000000e+03;
	v0 =	vcvt.f32.s32 v0  }
0x107: {  	v9 =	vtrunc.f32 v9;
	v6 =	vadd.f32 $5.500000000e+00, v6;
	[tilespmem:v7+s3+$0x0] =	vst.idx.add.s32.msk $0xffff, v3;
	v7 =	vmul.f32 $3.723636470e+02, v8  }
0x108: {  	v8 =	vcvt.f32.s32 v9;
	v9 =	vld [tilespmem:s24+$0x70];
	v0 =	vadd.s32 v0, v5  }
0x109: {  	v10 =	vadd.f32 $5.500000000e+00, v10;
	[tilespmem:v2+s3+$0x0] =	vst.idx.add.s32.msk $0xffff, v3;
	v2 =	vmul.f32 $3.723636470e+02, v6;
	v6 =	vmax.f32 v7, $0.0e+00  }
0x10a: {  	v7 =	vld [tilespmem:s25+$0x20];
	v8 =	vadd.s32 v8, v5;
	v6 =	vmin.f32 v6, $4.095000000e+03  }
0x10b: {  	v10 =	vmul.f32 $3.723636470e+02, v10;
	v2 =	vmax.f32 v2, $0.0e+00;
	v6 =	vtrunc.f32 v6  }
0x10c: {  	v2 =	vmin.f32 v2, $4.095000000e+03;
	v6 =	vcvt.f32.s32 v6  }
0x10d: {  	v10 =	vmax.f32 v10, $0.0e+00;
	v2 =	vtrunc.f32 v2;
	v9 =	vadd.f32 $5.500000000e+00, v9;
	[tilespmem:v0+s3+$0x0] =	vst.idx.add.s32.msk $0xffff, v3  }
0x10e: {  	v0 =	vmin.f32 v10, $4.095000000e+03;
	v2 =	vcvt.f32.s32 v2;
	v10 =	vld [tilespmem:s10+$0x410];
	v6 =	vadd.s32 v6, v5  }
0x10f: {  	v0 =	vtrunc.f32 v0;
	v7 =	vadd.f32 $5.500000000e+00, v7;
	[tilespmem:v8+s3+$0x0] =	vst.idx.add.s32.msk $0xffff, v3;
	v8 =	vmul.f32 $3.723636470e+02, v9  }
0x110: {  	v0 =	vcvt.f32.s32 v0;
	v9 =	vld [tilespmem:s8+$0x40];
	v2 =	vadd.s32 v2, v5  }
0x111: {  	v7 =	vmul.f32 $3.723636470e+02, v7;
	v8 =	vmax.f32 v8, $0.0e+00  }
0x112: {  	v0 =	vadd.s32 v0, v5;
	v8 =	vmin.f32 v8, $4.095000000e+03  }
0x113: {  	v7 =	vmax.f32 v7, $0.0e+00;
	v8 =	vtrunc.f32 v8;
	v10 =	vadd.f32 $5.500000000e+00, v10;
	[tilespmem:v6+s3+$0x0] =	vst.idx.add.s32.msk $0xffff, v3  }
0x114: {  	v6 =	vmin.f32 v7, $4.095000000e+03;
	v7 =	vcvt.f32.s32 v8;
	v8 =	vld [tilespmem:s18+$0x430]  }
0x115: {  	v6 =	vtrunc.f32 v6;
	v9 =	vadd.f32 $5.500000000e+00, v9;
	[tilespmem:v2+s3+$0x0] =	vst.idx.add.s32.msk $0xffff, v3;
	v2 =	vmul.f32 $3.723636470e+02, v10  }
0x116: {  	v6 =	vcvt.f32.s32 v6;
	v10 =	vld [tilespmem:s4+$0x60];
	v7 =	vadd.s32 v7, v5  }
0x117: {  	s26 =	sadd.s32 $0x13180, s5;
	[tilespmem:v0+s3+$0x0] =	vst.idx.add.s32.msk $0xffff, v3;
	v0 =	vmul.f32 $3.723636470e+02, v9;
	v2 =	vmax.f32 v2, $0.0e+00  }
0x118: {  	v9 =	vld [tilespmem:s26+$0x10];
	v6 =	vadd.s32 v6, v5;
	v2 =	vmin.f32 v2, $4.095000000e+03  }
0x119: {  	v0 =	vmax.f32 v0, $0.0e+00;
	v2 =	vtrunc.f32 v2;
	v8 =	vadd.f32 $5.500000000e+00, v8  }
0x11a: {  	v0 =	vmin.f32 v0, $4.095000000e+03;
	v2 =	vcvt.f32.s32 v2  }
0x11b: {  	v0 =	vtrunc.f32 v0;
	v10 =	vadd.f32 $5.500000000e+00, v10;
	[tilespmem:v7+s3+$0x0] =	vst.idx.add.s32.msk $0xffff, v3;
	v7 =	vmul.f32 $3.723636470e+02, v8  }
0x11c: {  	s23 =	simm.s32 $0x380;
	s15 =	simm.s32 $0x700;
	v0 =	vcvt.f32.s32 v0;
	v8 =	vld [tilespmem:s24+$0x400];
	v2 =	vadd.s32 v2, v5  }
0x11d: {  	s7 =	sand.u32 $0x380, s23;
	s5 =	sand.u32 $0x800, s15;
	v9 =	vadd.f32 $5.500000000e+00, v9;
	[tilespmem:v6+s3+$0x0] =	vst.idx.add.s32.msk $0xffff, v3;
	v6 =	vmul.f32 $3.723636470e+02, v10;
	v7 =	vmax.f32 v7, $0.0e+00  }
0x11e: {  	s15 =	sor.u32 s7, s5;
	v10 =	vld [tilespmem:s25+$0x30];
	v0 =	vadd.s32 v0, v5;
	v7 =	vmin.f32 v7, $4.095000000e+03  }
0x11f: {  	v11 =	vld [tilespmem:s15+$0x13180];
	v9 =	vmul.f32 $3.723636470e+02, v9;
	v6 =	vmax.f32 v6, $0.0e+00;
	v7 =	vtrunc.f32 v7  }
0x120: {  	v6 =	vmin.f32 v6, $4.095000000e+03;
	v7 =	vcvt.f32.s32 v7  }
0x121: {  	v9 =	vmax.f32 v9, $0.0e+00;
	v6 =	vtrunc.f32 v6;
	v8 =	vadd.f32 $5.500000000e+00, v8;
	[tilespmem:v2+s3+$0x0] =	vst.idx.add.s32.msk $0xffff, v3  }
0x122: {  	v2 =	vmin.f32 v9, $4.095000000e+03;
	v6 =	vcvt.f32.s32 v6;
	v9 =	vld [tilespmem:s10+$0x420];
	v7 =	vadd.s32 v7, v5  }
0x123: {  	v2 =	vtrunc.f32 v2;
	v10 =	vadd.f32 $5.500000000e+00, v10;
	[tilespmem:v0+s3+$0x0] =	vst.idx.add.s32.msk $0xffff, v3;
	v0 =	vmul.f32 $3.723636470e+02, v8  }
0x124: {  	v8 =	vadd.f32 $5.500000000e+00, v11;
	v2 =	vcvt.f32.s32 v2;
	v11 =	vld [tilespmem:s8+$0x50];
	v6 =	vadd.s32 v6, v5  }
0x125: {  	v10 =	vmul.f32 $3.723636470e+02, v10;
	v0 =	vmax.f32 v0, $0.0e+00  }
0x126: {  	v8 =	vmul.f32 $3.723636470e+02, v8;
	v2 =	vadd.s32 v2, v5;
	v0 =	vmin.f32 v0, $4.095000000e+03  }
0x127: {  	v10 =	vmax.f32 v10, $0.0e+00;
	v0 =	vtrunc.f32 v0;
	v9 =	vadd.f32 $5.500000000e+00, v9;
	[tilespmem:v7+s3+$0x0] =	vst.idx.add.s32.msk $0xffff, v3  }
0x128: {  	v7 =	vmax.f32 v8, $0.0e+00;
	v8 =	vmin.f32 v10, $4.095000000e+03;
	v0 =	vcvt.f32.s32 v0;
	v10 =	vld [tilespmem:s18+$0x440]  }
0x129: {  	v8 =	vtrunc.f32 v8;
	v11 =	vadd.f32 $5.500000000e+00, v11;
	[tilespmem:v6+s3+$0x0] =	vst.idx.add.s32.msk $0xffff, v3;
	v6 =	vmul.f32 $3.723636470e+02, v9  }
0x12a: {  	v7 =	vmin.f32 v7, $4.095000000e+03;
	v8 =	vcvt.f32.s32 v8;
	v9 =	vld [tilespmem:s4+$0x70];
	v0 =	vadd.s32 v0, v5  }
0x12b: {  	s28 =	simm.s32 $0x800;
	s5 =	simm.s32 $0x400;
	v7 =	vtrunc.f32 v7;
	[tilespmem:v2+s3+$0x0] =	vst.idx.add.s32.msk $0xffff, v3;
	v2 =	vmul.f32 $3.723636470e+02, v11;
	v6 =	vmax.f32 v6, $0.0e+00  }
0x12c: {  	s7 =	sand.u32 $0x800, s28;
	s9 =	sand.u32 $0x380, s5;
	v7 =	vcvt.f32.s32 v7;
	v11 =	vld [tilespmem:s26+$0x20];
	v8 =	vadd.s32 v8, v5;
	v6 =	vmin.f32 v6, $4.095000000e+03  }
0x12d: {  	s7 =	sor.u32 s9, s7;
	v2 =	vmax.f32 v2, $0.0e+00;
	v6 =	vtrunc.f32 v6;
	v10 =	vadd.f32 $5.500000000e+00, v10  }
0x12e: {  	v12 =	vld [tilespmem:s7+$0x13180];
	v7 =	vadd.s32 v7, v5;
	v2 =	vmin.f32 v2, $4.095000000e+03;
	v6 =	vcvt.f32.s32 v6  }
0x12f: {  	v2 =	vtrunc.f32 v2;
	v9 =	vadd.f32 $5.500000000e+00, v9;
	[tilespmem:v0+s3+$0x0] =	vst.idx.add.s32.msk $0xffff, v3;
	v0 =	vmul.f32 $3.723636470e+02, v10  }
0x130: {  	v2 =	vcvt.f32.s32 v2;
	v10 =	vld [tilespmem:s24+$0x410];
	v6 =	vadd.s32 v6, v5  }
0x131: {  	v11 =	vadd.f32 $5.500000000e+00, v11;
	[tilespmem:v8+s3+$0x0] =	vst.idx.add.s32.msk $0xffff, v3;
	v8 =	vmul.f32 $3.723636470e+02, v9;
	v0 =	vmax.f32 v0, $0.0e+00  }
0x132: {  	v9 =	vld [tilespmem:s25+$0x40];
	v2 =	vadd.s32 v2, v5;
	v0 =	vmin.f32 v0, $4.095000000e+03  }
0x133: {  	s15 =	sadd.s32 $0x13180, s15;
	[tilespmem:v7+s3+$0x0] =	vst.idx.add.s32.msk $0xffff, v3;
	v7 =	vmul.f32 $3.723636470e+02, v11;
	v8 =	vmax.f32 v8, $0.0e+00;
	v0 =	vtrunc.f32 v0  }
0x134: {  	v11 =	vld [tilespmem:s15+$0x10];
	v8 =	vmin.f32 v8, $4.095000000e+03;
	v0 =	vcvt.f32.s32 v0  }
0x135: {  	v7 =	vmax.f32 v7, $0.0e+00;
	v8 =	vtrunc.f32 v8;
	v10 =	vadd.f32 $5.500000000e+00, v10;
	[tilespmem:v6+s3+$0x0] =	vst.idx.add.s32.msk $0xffff, v3  }
0x136: {  	v6 =	vmin.f32 v7, $4.095000000e+03;
	v7 =	vcvt.f32.s32 v8;
	v8 =	vld [tilespmem:s10+$0x430];
	v0 =	vadd.s32 v0, v5  }
0x137: {  	v6 =	vtrunc.f32 v6;
	v9 =	vadd.f32 $5.500000000e+00, v9;
	[tilespmem:v2+s3+$0x0] =	vst.idx.add.s32.msk $0xffff, v3;
	v2 =	vmul.f32 $3.723636470e+02, v10  }
0x138: {  	v10 =	vadd.f32 $5.500000000e+00, v12;
	v6 =	vcvt.f32.s32 v6;
	v12 =	vld [tilespmem:s8+$0x60];
	v7 =	vadd.s32 v7, v5  }
0x139: {  	v9 =	vmul.f32 $3.723636470e+02, v9;
	v2 =	vmax.f32 v2, $0.0e+00  }
0x13a: {  	v10 =	vmul.f32 $3.723636470e+02, v10;
	v6 =	vadd.s32 v6, v5;
	v2 =	vmin.f32 v2, $4.095000000e+03  }
0x13b: {  	v9 =	vmax.f32 v9, $0.0e+00;
	v2 =	vtrunc.f32 v2;
	v8 =	vadd.f32 $5.500000000e+00, v8;
	[tilespmem:v0+s3+$0x0] =	vst.idx.add.s32.msk $0xffff, v3  }
0x13c: {  	v0 =	vadd.f32 $5.500000000e+00, v11;
	v9 =	vmin.f32 v9, $4.095000000e+03;
	v2 =	vcvt.f32.s32 v2;
	v11 =	vld [tilespmem:s18+$0x450]  }
0x13d: {  	v9 =	vtrunc.f32 v9;
	v12 =	vadd.f32 $5.500000000e+00, v12;
	[tilespmem:v7+s3+$0x0] =	vst.idx.add.s32.msk $0xffff, v3;
	v7 =	vmul.f32 $3.723636470e+02, v8  }
0x13e: {  	v0 =	vmul.f32 $3.723636470e+02, v0;
	v8 =	vcvt.f32.s32 v9;
	v9 =	vld [tilespmem:s4+$0x400];
	v13 =	vadd.s32 v2, v5  }
0x13f: {  	v2 =	vmax.f32 v10, $0.0e+00;
	[tilespmem:v6+s3+$0x0] =	vst.idx.add.s32.msk $0xffff, v3;
	v6 =	vmul.f32 $3.723636470e+02, v12;
	v7 =	vmax.f32 v7, $0.0e+00  }
0x140: {  	v10 =	vld [tilespmem:s26+$0x30];
	v0 =	vmax.f32 v0, $0.0e+00;
	v12 =	vadd.s32 v8, v5;
	v7 =	vmin.f32 v7, $4.095000000e+03  }
0x141: {  	v6 =	vmax.f32 v6, $0.0e+00;
	v7 =	vtrunc.f32 v7;
	v8 =	vadd.f32 $5.500000000e+00, v11  }
0x142: {  	v0 =	vmin.f32 v0, $4.095000000e+03;
	v6 =	vmin.f32 v6, $4.095000000e+03;
	v7 =	vcvt.f32.s32 v7  }
0x143: {  	v6 =	vtrunc.f32 v6;
	v9 =	vadd.f32 $5.500000000e+00, v9;
	[tilespmem:v13+s3+$0x0] =	vst.idx.add.s32.msk $0xffff, v3;
	v13 =	vmul.f32 $3.723636470e+02, v8  }
0x144: {  	v0 =	vtrunc.f32 v0;
	v6 =	vcvt.f32.s32 v6;
	v8 =	vld [tilespmem:s24+$0x420];
	v7 =	vadd.s32 v7, v5  }
0x145: {  	v11 =	vadd.f32 $5.500000000e+00, v10;
	[tilespmem:v12+s3+$0x0] =	vst.idx.add.s32.msk $0xffff, v3;
	v9 =	vmul.f32 $3.723636470e+02, v9;
	v13 =	vmax.f32 v13, $0.0e+00  }
0x146: {  	s18 =	simm.s32 $0x900;
	v12 =	vcvt.f32.s32 v0;
	v0 =	vld [tilespmem:s25+$0x50];
	v10 =	vadd.s32 v6, v5;
	v6 =	vmin.f32 v13, $4.095000000e+03  }
.LBB2_9:
0x147: {  	p0 =	sne.s32 s18, $0xF00;
	v11 =	vmul.f32 $3.723636470e+02, v11;
	v9 =	vmax.f32 v9, $0.0e+00;
	v6 =	vtrunc.f32 v6  }
0x148: {  	v12 =	vadd.s32 v12, v5;
	v9 =	vmin.f32 v9, $4.095000000e+03;
	v6 =	vcvt.f32.s32 v6  }
0x149: {  	v11 =	vmax.f32 v11, $0.0e+00;
	v9 =	vtrunc.f32 v9;
	v8 =	vadd.f32 $5.500000000e+00, v8;
	[tilespmem:v7+s3+$0x0] =	vst.idx.add.s32.msk $0xffff, v3  }
0x14a: {  	v7 =	vmin.f32 v11, $4.095000000e+03;
	v9 =	vcvt.f32.s32 v9;
	v11 =	vld [tilespmem:s10+$0x440];
	v6 =	vadd.s32 v6, v5  }
0x14b: {  	v7 =	vtrunc.f32 v7;
	v0 =	vadd.f32 $5.500000000e+00, v0;
	[tilespmem:v10+s3+$0x0] =	vst.idx.add.s32.msk $0xffff, v3;
	v8 =	vmul.f32 $3.723636470e+02, v8  }
0x14c: {  	v2 =	vmin.f32 v2, $4.095000000e+03;
	v7 =	vcvt.f32.s32 v7;
	v10 =	vld [tilespmem:s8+$0x70];
	v9 =	vadd.s32 v9, v5  }
0x14d: {  	s5 =	sadd.s32 $0x80, s5;
	v2 =	vtrunc.f32 v2;
	[tilespmem:v12+s3+$0x0] =	vst.idx.add.s32.msk $0xffff, v3;
	v0 =	vmul.f32 $3.723636470e+02, v0;
	v8 =	vmax.f32 v8, $0.0e+00  }
0x14e: {  	s9 =	sand.u32 $0x800, s18;
	s23 =	sand.u32 $0x380, s5;
	v2 =	vcvt.f32.s32 v2;
	v12 =	vld [tilespmem:s15+$0x20];
	v7 =	vadd.s32 v7, v5;
	v8 =	vmin.f32 v8, $4.095000000e+03  }
0x14f: {  	s9 =	sor.u32 s23, s9;
	v0 =	vmax.f32 v0, $0.0e+00;
	v8 =	vtrunc.f32 v8;
	v11 =	vadd.f32 $5.500000000e+00, v11;
	[tilespmem:v6+s3+$0x0] =	vst.idx.add.s32.msk $0xffff, v3  }
0x150: {  	v2 =	vadd.s32 v2, v5;
	v6 =	vld [tilespmem:s9+$0x13180];
	v0 =	vmin.f32 v0, $4.095000000e+03;
	v8 =	vcvt.f32.s32 v8  }
0x151: {  	v0 =	vtrunc.f32 v0;
	v10 =	vadd.f32 $5.500000000e+00, v10;
	[tilespmem:v9+s3+$0x0] =	vst.idx.add.s32.msk $0xffff, v3;
	v9 =	vmul.f32 $3.723636470e+02, v11  }
0x152: {  	v0 =	vcvt.f32.s32 v0;
	v11 =	vld [tilespmem:s4+$0x410];
	v8 =	vadd.s32 v8, v5  }
0x153: {  	v12 =	vadd.f32 $5.500000000e+00, v12;
	[tilespmem:v7+s3+$0x0] =	vst.idx.add.s32.msk $0xffff, v3;
	v7 =	vmul.f32 $3.723636470e+02, v10;
	v9 =	vmax.f32 v9, $0.0e+00  }
0x154: {  	v10 =	vld [tilespmem:s26+$0x40];
	v0 =	vadd.s32 v0, v5;
	v9 =	vmin.f32 v9, $4.095000000e+03  }
0x155: {  	s23 =	sadd.s32 $0x13180, s7;
	s7 =	smov.u32 s9;
	[tilespmem:v2+s3+$0x0] =	vst.idx.add.s32.msk $0xffff, v3;
	v2 =	vmul.f32 $3.723636470e+02, v12;
	v7 =	vmax.f32 v7, $0.0e+00;
	v9 =	vtrunc.f32 v9  }
0x156: {  	v12 =	vld [tilespmem:s23+$0x10];
	v7 =	vmin.f32 v7, $4.095000000e+03;
	v9 =	vcvt.f32.s32 v9  }
0x157: {  	v2 =	vmax.f32 v2, $0.0e+00;
	v7 =	vtrunc.f32 v7;
	v11 =	vadd.f32 $5.500000000e+00, v11;
	[tilespmem:v8+s3+$0x0] =	vst.idx.add.s32.msk $0xffff, v3  }
0x158: {  	v2 =	vmin.f32 v2, $4.095000000e+03;
	v7 =	vcvt.f32.s32 v7;
	v8 =	vld [tilespmem:s24+$0x430];
	v9 =	vadd.s32 v9, v5  }
0x159: {  	v2 =	vtrunc.f32 v2;
	v10 =	vadd.f32 $5.500000000e+00, v10;
	[tilespmem:v0+s3+$0x0] =	vst.idx.add.s32.msk $0xffff, v3;
	v0 =	vmul.f32 $3.723636470e+02, v11  }
0x15a: {  	v6 =	vadd.f32 $5.500000000e+00, v6;
	v2 =	vcvt.f32.s32 v2;
	v11 =	vld [tilespmem:s25+$0x60];
	v7 =	vadd.s32 v7, v5  }
0x15b: {  	v10 =	vmul.f32 $3.723636470e+02, v10;
	v0 =	vmax.f32 v0, $0.0e+00  }
0x15c: {  	v6 =	vmul.f32 $3.723636470e+02, v6;
	v13 =	vadd.s32 v2, v5;
	v0 =	vmin.f32 v0, $4.095000000e+03  }
0x15d: {  	v2 =	vmax.f32 v10, $0.0e+00;
	v0 =	vtrunc.f32 v0;
	v8 =	vadd.f32 $5.500000000e+00, v8;
	[tilespmem:v9+s3+$0x0] =	vst.idx.add.s32.msk $0xffff, v3  }
0x15e: {  	v9 =	vadd.f32 $5.500000000e+00, v12;
	v2 =	vmin.f32 v2, $4.095000000e+03;
	v0 =	vcvt.f32.s32 v0;
	v10 =	vld [tilespmem:s10+$0x450];
	s10 =	smov.u32 s24;
	s24 =	smov.u32 s4;
	s4 =	smov.u32 s8  }
0x15f: {  	s8 =	smov.u32 s25;
	s25 =	smov.u32 s26;
	s26 =	smov.u32 s15;
	v2 =	vtrunc.f32 v2;
	v11 =	vadd.f32 $5.500000000e+00, v11;
	[tilespmem:v7+s3+$0x0] =	vst.idx.add.s32.msk $0xffff, v3;
	v7 =	vmul.f32 $3.723636470e+02, v8  }
0x160: {  	s15 =	smov.u32 s23;
	v8 =	vmul.f32 $3.723636470e+02, v9;
	v9 =	vcvt.f32.s32 v2;
	v12 =	vld [tilespmem:s4+$0x400];
	v0 =	vadd.s32 v0, v5  }
0x161: {  	v2 =	vmax.f32 v6, $0.0e+00;
	[tilespmem:v13+s3+$0x0] =	vst.idx.add.s32.msk $0xffff, v3;
	v6 =	vmul.f32 $3.723636470e+02, v11;
	v7 =	vmax.f32 v7, $0.0e+00  }
0x162: {  	v8 =	vmax.f32 v8, $0.0e+00;
	v11 =	vld [tilespmem:s26+$0x30];
	v9 =	vadd.s32 v9, v5;
	v7 =	vmin.f32 v7, $4.095000000e+03  }
0x163: {  	v6 =	vmax.f32 v6, $0.0e+00;
	v7 =	vtrunc.f32 v7;
	v10 =	vadd.f32 $5.500000000e+00, v10  }
.Ltmp8:
0x164: {  	v8 =	vmin.f32 v8, $4.095000000e+03;
	v6 =	vmin.f32 v6, $4.095000000e+03;
	v7 =	vcvt.f32.s32 v7;
	(pc) =	sbr.rel @p0 .LBB2_9-.Ltmp8, $4  }
0x165: {  	v6 =	vtrunc.f32 v6;
	v12 =	vadd.f32 $5.500000000e+00, v12;
	[tilespmem:v0+s3+$0x0] =	vst.idx.add.s32.msk $0xffff, v3;
	v0 =	vmul.f32 $3.723636470e+02, v10  }
0x166: {  	v10 =	vtrunc.f32 v8;
	v6 =	vcvt.f32.s32 v6;
	v8 =	vld [tilespmem:s24+$0x420];
	v7 =	vadd.s32 v7, v5  }
0x167: {  	v11 =	vadd.f32 $5.500000000e+00, v11;
	[tilespmem:v9+s3+$0x0] =	vst.idx.add.s32.msk $0xffff, v3;
	v9 =	vmul.f32 $3.723636470e+02, v12;
	v13 =	vmax.f32 v0, $0.0e+00  }
0x168: {  	s18 =	sadd.s32 $0x100, s18;
	v12 =	vcvt.f32.s32 v10;
	v0 =	vld [tilespmem:s25+$0x50];
	v10 =	vadd.s32 v6, v5;
	v6 =	vmin.f32 v13, $4.095000000e+03  }
0x169: {  	v2 =	vmin.f32 v2, $4.095000000e+03  }
0x16a: {  	v2 =	vtrunc.f32 v2  }
0x16b: {  	v2 =	vcvt.f32.s32 v2;
	_ =	sdelay $0x1  }
0x16c: {  	v2 =	vadd.s32 v2, v5;
	_ =	sdelay $0x4  }
0x16d: {  	s5 =	sadd.s32 $0x13180, s7;
	[tilespmem:v2+s3+$0x0] =	vst.idx.add.s32.msk $0xffff, v3  }
0x16e: {  	v2 =	vld [tilespmem:s5+$0x10];
	_ =	sdelay $0x4  }
0x16f: {  	v2 =	vadd.f32 $5.500000000e+00, v2;
	_ =	sdelay $0x1  }
0x170: {  	v2 =	vmul.f32 $3.723636470e+02, v2;
	_ =	sdelay $0x1  }
0x171: {  	v2 =	vmax.f32 v2, $0.0e+00  }
0x172: {  	v2 =	vmin.f32 v2, $4.095000000e+03  }
0x173: {  	v2 =	vtrunc.f32 v2  }
0x174: {  	v12 =	vadd.s32 v12, v5;
	v2 =	vcvt.f32.s32 v2;
	_ =	sdelay $0x1  }
0x175: {  	v2 =	vadd.s32 v2, v5;
	_ =	sdelay $0x2  }
0x176: {  	[tilespmem:v12+s3+$0x0] =	vst.idx.add.s32.msk $0xffff, v3  }
0x177: {  	v12 =	vld [tilespmem:s15+$0x20]  }
0x178: {  	[tilespmem:v2+s3+$0x0] =	vst.idx.add.s32.msk $0xffff, v3  }
0x179: {  	v2 =	vld [tilespmem:s5+$0x20];
	_ =	sdelay $0x2  }
0x17a: {  	v12 =	vadd.f32 $5.500000000e+00, v12;
	_ =	sdelay $0x1  }
0x17b: {  	v12 =	vmul.f32 $3.723636470e+02, v12;
	v2 =	vadd.f32 $5.500000000e+00, v2;
	_ =	sdelay $0x1  }
0x17c: {  	v12 =	vmax.f32 v12, $0.0e+00;
	v2 =	vmul.f32 $3.723636470e+02, v2  }
0x17d: {  	v12 =	vmin.f32 v12, $4.095000000e+03  }
0x17e: {  	v12 =	vtrunc.f32 v12;
	v2 =	vmax.f32 v2, $0.0e+00  }
0x17f: {  	v12 =	vcvt.f32.s32 v12;
	v2 =	vmin.f32 v2, $4.095000000e+03  }
0x180: {  	v2 =	vtrunc.f32 v2  }
0x181: {  	v12 =	vadd.s32 v12, v5;
	v2 =	vcvt.f32.s32 v2;
	_ =	sdelay $0x1  }
0x182: {  	v2 =	vadd.s32 v2, v5;
	_ =	sdelay $0x2  }
0x183: {  	[tilespmem:v12+s3+$0x0] =	vst.idx.add.s32.msk $0xffff, v3  }
0x184: {  	v12 =	vld [tilespmem:s15+$0x30]  }
0x185: {  	[tilespmem:v2+s3+$0x0] =	vst.idx.add.s32.msk $0xffff, v3  }
0x186: {  	v2 =	vld [tilespmem:s5+$0x30];
	_ =	sdelay $0x2  }
0x187: {  	v11 =	vmul.f32 $3.723636470e+02, v11;
	v12 =	vadd.f32 $5.500000000e+00, v12;
	_ =	sdelay $0x1  }
0x188: {  	v11 =	vmax.f32 v11, $0.0e+00;
	v12 =	vmul.f32 $3.723636470e+02, v12;
	v2 =	vadd.f32 $5.500000000e+00, v2  }
0x189: {  	v11 =	vmin.f32 v11, $4.095000000e+03  }
0x18a: {  	v11 =	vtrunc.f32 v11;
	v12 =	vmax.f32 v12, $0.0e+00;
	v2 =	vmul.f32 $3.723636470e+02, v2  }
0x18b: {  	v11 =	vcvt.f32.s32 v11;
	v12 =	vmin.f32 v12, $4.095000000e+03  }
0x18c: {  	v12 =	vtrunc.f32 v12;
	v2 =	vmax.f32 v2, $0.0e+00  }
0x18d: {  	v11 =	vadd.s32 v11, v5;
	v12 =	vcvt.f32.s32 v12;
	v2 =	vmin.f32 v2, $4.095000000e+03  }
0x18e: {  	v2 =	vtrunc.f32 v2  }
0x18f: {  	v12 =	vadd.s32 v12, v5;
	v2 =	vcvt.f32.s32 v2;
	_ =	sdelay $0x1  }
0x190: {  	v2 =	vadd.s32 v2, v5  }
0x191: {  	[tilespmem:v11+s3+$0x0] =	vst.idx.add.s32.msk $0xffff, v3  }
0x192: {  	v11 =	vld [tilespmem:s26+$0x40]  }
0x193: {  	[tilespmem:v12+s3+$0x0] =	vst.idx.add.s32.msk $0xffff, v3  }
0x194: {  	v12 =	vld [tilespmem:s15+$0x40]  }
0x195: {  	[tilespmem:v2+s3+$0x0] =	vst.idx.add.s32.msk $0xffff, v3  }
0x196: {  	v2 =	vld [tilespmem:s5+$0x40]  }
0x197: {  	v11 =	vadd.f32 $5.500000000e+00, v11;
	_ =	sdelay $0x1  }
0x198: {  	v11 =	vmul.f32 $3.723636470e+02, v11;
	v12 =	vadd.f32 $5.500000000e+00, v12;
	_ =	sdelay $0x1  }
0x199: {  	v11 =	vmax.f32 v11, $0.0e+00;
	v12 =	vmul.f32 $3.723636470e+02, v12;
	v2 =	vadd.f32 $5.500000000e+00, v2  }
0x19a: {  	v11 =	vmin.f32 v11, $4.095000000e+03  }
0x19b: {  	v11 =	vtrunc.f32 v11;
	v12 =	vmax.f32 v12, $0.0e+00;
	v2 =	vmul.f32 $3.723636470e+02, v2  }
0x19c: {  	v11 =	vcvt.f32.s32 v11;
	v12 =	vmin.f32 v12, $4.095000000e+03  }
0x19d: {  	v12 =	vtrunc.f32 v12;
	v2 =	vmax.f32 v2, $0.0e+00  }
0x19e: {  	v11 =	vadd.s32 v11, v5;
	v12 =	vcvt.f32.s32 v12;
	v2 =	vmin.f32 v2, $4.095000000e+03  }
0x19f: {  	v2 =	vtrunc.f32 v2  }
0x1a0: {  	v12 =	vadd.s32 v12, v5;
	v2 =	vcvt.f32.s32 v2;
	_ =	sdelay $0x1  }
0x1a1: {  	v2 =	vadd.s32 v2, v5  }
0x1a2: {  	[tilespmem:v11+s3+$0x0] =	vst.idx.add.s32.msk $0xffff, v3  }
0x1a3: {  	v11 =	vld [tilespmem:s26+$0x50]  }
0x1a4: {  	v0 =	vadd.f32 $5.500000000e+00, v0;
	[tilespmem:v12+s3+$0x0] =	vst.idx.add.s32.msk $0xffff, v3  }
0x1a5: {  	v12 =	vld [tilespmem:s15+$0x50]  }
0x1a6: {  	v0 =	vmul.f32 $3.723636470e+02, v0;
	[tilespmem:v2+s3+$0x0] =	vst.idx.add.s32.msk $0xffff, v3  }
0x1a7: {  	v2 =	vld [tilespmem:s5+$0x50]  }
0x1a8: {  	v0 =	vmax.f32 v0, $0.0e+00;
	v11 =	vadd.f32 $5.500000000e+00, v11  }
0x1a9: {  	v0 =	vmin.f32 v0, $4.095000000e+03  }
0x1aa: {  	v0 =	vtrunc.f32 v0;
	v11 =	vmul.f32 $3.723636470e+02, v11;
	v12 =	vadd.f32 $5.500000000e+00, v12  }
0x1ab: {  	v0 =	vcvt.f32.s32 v0  }
0x1ac: {  	v11 =	vmax.f32 v11, $0.0e+00;
	v12 =	vmul.f32 $3.723636470e+02, v12;
	v2 =	vadd.f32 $5.500000000e+00, v2  }
0x1ad: {  	v0 =	vadd.s32 v0, v5;
	v11 =	vmin.f32 v11, $4.095000000e+03  }
0x1ae: {  	v11 =	vtrunc.f32 v11;
	v12 =	vmax.f32 v12, $0.0e+00;
	v2 =	vmul.f32 $3.723636470e+02, v2  }
0x1af: {  	v11 =	vcvt.f32.s32 v11;
	v12 =	vmin.f32 v12, $4.095000000e+03  }
0x1b0: {  	v12 =	vtrunc.f32 v12;
	v2 =	vmax.f32 v2, $0.0e+00  }
0x1b1: {  	v11 =	vadd.s32 v11, v5;
	v12 =	vcvt.f32.s32 v12;
	v2 =	vmin.f32 v2, $4.095000000e+03  }
0x1b2: {  	[tilespmem:v0+s3+$0x0] =	vst.idx.add.s32.msk $0xffff, v3;
	v0 =	vtrunc.f32 v2  }
0x1b3: {  	v12 =	vadd.s32 v12, v5;
	v2 =	vld [tilespmem:s25+$0x60];
	v0 =	vcvt.f32.s32 v0;
	_ =	sdelay $0x1  }
0x1b4: {  	v0 =	vadd.s32 v0, v5  }
0x1b5: {  	[tilespmem:v11+s3+$0x0] =	vst.idx.add.s32.msk $0xffff, v3  }
0x1b6: {  	v11 =	vld [tilespmem:s26+$0x60]  }
0x1b7: {  	[tilespmem:v12+s3+$0x0] =	vst.idx.add.s32.msk $0xffff, v3;
	v2 =	vadd.f32 $5.500000000e+00, v2  }
0x1b8: {  	v12 =	vld [tilespmem:s15+$0x60]  }
0x1b9: {  	v2 =	vmul.f32 $3.723636470e+02, v2;
	[tilespmem:v0+s3+$0x0] =	vst.idx.add.s32.msk $0xffff, v3  }
0x1ba: {  	v0 =	vld [tilespmem:s5+$0x60]  }
0x1bb: {  	v11 =	vadd.f32 $5.500000000e+00, v11;
	v2 =	vmax.f32 v2, $0.0e+00  }
0x1bc: {  	v2 =	vmin.f32 v2, $4.095000000e+03  }
0x1bd: {  	v11 =	vmul.f32 $3.723636470e+02, v11;
	v12 =	vadd.f32 $5.500000000e+00, v12;
	v2 =	vtrunc.f32 v2  }
0x1be: {  	v2 =	vcvt.f32.s32 v2  }
0x1bf: {  	v11 =	vmax.f32 v11, $0.0e+00;
	v12 =	vmul.f32 $3.723636470e+02, v12;
	v0 =	vadd.f32 $5.500000000e+00, v0  }
0x1c0: {  	v11 =	vmin.f32 v11, $4.095000000e+03;
	v2 =	vadd.s32 v2, v5  }
0x1c1: {  	v11 =	vtrunc.f32 v11;
	v12 =	vmax.f32 v12, $0.0e+00;
	v0 =	vmul.f32 $3.723636470e+02, v0  }
0x1c2: {  	v11 =	vcvt.f32.s32 v11;
	v12 =	vmin.f32 v12, $4.095000000e+03  }
0x1c3: {  	[tilespmem:v10+s3+$0x0] =	vst.idx.add.s32.msk $0xffff, v3;
	v10 =	vtrunc.f32 v12;
	v0 =	vmax.f32 v0, $0.0e+00  }
0x1c4: {  	v11 =	vadd.s32 v11, v5;
	v12 =	vld [tilespmem:s8+$0x70];
	v10 =	vcvt.f32.s32 v10;
	v0 =	vmin.f32 v0, $4.095000000e+03  }
0x1c5: {  	[tilespmem:v2+s3+$0x0] =	vst.idx.add.s32.msk $0xffff, v3;
	v0 =	vtrunc.f32 v0  }
0x1c6: {  	v10 =	vadd.s32 v10, v5;
	v2 =	vld [tilespmem:s25+$0x70];
	v0 =	vcvt.f32.s32 v0;
	_ =	sdelay $0x1  }
0x1c7: {  	v0 =	vadd.s32 v0, v5  }
0x1c8: {  	[tilespmem:v11+s3+$0x0] =	vst.idx.add.s32.msk $0xffff, v3;
	v12 =	vadd.f32 $5.500000000e+00, v12  }
0x1c9: {  	v11 =	vld [tilespmem:s26+$0x70]  }
0x1ca: {  	v12 =	vmul.f32 $3.723636470e+02, v12;
	[tilespmem:v10+s3+$0x0] =	vst.idx.add.s32.msk $0xffff, v3;
	v2 =	vadd.f32 $5.500000000e+00, v2  }
0x1cb: {  	v10 =	vld [tilespmem:s15+$0x70]  }
0x1cc: {  	v12 =	vmax.f32 v12, $0.0e+00;
	v2 =	vmul.f32 $3.723636470e+02, v2;
	[tilespmem:v0+s3+$0x0] =	vst.idx.add.s32.msk $0xffff, v3  }
0x1cd: {  	v0 =	vmin.f32 v12, $4.095000000e+03;
	v12 =	vld [tilespmem:s5+$0x70]  }
0x1ce: {  	v11 =	vadd.f32 $5.500000000e+00, v11;
	v0 =	vtrunc.f32 v0;
	v2 =	vmax.f32 v2, $0.0e+00  }
0x1cf: {  	v0 =	vcvt.f32.s32 v0;
	v2 =	vmin.f32 v2, $4.095000000e+03  }
0x1d0: {  	v11 =	vmul.f32 $3.723636470e+02, v11;
	v10 =	vadd.f32 $5.500000000e+00, v10;
	v2 =	vtrunc.f32 v2  }
0x1d1: {  	v0 =	vadd.s32 v0, v5;
	v2 =	vcvt.f32.s32 v2  }
0x1d2: {  	v11 =	vmax.f32 v11, $0.0e+00;
	v10 =	vmul.f32 $3.723636470e+02, v10;
	v12 =	vadd.f32 $5.500000000e+00, v12  }
0x1d3: {  	v11 =	vmin.f32 v11, $4.095000000e+03;
	v2 =	vadd.s32 v2, v5  }
0x1d4: {  	v11 =	vtrunc.f32 v11;
	v10 =	vmax.f32 v10, $0.0e+00;
	v12 =	vmul.f32 $3.723636470e+02, v12  }
0x1d5: {  	v11 =	vcvt.f32.s32 v11;
	v10 =	vmin.f32 v10, $4.095000000e+03  }
0x1d6: {  	[tilespmem:v0+s3+$0x0] =	vst.idx.add.s32.msk $0xffff, v3;
	v0 =	vtrunc.f32 v10;
	v10 =	vmax.f32 v12, $0.0e+00  }
0x1d7: {  	v11 =	vadd.s32 v11, v5;
	v12 =	vld [tilespmem:s8+$0x400];
	v0 =	vcvt.f32.s32 v0;
	v10 =	vmin.f32 v10, $4.095000000e+03  }
0x1d8: {  	[tilespmem:v2+s3+$0x0] =	vst.idx.add.s32.msk $0xffff, v3;
	v2 =	vtrunc.f32 v10  }
0x1d9: {  	v10 =	vld [tilespmem:s25+$0x400];
	v0 =	vadd.s32 v0, v5;
	v2 =	vcvt.f32.s32 v2;
	_ =	sdelay $0x1  }
0x1da: {  	v2 =	vadd.s32 v2, v5  }
0x1db: {  	[tilespmem:v11+s3+$0x0] =	vst.idx.add.s32.msk $0xffff, v3;
	v12 =	vadd.f32 $5.500000000e+00, v12  }
0x1dc: {  	v11 =	vld [tilespmem:s26+$0x400]  }
0x1dd: {  	v9 =	vmax.f32 v9, $0.0e+00;
	v12 =	vmul.f32 $3.723636470e+02, v12;
	v10 =	vadd.f32 $5.500000000e+00, v10;
	[tilespmem:v0+s3+$0x0] =	vst.idx.add.s32.msk $0xffff, v3  }
0x1de: {  	v0 =	vmin.f32 v9, $4.095000000e+03;
	v9 =	vld [tilespmem:s15+$0x400]  }
0x1df: {  	v0 =	vtrunc.f32 v0;
	v12 =	vmax.f32 v12, $0.0e+00;
	v10 =	vmul.f32 $3.723636470e+02, v10;
	[tilespmem:v2+s3+$0x0] =	vst.idx.add.s32.msk $0xffff, v3  }
0x1e0: {  	v0 =	vcvt.f32.s32 v0;
	v2 =	vmin.f32 v12, $4.095000000e+03;
	v12 =	vld [tilespmem:s5+$0x400]  }
0x1e1: {  	v11 =	vadd.f32 $5.500000000e+00, v11;
	v2 =	vtrunc.f32 v2;
	v10 =	vmax.f32 v10, $0.0e+00  }
0x1e2: {  	v0 =	vadd.s32 v0, v5;
	v2 =	vcvt.f32.s32 v2;
	v10 =	vmin.f32 v10, $4.095000000e+03  }
0x1e3: {  	v11 =	vmul.f32 $3.723636470e+02, v11;
	v10 =	vtrunc.f32 v10;
	v9 =	vadd.f32 $5.500000000e+00, v9  }
0x1e4: {  	v2 =	vadd.s32 v2, v5;
	v10 =	vcvt.f32.s32 v10  }
0x1e5: {  	v11 =	vmax.f32 v11, $0.0e+00;
	v9 =	vmul.f32 $3.723636470e+02, v9;
	v12 =	vadd.f32 $5.500000000e+00, v12  }
0x1e6: {  	v11 =	vmin.f32 v11, $4.095000000e+03;
	v10 =	vadd.s32 v10, v5  }
0x1e7: {  	[tilespmem:v0+s3+$0x0] =	vst.idx.add.s32.msk $0xffff, v3;
	v0 =	vtrunc.f32 v11;
	v9 =	vmax.f32 v9, $0.0e+00;
	v11 =	vmul.f32 $3.723636470e+02, v12  }
0x1e8: {  	v0 =	vcvt.f32.s32 v0;
	v12 =	vld [tilespmem:s4+$0x410];
	v9 =	vmin.f32 v9, $4.095000000e+03  }
0x1e9: {  	[tilespmem:v2+s3+$0x0] =	vst.idx.add.s32.msk $0xffff, v3;
	v2 =	vtrunc.f32 v9;
	v9 =	vmax.f32 v11, $0.0e+00  }
0x1ea: {  	v0 =	vadd.s32 v0, v5;
	v11 =	vld [tilespmem:s8+$0x410];
	v2 =	vcvt.f32.s32 v2;
	v9 =	vmin.f32 v9, $4.095000000e+03  }
0x1eb: {  	[tilespmem:v10+s3+$0x0] =	vst.idx.add.s32.msk $0xffff, v3;
	v9 =	vtrunc.f32 v9  }
0x1ec: {  	v10 =	vld [tilespmem:s25+$0x410];
	v2 =	vadd.s32 v2, v5;
	v9 =	vcvt.f32.s32 v9  }
0x1ed: {  	v12 =	vadd.f32 $5.500000000e+00, v12  }
0x1ee: {  	v9 =	vadd.s32 v9, v5  }
0x1ef: {  	[tilespmem:v0+s3+$0x0] =	vst.idx.add.s32.msk $0xffff, v3;
	v12 =	vmul.f32 $3.723636470e+02, v12;
	v11 =	vadd.f32 $5.500000000e+00, v11  }
0x1f0: {  	v0 =	vld [tilespmem:s26+$0x410]  }
0x1f1: {  	v12 =	vmax.f32 v12, $0.0e+00;
	v11 =	vmul.f32 $3.723636470e+02, v11;
	v10 =	vadd.f32 $5.500000000e+00, v10;
	[tilespmem:v2+s3+$0x0] =	vst.idx.add.s32.msk $0xffff, v3  }
0x1f2: {  	v2 =	vmin.f32 v12, $4.095000000e+03;
	v12 =	vld [tilespmem:s15+$0x410]  }
0x1f3: {  	v2 =	vtrunc.f32 v2;
	v11 =	vmax.f32 v11, $0.0e+00;
	v10 =	vmul.f32 $3.723636470e+02, v10;
	[tilespmem:v9+s3+$0x0] =	vst.idx.add.s32.msk $0xffff, v3  }
0x1f4: {  	v2 =	vcvt.f32.s32 v2;
	v9 =	vmin.f32 v11, $4.095000000e+03;
	v11 =	vld [tilespmem:s5+$0x410]  }
0x1f5: {  	v0 =	vadd.f32 $5.500000000e+00, v0;
	v9 =	vtrunc.f32 v9;
	v10 =	vmax.f32 v10, $0.0e+00  }
0x1f6: {  	v2 =	vadd.s32 v2, v5;
	v9 =	vcvt.f32.s32 v9;
	v10 =	vmin.f32 v10, $4.095000000e+03  }
0x1f7: {  	v0 =	vmul.f32 $3.723636470e+02, v0;
	v10 =	vtrunc.f32 v10;
	v12 =	vadd.f32 $5.500000000e+00, v12  }
0x1f8: {  	v9 =	vadd.s32 v9, v5;
	v10 =	vcvt.f32.s32 v10  }
0x1f9: {  	v0 =	vmax.f32 v0, $0.0e+00;
	v12 =	vmul.f32 $3.723636470e+02, v12;
	v11 =	vadd.f32 $5.500000000e+00, v11  }
0x1fa: {  	v0 =	vmin.f32 v0, $4.095000000e+03;
	v10 =	vadd.s32 v10, v5  }
0x1fb: {  	v0 =	vtrunc.f32 v0;
	[tilespmem:v2+s3+$0x0] =	vst.idx.add.s32.msk $0xffff, v3;
	v2 =	vmax.f32 v12, $0.0e+00;
	v11 =	vmul.f32 $3.723636470e+02, v11  }
0x1fc: {  	v0 =	vcvt.f32.s32 v0;
	v12 =	vld [tilespmem:s4+$0x420];
	v2 =	vmin.f32 v2, $4.095000000e+03  }
0x1fd: {  	v8 =	vadd.f32 $5.500000000e+00, v8;
	[tilespmem:v9+s3+$0x0] =	vst.idx.add.s32.msk $0xffff, v3;
	v2 =	vtrunc.f32 v2;
	v9 =	vmax.f32 v11, $0.0e+00  }
0x1fe: {  	v0 =	vadd.s32 v0, v5;
	v11 =	vld [tilespmem:s8+$0x420];
	v2 =	vcvt.f32.s32 v2;
	v9 =	vmin.f32 v9, $4.095000000e+03  }
0x1ff: {  	v8 =	vmul.f32 $3.723636470e+02, v8;
	[tilespmem:v10+s3+$0x0] =	vst.idx.add.s32.msk $0xffff, v3;
	v9 =	vtrunc.f32 v9  }
0x200: {  	v10 =	vld [tilespmem:s25+$0x420];
	v2 =	vadd.s32 v2, v5;
	v9 =	vcvt.f32.s32 v9  }
0x201: {  	v8 =	vmax.f32 v8, $0.0e+00;
	v12 =	vadd.f32 $5.500000000e+00, v12  }
0x202: {  	v8 =	vmin.f32 v8, $4.095000000e+03;
	v9 =	vadd.s32 v9, v5  }
0x203: {  	v8 =	vtrunc.f32 v8;
	[tilespmem:v0+s3+$0x0] =	vst.idx.add.s32.msk $0xffff, v3;
	v12 =	vmul.f32 $3.723636470e+02, v12;
	v11 =	vadd.f32 $5.500000000e+00, v11  }
0x204: {  	v0 =	vcvt.f32.s32 v8;
	v8 =	vld [tilespmem:s26+$0x420]  }
0x205: {  	v12 =	vmax.f32 v12, $0.0e+00;
	v11 =	vmul.f32 $3.723636470e+02, v11;
	v10 =	vadd.f32 $5.500000000e+00, v10;
	[tilespmem:v2+s3+$0x0] =	vst.idx.add.s32.msk $0xffff, v3  }
0x206: {  	v0 =	vadd.s32 v0, v5;
	v2 =	vmin.f32 v12, $4.095000000e+03;
	v12 =	vld [tilespmem:s15+$0x420]  }
0x207: {  	v2 =	vtrunc.f32 v2;
	v11 =	vmax.f32 v11, $0.0e+00;
	v10 =	vmul.f32 $3.723636470e+02, v10;
	[tilespmem:v9+s3+$0x0] =	vst.idx.add.s32.msk $0xffff, v3  }
0x208: {  	v2 =	vcvt.f32.s32 v2;
	v9 =	vmin.f32 v11, $4.095000000e+03;
	v11 =	vld [tilespmem:s5+$0x420]  }
0x209: {  	v8 =	vadd.f32 $5.500000000e+00, v8;
	v9 =	vtrunc.f32 v9;
	v10 =	vmax.f32 v10, $0.0e+00  }
0x20a: {  	v2 =	vadd.s32 v2, v5;
	v9 =	vcvt.f32.s32 v9;
	v10 =	vmin.f32 v10, $4.095000000e+03  }
0x20b: {  	[tilespmem:v0+s3+$0x0] =	vst.idx.add.s32.msk $0xffff, v3;
	v8 =	vmul.f32 $3.723636470e+02, v8;
	v0 =	vtrunc.f32 v10;
	v10 =	vadd.f32 $5.500000000e+00, v12  }
0x20c: {  	v12 =	vld [tilespmem:s24+$0x430];
	v9 =	vadd.s32 v9, v5;
	v0 =	vcvt.f32.s32 v0  }
0x20d: {  	v8 =	vmax.f32 v8, $0.0e+00;
	v10 =	vmul.f32 $3.723636470e+02, v10;
	v11 =	vadd.f32 $5.500000000e+00, v11  }
0x20e: {  	v8 =	vmin.f32 v8, $4.095000000e+03;
	v0 =	vadd.s32 v0, v5  }
0x20f: {  	[tilespmem:v2+s3+$0x0] =	vst.idx.add.s32.msk $0xffff, v3;
	v2 =	vtrunc.f32 v8;
	v8 =	vmax.f32 v10, $0.0e+00;
	v10 =	vmul.f32 $3.723636470e+02, v11  }
0x210: {  	v11 =	vld [tilespmem:s4+$0x430];
	v2 =	vcvt.f32.s32 v2;
	v8 =	vmin.f32 v8, $4.095000000e+03  }
0x211: {  	v12 =	vadd.f32 $5.500000000e+00, v12;
	[tilespmem:v9+s3+$0x0] =	vst.idx.add.s32.msk $0xffff, v3;
	v8 =	vtrunc.f32 v8;
	v9 =	vmax.f32 v10, $0.0e+00  }
0x212: {  	v10 =	vld [tilespmem:s8+$0x430];
	v2 =	vadd.s32 v2, v5;
	v8 =	vcvt.f32.s32 v8;
	v9 =	vmin.f32 v9, $4.095000000e+03  }
0x213: {  	v12 =	vmul.f32 $3.723636470e+02, v12;
	[tilespmem:v0+s3+$0x0] =	vst.idx.add.s32.msk $0xffff, v3;
	v0 =	vtrunc.f32 v9  }
0x214: {  	v9 =	vld [tilespmem:s25+$0x430];
	v8 =	vadd.s32 v8, v5;
	v0 =	vcvt.f32.s32 v0  }
0x215: {  	v12 =	vmax.f32 v12, $0.0e+00;
	v11 =	vadd.f32 $5.500000000e+00, v11  }
0x216: {  	v12 =	vmin.f32 v12, $4.095000000e+03;
	v0 =	vadd.s32 v0, v5  }
0x217: {  	v12 =	vtrunc.f32 v12;
	v11 =	vmul.f32 $3.723636470e+02, v11;
	v10 =	vadd.f32 $5.500000000e+00, v10;
	[tilespmem:v2+s3+$0x0] =	vst.idx.add.s32.msk $0xffff, v3  }
0x218: {  	v2 =	vcvt.f32.s32 v12;
	v12 =	vld [tilespmem:s26+$0x430]  }
0x219: {  	v11 =	vmax.f32 v11, $0.0e+00;
	v10 =	vmul.f32 $3.723636470e+02, v10;
	v9 =	vadd.f32 $5.500000000e+00, v9;
	[tilespmem:v8+s3+$0x0] =	vst.idx.add.s32.msk $0xffff, v3  }
0x21a: {  	v2 =	vadd.s32 v2, v5;
	v8 =	vmin.f32 v11, $4.095000000e+03;
	v11 =	vld [tilespmem:s15+$0x430]  }
0x21b: {  	v8 =	vtrunc.f32 v8;
	v10 =	vmax.f32 v10, $0.0e+00;
	v9 =	vmul.f32 $3.723636470e+02, v9;
	[tilespmem:v0+s3+$0x0] =	vst.idx.add.s32.msk $0xffff, v3  }
0x21c: {  	v0 =	vcvt.f32.s32 v8;
	v8 =	vmin.f32 v10, $4.095000000e+03;
	v10 =	vld [tilespmem:s5+$0x430]  }
0x21d: {  	[tilespmem:v7+s3+$0x0] =	vst.idx.add.s32.msk $0xffff, v3;
	v7 =	vtrunc.f32 v8;
	v8 =	vmax.f32 v9, $0.0e+00;
	v9 =	vadd.f32 $5.500000000e+00, v12  }
0x21e: {  	v12 =	vld [tilespmem:s10+$0x440];
	v0 =	vadd.s32 v0, v5;
	v7 =	vcvt.f32.s32 v7;
	v8 =	vmin.f32 v8, $4.095000000e+03  }
0x21f: {  	[tilespmem:v2+s3+$0x0] =	vst.idx.add.s32.msk $0xffff, v3;
	v2 =	vtrunc.f32 v8;
	v8 =	vmul.f32 $3.723636470e+02, v9;
	v9 =	vadd.f32 $5.500000000e+00, v11  }
0x220: {  	v11 =	vld [tilespmem:s24+$0x440];
	v7 =	vadd.s32 v7, v5;
	v2 =	vcvt.f32.s32 v2  }
0x221: {  	v8 =	vmax.f32 v8, $0.0e+00;
	v9 =	vmul.f32 $3.723636470e+02, v9;
	v10 =	vadd.f32 $5.500000000e+00, v10  }
0x222: {  	v2 =	vadd.s32 v2, v5;
	v8 =	vmin.f32 v8, $4.095000000e+03  }
0x223: {  	v8 =	vtrunc.f32 v8;
	v9 =	vmax.f32 v9, $0.0e+00;
	v10 =	vmul.f32 $3.723636470e+02, v10  }
0x224: {  	v12 =	vadd.f32 $5.500000000e+00, v12;
	[tilespmem:v0+s3+$0x0] =	vst.idx.add.s32.msk $0xffff, v3;
	v0 =	vcvt.f32.s32 v8;
	v8 =	vmin.f32 v9, $4.095000000e+03  }
0x225: {  	v9 =	vadd.f32 $5.500000000e+00, v11;
	v11 =	vld [tilespmem:s4+$0x440];
	v8 =	vtrunc.f32 v8;
	v10 =	vmax.f32 v10, $0.0e+00  }
0x226: {  	[tilespmem:v7+s3+$0x0] =	vst.idx.add.s32.msk $0xffff, v3;
	v0 =	vadd.s32 v0, v5;
	v7 =	vcvt.f32.s32 v8;
	v8 =	vmin.f32 v10, $4.095000000e+03  }
0x227: {  	v10 =	vmul.f32 $3.723636470e+02, v12;
	v12 =	vld [tilespmem:s8+$0x440];
	v8 =	vtrunc.f32 v8  }
0x228: {  	v9 =	vmul.f32 $3.723636470e+02, v9;
	[tilespmem:v2+s3+$0x0] =	vst.idx.add.s32.msk $0xffff, v3;
	v2 =	vadd.s32 v7, v5;
	v7 =	vcvt.f32.s32 v8  }
0x229: {  	v8 =	vmax.f32 v10, $0.0e+00;
	v10 =	vld [tilespmem:s25+$0x440]  }
0x22a: {  	v9 =	vmax.f32 v9, $0.0e+00;
	v8 =	vmin.f32 v8, $4.095000000e+03;
	v7 =	vadd.s32 v7, v5  }
0x22b: {  	v9 =	vmin.f32 v9, $4.095000000e+03;
	v11 =	vadd.f32 $5.500000000e+00, v11;
	v8 =	vtrunc.f32 v8;
	[tilespmem:v0+s3+$0x0] =	vst.idx.add.s32.msk $0xffff, v3  }
0x22c: {  	v0 =	vcvt.f32.s32 v8;
	v8 =	vtrunc.f32 v9;
	v9 =	vadd.f32 $5.500000000e+00, v12;
	v12 =	vld [tilespmem:s26+$0x440]  }
0x22d: {  	v11 =	vmul.f32 $3.723636470e+02, v11;
	v8 =	vcvt.f32.s32 v8;
	[tilespmem:v2+s3+$0x0] =	vst.idx.add.s32.msk $0xffff, v3  }
0x22e: {  	v0 =	vadd.s32 v0, v5;
	v2 =	vmul.f32 $3.723636470e+02, v9;
	v9 =	vadd.f32 $5.500000000e+00, v10;
	v10 =	vld [tilespmem:s15+$0x440]  }
0x22f: {  	v11 =	vmax.f32 v11, $0.0e+00;
	v8 =	vadd.s32 v8, v5;
	[tilespmem:v7+s3+$0x0] =	vst.idx.add.s32.msk $0xffff, v3  }
0x230: {  	v7 =	vmin.f32 v11, $4.095000000e+03;
	v2 =	vmax.f32 v2, $0.0e+00;
	v9 =	vmul.f32 $3.723636470e+02, v9;
	v11 =	vld [tilespmem:s5+$0x440]  }
0x231: {  	v7 =	vtrunc.f32 v7;
	v2 =	vmin.f32 v2, $4.095000000e+03;
	v12 =	vadd.f32 $5.500000000e+00, v12  }
0x232: {  	v7 =	vcvt.f32.s32 v7;
	v2 =	vtrunc.f32 v2;
	v9 =	vmax.f32 v9, $0.0e+00  }
0x233: {  	[tilespmem:v0+s3+$0x0] =	vst.idx.add.s32.msk $0xffff, v3;
	v0 =	vmin.f32 v9, $4.095000000e+03;
	v9 =	vmul.f32 $3.723636470e+02, v12;
	v10 =	vadd.f32 $5.500000000e+00, v10  }
0x234: {  	v2 =	vcvt.f32.s32 v2;
	v12 =	vld [tilespmem:s10+$0x450];
	v7 =	vadd.s32 v7, v5;
	v0 =	vtrunc.f32 v0  }
0x235: {  	v9 =	vmax.f32 v9, $0.0e+00;
	v10 =	vmul.f32 $3.723636470e+02, v10;
	v11 =	vadd.f32 $5.500000000e+00, v11  }
0x236: {  	[tilespmem:v8+s3+$0x0] =	vst.idx.add.s32.msk $0xffff, v3;
	v2 =	vadd.s32 v2, v5;
	v0 =	vcvt.f32.s32 v0;
	v9 =	vmin.f32 v9, $4.095000000e+03  }
0x237: {  	v8 =	vtrunc.f32 v9;
	v9 =	vmax.f32 v10, $0.0e+00;
	v10 =	vmul.f32 $3.723636470e+02, v11;
	v11 =	vld [tilespmem:s24+$0x450]  }
0x238: {  	v0 =	vadd.s32 v0, v5;
	v8 =	vcvt.f32.s32 v8;
	v9 =	vmin.f32 v9, $4.095000000e+03  }
0x239: {  	v12 =	vadd.f32 $5.500000000e+00, v12;
	[tilespmem:v7+s3+$0x0] =	vst.idx.add.s32.msk $0xffff, v3;
	v7 =	vtrunc.f32 v9;
	v9 =	vmax.f32 v10, $0.0e+00  }
0x23a: {  	v10 =	vld [tilespmem:s4+$0x450];
	v8 =	vadd.s32 v8, v5;
	v7 =	vcvt.f32.s32 v7;
	v9 =	vmin.f32 v9, $4.095000000e+03  }
0x23b: {  	[tilespmem:v2+s3+$0x0] =	vst.idx.add.s32.msk $0xffff, v3;
	v2 =	vtrunc.f32 v9;
	v9 =	vmul.f32 $3.723636470e+02, v12  }
0x23c: {  	v12 =	vld [tilespmem:s8+$0x450];
	v7 =	vadd.s32 v7, v5;
	v2 =	vcvt.f32.s32 v2;
	v11 =	vadd.f32 $5.500000000e+00, v11  }
0x23d: {  	[tilespmem:v0+s3+$0x0] =	vst.idx.add.s32.msk $0xffff, v3;
	v0 =	vtrunc.f32 v6  }
0x23e: {  	v6 =	vmax.f32 v9, $0.0e+00;
	v9 =	vld [tilespmem:s25+$0x450];
	v2 =	vadd.s32 v2, v5;
	v11 =	vmul.f32 $3.723636470e+02, v11  }
0x23f: {  	v6 =	vmin.f32 v6, $4.095000000e+03;
	v10 =	vadd.f32 $5.500000000e+00, v10;
	[tilespmem:v8+s3+$0x0] =	vst.idx.add.s32.msk $0xffff, v3  }
0x240: {  	v0 =	vcvt.f32.s32 v0;
	v6 =	vtrunc.f32 v6;
	v8 =	vld [tilespmem:s26+$0x450];
	v11 =	vmax.f32 v11, $0.0e+00  }
0x241: {  	v10 =	vmul.f32 $3.723636470e+02, v10;
	v12 =	vadd.f32 $5.500000000e+00, v12;
	[tilespmem:v7+s3+$0x0] =	vst.idx.add.s32.msk $0xffff, v3;
	v7 =	vmin.f32 v11, $4.095000000e+03  }
0x242: {  	v6 =	vcvt.f32.s32 v6;
	v11 =	vld [tilespmem:s15+$0x450];
	v7 =	vtrunc.f32 v7  }
0x243: {  	v10 =	vmax.f32 v10, $0.0e+00;
	v12 =	vmul.f32 $3.723636470e+02, v12;
	v9 =	vadd.f32 $5.500000000e+00, v9;
	[tilespmem:v2+s3+$0x0] =	vst.idx.add.s32.msk $0xffff, v3  }
0x244: {  	v2 =	vadd.s32 v6, v5;
	v6 =	vcvt.f32.s32 v7;
	v7 =	vmin.f32 v10, $4.095000000e+03;
	v10 =	vld [tilespmem:s5+$0x450]  }
0x245: {  	v0 =	vadd.s32 v0, v5;
	v7 =	vtrunc.f32 v7;
	v12 =	vmax.f32 v12, $0.0e+00  }
0x246: {  	v9 =	vmul.f32 $3.723636470e+02, v9;
	v8 =	vadd.f32 $5.500000000e+00, v8;
	v12 =	vmin.f32 v12, $4.095000000e+03  }
0x247: {  	v6 =	vadd.s32 v6, v5;
	v7 =	vcvt.f32.s32 v7;
	v12 =	vtrunc.f32 v12  }
0x248: {  	v11 =	vadd.f32 $5.500000000e+00, v11;
	v9 =	vmax.f32 v9, $0.0e+00;
	v8 =	vmul.f32 $3.723636470e+02, v8  }
0x249: {  	v12 =	vcvt.f32.s32 v12;
	v9 =	vmin.f32 v9, $4.095000000e+03;
	v10 =	vadd.f32 $5.500000000e+00, v10  }
0x24a: {  	v7 =	vadd.s32 v7, v5;
	v11 =	vmul.f32 $3.723636470e+02, v11;
	v9 =	vtrunc.f32 v9  }
0x24b: {  	v8 =	vmax.f32 v8, $0.0e+00;
	v12 =	vadd.s32 v12, v5;
	v10 =	vmul.f32 $3.723636470e+02, v10  }
0x24c: {  	v9 =	vcvt.f32.s32 v9;
	v8 =	vmin.f32 v8, $4.095000000e+03;
	v11 =	vmax.f32 v11, $0.0e+00  }
0x24d: {  	v8 =	vtrunc.f32 v8;
	v11 =	vmin.f32 v11, $4.095000000e+03;
	v10 =	vmax.f32 v10, $0.0e+00  }
0x24e: {  	v8 =	vcvt.f32.s32 v8;
	v11 =	vtrunc.f32 v11;
	v10 =	vmin.f32 v10, $4.095000000e+03  }
0x24f: {  	[tilespmem:v0+s3+$0x0] =	vst.idx.add.s32.msk $0xffff, v3;
	v0 =	vadd.s32 v9, v5;
	v9 =	vcvt.f32.s32 v11;
	v10 =	vtrunc.f32 v10  }
0x250: {  	[tilespmem:v2+s3+$0x0] =	vst.idx.add.s32.msk $0xffff, v3;
	v2 =	vadd.s32 v8, v5;
	v8 =	vcvt.f32.s32 v10  }
0x251: {  	[tilespmem:v6+s3+$0x0] =	vst.idx.add.s32.msk $0xffff, v3;
	v6 =	vadd.s32 v9, v5  }
0x252: {  	[tilespmem:v7+s3+$0x0] =	vst.idx.add.s32.msk $0xffff, v3;
	v7 =	vadd.s32 v8, v5  }
0x253: {  	[tilespmem:v12+s3+$0x0] =	vst.idx.add.s32.msk $0xffff, v3  }
0x254: {  	p0 =	seq.s32 s6, $0x6;
	s10 =	sshll.u32 s6, $0xD;
	[tilespmem:v0+s3+$0x0] =	vst.idx.add.s32.msk $0xffff, v3  }
0x255: {  	s4 =	sadd.s32 @!p0 s10, s31;
	[tilespmem:v2+s3+$0x0] =	vst.idx.add.s32.msk $0xffff, v3  }
0x256: {  	s4 =	sshrl.u32 @!p0 s4, $0x3;
	[tilespmem:v6+s3+$0x0] =	vst.idx.add.s32.msk $0xffff, v3  }
0x257: {  	s7 =	simm.s32 @!p0 $0x13180;
	s4 =	sadd.s32 @!p0 s1, s4;
	s5 =	simm.s32 @!p0 $0x0;
	[tilespmem:v7+s3+$0x0] =	vst.idx.add.s32.msk $0xffff, v3  }
0x258: {  	[tilespmem:s7], [sflag:$0x1] =	stream.linear.gather @!p0 [hbm4b:s4+s5], $0x1000, $0x38;
	[tilespmem:$0x17280] =	vst v63  }
0x259: {  	s26 =	simm.s32 $0x0;
	_ =	swait.ge [sflag:s14], $0x1000  }
0x25a: {  	s28 =	sand.u32 $0x800, s26;
	s4 =	sand.u32 $0x380, s26;
	[sflag:s14] =	ssyncset.done $0x0  }
0x25b: {  	s4 =	sor.u32 s4, s28;
	[sflag:s14] =	ssyncadd.s32 $0xFFFFF000  }
0x25c: {  	v0 =	vld [tilespmem:s4+$0x14180];
	_ =	sdelay $0x4  }
0x25d: {  	v0 =	vadd.f32 $5.500000000e+00, v0;
	_ =	sdelay $0x1  }
0x25e: {  	v0 =	vmul.f32 $3.723636470e+02, v0;
	_ =	sdelay $0x1  }
0x25f: {  	v0 =	vmax.f32 v0, $0.0e+00  }
0x260: {  	v0 =	vmin.f32 v0, $4.095000000e+03  }
0x261: {  	v0 =	vtrunc.f32 v0  }
0x262: {  	v0 =	vcvt.f32.s32 v0;
	_ =	sdelay $0x1  }
0x263: {  	v0 =	vadd.s32 v0, v5;
	_ =	sdelay $0x4  }
0x264: {  	s5 =	sadd.s32 $0x14180, s4;
	[tilespmem:v0+s3+$0x0] =	vst.idx.add.s32.msk $0xffff, v3  }
0x265: {  	v0 =	vld [tilespmem:s5+$0x10];
	_ =	sdelay $0x4  }
0x266: {  	v0 =	vadd.f32 $5.500000000e+00, v0;
	_ =	sdelay $0x1  }
0x267: {  	v0 =	vmul.f32 $3.723636470e+02, v0;
	_ =	sdelay $0x1  }
0x268: {  	v0 =	vmax.f32 v0, $0.0e+00  }
0x269: {  	v0 =	vmin.f32 v0, $4.095000000e+03  }
0x26a: {  	s8 =	simm.s32 $0x80;
	s7 =	simm.s32 $0x100;
	v0 =	vtrunc.f32 v0  }
0x26b: {  	s4 =	sand.u32 $0x800, s7;
	s7 =	sand.u32 $0x380, s8;
	v0 =	vcvt.f32.s32 v0  }
0x26c: {  	s4 =	sor.u32 s7, s4  }
0x26d: {  	v2 =	vld [tilespmem:s4+$0x14180];
	v0 =	vadd.s32 v0, v5;
	_ =	sdelay $0x4  }
0x26e: {  	v2 =	vadd.f32 $5.500000000e+00, v2;
	[tilespmem:v0+s3+$0x0] =	vst.idx.add.s32.msk $0xffff, v3  }
0x26f: {  	v0 =	vld [tilespmem:s5+$0x20]  }
0x270: {  	v2 =	vmul.f32 $3.723636470e+02, v2;
	_ =	sdelay $0x1  }
0x271: {  	v2 =	vmax.f32 v2, $0.0e+00  }
0x272: {  	v2 =	vmin.f32 v2, $4.095000000e+03  }
0x273: {  	v2 =	vtrunc.f32 v2;
	v0 =	vadd.f32 $5.500000000e+00, v0  }
0x274: {  	v2 =	vcvt.f32.s32 v2  }
0x275: {  	v0 =	vmul.f32 $3.723636470e+02, v0  }
0x276: {  	v2 =	vadd.s32 v2, v5  }
0x277: {  	v0 =	vmax.f32 v0, $0.0e+00  }
0x278: {  	v0 =	vmin.f32 v0, $4.095000000e+03  }
0x279: {  	v0 =	vtrunc.f32 v0  }
0x27a: {  	v0 =	vcvt.f32.s32 v0  }
0x27b: {  	s24 =	sadd.s32 $0x14180, s4;
	[tilespmem:v2+s3+$0x0] =	vst.idx.add.s32.msk $0xffff, v3  }
0x27c: {  	v2 =	vld [tilespmem:s24+$0x10];
	v0 =	vadd.s32 v0, v5;
	_ =	sdelay $0x4  }
0x27d: {  	v2 =	vadd.f32 $5.500000000e+00, v2;
	[tilespmem:v0+s3+$0x0] =	vst.idx.add.s32.msk $0xffff, v3  }
0x27e: {  	v0 =	vld [tilespmem:s5+$0x30]  }
0x27f: {  	v2 =	vmul.f32 $3.723636470e+02, v2;
	_ =	sdelay $0x1  }
0x280: {  	v2 =	vmax.f32 v2, $0.0e+00  }
0x281: {  	v2 =	vmin.f32 v2, $4.095000000e+03  }
0x282: {  	s9 =	simm.s32 $0x200;
	s15 =	simm.s32 $0x100;
	v2 =	vtrunc.f32 v2;
	v0 =	vadd.f32 $5.500000000e+00, v0  }
0x283: {  	s7 =	sand.u32 $0x380, s15;
	s4 =	sand.u32 $0x800, s9;
	v2 =	vcvt.f32.s32 v2  }
0x284: {  	s4 =	sor.u32 s7, s4;
	v0 =	vmul.f32 $3.723636470e+02, v0  }
0x285: {  	v6 =	vld [tilespmem:s4+$0x14180];
	v2 =	vadd.s32 v2, v5  }
0x286: {  	v0 =	vmax.f32 v0, $0.0e+00  }
0x287: {  	v0 =	vmin.f32 v0, $4.095000000e+03  }
0x288: {  	v0 =	vtrunc.f32 v0  }
0x289: {  	v0 =	vcvt.f32.s32 v0  }
0x28a: {  	v6 =	vadd.f32 $5.500000000e+00, v6;
	[tilespmem:v2+s3+$0x0] =	vst.idx.add.s32.msk $0xffff, v3  }
0x28b: {  	v2 =	vld [tilespmem:s24+$0x20];
	v0 =	vadd.s32 v0, v5  }
0x28c: {  	v6 =	vmul.f32 $3.723636470e+02, v6;
	_ =	sdelay $0x1  }
0x28d: {  	v6 =	vmax.f32 v6, $0.0e+00  }
0x28e: {  	v6 =	vmin.f32 v6, $4.095000000e+03  }
0x28f: {  	v6 =	vtrunc.f32 v6;
	v2 =	vadd.f32 $5.500000000e+00, v2;
	[tilespmem:v0+s3+$0x0] =	vst.idx.add.s32.msk $0xffff, v3  }
0x290: {  	v0 =	vcvt.f32.s32 v6;
	v6 =	vld [tilespmem:s5+$0x40]  }
0x291: {  	v2 =	vmul.f32 $3.723636470e+02, v2  }
0x292: {  	v0 =	vadd.s32 v0, v5  }
0x293: {  	v2 =	vmax.f32 v2, $0.0e+00  }
0x294: {  	v2 =	vmin.f32 v2, $4.095000000e+03  }
0x295: {  	v2 =	vtrunc.f32 v2;
	v6 =	vadd.f32 $5.500000000e+00, v6  }
0x296: {  	v2 =	vcvt.f32.s32 v2  }
0x297: {  	s4 =	sadd.s32 $0x14180, s4;
	[tilespmem:v0+s3+$0x0] =	vst.idx.add.s32.msk $0xffff, v3;
	v0 =	vmul.f32 $3.723636470e+02, v6  }
0x298: {  	v2 =	vadd.s32 v2, v5;
	v6 =	vld [tilespmem:s4+$0x10]  }
0x299: {  	v0 =	vmax.f32 v0, $0.0e+00  }
0x29a: {  	v0 =	vmin.f32 v0, $4.095000000e+03  }
0x29b: {  	v0 =	vtrunc.f32 v0  }
0x29c: {  	v0 =	vcvt.f32.s32 v0  }
0x29d: {  	[tilespmem:v2+s3+$0x0] =	vst.idx.add.s32.msk $0xffff, v3;
	v6 =	vadd.f32 $5.500000000e+00, v6  }
0x29e: {  	v2 =	vld [tilespmem:s24+$0x30];
	v0 =	vadd.s32 v0, v5  }
0x29f: {  	v6 =	vmul.f32 $3.723636470e+02, v6;
	_ =	sdelay $0x1  }
0x2a0: {  	v6 =	vmax.f32 v6, $0.0e+00  }
0x2a1: {  	v6 =	vmin.f32 v6, $4.095000000e+03  }
0x2a2: {  	s18 =	simm.s32 $0x300;
	s23 =	simm.s32 $0x180;
	v2 =	vadd.f32 $5.500000000e+00, v2;
	v6 =	vtrunc.f32 v6;
	[tilespmem:v0+s3+$0x0] =	vst.idx.add.s32.msk $0xffff, v3  }
0x2a3: {  	s8 =	sand.u32 $0x380, s23;
	s7 =	sand.u32 $0x800, s18;
	v0 =	vcvt.f32.s32 v6;
	v6 =	vld [tilespmem:s5+$0x50]  }
0x2a4: {  	s7 =	sor.u32 s8, s7;
	v2 =	vmul.f32 $3.723636470e+02, v2  }
0x2a5: {  	v7 =	vld [tilespmem:s7+$0x14180];
	v0 =	vadd.s32 v0, v5  }
0x2a6: {  	v2 =	vmax.f32 v2, $0.0e+00  }
0x2a7: {  	v2 =	vmin.f32 v2, $4.095000000e+03  }
0x2a8: {  	v2 =	vtrunc.f32 v2;
	v6 =	vadd.f32 $5.500000000e+00, v6  }
0x2a9: {  	v2 =	vcvt.f32.s32 v2  }
0x2aa: {  	v7 =	vadd.f32 $5.500000000e+00, v7;
	[tilespmem:v0+s3+$0x0] =	vst.idx.add.s32.msk $0xffff, v3;
	v0 =	vmul.f32 $3.723636470e+02, v6  }
0x2ab: {  	v2 =	vadd.s32 v2, v5;
	v6 =	vld [tilespmem:s4+$0x20]  }
0x2ac: {  	v7 =	vmul.f32 $3.723636470e+02, v7;
	v0 =	vmax.f32 v0, $0.0e+00  }
0x2ad: {  	v0 =	vmin.f32 v0, $4.095000000e+03  }
0x2ae: {  	v7 =	vmax.f32 v7, $0.0e+00;
	v0 =	vtrunc.f32 v0  }
0x2af: {  	v7 =	vmin.f32 v7, $4.095000000e+03;
	v0 =	vcvt.f32.s32 v0  }
0x2b0: {  	v7 =	vtrunc.f32 v7;
	[tilespmem:v2+s3+$0x0] =	vst.idx.add.s32.msk $0xffff, v3;
	v6 =	vadd.f32 $5.500000000e+00, v6  }
0x2b1: {  	v2 =	vcvt.f32.s32 v7;
	v7 =	vld [tilespmem:s24+$0x40];
	v0 =	vadd.s32 v0, v5  }
0x2b2: {  	v6 =	vmul.f32 $3.723636470e+02, v6  }
0x2b3: {  	v2 =	vadd.s32 v2, v5  }
0x2b4: {  	v6 =	vmax.f32 v6, $0.0e+00  }
0x2b5: {  	v6 =	vmin.f32 v6, $4.095000000e+03  }
0x2b6: {  	v7 =	vadd.f32 $5.500000000e+00, v7;
	v6 =	vtrunc.f32 v6;
	[tilespmem:v0+s3+$0x0] =	vst.idx.add.s32.msk $0xffff, v3  }
0x2b7: {  	v0 =	vcvt.f32.s32 v6;
	v6 =	vld [tilespmem:s5+$0x60]  }
0x2b8: {  	s8 =	sadd.s32 $0x14180, s7;
	[tilespmem:v2+s3+$0x0] =	vst.idx.add.s32.msk $0xffff, v3;
	v2 =	vmul.f32 $3.723636470e+02, v7  }
0x2b9: {  	v7 =	vld [tilespmem:s8+$0x10];
	v0 =	vadd.s32 v0, v5  }
0x2ba: {  	v2 =	vmax.f32 v2, $0.0e+00  }
0x2bb: {  	v2 =	vmin.f32 v2, $4.095000000e+03  }
0x2bc: {  	v2 =	vtrunc.f32 v2;
	v6 =	vadd.f32 $5.500000000e+00, v6  }
0x2bd: {  	v2 =	vcvt.f32.s32 v2  }
0x2be: {  	v7 =	vadd.f32 $5.500000000e+00, v7;
	[tilespmem:v0+s3+$0x0] =	vst.idx.add.s32.msk $0xffff, v3;
	v0 =	vmul.f32 $3.723636470e+02, v6  }
0x2bf: {  	v2 =	vadd.s32 v2, v5;
	v6 =	vld [tilespmem:s4+$0x30]  }
0x2c0: {  	v7 =	vmul.f32 $3.723636470e+02, v7;
	v0 =	vmax.f32 v0, $0.0e+00  }
0x2c1: {  	v0 =	vmin.f32 v0, $4.095000000e+03  }
0x2c2: {  	v7 =	vmax.f32 v7, $0.0e+00;
	v0 =	vtrunc.f32 v0  }
0x2c3: {  	v7 =	vmin.f32 v7, $4.095000000e+03;
	v0 =	vcvt.f32.s32 v0  }
0x2c4: {  	s25 =	simm.s32 $0x400;
	s9 =	simm.s32 $0x200;
	v7 =	vtrunc.f32 v7;
	[tilespmem:v2+s3+$0x0] =	vst.idx.add.s32.msk $0xffff, v3;
	v6 =	vadd.f32 $5.500000000e+00, v6  }
0x2c5: {  	s9 =	sand.u32 $0x380, s9;
	s7 =	sand.u32 $0x800, s25;
	v2 =	vcvt.f32.s32 v7;
	v7 =	vld [tilespmem:s24+$0x50];
	v0 =	vadd.s32 v0, v5  }
0x2c6: {  	s7 =	sor.u32 s9, s7;
	v6 =	vmul.f32 $3.723636470e+02, v6  }
0x2c7: {  	v8 =	vld [tilespmem:s7+$0x14180];
	v2 =	vadd.s32 v2, v5  }
0x2c8: {  	v6 =	vmax.f32 v6, $0.0e+00  }
0x2c9: {  	v6 =	vmin.f32 v6, $4.095000000e+03  }
0x2ca: {  	v7 =	vadd.f32 $5.500000000e+00, v7;
	v6 =	vtrunc.f32 v6;
	[tilespmem:v0+s3+$0x0] =	vst.idx.add.s32.msk $0xffff, v3  }
0x2cb: {  	v0 =	vcvt.f32.s32 v6;
	v6 =	vld [tilespmem:s5+$0x70]  }
0x2cc: {  	v8 =	vadd.f32 $5.500000000e+00, v8;
	[tilespmem:v2+s3+$0x0] =	vst.idx.add.s32.msk $0xffff, v3;
	v2 =	vmul.f32 $3.723636470e+02, v7  }
0x2cd: {  	v7 =	vld [tilespmem:s8+$0x20];
	v0 =	vadd.s32 v0, v5  }
0x2ce: {  	v8 =	vmul.f32 $3.723636470e+02, v8;
	v2 =	vmax.f32 v2, $0.0e+00  }
0x2cf: {  	v2 =	vmin.f32 v2, $4.095000000e+03  }
0x2d0: {  	v8 =	vmax.f32 v8, $0.0e+00;
	v2 =	vtrunc.f32 v2;
	v6 =	vadd.f32 $5.500000000e+00, v6  }
0x2d1: {  	v8 =	vmin.f32 v8, $4.095000000e+03;
	v2 =	vcvt.f32.s32 v2  }
0x2d2: {  	v8 =	vtrunc.f32 v8;
	v7 =	vadd.f32 $5.500000000e+00, v7;
	[tilespmem:v0+s3+$0x0] =	vst.idx.add.s32.msk $0xffff, v3;
	v0 =	vmul.f32 $3.723636470e+02, v6  }
0x2d3: {  	v2 =	vadd.s32 v2, v5;
	v6 =	vcvt.f32.s32 v8;
	v8 =	vld [tilespmem:s4+$0x40]  }
0x2d4: {  	v7 =	vmul.f32 $3.723636470e+02, v7;
	v0 =	vmax.f32 v0, $0.0e+00  }
0x2d5: {  	v6 =	vadd.s32 v6, v5;
	v0 =	vmin.f32 v0, $4.095000000e+03  }
0x2d6: {  	v7 =	vmax.f32 v7, $0.0e+00;
	v0 =	vtrunc.f32 v0  }
0x2d7: {  	v7 =	vmin.f32 v7, $4.095000000e+03;
	v0 =	vcvt.f32.s32 v0  }
0x2d8: {  	v7 =	vtrunc.f32 v7;
	[tilespmem:v2+s3+$0x0] =	vst.idx.add.s32.msk $0xffff, v3;
	v8 =	vadd.f32 $5.500000000e+00, v8  }
0x2d9: {  	v2 =	vcvt.f32.s32 v7;
	v7 =	vld [tilespmem:s24+$0x60];
	v0 =	vadd.s32 v0, v5  }
0x2da: {  	s25 =	sadd.s32 $0x14180, s7;
	[tilespmem:v6+s3+$0x0] =	vst.idx.add.s32.msk $0xffff, v3;
	v6 =	vmul.f32 $3.723636470e+02, v8  }
0x2db: {  	v2 =	vadd.s32 v2, v5;
	v8 =	vld [tilespmem:s25+$0x10]  }
0x2dc: {  	v6 =	vmax.f32 v6, $0.0e+00  }
0x2dd: {  	v6 =	vmin.f32 v6, $4.095000000e+03  }
0x2de: {  	v7 =	vadd.f32 $5.500000000e+00, v7;
	v6 =	vtrunc.f32 v6;
	[tilespmem:v0+s3+$0x0] =	vst.idx.add.s32.msk $0xffff, v3  }
0x2df: {  	v0 =	vcvt.f32.s32 v6;
	v6 =	vld [tilespmem:s5+$0x400]  }
0x2e0: {  	[tilespmem:v2+s3+$0x0] =	vst.idx.add.s32.msk $0xffff, v3;
	v2 =	vmul.f32 $3.723636470e+02, v7;
	v8 =	vadd.f32 $5.500000000e+00, v8  }
0x2e1: {  	v7 =	vld [tilespmem:s8+$0x30];
	v0 =	vadd.s32 v0, v5  }
0x2e2: {  	v2 =	vmax.f32 v2, $0.0e+00;
	v8 =	vmul.f32 $3.723636470e+02, v8  }
0x2e3: {  	v2 =	vmin.f32 v2, $4.095000000e+03  }
0x2e4: {  	v2 =	vtrunc.f32 v2;
	v8 =	vmax.f32 v8, $0.0e+00;
	v6 =	vadd.f32 $5.500000000e+00, v6  }
0x2e5: {  	v2 =	vcvt.f32.s32 v2;
	v8 =	vmin.f32 v8, $4.095000000e+03  }
0x2e6: {  	s26 =	simm.s32 $0x500;
	s28 =	simm.s32 $0x280;
	v7 =	vadd.f32 $5.500000000e+00, v7;
	v8 =	vtrunc.f32 v8;
	[tilespmem:v0+s3+$0x0] =	vst.idx.add.s32.msk $0xffff, v3;
	v0 =	vmul.f32 $3.723636470e+02, v6  }
0x2e7: {  	s9 =	sand.u32 $0x380, s28;
	s7 =	sand.u32 $0x800, s26;
	v2 =	vadd.s32 v2, v5;
	v6 =	vcvt.f32.s32 v8;
	v8 =	vld [tilespmem:s4+$0x50]  }
0x2e8: {  	s7 =	sor.u32 s9, s7;
	v7 =	vmul.f32 $3.723636470e+02, v7;
	v0 =	vmax.f32 v0, $0.0e+00  }
0x2e9: {  	v9 =	vld [tilespmem:s7+$0x14180];
	v6 =	vadd.s32 v6, v5;
	v0 =	vmin.f32 v0, $4.095000000e+03  }
0x2ea: {  	v7 =	vmax.f32 v7, $0.0e+00;
	v0 =	vtrunc.f32 v0  }
0x2eb: {  	v7 =	vmin.f32 v7, $4.095000000e+03;
	v0 =	vcvt.f32.s32 v0  }
0x2ec: {  	v7 =	vtrunc.f32 v7;
	[tilespmem:v2+s3+$0x0] =	vst.idx.add.s32.msk $0xffff, v3;
	v8 =	vadd.f32 $5.500000000e+00, v8  }
0x2ed: {  	v2 =	vcvt.f32.s32 v7;
	v7 =	vld [tilespmem:s24+$0x70];
	v0 =	vadd.s32 v0, v5  }
0x2ee: {  	v9 =	vadd.f32 $5.500000000e+00, v9;
	[tilespmem:v6+s3+$0x0] =	vst.idx.add.s32.msk $0xffff, v3;
	v6 =	vmul.f32 $3.723636470e+02, v8  }
0x2ef: {  	v2 =	vadd.s32 v2, v5;
	v8 =	vld [tilespmem:s25+$0x20]  }
0x2f0: {  	v9 =	vmul.f32 $3.723636470e+02, v9;
	v6 =	vmax.f32 v6, $0.0e+00  }
0x2f1: {  	v6 =	vmin.f32 v6, $4.095000000e+03  }
0x2f2: {  	v9 =	vmax.f32 v9, $0.0e+00;
	v7 =	vadd.f32 $5.500000000e+00, v7;
	v6 =	vtrunc.f32 v6;
	[tilespmem:v0+s3+$0x0] =	vst.idx.add.s32.msk $0xffff, v3  }
0x2f3: {  	v0 =	vmin.f32 v9, $4.095000000e+03;
	v6 =	vcvt.f32.s32 v6;
	v9 =	vld [tilespmem:s5+$0x410]  }
0x2f4: {  	[tilespmem:v2+s3+$0x0] =	vst.idx.add.s32.msk $0xffff, v3;
	v2 =	vmul.f32 $3.723636470e+02, v7;
	v0 =	vtrunc.f32 v0;
	v8 =	vadd.f32 $5.500000000e+00, v8  }
0x2f5: {  	v7 =	vld [tilespmem:s8+$0x40];
	v0 =	vcvt.f32.s32 v0;
	v6 =	vadd.s32 v6, v5  }
0x2f6: {  	v2 =	vmax.f32 v2, $0.0e+00;
	v8 =	vmul.f32 $3.723636470e+02, v8  }
0x2f7: {  	v2 =	vmin.f32 v2, $4.095000000e+03;
	v0 =	vadd.s32 v0, v5  }
0x2f8: {  	v2 =	vtrunc.f32 v2;
	v8 =	vmax.f32 v8, $0.0e+00;
	v9 =	vadd.f32 $5.500000000e+00, v9  }
0x2f9: {  	v2 =	vcvt.f32.s32 v2;
	v8 =	vmin.f32 v8, $4.095000000e+03  }
0x2fa: {  	v7 =	vadd.f32 $5.500000000e+00, v7;
	v8 =	vtrunc.f32 v8;
	[tilespmem:v6+s3+$0x0] =	vst.idx.add.s32.msk $0xffff, v3;
	v6 =	vmul.f32 $3.723636470e+02, v9  }
0x2fb: {  	v2 =	vadd.s32 v2, v5;
	v8 =	vcvt.f32.s32 v8;
	v9 =	vld [tilespmem:s4+$0x60]  }
0x2fc: {  	s26 =	sadd.s32 $0x14180, s7;
	[tilespmem:v0+s3+$0x0] =	vst.idx.add.s32.msk $0xffff, v3;
	v0 =	vmul.f32 $3.723636470e+02, v7;
	v6 =	vmax.f32 v6, $0.0e+00  }
0x2fd: {  	v7 =	vld [tilespmem:s26+$0x10];
	v8 =	vadd.s32 v8, v5;
	v6 =	vmin.f32 v6, $4.095000000e+03  }
0x2fe: {  	v0 =	vmax.f32 v0, $0.0e+00;
	v6 =	vtrunc.f32 v6  }
0x2ff: {  	v0 =	vmin.f32 v0, $4.095000000e+03;
	v6 =	vcvt.f32.s32 v6  }
0x300: {  	[tilespmem:v2+s3+$0x0] =	vst.idx.add.s32.msk $0xffff, v3;
	v0 =	vtrunc.f32 v0;
	v9 =	vadd.f32 $5.500000000e+00, v9  }
0x301: {  	v2 =	vld [tilespmem:s24+$0x400];
	v0 =	vcvt.f32.s32 v0;
	v6 =	vadd.s32 v6, v5  }
0x302: {  	v7 =	vadd.f32 $5.500000000e+00, v7;
	[tilespmem:v8+s3+$0x0] =	vst.idx.add.s32.msk $0xffff, v3;
	v8 =	vmul.f32 $3.723636470e+02, v9  }
0x303: {  	v9 =	vld [tilespmem:s25+$0x30];
	v0 =	vadd.s32 v0, v5  }
0x304: {  	v7 =	vmul.f32 $3.723636470e+02, v7;
	v8 =	vmax.f32 v8, $0.0e+00  }
0x305: {  	v8 =	vmin.f32 v8, $4.095000000e+03  }
0x306: {  	v2 =	vadd.f32 $5.500000000e+00, v2;
	v7 =	vmax.f32 v7, $0.0e+00;
	v8 =	vtrunc.f32 v8;
	[tilespmem:v6+s3+$0x0] =	vst.idx.add.s32.msk $0xffff, v3  }
0x307: {  	v6 =	vmin.f32 v7, $4.095000000e+03;
	v7 =	vcvt.f32.s32 v8;
	v8 =	vld [tilespmem:s5+$0x420]  }
0x308: {  	s15 =	simm.s32 $0x300;
	s9 =	simm.s32 $0x600;
	v6 =	vtrunc.f32 v6;
	v9 =	vadd.f32 $5.500000000e+00, v9;
	[tilespmem:v0+s3+$0x0] =	vst.idx.add.s32.msk $0xffff, v3;
	v0 =	vmul.f32 $3.723636470e+02, v2  }
0x309: {  	s7 =	sand.u32 $0x800, s9;
	s9 =	sand.u32 $0x380, s15;
	v2 =	vcvt.f32.s32 v6;
	v6 =	vld [tilespmem:s8+$0x50];
	v7 =	vadd.s32 v7, v5  }
0x30a: {  	s7 =	sor.u32 s9, s7;
	v9 =	vmul.f32 $3.723636470e+02, v9;
	v0 =	vmax.f32 v0, $0.0e+00  }
0x30b: {  	v10 =	vld [tilespmem:s7+$0x14180];
	v2 =	vadd.s32 v2, v5;
	v0 =	vmin.f32 v0, $4.095000000e+03  }
0x30c: {  	v9 =	vmax.f32 v9, $0.0e+00;
	v0 =	vtrunc.f32 v0;
	v8 =	vadd.f32 $5.500000000e+00, v8  }
0x30d: {  	v9 =	vmin.f32 v9, $4.095000000e+03;
	v0 =	vcvt.f32.s32 v0  }
0x30e: {  	v9 =	vtrunc.f32 v9;
	v6 =	vadd.f32 $5.500000000e+00, v6;
	[tilespmem:v7+s3+$0x0] =	vst.idx.add.s32.msk $0xffff, v3;
	v7 =	vmul.f32 $3.723636470e+02, v8  }
0x30f: {  	v8 =	vcvt.f32.s32 v9;
	v9 =	vld [tilespmem:s4+$0x70];
	v0 =	vadd.s32 v0, v5  }
0x310: {  	v10 =	vadd.f32 $5.500000000e+00, v10;
	[tilespmem:v2+s3+$0x0] =	vst.idx.add.s32.msk $0xffff, v3;
	v2 =	vmul.f32 $3.723636470e+02, v6;
	v6 =	vmax.f32 v7, $0.0e+00  }
0x311: {  	v7 =	vld [tilespmem:s26+$0x20];
	v8 =	vadd.s32 v8, v5;
	v6 =	vmin.f32 v6, $4.095000000e+03  }
0x312: {  	v10 =	vmul.f32 $3.723636470e+02, v10;
	v2 =	vmax.f32 v2, $0.0e+00;
	v6 =	vtrunc.f32 v6  }
0x313: {  	v2 =	vmin.f32 v2, $4.095000000e+03;
	v6 =	vcvt.f32.s32 v6  }
0x314: {  	v10 =	vmax.f32 v10, $0.0e+00;
	v2 =	vtrunc.f32 v2;
	v9 =	vadd.f32 $5.500000000e+00, v9;
	[tilespmem:v0+s3+$0x0] =	vst.idx.add.s32.msk $0xffff, v3  }
0x315: {  	v0 =	vmin.f32 v10, $4.095000000e+03;
	v2 =	vcvt.f32.s32 v2;
	v10 =	vld [tilespmem:s24+$0x410];
	v6 =	vadd.s32 v6, v5  }
0x316: {  	v0 =	vtrunc.f32 v0;
	v7 =	vadd.f32 $5.500000000e+00, v7;
	[tilespmem:v8+s3+$0x0] =	vst.idx.add.s32.msk $0xffff, v3;
	v8 =	vmul.f32 $3.723636470e+02, v9  }
0x317: {  	v0 =	vcvt.f32.s32 v0;
	v9 =	vld [tilespmem:s25+$0x40];
	v2 =	vadd.s32 v2, v5  }
0x318: {  	v7 =	vmul.f32 $3.723636470e+02, v7;
	v8 =	vmax.f32 v8, $0.0e+00  }
0x319: {  	v0 =	vadd.s32 v0, v5;
	v8 =	vmin.f32 v8, $4.095000000e+03  }
0x31a: {  	v7 =	vmax.f32 v7, $0.0e+00;
	v8 =	vtrunc.f32 v8;
	v10 =	vadd.f32 $5.500000000e+00, v10;
	[tilespmem:v6+s3+$0x0] =	vst.idx.add.s32.msk $0xffff, v3  }
0x31b: {  	v6 =	vmin.f32 v7, $4.095000000e+03;
	v7 =	vcvt.f32.s32 v8;
	v8 =	vld [tilespmem:s5+$0x430]  }
0x31c: {  	v6 =	vtrunc.f32 v6;
	v9 =	vadd.f32 $5.500000000e+00, v9;
	[tilespmem:v2+s3+$0x0] =	vst.idx.add.s32.msk $0xffff, v3;
	v2 =	vmul.f32 $3.723636470e+02, v10  }
0x31d: {  	v6 =	vcvt.f32.s32 v6;
	v10 =	vld [tilespmem:s8+$0x60];
	v7 =	vadd.s32 v7, v5  }
0x31e: {  	s15 =	sadd.s32 $0x14180, s7;
	[tilespmem:v0+s3+$0x0] =	vst.idx.add.s32.msk $0xffff, v3;
	v0 =	vmul.f32 $3.723636470e+02, v9;
	v2 =	vmax.f32 v2, $0.0e+00  }
0x31f: {  	v9 =	vld [tilespmem:s15+$0x10];
	v6 =	vadd.s32 v6, v5;
	v2 =	vmin.f32 v2, $4.095000000e+03  }
0x320: {  	v0 =	vmax.f32 v0, $0.0e+00;
	v2 =	vtrunc.f32 v2;
	v8 =	vadd.f32 $5.500000000e+00, v8  }
0x321: {  	v0 =	vmin.f32 v0, $4.095000000e+03;
	v2 =	vcvt.f32.s32 v2  }
0x322: {  	v0 =	vtrunc.f32 v0;
	v10 =	vadd.f32 $5.500000000e+00, v10;
	[tilespmem:v7+s3+$0x0] =	vst.idx.add.s32.msk $0xffff, v3;
	v7 =	vmul.f32 $3.723636470e+02, v8  }
0x323: {  	s23 =	simm.s32 $0x380;
	s18 =	simm.s32 $0x700;
	v0 =	vcvt.f32.s32 v0;
	v8 =	vld [tilespmem:s4+$0x400];
	v2 =	vadd.s32 v2, v5  }
0x324: {  	s9 =	sand.u32 $0x380, s23;
	s7 =	sand.u32 $0x800, s18;
	v9 =	vadd.f32 $5.500000000e+00, v9;
	[tilespmem:v6+s3+$0x0] =	vst.idx.add.s32.msk $0xffff, v3;
	v6 =	vmul.f32 $3.723636470e+02, v10;
	v7 =	vmax.f32 v7, $0.0e+00  }
0x325: {  	s18 =	sor.u32 s9, s7;
	v10 =	vld [tilespmem:s26+$0x30];
	v0 =	vadd.s32 v0, v5;
	v7 =	vmin.f32 v7, $4.095000000e+03  }
0x326: {  	v11 =	vld [tilespmem:s18+$0x14180];
	v9 =	vmul.f32 $3.723636470e+02, v9;
	v6 =	vmax.f32 v6, $0.0e+00;
	v7 =	vtrunc.f32 v7  }
0x327: {  	v6 =	vmin.f32 v6, $4.095000000e+03;
	v7 =	vcvt.f32.s32 v7  }
0x328: {  	v9 =	vmax.f32 v9, $0.0e+00;
	v6 =	vtrunc.f32 v6;
	v8 =	vadd.f32 $5.500000000e+00, v8;
	[tilespmem:v2+s3+$0x0] =	vst.idx.add.s32.msk $0xffff, v3  }
0x329: {  	v2 =	vmin.f32 v9, $4.095000000e+03;
	v6 =	vcvt.f32.s32 v6;
	v9 =	vld [tilespmem:s24+$0x420];
	v7 =	vadd.s32 v7, v5  }
0x32a: {  	v2 =	vtrunc.f32 v2;
	v10 =	vadd.f32 $5.500000000e+00, v10;
	[tilespmem:v0+s3+$0x0] =	vst.idx.add.s32.msk $0xffff, v3;
	v0 =	vmul.f32 $3.723636470e+02, v8  }
0x32b: {  	v8 =	vadd.f32 $5.500000000e+00, v11;
	v2 =	vcvt.f32.s32 v2;
	v11 =	vld [tilespmem:s25+$0x50];
	v6 =	vadd.s32 v6, v5  }
0x32c: {  	v10 =	vmul.f32 $3.723636470e+02, v10;
	v0 =	vmax.f32 v0, $0.0e+00  }
0x32d: {  	v8 =	vmul.f32 $3.723636470e+02, v8;
	v2 =	vadd.s32 v2, v5;
	v0 =	vmin.f32 v0, $4.095000000e+03  }
0x32e: {  	v10 =	vmax.f32 v10, $0.0e+00;
	v0 =	vtrunc.f32 v0;
	v9 =	vadd.f32 $5.500000000e+00, v9;
	[tilespmem:v7+s3+$0x0] =	vst.idx.add.s32.msk $0xffff, v3  }
0x32f: {  	v7 =	vmax.f32 v8, $0.0e+00;
	v8 =	vmin.f32 v10, $4.095000000e+03;
	v0 =	vcvt.f32.s32 v0;
	v10 =	vld [tilespmem:s5+$0x440]  }
0x330: {  	v8 =	vtrunc.f32 v8;
	v11 =	vadd.f32 $5.500000000e+00, v11;
	[tilespmem:v6+s3+$0x0] =	vst.idx.add.s32.msk $0xffff, v3;
	v6 =	vmul.f32 $3.723636470e+02, v9  }
0x331: {  	v7 =	vmin.f32 v7, $4.095000000e+03;
	v8 =	vcvt.f32.s32 v8;
	v9 =	vld [tilespmem:s8+$0x70];
	v0 =	vadd.s32 v0, v5  }
0x332: {  	s28 =	simm.s32 $0x800;
	s7 =	simm.s32 $0x400;
	v7 =	vtrunc.f32 v7;
	[tilespmem:v2+s3+$0x0] =	vst.idx.add.s32.msk $0xffff, v3;
	v2 =	vmul.f32 $3.723636470e+02, v11;
	v6 =	vmax.f32 v6, $0.0e+00  }
0x333: {  	s9 =	sand.u32 $0x800, s28;
	s23 =	sand.u32 $0x380, s7;
	v7 =	vcvt.f32.s32 v7;
	v11 =	vld [tilespmem:s15+$0x20];
	v8 =	vadd.s32 v8, v5;
	v6 =	vmin.f32 v6, $4.095000000e+03  }
0x334: {  	s23 =	sor.u32 s23, s9;
	v2 =	vmax.f32 v2, $0.0e+00;
	v6 =	vtrunc.f32 v6;
	v10 =	vadd.f32 $5.500000000e+00, v10  }
0x335: {  	v12 =	vld [tilespmem:s23+$0x14180];
	v7 =	vadd.s32 v7, v5;
	v2 =	vmin.f32 v2, $4.095000000e+03;
	v6 =	vcvt.f32.s32 v6  }
0x336: {  	v2 =	vtrunc.f32 v2;
	v9 =	vadd.f32 $5.500000000e+00, v9;
	[tilespmem:v0+s3+$0x0] =	vst.idx.add.s32.msk $0xffff, v3;
	v0 =	vmul.f32 $3.723636470e+02, v10  }
0x337: {  	v2 =	vcvt.f32.s32 v2;
	v10 =	vld [tilespmem:s4+$0x410];
	v6 =	vadd.s32 v6, v5  }
0x338: {  	v11 =	vadd.f32 $5.500000000e+00, v11;
	[tilespmem:v8+s3+$0x0] =	vst.idx.add.s32.msk $0xffff, v3;
	v8 =	vmul.f32 $3.723636470e+02, v9;
	v0 =	vmax.f32 v0, $0.0e+00  }
0x339: {  	v9 =	vld [tilespmem:s26+$0x40];
	v2 =	vadd.s32 v2, v5;
	v0 =	vmin.f32 v0, $4.095000000e+03  }
0x33a: {  	s18 =	sadd.s32 $0x14180, s18;
	[tilespmem:v7+s3+$0x0] =	vst.idx.add.s32.msk $0xffff, v3;
	v7 =	vmul.f32 $3.723636470e+02, v11;
	v8 =	vmax.f32 v8, $0.0e+00;
	v0 =	vtrunc.f32 v0  }
0x33b: {  	v11 =	vld [tilespmem:s18+$0x10];
	v8 =	vmin.f32 v8, $4.095000000e+03;
	v0 =	vcvt.f32.s32 v0  }
0x33c: {  	v7 =	vmax.f32 v7, $0.0e+00;
	v8 =	vtrunc.f32 v8;
	v10 =	vadd.f32 $5.500000000e+00, v10;
	[tilespmem:v6+s3+$0x0] =	vst.idx.add.s32.msk $0xffff, v3  }
0x33d: {  	v6 =	vmin.f32 v7, $4.095000000e+03;
	v7 =	vcvt.f32.s32 v8;
	v8 =	vld [tilespmem:s24+$0x430];
	v0 =	vadd.s32 v0, v5  }
0x33e: {  	v6 =	vtrunc.f32 v6;
	v9 =	vadd.f32 $5.500000000e+00, v9;
	[tilespmem:v2+s3+$0x0] =	vst.idx.add.s32.msk $0xffff, v3;
	v2 =	vmul.f32 $3.723636470e+02, v10  }
0x33f: {  	v10 =	vadd.f32 $5.500000000e+00, v12;
	v6 =	vcvt.f32.s32 v6;
	v12 =	vld [tilespmem:s25+$0x60];
	v7 =	vadd.s32 v7, v5  }
0x340: {  	v9 =	vmul.f32 $3.723636470e+02, v9;
	v2 =	vmax.f32 v2, $0.0e+00  }
0x341: {  	v10 =	vmul.f32 $3.723636470e+02, v10;
	v6 =	vadd.s32 v6, v5;
	v2 =	vmin.f32 v2, $4.095000000e+03  }
0x342: {  	v9 =	vmax.f32 v9, $0.0e+00;
	v2 =	vtrunc.f32 v2;
	v8 =	vadd.f32 $5.500000000e+00, v8;
	[tilespmem:v0+s3+$0x0] =	vst.idx.add.s32.msk $0xffff, v3  }
0x343: {  	v0 =	vadd.f32 $5.500000000e+00, v11;
	v9 =	vmin.f32 v9, $4.095000000e+03;
	v2 =	vcvt.f32.s32 v2;
	v11 =	vld [tilespmem:s5+$0x450]  }
0x344: {  	v9 =	vtrunc.f32 v9;
	v12 =	vadd.f32 $5.500000000e+00, v12;
	[tilespmem:v7+s3+$0x0] =	vst.idx.add.s32.msk $0xffff, v3;
	v7 =	vmul.f32 $3.723636470e+02, v8  }
0x345: {  	v0 =	vmul.f32 $3.723636470e+02, v0;
	v8 =	vcvt.f32.s32 v9;
	v9 =	vld [tilespmem:s8+$0x400];
	v13 =	vadd.s32 v2, v5  }
0x346: {  	v2 =	vmax.f32 v10, $0.0e+00;
	[tilespmem:v6+s3+$0x0] =	vst.idx.add.s32.msk $0xffff, v3;
	v6 =	vmul.f32 $3.723636470e+02, v12;
	v7 =	vmax.f32 v7, $0.0e+00  }
0x347: {  	v10 =	vld [tilespmem:s15+$0x30];
	v0 =	vmax.f32 v0, $0.0e+00;
	v12 =	vadd.s32 v8, v5;
	v7 =	vmin.f32 v7, $4.095000000e+03  }
0x348: {  	v6 =	vmax.f32 v6, $0.0e+00;
	v7 =	vtrunc.f32 v7;
	v8 =	vadd.f32 $5.500000000e+00, v11  }
0x349: {  	v0 =	vmin.f32 v0, $4.095000000e+03;
	v6 =	vmin.f32 v6, $4.095000000e+03;
	v7 =	vcvt.f32.s32 v7  }
0x34a: {  	v6 =	vtrunc.f32 v6;
	v9 =	vadd.f32 $5.500000000e+00, v9;
	[tilespmem:v13+s3+$0x0] =	vst.idx.add.s32.msk $0xffff, v3;
	v13 =	vmul.f32 $3.723636470e+02, v8  }
0x34b: {  	v0 =	vtrunc.f32 v0;
	v6 =	vcvt.f32.s32 v6;
	v8 =	vld [tilespmem:s4+$0x420];
	v7 =	vadd.s32 v7, v5  }
0x34c: {  	v11 =	vadd.f32 $5.500000000e+00, v10;
	[tilespmem:v12+s3+$0x0] =	vst.idx.add.s32.msk $0xffff, v3;
	v9 =	vmul.f32 $3.723636470e+02, v9;
	v13 =	vmax.f32 v13, $0.0e+00  }
0x34d: {  	s5 =	simm.s32 $0x900;
	v12 =	vcvt.f32.s32 v0;
	v0 =	vld [tilespmem:s26+$0x50];
	v10 =	vadd.s32 v6, v5;
	v6 =	vmin.f32 v13, $4.095000000e+03  }
.LBB2_11:
0x34e: {  	p1 =	sne.s32 s5, $0xF00;
	v11 =	vmul.f32 $3.723636470e+02, v11;
	v9 =	vmax.f32 v9, $0.0e+00;
	v6 =	vtrunc.f32 v6  }
0x34f: {  	v12 =	vadd.s32 v12, v5;
	v9 =	vmin.f32 v9, $4.095000000e+03;
	v6 =	vcvt.f32.s32 v6  }
0x350: {  	v11 =	vmax.f32 v11, $0.0e+00;
	v9 =	vtrunc.f32 v9;
	v8 =	vadd.f32 $5.500000000e+00, v8;
	[tilespmem:v7+s3+$0x0] =	vst.idx.add.s32.msk $0xffff, v3  }
0x351: {  	v7 =	vmin.f32 v11, $4.095000000e+03;
	v9 =	vcvt.f32.s32 v9;
	v11 =	vld [tilespmem:s24+$0x440];
	v6 =	vadd.s32 v6, v5  }
0x352: {  	v7 =	vtrunc.f32 v7;
	v0 =	vadd.f32 $5.500000000e+00, v0;
	[tilespmem:v10+s3+$0x0] =	vst.idx.add.s32.msk $0xffff, v3;
	v8 =	vmul.f32 $3.723636470e+02, v8  }
0x353: {  	v2 =	vmin.f32 v2, $4.095000000e+03;
	v7 =	vcvt.f32.s32 v7;
	v10 =	vld [tilespmem:s25+$0x70];
	v9 =	vadd.s32 v9, v5  }
0x354: {  	s7 =	sadd.s32 $0x80, s7;
	v2 =	vtrunc.f32 v2;
	[tilespmem:v12+s3+$0x0] =	vst.idx.add.s32.msk $0xffff, v3;
	v0 =	vmul.f32 $3.723636470e+02, v0;
	v8 =	vmax.f32 v8, $0.0e+00  }
0x355: {  	s9 =	sand.u32 $0x800, s5;
	s28 =	sand.u32 $0x380, s7;
	v2 =	vcvt.f32.s32 v2;
	v12 =	vld [tilespmem:s18+$0x20];
	v7 =	vadd.s32 v7, v5;
	v8 =	vmin.f32 v8, $4.095000000e+03  }
0x356: {  	s28 =	sor.u32 s28, s9;
	v0 =	vmax.f32 v0, $0.0e+00;
	v8 =	vtrunc.f32 v8;
	v11 =	vadd.f32 $5.500000000e+00, v11;
	[tilespmem:v6+s3+$0x0] =	vst.idx.add.s32.msk $0xffff, v3  }
0x357: {  	v2 =	vadd.s32 v2, v5;
	v6 =	vld [tilespmem:s28+$0x14180];
	v0 =	vmin.f32 v0, $4.095000000e+03;
	v8 =	vcvt.f32.s32 v8  }
0x358: {  	v0 =	vtrunc.f32 v0;
	v10 =	vadd.f32 $5.500000000e+00, v10;
	[tilespmem:v9+s3+$0x0] =	vst.idx.add.s32.msk $0xffff, v3;
	v9 =	vmul.f32 $3.723636470e+02, v11  }
0x359: {  	v0 =	vcvt.f32.s32 v0;
	v11 =	vld [tilespmem:s8+$0x410];
	v8 =	vadd.s32 v8, v5  }
0x35a: {  	v12 =	vadd.f32 $5.500000000e+00, v12;
	[tilespmem:v7+s3+$0x0] =	vst.idx.add.s32.msk $0xffff, v3;
	v7 =	vmul.f32 $3.723636470e+02, v10;
	v9 =	vmax.f32 v9, $0.0e+00  }
0x35b: {  	v10 =	vld [tilespmem:s15+$0x40];
	v0 =	vadd.s32 v0, v5;
	v9 =	vmin.f32 v9, $4.095000000e+03  }
0x35c: {  	s9 =	sadd.s32 $0x14180, s23;
	s23 =	smov.u32 s28;
	[tilespmem:v2+s3+$0x0] =	vst.idx.add.s32.msk $0xffff, v3;
	v2 =	vmul.f32 $3.723636470e+02, v12;
	v7 =	vmax.f32 v7, $0.0e+00;
	v9 =	vtrunc.f32 v9  }
0x35d: {  	v12 =	vld [tilespmem:s9+$0x10];
	v7 =	vmin.f32 v7, $4.095000000e+03;
	v9 =	vcvt.f32.s32 v9  }
0x35e: {  	v2 =	vmax.f32 v2, $0.0e+00;
	v7 =	vtrunc.f32 v7;
	v11 =	vadd.f32 $5.500000000e+00, v11;
	[tilespmem:v8+s3+$0x0] =	vst.idx.add.s32.msk $0xffff, v3  }
0x35f: {  	v2 =	vmin.f32 v2, $4.095000000e+03;
	v7 =	vcvt.f32.s32 v7;
	v8 =	vld [tilespmem:s4+$0x430];
	v9 =	vadd.s32 v9, v5  }
0x360: {  	v2 =	vtrunc.f32 v2;
	v10 =	vadd.f32 $5.500000000e+00, v10;
	[tilespmem:v0+s3+$0x0] =	vst.idx.add.s32.msk $0xffff, v3;
	v0 =	vmul.f32 $3.723636470e+02, v11  }
0x361: {  	v6 =	vadd.f32 $5.500000000e+00, v6;
	v2 =	vcvt.f32.s32 v2;
	v11 =	vld [tilespmem:s26+$0x60];
	v7 =	vadd.s32 v7, v5  }
0x362: {  	v10 =	vmul.f32 $3.723636470e+02, v10;
	v0 =	vmax.f32 v0, $0.0e+00  }
0x363: {  	v6 =	vmul.f32 $3.723636470e+02, v6;
	v13 =	vadd.s32 v2, v5;
	v0 =	vmin.f32 v0, $4.095000000e+03  }
0x364: {  	v2 =	vmax.f32 v10, $0.0e+00;
	v0 =	vtrunc.f32 v0;
	v8 =	vadd.f32 $5.500000000e+00, v8;
	[tilespmem:v9+s3+$0x0] =	vst.idx.add.s32.msk $0xffff, v3  }
0x365: {  	v9 =	vadd.f32 $5.500000000e+00, v12;
	v2 =	vmin.f32 v2, $4.095000000e+03;
	v0 =	vcvt.f32.s32 v0;
	v10 =	vld [tilespmem:s24+$0x450];
	s24 =	smov.u32 s4;
	s4 =	smov.u32 s8;
	s8 =	smov.u32 s25  }
0x366: {  	s25 =	smov.u32 s26;
	s26 =	smov.u32 s15;
	s15 =	smov.u32 s18;
	v2 =	vtrunc.f32 v2;
	v11 =	vadd.f32 $5.500000000e+00, v11;
	[tilespmem:v7+s3+$0x0] =	vst.idx.add.s32.msk $0xffff, v3;
	v7 =	vmul.f32 $3.723636470e+02, v8  }
0x367: {  	s18 =	smov.u32 s9;
	v8 =	vmul.f32 $3.723636470e+02, v9;
	v9 =	vcvt.f32.s32 v2;
	v12 =	vld [tilespmem:s8+$0x400];
	v0 =	vadd.s32 v0, v5  }
0x368: {  	v2 =	vmax.f32 v6, $0.0e+00;
	[tilespmem:v13+s3+$0x0] =	vst.idx.add.s32.msk $0xffff, v3;
	v6 =	vmul.f32 $3.723636470e+02, v11;
	v7 =	vmax.f32 v7, $0.0e+00  }
0x369: {  	v8 =	vmax.f32 v8, $0.0e+00;
	v11 =	vld [tilespmem:s15+$0x30];
	v9 =	vadd.s32 v9, v5;
	v7 =	vmin.f32 v7, $4.095000000e+03  }
0x36a: {  	v6 =	vmax.f32 v6, $0.0e+00;
	v7 =	vtrunc.f32 v7;
	v10 =	vadd.f32 $5.500000000e+00, v10  }
.Ltmp9:
0x36b: {  	v8 =	vmin.f32 v8, $4.095000000e+03;
	v6 =	vmin.f32 v6, $4.095000000e+03;
	v7 =	vcvt.f32.s32 v7;
	(pc) =	sbr.rel @p1 .LBB2_11-.Ltmp9, $4  }
0x36c: {  	v6 =	vtrunc.f32 v6;
	v12 =	vadd.f32 $5.500000000e+00, v12;
	[tilespmem:v0+s3+$0x0] =	vst.idx.add.s32.msk $0xffff, v3;
	v0 =	vmul.f32 $3.723636470e+02, v10  }
0x36d: {  	v10 =	vtrunc.f32 v8;
	v6 =	vcvt.f32.s32 v6;
	v8 =	vld [tilespmem:s4+$0x420];
	v7 =	vadd.s32 v7, v5  }
0x36e: {  	v11 =	vadd.f32 $5.500000000e+00, v11;
	[tilespmem:v9+s3+$0x0] =	vst.idx.add.s32.msk $0xffff, v3;
	v9 =	vmul.f32 $3.723636470e+02, v12;
	v13 =	vmax.f32 v0, $0.0e+00  }
0x36f: {  	s5 =	sadd.s32 $0x100, s5;
	v12 =	vcvt.f32.s32 v10;
	v0 =	vld [tilespmem:s26+$0x50];
	v10 =	vadd.s32 v6, v5;
	v6 =	vmin.f32 v13, $4.095000000e+03  }
0x370: {  	v2 =	vmin.f32 v2, $4.095000000e+03  }
0x371: {  	v2 =	vtrunc.f32 v2  }
0x372: {  	v2 =	vcvt.f32.s32 v2;
	_ =	sdelay $0x1  }
0x373: {  	v2 =	vadd.s32 v2, v5;
	_ =	sdelay $0x4  }
0x374: {  	s5 =	sadd.s32 $0x14180, s23;
	[tilespmem:v2+s3+$0x0] =	vst.idx.add.s32.msk $0xffff, v3  }
0x375: {  	v2 =	vld [tilespmem:s5+$0x10];
	_ =	sdelay $0x4  }
0x376: {  	v2 =	vadd.f32 $5.500000000e+00, v2;
	_ =	sdelay $0x1  }
0x377: {  	v2 =	vmul.f32 $3.723636470e+02, v2;
	_ =	sdelay $0x1  }
0x378: {  	v2 =	vmax.f32 v2, $0.0e+00  }
0x379: {  	v2 =	vmin.f32 v2, $4.095000000e+03  }
0x37a: {  	v12 =	vadd.s32 v12, v5;
	v2 =	vtrunc.f32 v2  }
0x37b: {  	v2 =	vcvt.f32.s32 v2;
	_ =	sdelay $0x1  }
0x37c: {  	v2 =	vadd.s32 v2, v5;
	_ =	sdelay $0x1  }
0x37d: {  	[tilespmem:v12+s3+$0x0] =	vst.idx.add.s32.msk $0xffff, v3  }
0x37e: {  	v12 =	vld [tilespmem:s18+$0x20];
	_ =	sdelay $0x1  }
0x37f: {  	[tilespmem:v2+s3+$0x0] =	vst.idx.add.s32.msk $0xffff, v3  }
0x380: {  	v2 =	vld [tilespmem:s5+$0x20];
	_ =	sdelay $0x1  }
0x381: {  	v12 =	vadd.f32 $5.500000000e+00, v12;
	_ =	sdelay $0x1  }
0x382: {  	v12 =	vmul.f32 $3.723636470e+02, v12  }
0x383: {  	v2 =	vadd.f32 $5.500000000e+00, v2  }
0x384: {  	v12 =	vmax.f32 v12, $0.0e+00  }
0x385: {  	v12 =	vmin.f32 v12, $4.095000000e+03;
	v2 =	vmul.f32 $3.723636470e+02, v2  }
0x386: {  	v12 =	vtrunc.f32 v12  }
0x387: {  	v12 =	vcvt.f32.s32 v12;
	v2 =	vmax.f32 v2, $0.0e+00  }
0x388: {  	v2 =	vmin.f32 v2, $4.095000000e+03  }
0x389: {  	v12 =	vadd.s32 v12, v5;
	v2 =	vtrunc.f32 v2  }
0x38a: {  	v2 =	vcvt.f32.s32 v2;
	_ =	sdelay $0x1  }
0x38b: {  	v2 =	vadd.s32 v2, v5;
	_ =	sdelay $0x1  }
0x38c: {  	[tilespmem:v12+s3+$0x0] =	vst.idx.add.s32.msk $0xffff, v3  }
0x38d: {  	v12 =	vld [tilespmem:s18+$0x30];
	_ =	sdelay $0x1  }
0x38e: {  	[tilespmem:v2+s3+$0x0] =	vst.idx.add.s32.msk $0xffff, v3  }
0x38f: {  	v2 =	vld [tilespmem:s5+$0x30]  }
0x390: {  	v11 =	vmul.f32 $3.723636470e+02, v11  }
0x391: {  	v12 =	vadd.f32 $5.500000000e+00, v12  }
0x392: {  	v11 =	vmax.f32 v11, $0.0e+00  }
0x393: {  	v11 =	vmin.f32 v11, $4.095000000e+03;
	v12 =	vmul.f32 $3.723636470e+02, v12  }
0x394: {  	v11 =	vtrunc.f32 v11;
	v2 =	vadd.f32 $5.500000000e+00, v2  }
0x395: {  	v11 =	vcvt.f32.s32 v11;
	v12 =	vmax.f32 v12, $0.0e+00  }
0x396: {  	v12 =	vmin.f32 v12, $4.095000000e+03;
	v2 =	vmul.f32 $3.723636470e+02, v2  }
0x397: {  	v11 =	vadd.s32 v11, v5;
	v12 =	vtrunc.f32 v12  }
0x398: {  	v12 =	vcvt.f32.s32 v12;
	v2 =	vmax.f32 v2, $0.0e+00  }
0x399: {  	v2 =	vmin.f32 v2, $4.095000000e+03  }
0x39a: {  	v12 =	vadd.s32 v12, v5;
	v2 =	vtrunc.f32 v2  }
0x39b: {  	v2 =	vcvt.f32.s32 v2  }
0x39c: {  	[tilespmem:v11+s3+$0x0] =	vst.idx.add.s32.msk $0xffff, v3  }
0x39d: {  	v11 =	vld [tilespmem:s15+$0x40];
	v2 =	vadd.s32 v2, v5;
	_ =	sdelay $0x1  }
0x39e: {  	[tilespmem:v12+s3+$0x0] =	vst.idx.add.s32.msk $0xffff, v3  }
0x39f: {  	v12 =	vld [tilespmem:s18+$0x40];
	_ =	sdelay $0x1  }
0x3a0: {  	v11 =	vadd.f32 $5.500000000e+00, v11;
	[tilespmem:v2+s3+$0x0] =	vst.idx.add.s32.msk $0xffff, v3  }
0x3a1: {  	v2 =	vld [tilespmem:s5+$0x40]  }
0x3a2: {  	v11 =	vmul.f32 $3.723636470e+02, v11  }
0x3a3: {  	v12 =	vadd.f32 $5.500000000e+00, v12  }
0x3a4: {  	v11 =	vmax.f32 v11, $0.0e+00  }
0x3a5: {  	v11 =	vmin.f32 v11, $4.095000000e+03;
	v12 =	vmul.f32 $3.723636470e+02, v12  }
0x3a6: {  	v11 =	vtrunc.f32 v11;
	v2 =	vadd.f32 $5.500000000e+00, v2  }
0x3a7: {  	v11 =	vcvt.f32.s32 v11;
	v12 =	vmax.f32 v12, $0.0e+00  }
0x3a8: {  	v12 =	vmin.f32 v12, $4.095000000e+03;
	v2 =	vmul.f32 $3.723636470e+02, v2  }
0x3a9: {  	v11 =	vadd.s32 v11, v5;
	v12 =	vtrunc.f32 v12  }
0x3aa: {  	v12 =	vcvt.f32.s32 v12;
	v2 =	vmax.f32 v2, $0.0e+00  }
0x3ab: {  	v2 =	vmin.f32 v2, $4.095000000e+03  }
0x3ac: {  	v12 =	vadd.s32 v12, v5;
	v2 =	vtrunc.f32 v2  }
0x3ad: {  	v2 =	vcvt.f32.s32 v2  }
0x3ae: {  	[tilespmem:v11+s3+$0x0] =	vst.idx.add.s32.msk $0xffff, v3  }
0x3af: {  	v11 =	vld [tilespmem:s15+$0x50];
	v2 =	vadd.s32 v2, v5;
	_ =	sdelay $0x1  }
0x3b0: {  	[tilespmem:v12+s3+$0x0] =	vst.idx.add.s32.msk $0xffff, v3  }
0x3b1: {  	v0 =	vadd.f32 $5.500000000e+00, v0;
	v12 =	vld [tilespmem:s18+$0x50];
	_ =	sdelay $0x1  }
0x3b2: {  	v0 =	vmul.f32 $3.723636470e+02, v0;
	v11 =	vadd.f32 $5.500000000e+00, v11;
	[tilespmem:v2+s3+$0x0] =	vst.idx.add.s32.msk $0xffff, v3  }
0x3b3: {  	v2 =	vld [tilespmem:s5+$0x50]  }
0x3b4: {  	v0 =	vmax.f32 v0, $0.0e+00;
	v11 =	vmul.f32 $3.723636470e+02, v11  }
0x3b5: {  	v0 =	vmin.f32 v0, $4.095000000e+03;
	v12 =	vadd.f32 $5.500000000e+00, v12  }
0x3b6: {  	v0 =	vtrunc.f32 v0;
	v11 =	vmax.f32 v11, $0.0e+00  }
0x3b7: {  	v0 =	vcvt.f32.s32 v0;
	v11 =	vmin.f32 v11, $4.095000000e+03;
	v12 =	vmul.f32 $3.723636470e+02, v12  }
0x3b8: {  	v11 =	vtrunc.f32 v11;
	v2 =	vadd.f32 $5.500000000e+00, v2  }
0x3b9: {  	v0 =	vadd.s32 v0, v5;
	v11 =	vcvt.f32.s32 v11;
	v12 =	vmax.f32 v12, $0.0e+00  }
0x3ba: {  	v12 =	vmin.f32 v12, $4.095000000e+03;
	v2 =	vmul.f32 $3.723636470e+02, v2  }
0x3bb: {  	v11 =	vadd.s32 v11, v5;
	v12 =	vtrunc.f32 v12  }
0x3bc: {  	v12 =	vcvt.f32.s32 v12;
	v2 =	vmax.f32 v2, $0.0e+00  }
0x3bd: {  	v2 =	vmin.f32 v2, $4.095000000e+03  }
0x3be: {  	[tilespmem:v0+s3+$0x0] =	vst.idx.add.s32.msk $0xffff, v3;
	v12 =	vadd.s32 v12, v5;
	v0 =	vtrunc.f32 v2  }
0x3bf: {  	v2 =	vld [tilespmem:s26+$0x60];
	v0 =	vcvt.f32.s32 v0  }
0x3c0: {  	[tilespmem:v11+s3+$0x0] =	vst.idx.add.s32.msk $0xffff, v3  }
0x3c1: {  	v11 =	vld [tilespmem:s15+$0x60];
	v0 =	vadd.s32 v0, v5;
	_ =	sdelay $0x1  }
0x3c2: {  	[tilespmem:v12+s3+$0x0] =	vst.idx.add.s32.msk $0xffff, v3  }
0x3c3: {  	v12 =	vld [tilespmem:s18+$0x60];
	v2 =	vadd.f32 $5.500000000e+00, v2;
	_ =	sdelay $0x1  }
0x3c4: {  	v11 =	vadd.f32 $5.500000000e+00, v11;
	v2 =	vmul.f32 $3.723636470e+02, v2;
	[tilespmem:v0+s3+$0x0] =	vst.idx.add.s32.msk $0xffff, v3  }
0x3c5: {  	v0 =	vld [tilespmem:s5+$0x60]  }
0x3c6: {  	v11 =	vmul.f32 $3.723636470e+02, v11;
	v2 =	vmax.f32 v2, $0.0e+00  }
0x3c7: {  	v12 =	vadd.f32 $5.500000000e+00, v12;
	v2 =	vmin.f32 v2, $4.095000000e+03  }
0x3c8: {  	v11 =	vmax.f32 v11, $0.0e+00;
	v2 =	vtrunc.f32 v2  }
0x3c9: {  	v11 =	vmin.f32 v11, $4.095000000e+03;
	v12 =	vmul.f32 $3.723636470e+02, v12;
	v2 =	vcvt.f32.s32 v2  }
0x3ca: {  	v11 =	vtrunc.f32 v11;
	v0 =	vadd.f32 $5.500000000e+00, v0  }
0x3cb: {  	v11 =	vcvt.f32.s32 v11;
	v12 =	vmax.f32 v12, $0.0e+00;
	v2 =	vadd.s32 v2, v5  }
0x3cc: {  	v12 =	vmin.f32 v12, $4.095000000e+03;
	v0 =	vmul.f32 $3.723636470e+02, v0  }
0x3cd: {  	[tilespmem:v10+s3+$0x0] =	vst.idx.add.s32.msk $0xffff, v3;
	v11 =	vadd.s32 v11, v5;
	v37 =	vtrunc.f32 v12  }
0x3ce: {  	v38 =	vld [tilespmem:s25+$0x70];
	v10 =	vcvt.f32.s32 v37;
	v0 =	vmax.f32 v0, $0.0e+00  }
0x3cf: {  	v0 =	vmin.f32 v0, $4.095000000e+03  }
0x3d0: {  	v10 =	vadd.s32 v10, v5;
	[tilespmem:v2+s3+$0x0] =	vst.idx.add.s32.msk $0xffff, v3;
	v0 =	vtrunc.f32 v0  }
0x3d1: {  	v2 =	vld [tilespmem:s26+$0x70];
	v0 =	vcvt.f32.s32 v0  }
0x3d2: {  	[tilespmem:v11+s3+$0x0] =	vst.idx.add.s32.msk $0xffff, v3  }
0x3d3: {  	v11 =	vld [tilespmem:s15+$0x70];
	v12 =	vadd.f32 $5.500000000e+00, v38;
	v0 =	vadd.s32 v0, v5;
	_ =	sdelay $0x1  }
0x3d4: {  	v12 =	vmul.f32 $3.723636470e+02, v12;
	[tilespmem:v10+s3+$0x0] =	vst.idx.add.s32.msk $0xffff, v3  }
0x3d5: {  	v10 =	vld [tilespmem:s18+$0x70];
	v2 =	vadd.f32 $5.500000000e+00, v2  }
0x3d6: {  	v12 =	vmax.f32 v12, $0.0e+00  }
0x3d7: {  	v11 =	vadd.f32 $5.500000000e+00, v11;
	v2 =	vmul.f32 $3.723636470e+02, v2;
	[tilespmem:v0+s3+$0x0] =	vst.idx.add.s32.msk $0xffff, v3;
	v0 =	vmin.f32 v12, $4.095000000e+03  }
0x3d8: {  	v39 =	vld [tilespmem:s5+$0x70];
	v0 =	vtrunc.f32 v0  }
0x3d9: {  	v11 =	vmul.f32 $3.723636470e+02, v11;
	v2 =	vmax.f32 v2, $0.0e+00;
	v0 =	vcvt.f32.s32 v0  }
0x3da: {  	v10 =	vadd.f32 $5.500000000e+00, v10;
	v2 =	vmin.f32 v2, $4.095000000e+03  }
0x3db: {  	v11 =	vmax.f32 v11, $0.0e+00;
	v2 =	vtrunc.f32 v2;
	v0 =	vadd.s32 v0, v5  }
0x3dc: {  	v11 =	vmin.f32 v11, $4.095000000e+03;
	v10 =	vmul.f32 $3.723636470e+02, v10;
	v2 =	vcvt.f32.s32 v2  }
0x3dd: {  	v11 =	vtrunc.f32 v11;
	v12 =	vadd.f32 $5.500000000e+00, v39  }
0x3de: {  	v11 =	vcvt.f32.s32 v11;
	v10 =	vmax.f32 v10, $0.0e+00;
	v2 =	vadd.s32 v2, v5  }
0x3df: {  	v10 =	vmin.f32 v10, $4.095000000e+03;
	v12 =	vmul.f32 $3.723636470e+02, v12  }
0x3e0: {  	v11 =	vadd.s32 v11, v5;
	[tilespmem:v0+s3+$0x0] =	vst.idx.add.s32.msk $0xffff, v3;
	v0 =	vtrunc.f32 v10  }
0x3e1: {  	v40 =	vmax.f32 v12, $0.0e+00;
	v41 =	vld [tilespmem:s25+$0x400];
	v0 =	vcvt.f32.s32 v0  }
0x3e2: {  	v10 =	vmin.f32 v40, $4.095000000e+03  }
0x3e3: {  	[tilespmem:v2+s3+$0x0] =	vst.idx.add.s32.msk $0xffff, v3;
	v2 =	vtrunc.f32 v10;
	v0 =	vadd.s32 v0, v5  }
0x3e4: {  	v42 =	vld [tilespmem:s26+$0x400];
	v2 =	vcvt.f32.s32 v2  }
0x3e5: {  	[tilespmem:v11+s3+$0x0] =	vst.idx.add.s32.msk $0xffff, v3  }
0x3e6: {  	v11 =	vld [tilespmem:s15+$0x400];
	v2 =	vadd.s32 v2, v5;
	v12 =	vadd.f32 $5.500000000e+00, v41  }
0x3e7: {  	v9 =	vmax.f32 v9, $0.0e+00  }
0x3e8: {  	v12 =	vmul.f32 $3.723636470e+02, v12;
	[tilespmem:v0+s3+$0x0] =	vst.idx.add.s32.msk $0xffff, v3;
	v0 =	vmin.f32 v9, $4.095000000e+03  }
0x3e9: {  	v10 =	vadd.f32 $5.500000000e+00, v42;
	v43 =	vld [tilespmem:s18+$0x400];
	v0 =	vtrunc.f32 v0  }
0x3ea: {  	v12 =	vmax.f32 v12, $0.0e+00;
	v0 =	vcvt.f32.s32 v0  }
0x3eb: {  	v11 =	vadd.f32 $5.500000000e+00, v11;
	v10 =	vmul.f32 $3.723636470e+02, v10;
	[tilespmem:v2+s3+$0x0] =	vst.idx.add.s32.msk $0xffff, v3;
	v2 =	vmin.f32 v12, $4.095000000e+03  }
0x3ec: {  	v44 =	vld [tilespmem:s5+$0x400];
	v2 =	vtrunc.f32 v2;
	v0 =	vadd.s32 v0, v5  }
0x3ed: {  	v11 =	vmul.f32 $3.723636470e+02, v11;
	v10 =	vmax.f32 v10, $0.0e+00;
	v2 =	vcvt.f32.s32 v2  }
0x3ee: {  	v10 =	vmin.f32 v10, $4.095000000e+03;
	v9 =	vadd.f32 $5.500000000e+00, v43  }
0x3ef: {  	v11 =	vmax.f32 v11, $0.0e+00;
	v10 =	vtrunc.f32 v10;
	v2 =	vadd.s32 v2, v5  }
0x3f0: {  	v11 =	vmin.f32 v11, $4.095000000e+03;
	v10 =	vcvt.f32.s32 v10;
	v9 =	vmul.f32 $3.723636470e+02, v9  }
0x3f1: {  	v12 =	vadd.f32 $5.500000000e+00, v44;
	[tilespmem:v0+s3+$0x0] =	vst.idx.add.s32.msk $0xffff, v3;
	v0 =	vtrunc.f32 v11  }
0x3f2: {  	v10 =	vadd.s32 v10, v5;
	v9 =	vmax.f32 v9, $0.0e+00;
	v46 =	vld [tilespmem:s8+$0x410];
	v0 =	vcvt.f32.s32 v0  }
0x3f3: {  	v45 =	vmul.f32 $3.723636470e+02, v12;
	v9 =	vmin.f32 v9, $4.095000000e+03  }
0x3f4: {  	[tilespmem:v2+s3+$0x0] =	vst.idx.add.s32.msk $0xffff, v3;
	v2 =	vtrunc.f32 v9;
	v0 =	vadd.s32 v0, v5  }
0x3f5: {  	v47 =	vmax.f32 v45, $0.0e+00;
	v48 =	vld [tilespmem:s25+$0x410];
	v2 =	vcvt.f32.s32 v2  }
0x3f6: {  	v9 =	vmin.f32 v47, $4.095000000e+03  }
0x3f7: {  	[tilespmem:v10+s3+$0x0] =	vst.idx.add.s32.msk $0xffff, v3;
	v9 =	vtrunc.f32 v9;
	v2 =	vadd.s32 v2, v5;
	v12 =	vadd.f32 $5.500000000e+00, v46  }
0x3f8: {  	v10 =	vld [tilespmem:s26+$0x410];
	v9 =	vcvt.f32.s32 v9  }
0x3f9: {  	v12 =	vmul.f32 $3.723636470e+02, v12;
	[tilespmem:v0+s3+$0x0] =	vst.idx.add.s32.msk $0xffff, v3  }
0x3fa: {  	v9 =	vadd.s32 v9, v5;
	v11 =	vadd.f32 $5.500000000e+00, v48;
	v0 =	vld [tilespmem:s15+$0x410]  }
0x3fb: {  	v12 =	vmax.f32 v12, $0.0e+00  }
0x3fc: {  	v11 =	vmul.f32 $3.723636470e+02, v11;
	[tilespmem:v2+s3+$0x0] =	vst.idx.add.s32.msk $0xffff, v3;
	v2 =	vmin.f32 v12, $4.095000000e+03  }
0x3fd: {  	v10 =	vadd.f32 $5.500000000e+00, v10;
	v49 =	vld [tilespmem:s18+$0x410];
	v2 =	vtrunc.f32 v2  }
0x3fe: {  	v11 =	vmax.f32 v11, $0.0e+00;
	v2 =	vcvt.f32.s32 v2  }
0x3ff: {  	v10 =	vmul.f32 $3.723636470e+02, v10;
	[tilespmem:v9+s3+$0x0] =	vst.idx.add.s32.msk $0xffff, v3;
	v50 =	vmin.f32 v11, $4.095000000e+03;
	v0 =	vadd.f32 $5.500000000e+00, v0  }
0x400: {  	v51 =	vld [tilespmem:s5+$0x410];
	v9 =	vtrunc.f32 v50;
	v2 =	vadd.s32 v2, v5  }
0x401: {  	v10 =	vmax.f32 v10, $0.0e+00;
	v9 =	vcvt.f32.s32 v9;
	v0 =	vmul.f32 $3.723636470e+02, v0  }
0x402: {  	v10 =	vmin.f32 v10, $4.095000000e+03;
	v12 =	vadd.f32 $5.500000000e+00, v49  }
0x403: {  	v10 =	vtrunc.f32 v10;
	v9 =	vadd.s32 v9, v5;
	v0 =	vmax.f32 v0, $0.0e+00  }
0x404: {  	v10 =	vcvt.f32.s32 v10;
	v12 =	vmul.f32 $3.723636470e+02, v12;
	v0 =	vmin.f32 v0, $4.095000000e+03  }
0x405: {  	v8 =	vadd.f32 $5.500000000e+00, v8;
	v11 =	vadd.f32 $5.500000000e+00, v51;
	[tilespmem:v2+s3+$0x0] =	vst.idx.add.s32.msk $0xffff, v3;
	v0 =	vtrunc.f32 v0  }
0x406: {  	v10 =	vadd.s32 v10, v5;
	v2 =	vmax.f32 v12, $0.0e+00;
	v52 =	vld [tilespmem:s8+$0x420];
	v0 =	vcvt.f32.s32 v0  }
0x407: {  	v11 =	vmul.f32 $3.723636470e+02, v11;
	v2 =	vmin.f32 v2, $4.095000000e+03  }
0x408: {  	v8 =	vmul.f32 $3.723636470e+02, v8;
	[tilespmem:v9+s3+$0x0] =	vst.idx.add.s32.msk $0xffff, v3;
	v2 =	vtrunc.f32 v2;
	v0 =	vadd.s32 v0, v5  }
0x409: {  	v53 =	vmax.f32 v11, $0.0e+00;
	v54 =	vld [tilespmem:s25+$0x420];
	v2 =	vcvt.f32.s32 v2  }
0x40a: {  	v8 =	vmax.f32 v8, $0.0e+00;
	v9 =	vmin.f32 v53, $4.095000000e+03  }
0x40b: {  	[tilespmem:v10+s3+$0x0] =	vst.idx.add.s32.msk $0xffff, v3;
	v9 =	vtrunc.f32 v9;
	v2 =	vadd.s32 v2, v5;
	v12 =	vadd.f32 $5.500000000e+00, v52  }
0x40c: {  	v8 =	vmin.f32 v8, $4.095000000e+03;
	v10 =	vld [tilespmem:s26+$0x420];
	v9 =	vcvt.f32.s32 v9  }
0x40d: {  	v8 =	vtrunc.f32 v8;
	v12 =	vmul.f32 $3.723636470e+02, v12;
	[tilespmem:v0+s3+$0x0] =	vst.idx.add.s32.msk $0xffff, v3  }
0x40e: {  	v0 =	vcvt.f32.s32 v8;
	v9 =	vadd.s32 v9, v5;
	v11 =	vadd.f32 $5.500000000e+00, v54;
	v55 =	vld [tilespmem:s15+$0x420]  }
0x40f: {  	v12 =	vmax.f32 v12, $0.0e+00  }
0x410: {  	v0 =	vadd.s32 v0, v5;
	v11 =	vmul.f32 $3.723636470e+02, v11;
	[tilespmem:v2+s3+$0x0] =	vst.idx.add.s32.msk $0xffff, v3;
	v2 =	vmin.f32 v12, $4.095000000e+03  }
0x411: {  	v10 =	vadd.f32 $5.500000000e+00, v10;
	v56 =	vld [tilespmem:s18+$0x420];
	v2 =	vtrunc.f32 v2  }
0x412: {  	v11 =	vmax.f32 v11, $0.0e+00;
	v2 =	vcvt.f32.s32 v2  }
0x413: {  	v10 =	vmul.f32 $3.723636470e+02, v10;
	[tilespmem:v9+s3+$0x0] =	vst.idx.add.s32.msk $0xffff, v3;
	v57 =	vmin.f32 v11, $4.095000000e+03;
	v8 =	vadd.f32 $5.500000000e+00, v55  }
0x414: {  	v58 =	vld [tilespmem:s5+$0x420];
	v9 =	vtrunc.f32 v57;
	v2 =	vadd.s32 v2, v5  }
0x415: {  	v10 =	vmax.f32 v10, $0.0e+00;
	[tilespmem:v0+s3+$0x0] =	vst.idx.add.s32.msk $0xffff, v3;
	v9 =	vcvt.f32.s32 v9;
	v8 =	vmul.f32 $3.723636470e+02, v8  }
0x416: {  	v10 =	vmin.f32 v10, $4.095000000e+03;
	v60 =	vld [tilespmem:s4+$0x430];
	v59 =	vadd.f32 $5.500000000e+00, v56  }
0x417: {  	v0 =	vtrunc.f32 v10;
	v9 =	vadd.s32 v9, v5;
	v8 =	vmax.f32 v8, $0.0e+00  }
0x418: {  	v0 =	vcvt.f32.s32 v0;
	v10 =	vmul.f32 $3.723636470e+02, v59;
	v8 =	vmin.f32 v8, $4.095000000e+03  }
0x419: {  	v11 =	vadd.f32 $5.500000000e+00, v58;
	[tilespmem:v2+s3+$0x0] =	vst.idx.add.s32.msk $0xffff, v3;
	v2 =	vtrunc.f32 v8  }
0x41a: {  	v0 =	vadd.s32 v0, v5;
	v61 =	vmax.f32 v10, $0.0e+00;
	v2 =	vcvt.f32.s32 v2  }
0x41b: {  	v63 =	vld [tilespmem:s8+$0x430];
	v12 =	vadd.f32 $5.500000000e+00, v60;
	v62 =	vmul.f32 $3.723636470e+02, v11;
	v8 =	vmin.f32 v61, $4.095000000e+03  }
0x41c: {  	v8 =	vtrunc.f32 v8;
	v2 =	vadd.s32 v2, v5  }
0x41d: {  	[tilespmem:v9+s3+$0x0] =	vst.idx.add.s32.msk $0xffff, v3;
	v12 =	vmul.f32 $3.723636470e+02, v12;
	v16 =	vmax.f32 v62, $0.0e+00;
	v8 =	vcvt.f32.s32 v8  }
0x41e: {  	v17 =	vld [tilespmem:s25+$0x430];
	v9 =	vmin.f32 v16, $4.095000000e+03  }
0x41f: {  	[tilespmem:v0+s3+$0x0] =	vst.idx.add.s32.msk $0xffff, v3;
	v12 =	vmax.f32 v12, $0.0e+00;
	v0 =	vtrunc.f32 v9;
	v8 =	vadd.s32 v8, v5  }
0x420: {  	v18 =	vld [tilespmem:s26+$0x430];
	v11 =	vadd.f32 $5.500000000e+00, v63;
	v12 =	vmin.f32 v12, $4.095000000e+03;
	v0 =	vcvt.f32.s32 v0  }
0x421: {  	v12 =	vtrunc.f32 v12  }
0x422: {  	v11 =	vmul.f32 $3.723636470e+02, v11;
	[tilespmem:v2+s3+$0x0] =	vst.idx.add.s32.msk $0xffff, v3;
	v2 =	vcvt.f32.s32 v12;
	v0 =	vadd.s32 v0, v5  }
0x423: {  	v10 =	vadd.f32 $5.500000000e+00, v17;
	v19 =	vld [tilespmem:s15+$0x430]  }
0x424: {  	[tilespmem:v7+s3+$0x0] =	vst.idx.add.s32.msk $0xffff, v3;
	v11 =	vmax.f32 v11, $0.0e+00;
	v2 =	vadd.s32 v2, v5  }
0x425: {  	v10 =	vmul.f32 $3.723636470e+02, v10;
	v9 =	vadd.f32 $5.500000000e+00, v18;
	[tilespmem:v8+s3+$0x0] =	vst.idx.add.s32.msk $0xffff, v3;
	v20 =	vmin.f32 v11, $4.095000000e+03  }
0x426: {  	v21 =	vld [tilespmem:s18+$0x430];
	v8 =	vtrunc.f32 v20  }
0x427: {  	v10 =	vmax.f32 v10, $0.0e+00;
	v9 =	vmul.f32 $3.723636470e+02, v9;
	[tilespmem:v0+s3+$0x0] =	vst.idx.add.s32.msk $0xffff, v3;
	v0 =	vcvt.f32.s32 v8  }
0x428: {  	v22 =	vmin.f32 v10, $4.095000000e+03;
	v25 =	vadd.f32 $5.500000000e+00, v19;
	v23 =	vld [tilespmem:s5+$0x430]  }
0x429: {  	v26 =	vld [tilespmem:s24+$0x440];
	v7 =	vtrunc.f32 v22;
	v24 =	vmax.f32 v9, $0.0e+00;
	v0 =	vadd.s32 v0, v5  }
0x42a: {  	[tilespmem:v2+s3+$0x0] =	vst.idx.add.s32.msk $0xffff, v3;
	v7 =	vcvt.f32.s32 v7;
	v8 =	vmin.f32 v24, $4.095000000e+03;
	v32 =	vmul.f32 $3.723636470e+02, v25  }
0x42b: {  	v34 =	vld [tilespmem:s4+$0x440];
	v2 =	vtrunc.f32 v8;
	v33 =	vadd.f32 $5.500000000e+00, v21  }
0x42c: {  	v7 =	vadd.s32 v7, v5;
	v2 =	vcvt.f32.s32 v2;
	v8 =	vmax.f32 v32, $0.0e+00  }
0x42d: {  	v9 =	vmul.f32 $3.723636470e+02, v33;
	v8 =	vmin.f32 v8, $4.095000000e+03;
	v10 =	vadd.f32 $5.500000000e+00, v23  }
0x42e: {  	v12 =	vadd.f32 $5.500000000e+00, v26;
	v2 =	vadd.s32 v2, v5;
	v8 =	vtrunc.f32 v8  }
0x42f: {  	v9 =	vmax.f32 v9, $0.0e+00;
	[tilespmem:v0+s3+$0x0] =	vst.idx.add.s32.msk $0xffff, v3;
	v0 =	vcvt.f32.s32 v8;
	v10 =	vmul.f32 $3.723636470e+02, v10  }
0x430: {  	v39 =	vmul.f32 $3.723636470e+02, v12;
	v36 =	vadd.f32 $5.500000000e+00, v34;
	v35 =	vmin.f32 v9, $4.095000000e+03;
	v37 =	vld [tilespmem:s8+$0x440]  }
0x431: {  	v8 =	vtrunc.f32 v35;
	[tilespmem:v7+s3+$0x0] =	vst.idx.add.s32.msk $0xffff, v3;
	v0 =	vadd.s32 v0, v5;
	v10 =	vmax.f32 v10, $0.0e+00  }
0x432: {  	v9 =	vmul.f32 $3.723636470e+02, v36;
	v7 =	vcvt.f32.s32 v8;
	v40 =	vld [tilespmem:s25+$0x440];
	v38 =	vmin.f32 v10, $4.095000000e+03  }
0x433: {  	v41 =	vmax.f32 v39, $0.0e+00;
	[tilespmem:v2+s3+$0x0] =	vst.idx.add.s32.msk $0xffff, v3;
	v8 =	vtrunc.f32 v38  }
0x434: {  	v9 =	vmax.f32 v9, $0.0e+00;
	v2 =	vadd.s32 v7, v5;
	v42 =	vld [tilespmem:s26+$0x440];
	v7 =	vcvt.f32.s32 v8  }
0x435: {  	v9 =	vmin.f32 v9, $4.095000000e+03;
	v8 =	vmin.f32 v41, $4.095000000e+03  }
0x436: {  	v11 =	vadd.f32 $5.500000000e+00, v37;
	v8 =	vtrunc.f32 v8;
	[tilespmem:v0+s3+$0x0] =	vst.idx.add.s32.msk $0xffff, v3;
	v7 =	vadd.s32 v7, v5  }
0x437: {  	v43 =	vtrunc.f32 v9;
	v0 =	vcvt.f32.s32 v8;
	v44 =	vadd.f32 $5.500000000e+00, v40;
	v45 =	vld [tilespmem:s15+$0x440]  }
0x438: {  	v8 =	vcvt.f32.s32 v43;
	v11 =	vmul.f32 $3.723636470e+02, v11  }
0x439: {  	[tilespmem:v2+s3+$0x0] =	vst.idx.add.s32.msk $0xffff, v3;
	v0 =	vadd.s32 v0, v5;
	v2 =	vmul.f32 $3.723636470e+02, v44;
	v46 =	vadd.f32 $5.500000000e+00, v42  }
0x43a: {  	v8 =	vadd.s32 v8, v5;
	v11 =	vmax.f32 v11, $0.0e+00;
	v47 =	vld [tilespmem:s18+$0x440]  }
0x43b: {  	v2 =	vmax.f32 v2, $0.0e+00;
	v9 =	vmul.f32 $3.723636470e+02, v46;
	[tilespmem:v7+s3+$0x0] =	vst.idx.add.s32.msk $0xffff, v3;
	v7 =	vmin.f32 v11, $4.095000000e+03  }
0x43c: {  	v2 =	vmin.f32 v2, $4.095000000e+03;
	v12 =	vadd.f32 $5.500000000e+00, v45;
	v48 =	vld [tilespmem:s5+$0x440];
	v7 =	vtrunc.f32 v7  }
0x43d: {  	v2 =	vtrunc.f32 v2;
	v9 =	vmax.f32 v9, $0.0e+00;
	v7 =	vcvt.f32.s32 v7  }
0x43e: {  	[tilespmem:v0+s3+$0x0] =	vst.idx.add.s32.msk $0xffff, v3;
	v0 =	vmin.f32 v9, $4.095000000e+03;
	v49 =	vmul.f32 $3.723636470e+02, v12;
	v2 =	vcvt.f32.s32 v2  }
0x43f: {  	v10 =	vadd.f32 $5.500000000e+00, v47;
	v0 =	vtrunc.f32 v0;
	v7 =	vadd.s32 v7, v5  }
0x440: {  	v9 =	vmax.f32 v49, $0.0e+00;
	v2 =	vadd.s32 v2, v5;
	v0 =	vcvt.f32.s32 v0  }
0x441: {  	[tilespmem:v8+s3+$0x0] =	vst.idx.add.s32.msk $0xffff, v3;
	v10 =	vmul.f32 $3.723636470e+02, v10;
	v9 =	vmin.f32 v9, $4.095000000e+03;
	v11 =	vadd.f32 $5.500000000e+00, v48  }
0x442: {  	v50 =	vld [tilespmem:s24+$0x450];
	v51 =	vtrunc.f32 v9  }
0x443: {  	v54 =	vld [tilespmem:s4+$0x450];
	v0 =	vadd.s32 v0, v5;
	v52 =	vmax.f32 v10, $0.0e+00;
	v53 =	vmul.f32 $3.723636470e+02, v11  }
0x444: {  	v8 =	vcvt.f32.s32 v51;
	v9 =	vmin.f32 v52, $4.095000000e+03;
	[tilespmem:v7+s3+$0x0] =	vst.idx.add.s32.msk $0xffff, v3  }
0x445: {  	v7 =	vtrunc.f32 v9;
	[tilespmem:v2+s3+$0x0] =	vst.idx.add.s32.msk $0xffff, v3;
	v55 =	vmax.f32 v53, $0.0e+00  }
0x446: {  	v8 =	vadd.s32 v8, v5;
	v56 =	vld [tilespmem:s8+$0x450];
	v7 =	vcvt.f32.s32 v7;
	v9 =	vmin.f32 v55, $4.095000000e+03  }
0x447: {  	v12 =	vadd.f32 $5.500000000e+00, v50;
	v58 =	vld [tilespmem:s25+$0x450];
	v2 =	vtrunc.f32 v9  }
0x448: {  	v11 =	vadd.f32 $5.500000000e+00, v54;
	[tilespmem:v0+s3+$0x0] =	vst.idx.add.s32.msk $0xffff, v3;
	v7 =	vadd.s32 v7, v5;
	v2 =	vcvt.f32.s32 v2  }
0x449: {  	v57 =	vmul.f32 $3.723636470e+02, v12;
	v59 =	vld [tilespmem:s26+$0x450]  }
0x44a: {  	v11 =	vmul.f32 $3.723636470e+02, v11;
	v2 =	vadd.s32 v2, v5  }
0x44b: {  	v0 =	vtrunc.f32 v6;
	v6 =	vmax.f32 v57, $0.0e+00;
	[tilespmem:v8+s3+$0x0] =	vst.idx.add.s32.msk $0xffff, v3;
	v10 =	vadd.f32 $5.500000000e+00, v56  }
0x44c: {  	v0 =	vcvt.f32.s32 v0;
	v6 =	vmin.f32 v6, $4.095000000e+03;
	v8 =	vld [tilespmem:s15+$0x450];
	v12 =	vadd.f32 $5.500000000e+00, v58  }
0x44d: {  	v11 =	vmax.f32 v11, $0.0e+00;
	v6 =	vtrunc.f32 v6;
	v10 =	vmul.f32 $3.723636470e+02, v10;
	[tilespmem:v7+s3+$0x0] =	vst.idx.add.s32.msk $0xffff, v3  }
0x44e: {  	v7 =	vmin.f32 v11, $4.095000000e+03;
	v12 =	vmul.f32 $3.723636470e+02, v12;
	v9 =	vadd.f32 $5.500000000e+00, v59;
	v60 =	vld [tilespmem:s18+$0x450]  }
0x44f: {  	v0 =	vadd.s32 v0, v5;
	v6 =	vcvt.f32.s32 v6;
	v7 =	vtrunc.f32 v7;
	[tilespmem:v2+s3+$0x0] =	vst.idx.add.s32.msk $0xffff, v3  }
0x450: {  	v10 =	vmax.f32 v10, $0.0e+00;
	v12 =	vmax.f32 v12, $0.0e+00;
	v9 =	vmul.f32 $3.723636470e+02, v9;
	v61 =	vld [tilespmem:s5+$0x450]  }
0x451: {  	v2 =	vadd.s32 v6, v5;
	v6 =	vcvt.f32.s32 v7;
	v7 =	vmin.f32 v10, $4.095000000e+03  }
0x452: {  	v12 =	vmin.f32 v12, $4.095000000e+03;
	v8 =	vadd.f32 $5.500000000e+00, v8;
	v7 =	vtrunc.f32 v7  }
0x453: {  	v12 =	vtrunc.f32 v12;
	v9 =	vmax.f32 v9, $0.0e+00;
	v6 =	vadd.s32 v6, v5  }
0x454: {  	v7 =	vcvt.f32.s32 v7;
	v12 =	vcvt.f32.s32 v12;
	v11 =	vadd.f32 $5.500000000e+00, v60  }
0x455: {  	v8 =	vmul.f32 $3.723636470e+02, v8;
	v9 =	vmin.f32 v9, $4.095000000e+03;
	v10 =	vadd.f32 $5.500000000e+00, v61  }
0x456: {  	v9 =	vtrunc.f32 v9;
	v7 =	vadd.s32 v7, v5;
	v11 =	vmul.f32 $3.723636470e+02, v11  }
0x457: {  	v12 =	vadd.s32 v12, v5;
	v8 =	vmax.f32 v8, $0.0e+00;
	v10 =	vmul.f32 $3.723636470e+02, v10  }
0x458: {  	v9 =	vcvt.f32.s32 v9;
	v8 =	vmin.f32 v8, $4.095000000e+03;
	v11 =	vmax.f32 v11, $0.0e+00  }
0x459: {  	v8 =	vtrunc.f32 v8;
	v11 =	vmin.f32 v11, $4.095000000e+03;
	v10 =	vmax.f32 v10, $0.0e+00  }
0x45a: {  	v8 =	vcvt.f32.s32 v8;
	v11 =	vtrunc.f32 v11;
	v10 =	vmin.f32 v10, $4.095000000e+03  }
0x45b: {  	[tilespmem:v0+s3+$0x0] =	vst.idx.add.s32.msk $0xffff, v3;
	v0 =	vadd.s32 v9, v5;
	v62 =	vcvt.f32.s32 v11;
	v10 =	vtrunc.f32 v10  }
0x45c: {  	[tilespmem:v2+s3+$0x0] =	vst.idx.add.s32.msk $0xffff, v3;
	v2 =	vadd.s32 v8, v5;
	v63 =	vcvt.f32.s32 v10  }
0x45d: {  	[tilespmem:v6+s3+$0x0] =	vst.idx.add.s32.msk $0xffff, v3;
	v6 =	vadd.s32 v62, v5  }
0x45e: {  	[tilespmem:v7+s3+$0x0] =	vst.idx.add.s32.msk $0xffff, v3;
	v7 =	vadd.s32 v63, v5  }
.Ltmp10:
0x45f: {  	[tilespmem:v12+s3+$0x0] =	vst.idx.add.s32.msk $0xffff, v3;
	(pc) =	sbr.rel @p0 .LBB2_14-.Ltmp10, $4  }
0x460: {  	[tilespmem:v0+s3+$0x0] =	vst.idx.add.s32.msk $0xffff, v3  }
0x461: {  	[tilespmem:v2+s3+$0x0] =	vst.idx.add.s32.msk $0xffff, v3  }
0x462: {  	[tilespmem:v6+s3+$0x0] =	vst.idx.add.s32.msk $0xffff, v3  }
0x463: {  	[tilespmem:v7+s3+$0x0] =	vst.idx.add.s32.msk $0xffff, v3  }
.Ltmp11:
0x464: {  	(pc) =	sbr.rel .LBB2_8-.Ltmp11, $4  }
0x465: {  	s4 =	sadd.s32 s10, s0  }
0x466: {  	s4 =	sshrl.u32 s4, $0x3  }
0x467: {  	s6 =	sadd.s32 $0x1, s6;
	s4 =	sadd.s32 s1, s4  }
0x468: {  	[tilespmem:s12], [sflag:$0x2] =	stream.linear.gather [hbm4b:s4+s3], $0x1000, $0x38;
	[tilespmem:$0x17280] =	vst v63  }
.LBB2_15:
0x469: {  	s0 =	rddreg [dreg:$0xc];
	s6 =	simm.s32 $0x0  }
0x46a: {  	s8 =	simm.s32 $0x8040;
	s10 =	simm.s32 $0x40;
	s24 =	rddreg [dreg:$0xb]  }
0x46b: {  	s23 =	rddreg [dreg:$0x6];
	s25 =	simm.s32 $0x17200;
	s4 =	sshll.u32 s0, $0xF  }
.LBB2_16:
0x46c: {  	s0 =	sshll.u32 s6, $0x4  }
0x46d: {  	s0 =	sadd.s32 s23, s0  }
0x46e: {  	[tilespmem:s25], [sflag:$0x5] =	stream.linear.gather [hbm4b:s0+s3], $0x80, $0x38;
	[tilespmem:$0x17280] =	vst v63  }
0x46f: {  	_ =	swait.ge [sflag:s16], $0x80  }
0x470: {  	[sflag:s16] =	ssyncset.done $0x0  }
0x471: {  	[sflag:s16] =	ssyncadd.s32 $0xFFFFFF80  }
0x472: {  	v0 =	vld [tilespmem:$0x17200];
	_ =	sdelay $0x4  }
0x473: {  	v0 =	vxor.u32 $0x80000000, v0  }
0x474: {  	(xrf0) =	vmax.scan.msk.u32 $0xffff, v0;
	_ =	sdelay $0x5  }
0x475: {  	v0, _, _ =	vpop (xrf0)  }
0x476: {  	(v2sf) =	vpush v0, $0xF;
	_ =	sdelay $0xe  }
0x477: {  	s31 =	spop (v2sf)  }
0x478: {  	s0 =	sshll.u32 s31, $0xE  }
0x479: {  	s5 =	sshll.u32 s6, $0xC;
	s7 =	simm.s32 $0xFFFFFFF8;
	s0 =	sshra.s32 s0, $0x2  }
0x47a: {  	s15 =	smov.u32 s24;
	s5 =	sadd.s32 s4, s5;
	v0 =	vimm.s32 $0x0;
	s0 =	sor.u32 $0x40, s0  }
.LBB2_17:
0x47b: {  	v2 =	vld [tilespmem:s0+$0xFFFFFFC0];
	_ =	sdelay $0x4  }
0x47c: {  	(xrf0) =	vadd.scan.msk.s32 $0xffff, v2;
	_ =	sdelay $0x5  }
0x47d: {  	v5, _, _ =	vpop (xrf0)  }
0x47e: {  	v0 =	vadd.s32 v0, v5  }
0x47f: {  	v5 =	vsub.s32 v0, v2  }
0x480: {  	v5 =	vshra.s32 v5, $0x2  }
0x481: {  	v6 =	vperm.xlane v5, v29;
	_ =	sdelay $0x1  }
0x482: {  	vm1 =	vne.s32 v5, v6  }
0x483: {  	vm2 =	vgt.s32 v2, $0x0;
	vm1 =	vmor vm1, vm0  }
0x484: {  	vm1 =	vmand vm2, vm1;
	_ =	sdelay $0x3  }
0x485: {  	s9 =	sadd.s32 $0xFFFFFF90, s15  }
0x486: {  	v2 =	vor.u32 s9, v4  }
0x487: {  	[tilespmem:v5+s17+$0x0] =	vst.idx.msk vm1, v2  }
0x488: {  	v2 =	vld [tilespmem:s0+$0xFFFFFFD0];
	_ =	sdelay $0x4  }
0x489: {  	(xrf0) =	vadd.scan.msk.s32 $0xffff, v2;
	_ =	sdelay $0x4  }
0x48a: {  	v0 =	vperm.xlane v0, v30  }
0x48b: {  	v5, _, _ =	vpop (xrf0)  }
0x48c: {  	v0 =	vadd.s32 v0, v5  }
0x48d: {  	v5 =	vsub.s32 v0, v2  }
0x48e: {  	v5 =	vshra.s32 v5, $0x2  }
0x48f: {  	v6 =	vperm.xlane v5, v29;
	_ =	sdelay $0x1  }
0x490: {  	vm1 =	vne.s32 v5, v6  }
0x491: {  	vm2 =	vgt.s32 v2, $0x0;
	vm1 =	vmor vm1, vm0  }
0x492: {  	vm1 =	vmand vm2, vm1;
	_ =	sdelay $0x3  }
0x493: {  	s18 =	sadd.s32 $0xFFFFFFA0, s15  }
0x494: {  	v2 =	vor.u32 s18, v4  }
0x495: {  	[tilespmem:v5+s17+$0x0] =	vst.idx.msk vm1, v2  }
0x496: {  	v2 =	vld [tilespmem:s0+$0xFFFFFFE0];
	_ =	sdelay $0x4  }
0x497: {  	(xrf0) =	vadd.scan.msk.s32 $0xffff, v2;
	_ =	sdelay $0x4  }
0x498: {  	v0 =	vperm.xlane v0, v30  }
0x499: {  	v5, _, _ =	vpop (xrf0)  }
0x49a: {  	v0 =	vadd.s32 v0, v5  }
0x49b: {  	v5 =	vsub.s32 v0, v2  }
0x49c: {  	v5 =	vshra.s32 v5, $0x2  }
0x49d: {  	v6 =	vperm.xlane v5, v29;
	_ =	sdelay $0x1  }
0x49e: {  	vm1 =	vne.s32 v5, v6  }
0x49f: {  	vm2 =	vgt.s32 v2, $0x0;
	vm1 =	vmor vm1, vm0  }
0x4a0: {  	vm1 =	vmand vm2, vm1;
	_ =	sdelay $0x3  }
0x4a1: {  	s26 =	sadd.s32 $0xFFFFFFB0, s15  }
0x4a2: {  	v2 =	vor.u32 s26, v4  }
0x4a3: {  	[tilespmem:v5+s17+$0x0] =	vst.idx.msk vm1, v2  }
0x4a4: {  	v2 =	vld [tilespmem:s0+$0xFFFFFFF0];
	_ =	sdelay $0x4  }
0x4a5: {  	(xrf0) =	vadd.scan.msk.s32 $0xffff, v2;
	_ =	sdelay $0x4  }
0x4a6: {  	v0 =	vperm.xlane v0, v30  }
0x4a7: {  	v5, _, _ =	vpop (xrf0)  }
0x4a8: {  	v0 =	vadd.s32 v0, v5  }
0x4a9: {  	v5 =	vsub.s32 v0, v2  }
0x4aa: {  	v5 =	vshra.s32 v5, $0x2  }
0x4ab: {  	v6 =	vperm.xlane v5, v29;
	_ =	sdelay $0x1  }
0x4ac: {  	vm1 =	vne.s32 v5, v6  }
0x4ad: {  	vm2 =	vgt.s32 v2, $0x0;
	vm1 =	vmor vm1, vm0  }
0x4ae: {  	vm1 =	vmand vm2, vm1;
	_ =	sdelay $0x3  }
0x4af: {  	s28 =	sadd.s32 $0xFFFFFFC0, s15  }
0x4b0: {  	v2 =	vor.u32 s28, v4  }
0x4b1: {  	[tilespmem:v5+s17+$0x0] =	vst.idx.msk vm1, v2  }
0x4b2: {  	v2 =	vld [tilespmem:s0+$0x0];
	_ =	sdelay $0x4  }
0x4b3: {  	(xrf0) =	vadd.scan.msk.s32 $0xffff, v2;
	_ =	sdelay $0x4  }
0x4b4: {  	v0 =	vperm.xlane v0, v30  }
0x4b5: {  	v5, _, _ =	vpop (xrf0)  }
0x4b6: {  	v0 =	vadd.s32 v0, v5  }
0x4b7: {  	v5 =	vsub.s32 v0, v2  }
0x4b8: {  	v5 =	vshra.s32 v5, $0x2  }
0x4b9: {  	v6 =	vperm.xlane v5, v29;
	_ =	sdelay $0x1  }
0x4ba: {  	vm1 =	vne.s32 v5, v6  }
0x4bb: {  	vm2 =	vgt.s32 v2, $0x0;
	vm1 =	vmor vm1, vm0  }
0x4bc: {  	vm1 =	vmand vm2, vm1;
	_ =	sdelay $0x3  }
0x4bd: {  	s29 =	sadd.s32 $0xFFFFFFD0, s15  }
0x4be: {  	v2 =	vor.u32 s29, v4  }
0x4bf: {  	[tilespmem:v5+s17+$0x0] =	vst.idx.msk vm1, v2  }
0x4c0: {  	v2 =	vld [tilespmem:s0+$0x10];
	_ =	sdelay $0x4  }
0x4c1: {  	(xrf0) =	vadd.scan.msk.s32 $0xffff, v2;
	_ =	sdelay $0x4  }
0x4c2: {  	v0 =	vperm.xlane v0, v30  }
0x4c3: {  	v5, _, _ =	vpop (xrf0)  }
0x4c4: {  	v0 =	vadd.s32 v0, v5  }
0x4c5: {  	v5 =	vsub.s32 v0, v2  }
0x4c6: {  	v5 =	vshra.s32 v5, $0x2  }
0x4c7: {  	v6 =	vperm.xlane v5, v29;
	_ =	sdelay $0x1  }
0x4c8: {  	vm1 =	vne.s32 v5, v6  }
0x4c9: {  	vm2 =	vgt.s32 v2, $0x0;
	vm1 =	vmor vm1, vm0  }
0x4ca: {  	vm1 =	vmand vm2, vm1;
	_ =	sdelay $0x3  }
0x4cb: {  	s30 =	sadd.s32 $0xFFFFFFE0, s15  }
0x4cc: {  	v2 =	vor.u32 s30, v4  }
0x4cd: {  	[tilespmem:v5+s17+$0x0] =	vst.idx.msk vm1, v2  }
0x4ce: {  	v2 =	vld [tilespmem:s0+$0x20];
	_ =	sdelay $0x4  }
0x4cf: {  	(xrf0) =	vadd.scan.msk.s32 $0xffff, v2;
	_ =	sdelay $0x4  }
0x4d0: {  	v0 =	vperm.xlane v0, v30  }
0x4d1: {  	v5, _, _ =	vpop (xrf0)  }
0x4d2: {  	v0 =	vadd.s32 v0, v5  }
0x4d3: {  	v5 =	vsub.s32 v0, v2  }
0x4d4: {  	v5 =	vshra.s32 v5, $0x2  }
0x4d5: {  	v6 =	vperm.xlane v5, v29;
	_ =	sdelay $0x1  }
0x4d6: {  	vm1 =	vne.s32 v5, v6  }
0x4d7: {  	vm2 =	vgt.s32 v2, $0x0;
	vm1 =	vmor vm1, vm0  }
0x4d8: {  	vm1 =	vmand vm2, vm1;
	_ =	sdelay $0x3  }
0x4d9: {  	s31 =	sadd.s32 $0xFFFFFFF0, s15  }
0x4da: {  	v2 =	vor.u32 s31, v4  }
0x4db: {  	[tilespmem:v5+s17+$0x0] =	vst.idx.msk vm1, v2  }
0x4dc: {  	v2 =	vld [tilespmem:s0+$0x30];
	_ =	sdelay $0x4  }
0x4dd: {  	(xrf0) =	vadd.scan.msk.s32 $0xffff, v2;
	_ =	sdelay $0x4  }
0x4de: {  	v0 =	vperm.xlane v0, v30  }
0x4df: {  	v5, _, _ =	vpop (xrf0)  }
0x4e0: {  	v0 =	vadd.s32 v0, v5  }
0x4e1: {  	v5 =	vsub.s32 v0, v2  }
0x4e2: {  	v5 =	vshra.s32 v5, $0x2  }
0x4e3: {  	v6 =	vperm.xlane v5, v29;
	_ =	sdelay $0x1  }
0x4e4: {  	vm1 =	vne.s32 v5, v6  }
0x4e5: {  	vm2 =	vgt.s32 v2, $0x0;
	vm1 =	vmor vm1, vm0  }
0x4e6: {  	s7 =	sadd.s32 $0x8, s7;
	vm1 =	vmand vm2, vm1  }
0x4e7: {  	p0 =	slt.u32 s7, $0xF8  }
.Ltmp12:
0x4e8: {  	_ = 	snop;
	(pc) =	sbr.rel @p0 .LBB2_17-.Ltmp12, $3  }
0x4e9: {  	_ =	sdelay $0x1  }
0x4ea: {  	v2 =	vor.u32 s15, v4  }
0x4eb: {  	s0 =	sadd.s32 $0x80, s0;
	v0 =	vperm.xlane v0, v30;
	s15 =	sadd.s32 $0x80, s15;
	[tilespmem:v5+s17+$0x0] =	vst.idx.msk vm1, v2  }
0x4ec: {  	s0 =	simm.s32 $0x10040  }
0x4ed: {  	v0 =	vld [tilespmem:s0+$0xFFFFFFC0];
	_ =	sdelay $0x3  }
0x4ee: {  	v2 =	vld [tilespmem:s0+$0xFFFFFFD0]  }
0x4ef: {  	v0 =	vxor.u32 $0x80000000, v0  }
0x4f0: {  	(xrf0) =	vmax.scan.msk.u32 $0xffff, v0;
	_ =	sdelay $0x1  }
0x4f1: {  	v0 =	vld [tilespmem:s0+$0xFFFFFFE0]  }
0x4f2: {  	v2 =	vxor.u32 $0x80000000, v2  }
0x4f3: {  	(xrf0) =	vmax.scan.msk.u32 $0xffff, v2;
	_ =	sdelay $0x1  }
0x4f4: {  	v2 =	vld [tilespmem:s0+$0xFFFFFFF0];
	v6, _, _ =	vpop (xrf0)  }
0x4f5: {  	v5 =	vmov s5;
	v0 =	vxor.u32 $0x80000000, v0;
	v6 =	vxor.u32 $0x80000000, v6  }
0x4f6: {  	v7 =	vld [tilespmem:s0+$0x0];
	(xrf0) =	vmax.scan.msk.u32 $0xffff, v0;
	vm1 =	vgt.s32 v6, v5  }
0x4f7: {  	v0 =	vsel vm1, v6, v5  }
0x4f8: {  	v8, _, _ =	vpop (xrf0);
	v6 =	vperm.xlane v0, v30  }
0x4f9: {  	v2 =	vxor.u32 $0x80000000, v2;
	v8 =	vxor.u32 $0x80000000, v8  }
0x4fa: {  	(xrf0) =	vmax.scan.msk.u32 $0xffff, v2;
	vm1 =	vgt.s32 v8, v6  }
0x4fb: {  	v7 =	vxor.u32 $0x80000000, v7;
	v2 =	vsel vm1, v8, v6  }
0x4fc: {  	v63, _, _ =	vpop (xrf0);
	(xrf0) =	vmax.scan.msk.u32 $0xffff, v7;
	v7 =	vld [tilespmem:s0+$0x10];
	v6 =	vperm.xlane v2, v30  }
0x4fd: {  	v8 =	vxor.u32 $0x80000000, v63  }
0x4fe: {  	vm1 =	vgt.s32 v8, v6  }
0x4ff: {  	v6 =	vsel vm1, v8, v6  }
0x500: {  	v10 =	vld [tilespmem:s0+$0x20];
	v9, _, _ =	vpop (xrf0);
	v8 =	vperm.xlane v6, v30  }
0x501: {  	v9 =	vxor.u32 $0x80000000, v9;
	[tilespmem:s0+$0xFFFFFFD0] =	vst v2;
	v2 =	vxor.u32 $0x80000000, v7  }
0x502: {  	(xrf0) =	vmax.scan.msk.u32 $0xffff, v2;
	vm1 =	vgt.s32 v9, v8  }
0x503: {  	[tilespmem:s0+$0xFFFFFFC0] =	vst v0;
	v0, _, _ =	vpop (xrf0);
	v8 =	vsel vm1, v9, v8  }
0x504: {  	v7 =	vxor.u32 $0x80000000, v0;
	v0 =	vld [tilespmem:s0+$0x30];
	v9 =	vperm.xlane v8, v30  }
0x505: {  	v2 =	vxor.u32 $0x80000000, v10  }
0x506: {  	[tilespmem:s0+$0xFFFFFFE0] =	vst v6;
	(xrf0) =	vmax.scan.msk.u32 $0xffff, v2;
	vm1 =	vgt.s32 v7, v9  }
0x507: {  	s5 =	simm.s32 $0x0;
	s7 =	simm.s32 $0x100C0;
	[tilespmem:s0+$0xFFFFFFF0] =	vst v8;
	v2 =	vsel vm1, v7, v9  }
.LBB2_19:
0x508: {  	v6 =	vld [tilespmem:s7+$0xFFFFFFC0];
	s5 =	sadd.s32 $0x8, s5;
	[tilespmem:s0+$0x0] =	vst v2;
	v2 =	vperm.xlane v2, v30;
	v7, _, _ =	vpop (xrf0)  }
0x509: {  	p0 =	slt.u32 s5, $0x310;
	v7 =	vxor.u32 $0x80000000, v7;
	v0 =	vxor.u32 $0x80000000, v0  }
0x50a: {  	vm1 =	vgt.s32 v7, v2;
	(xrf0) =	vmax.scan.msk.u32 $0xffff, v0  }
0x50b: {  	v0 =	vsel vm1, v7, v2  }
0x50c: {  	v2 =	vld [tilespmem:s7+$0xFFFFFFD0];
	[tilespmem:s0+$0x10] =	vst v0;
	v0 =	vperm.xlane v0, v30;
	v7, _, _ =	vpop (xrf0)  }
0x50d: {  	v6 =	vxor.u32 $0x80000000, v6;
	v7 =	vxor.u32 $0x80000000, v7  }
0x50e: {  	(xrf0) =	vmax.scan.msk.u32 $0xffff, v6;
	vm1 =	vgt.s32 v7, v0  }
0x50f: {  	v0 =	vsel vm1, v7, v0  }
0x510: {  	v6 =	vld [tilespmem:s7+$0xFFFFFFE0];
	[tilespmem:s0+$0x20] =	vst v0;
	v0 =	vperm.xlane v0, v30;
	v7, _, _ =	vpop (xrf0)  }
0x511: {  	v2 =	vxor.u32 $0x80000000, v2;
	v7 =	vxor.u32 $0x80000000, v7  }
0x512: {  	(xrf0) =	vmax.scan.msk.u32 $0xffff, v2;
	vm1 =	vgt.s32 v7, v0  }
0x513: {  	v0 =	vsel vm1, v7, v0  }
0x514: {  	v2 =	vld [tilespmem:s7+$0xFFFFFFF0];
	v7, _, _ =	vpop (xrf0);
	[tilespmem:s0+$0x30] =	vst v0;
	v0 =	vperm.xlane v0, v30;
	s0 =	smov.u32 s7  }
0x515: {  	v7 =	vxor.u32 $0x80000000, v7;
	v6 =	vxor.u32 $0x80000000, v6  }
0x516: {  	vm1 =	vgt.s32 v7, v0;
	(xrf0) =	vmax.scan.msk.u32 $0xffff, v6  }
0x517: {  	v0 =	vsel vm1, v7, v0  }
0x518: {  	[tilespmem:s7+$0xFFFFFFC0] =	vst v0;
	v0 =	vperm.xlane v0, v30;
	v6 =	vld [tilespmem:s7+$0x0];
	v7, _, _ =	vpop (xrf0)  }
0x519: {  	v7 =	vxor.u32 $0x80000000, v7;
	v2 =	vxor.u32 $0x80000000, v2  }
0x51a: {  	vm1 =	vgt.s32 v7, v0;
	(xrf0) =	vmax.scan.msk.u32 $0xffff, v2  }
0x51b: {  	v0 =	vsel vm1, v7, v0  }
0x51c: {  	[tilespmem:s7+$0xFFFFFFD0] =	vst v0;
	v0 =	vperm.xlane v0, v30;
	v2 =	vld [tilespmem:s7+$0x10];
	v7, _, _ =	vpop (xrf0)  }
0x51d: {  	v7 =	vxor.u32 $0x80000000, v7;
	v6 =	vxor.u32 $0x80000000, v6  }
0x51e: {  	vm1 =	vgt.s32 v7, v0;
	(xrf0) =	vmax.scan.msk.u32 $0xffff, v6  }
0x51f: {  	v0 =	vsel vm1, v7, v0  }
0x520: {  	[tilespmem:s7+$0xFFFFFFE0] =	vst v0;
	v0 =	vperm.xlane v0, v30;
	v6 =	vld [tilespmem:s7+$0x20];
	v7, _, _ =	vpop (xrf0)  }
0x521: {  	v7 =	vxor.u32 $0x80000000, v7;
	v2 =	vxor.u32 $0x80000000, v2  }
0x522: {  	vm1 =	vgt.s32 v7, v0;
	(xrf0) =	vmax.scan.msk.u32 $0xffff, v2  }
.Ltmp13:
0x523: {  	v0 =	vsel vm1, v7, v0;
	(pc) =	sbr.rel @p0 .LBB2_19-.Ltmp13, $4  }
0x524: {  	[tilespmem:s7+$0xFFFFFFF0] =	vst v0;
	v2 =	vperm.xlane v0, v30;
	v0 =	vld [tilespmem:s7+$0x30];
	v7, _, _ =	vpop (xrf0)  }
0x525: {  	v7 =	vxor.u32 $0x80000000, v7;
	v6 =	vxor.u32 $0x80000000, v6  }
0x526: {  	vm1 =	vgt.s32 v7, v2;
	(xrf0) =	vmax.scan.msk.u32 $0xffff, v6  }
0x527: {  	s7 =	sadd.s32 $0x80, s7;
	v2 =	vsel vm1, v7, v2  }
0x528: {  	v6 =	vperm.xlane v2, v30;
	v7, _, _ =	vpop (xrf0)  }
0x529: {  	v7 =	vxor.u32 $0x80000000, v7;
	v0 =	vxor.u32 $0x80000000, v0  }
0x52a: {  	vm1 =	vgt.s32 v7, v6;
	(xrf0) =	vmax.scan.msk.u32 $0xffff, v0  }
0x52b: {  	v0 =	vsel vm1, v7, v6  }
0x52c: {  	v6 =	vperm.xlane v0, v30;
	v7, _, _ =	vpop (xrf0)  }
0x52d: {  	v7 =	vxor.u32 $0x80000000, v7  }
0x52e: {  	vm1 =	vgt.s32 v7, v6  }
0x52f: {  	v6 =	vsel vm1, v7, v6  }
0x530: {  	v7 =	vperm.xlane v6, v30;
	v8, _, _ =	vpop (xrf0)  }
0x531: {  	[tilespmem:s0+$0x0] =	vst v2;
	v2 =	vxor.u32 $0x80000000, v8  }
0x532: {  	[tilespmem:s0+$0x10] =	vst v0;
	vm1 =	vgt.s32 v2, v7  }
0x533: {  	[tilespmem:s0+$0x20] =	vst v6;
	v0 =	vsel vm1, v2, v7  }
0x534: {  	[tilespmem:s0+$0x30] =	vst v0  }
0x535: {  	v0 =	vld [tilespmem:s10+$0xFFFFFFC0];
	_ =	sdelay $0x4  }
0x536: {  	(xrf0) =	vadd.scan.msk.s32 $0xffff, v0;
	_ =	sdelay $0x5  }
0x537: {  	v2 =	vimm.s32 $0x0;
	v6 =	vshra.s32 v0, $0x1;
	v7, _, _ =	vpop (xrf0)  }
0x538: {  	v0 =	vsub.s32 v6, v0;
	v2 =	vadd.s32 v2, v7  }
0x539: {  	v0 =	vadd.s32 v2, v0  }
0x53a: {  	[tilespmem:s8+$0xFFFFFFC0] =	vst v0  }
0x53b: {  	v0 =	vld [tilespmem:s10+$0xFFFFFFD0];
	_ =	sdelay $0x4  }
0x53c: {  	(xrf0) =	vadd.scan.msk.s32 $0xffff, v0;
	_ =	sdelay $0x4  }
0x53d: {  	v2 =	vperm.xlane v2, v30  }
0x53e: {  	v6 =	vshra.s32 v0, $0x1;
	v7, _, _ =	vpop (xrf0)  }
0x53f: {  	v0 =	vsub.s32 v6, v0;
	v2 =	vadd.s32 v2, v7  }
0x540: {  	v0 =	vadd.s32 v2, v0  }
0x541: {  	[tilespmem:s8+$0xFFFFFFD0] =	vst v0  }
0x542: {  	v0 =	vld [tilespmem:s10+$0xFFFFFFE0];
	_ =	sdelay $0x4  }
0x543: {  	(xrf0) =	vadd.scan.msk.s32 $0xffff, v0;
	_ =	sdelay $0x4  }
0x544: {  	v2 =	vperm.xlane v2, v30  }
0x545: {  	v6 =	vshra.s32 v0, $0x1;
	v7, _, _ =	vpop (xrf0)  }
0x546: {  	v0 =	vsub.s32 v6, v0;
	v2 =	vadd.s32 v2, v7  }
0x547: {  	v0 =	vadd.s32 v2, v0  }
0x548: {  	[tilespmem:s8+$0xFFFFFFE0] =	vst v0  }
0x549: {  	v0 =	vld [tilespmem:s10+$0xFFFFFFF0];
	_ =	sdelay $0x4  }
0x54a: {  	(xrf0) =	vadd.scan.msk.s32 $0xffff, v0;
	_ =	sdelay $0x4  }
0x54b: {  	v2 =	vperm.xlane v2, v30  }
0x54c: {  	v6 =	vshra.s32 v0, $0x1;
	v7, _, _ =	vpop (xrf0)  }
0x54d: {  	v0 =	vsub.s32 v6, v0;
	v2 =	vadd.s32 v2, v7  }
0x54e: {  	v0 =	vadd.s32 v2, v0  }
0x54f: {  	[tilespmem:s8+$0xFFFFFFF0] =	vst v0  }
0x550: {  	v0 =	vld [tilespmem:s10+$0x0];
	_ =	sdelay $0x4  }
0x551: {  	(xrf0) =	vadd.scan.msk.s32 $0xffff, v0;
	_ =	sdelay $0x4  }
0x552: {  	v2 =	vperm.xlane v2, v30  }
0x553: {  	v6 =	vshra.s32 v0, $0x1;
	v7, _, _ =	vpop (xrf0)  }
0x554: {  	v0 =	vsub.s32 v6, v0;
	v2 =	vadd.s32 v2, v7  }
0x555: {  	v0 =	vadd.s32 v2, v0  }
0x556: {  	[tilespmem:s8+$0x0] =	vst v0  }
0x557: {  	v0 =	vld [tilespmem:s10+$0x10];
	_ =	sdelay $0x4  }
0x558: {  	(xrf0) =	vadd.scan.msk.s32 $0xffff, v0;
	_ =	sdelay $0x4  }
0x559: {  	v2 =	vperm.xlane v2, v30  }
0x55a: {  	v6 =	vshra.s32 v0, $0x1;
	v7, _, _ =	vpop (xrf0)  }
0x55b: {  	v0 =	vsub.s32 v6, v0;
	v2 =	vadd.s32 v2, v7  }
0x55c: {  	v0 =	vadd.s32 v2, v0  }
0x55d: {  	[tilespmem:s8+$0x10] =	vst v0  }
0x55e: {  	v0 =	vld [tilespmem:s10+$0x20];
	_ =	sdelay $0x4  }
0x55f: {  	(xrf0) =	vadd.scan.msk.s32 $0xffff, v0;
	_ =	sdelay $0x4  }
0x560: {  	v2 =	vperm.xlane v2, v30  }
0x561: {  	v6 =	vshra.s32 v0, $0x1;
	v7, _, _ =	vpop (xrf0)  }
0x562: {  	v0 =	vsub.s32 v6, v0;
	v2 =	vadd.s32 v2, v7  }
0x563: {  	v0 =	vadd.s32 v2, v0  }
0x564: {  	[tilespmem:s8+$0x20] =	vst v0  }
0x565: {  	v0 =	vld [tilespmem:s10+$0x30];
	_ =	sdelay $0x4  }
0x566: {  	(xrf0) =	vadd.scan.msk.s32 $0xffff, v0;
	_ =	sdelay $0x4  }
0x567: {  	v2 =	vperm.xlane v2, v30  }
0x568: {  	v6 =	vshra.s32 v0, $0x1;
	v7, _, _ =	vpop (xrf0)  }
0x569: {  	v0 =	vsub.s32 v6, v0;
	v6 =	vadd.s32 v2, v7  }
0x56a: {  	s5 =	smov.u32 s8;
	s7 =	smov.u32 s10;
	s0 =	simm.s32 $0x0;
	v2 =	vadd.s32 v6, v0;
	v0 =	vperm.xlane v6, v30  }
.LBB2_21:
0x56b: {  	s0 =	sadd.s32 $0x8, s0;
	[tilespmem:s5+$0x30] =	vst v2;
	s5 =	sadd.s32 $0x80, s5;
	s7 =	sadd.s32 $0x80, s7  }
0x56c: {  	v2 =	vld [tilespmem:s7+$0xFFFFFFC0];
	p0 =	slt.u32 s0, $0xF8;
	_ =	sdelay $0x4  }
0x56d: {  	v6 =	vshra.s32 v2, $0x1;
	(xrf0) =	vadd.scan.msk.s32 $0xffff, v2  }
0x56e: {  	v2 =	vsub.s32 v6, v2;
	_ =	sdelay $0x4  }
0x56f: {  	v6, _, _ =	vpop (xrf0)  }
0x570: {  	v0 =	vadd.s32 v0, v6  }
0x571: {  	v2 =	vadd.s32 v0, v2  }
0x572: {  	[tilespmem:s5+$0xFFFFFFC0] =	vst v2  }
0x573: {  	v2 =	vld [tilespmem:s7+$0xFFFFFFD0];
	_ =	sdelay $0x4  }
0x574: {  	v6 =	vshra.s32 v2, $0x1;
	(xrf0) =	vadd.scan.msk.s32 $0xffff, v2  }
0x575: {  	v2 =	vsub.s32 v6, v2;
	_ =	sdelay $0x3  }
0x576: {  	v0 =	vperm.xlane v0, v30  }
0x577: {  	v6, _, _ =	vpop (xrf0)  }
0x578: {  	v0 =	vadd.s32 v0, v6  }
0x579: {  	v2 =	vadd.s32 v0, v2  }
0x57a: {  	[tilespmem:s5+$0xFFFFFFD0] =	vst v2  }
0x57b: {  	v2 =	vld [tilespmem:s7+$0xFFFFFFE0];
	_ =	sdelay $0x4  }
0x57c: {  	v6 =	vshra.s32 v2, $0x1;
	(xrf0) =	vadd.scan.msk.s32 $0xffff, v2  }
0x57d: {  	v2 =	vsub.s32 v6, v2;
	_ =	sdelay $0x3  }
0x57e: {  	v0 =	vperm.xlane v0, v30  }
0x57f: {  	v6, _, _ =	vpop (xrf0)  }
0x580: {  	v0 =	vadd.s32 v0, v6  }
0x581: {  	v2 =	vadd.s32 v0, v2  }
0x582: {  	[tilespmem:s5+$0xFFFFFFE0] =	vst v2  }
0x583: {  	v2 =	vld [tilespmem:s7+$0xFFFFFFF0];
	_ =	sdelay $0x4  }
0x584: {  	v6 =	vshra.s32 v2, $0x1;
	(xrf0) =	vadd.scan.msk.s32 $0xffff, v2  }
0x585: {  	v2 =	vsub.s32 v6, v2;
	_ =	sdelay $0x3  }
0x586: {  	v0 =	vperm.xlane v0, v30  }
0x587: {  	v6, _, _ =	vpop (xrf0)  }
0x588: {  	v0 =	vadd.s32 v0, v6  }
0x589: {  	v2 =	vadd.s32 v0, v2  }
0x58a: {  	[tilespmem:s5+$0xFFFFFFF0] =	vst v2  }
0x58b: {  	v2 =	vld [tilespmem:s7+$0x0];
	_ =	sdelay $0x4  }
0x58c: {  	v6 =	vshra.s32 v2, $0x1;
	(xrf0) =	vadd.scan.msk.s32 $0xffff, v2  }
0x58d: {  	v2 =	vsub.s32 v6, v2;
	_ =	sdelay $0x3  }
0x58e: {  	v0 =	vperm.xlane v0, v30  }
0x58f: {  	v6, _, _ =	vpop (xrf0)  }
0x590: {  	v0 =	vadd.s32 v0, v6  }
0x591: {  	v2 =	vadd.s32 v0, v2  }
0x592: {  	[tilespmem:s5+$0x0] =	vst v2  }
0x593: {  	v2 =	vld [tilespmem:s7+$0x10];
	_ =	sdelay $0x4  }
0x594: {  	v6 =	vshra.s32 v2, $0x1;
	(xrf0) =	vadd.scan.msk.s32 $0xffff, v2  }
0x595: {  	v2 =	vsub.s32 v6, v2;
	_ =	sdelay $0x3  }
0x596: {  	v0 =	vperm.xlane v0, v30  }
0x597: {  	v6, _, _ =	vpop (xrf0)  }
0x598: {  	v0 =	vadd.s32 v0, v6  }
0x599: {  	v2 =	vadd.s32 v0, v2  }
0x59a: {  	[tilespmem:s5+$0x10] =	vst v2  }
0x59b: {  	v2 =	vld [tilespmem:s7+$0x20];
	_ =	sdelay $0x4  }
0x59c: {  	v6 =	vshra.s32 v2, $0x1;
	(xrf0) =	vadd.scan.msk.s32 $0xffff, v2  }
0x59d: {  	v2 =	vsub.s32 v6, v2;
	_ =	sdelay $0x3  }
0x59e: {  	v0 =	vperm.xlane v0, v30  }
0x59f: {  	v6, _, _ =	vpop (xrf0)  }
0x5a0: {  	v0 =	vadd.s32 v0, v6  }
0x5a1: {  	v2 =	vadd.s32 v0, v2  }
0x5a2: {  	[tilespmem:s5+$0x20] =	vst v2  }
0x5a3: {  	v2 =	vld [tilespmem:s7+$0x30];
	_ =	sdelay $0x4  }
0x5a4: {  	v6 =	vshra.s32 v2, $0x1;
	(xrf0) =	vadd.scan.msk.s32 $0xffff, v2  }
0x5a5: {  	v2 =	vsub.s32 v6, v2;
	_ =	sdelay $0x2  }
.Ltmp14:
0x5a6: {  	(pc) =	sbr.rel @p0 .LBB2_21-.Ltmp14, $4  }
0x5a7: {  	v0 =	vperm.xlane v0, v30  }
0x5a8: {  	v6, _, _ =	vpop (xrf0)  }
0x5a9: {  	v0 =	vadd.s32 v0, v6  }
0x5aa: {  	v2 =	vadd.s32 v0, v2;
	v0 =	vperm.xlane v0, v30  }
0x5ab: {  	[tilespmem:s5+$0x30] =	vst v2  }
0x5ac: {  	v0 =	vld [tilespmem:s8+$0xFFFFFFE0]  }
0x5ad: {  	v2 =	vld [tilespmem:s8+$0xFFFFFFD0]  }
0x5ae: {  	v6 =	vld [tilespmem:s8+$0x10]  }
0x5af: {  	v7 =	vld [tilespmem:s8+$0x30]  }
0x5b0: {  	v8 =	vld [tilespmem:s8+$0xFFFFFFC0]  }
0x5b1: {  	v9 =	vld [tilespmem:s8+$0x20]  }
0x5b2: {  	v10 =	vld [tilespmem:s8+$0x0]  }
0x5b3: {  	s0 =	sadd.s32 $0x80, s8;
	v11 =	vld [tilespmem:s8+$0xFFFFFFF0]  }
0x5b4: {  	v12 =	vld [tilespmem:s0+$0xFFFFFFD0]  }
0x5b5: {  	v13 =	vld [tilespmem:s0+$0x30]  }
0x5b6: {  	v14 =	vld [tilespmem:s0+$0xFFFFFFE0]  }
0x5b7: {  	v15 =	vld [tilespmem:s0+$0xFFFFFFC0];
	v0 =	vshra.s32 v0, $0x2  }
0x5b8: {  	v16 =	vld [tilespmem:s0+$0x10];
	v2 =	vshra.s32 v2, $0x2  }
0x5b9: {  	v17 =	vld [tilespmem:s0+$0x20];
	v6 =	vshra.s32 v6, $0x2  }
0x5ba: {  	v18 =	vld [tilespmem:s0+$0x0];
	v8 =	vshra.s32 v8, $0x2  }
0x5bb: {  	v19 =	vld [tilespmem:s0+$0xFFFFFFF0];
	v7 =	vshra.s32 v7, $0x2  }
0x5bc: {  	v11 =	vshra.s32 v11, $0x2;
	v0 =	vld.idx.msk [tilespmem:v0+s17+$0x0], $0xffff  }
0x5bd: {  	v9 =	vshra.s32 v9, $0x2;
	v2 =	vld.idx.msk [tilespmem:v2+s17+$0x0], $0xffff  }
0x5be: {  	v14 =	vshra.s32 v14, $0x2;
	v6 =	vld.idx.msk [tilespmem:v6+s17+$0x0], $0xffff  }
0x5bf: {  	v10 =	vshra.s32 v10, $0x2;
	v8 =	vld.idx.msk [tilespmem:v8+s17+$0x0], $0xffff  }
0x5c0: {  	v7 =	vld.idx.msk [tilespmem:v7+s17+$0x0], $0xffff  }
0x5c1: {  	v11 =	vld.idx.msk [tilespmem:v11+s17+$0x0], $0xffff  }
0x5c2: {  	v12 =	vshra.s32 v12, $0x2;
	v16 =	vshra.s32 v16, $0x2;
	v9 =	vld.idx.msk [tilespmem:v9+s17+$0x0], $0xffff  }
0x5c3: {  	v15 =	vshra.s32 v15, $0x2;
	v13 =	vshra.s32 v13, $0x2;
	v17 =	vshra.s32 v17, $0x2;
	v14 =	vld.idx.msk [tilespmem:v14+s17+$0x0], $0xffff  }
0x5c4: {  	v19 =	vshra.s32 v19, $0x2;
	v18 =	vshra.s32 v18, $0x2;
	v10 =	vld.idx.msk [tilespmem:v10+s17+$0x0], $0xffff;
	v0 =	vsub.s32 v0, v5  }
0x5c5: {  	v6 =	vsub.s32 v6, v5;
	v8 =	vsub.s32 v8, v5;
	v0 =	vcvt.s32.f32 v0  }
0x5c6: {  	s5 =	sadd.s32 $0x80, s0;
	v2 =	vsub.s32 v2, v5;
	v11 =	vsub.s32 v11, v5;
	v7 =	vsub.s32 v7, v5  }
0x5c7: {  	v21 =	vld [tilespmem:s5+$0xFFFFFFD0];
	v9 =	vsub.s32 v9, v5;
	v6 =	vcvt.s32.f32 v6;
	v0 =	vadd.f32 $5.000000000e-01, v0  }
0x5c8: {  	v23 =	vld [tilespmem:s5+$0x30];
	v14 =	vsub.s32 v14, v5;
	v8 =	vcvt.s32.f32 v8;
	v2 =	vcvt.s32.f32 v2  }
0x5c9: {  	v24 =	vld [tilespmem:s5+$0xFFFFFFC0];
	v10 =	vsub.s32 v10, v5;
	v11 =	vcvt.s32.f32 v11;
	v0 =	vmul.f32 $2.685546880e-03, v0  }
0x5ca: {  	v20 =	vld.idx.msk [tilespmem:v12+s17+$0x0], $0xffff;
	v7 =	vcvt.s32.f32 v7;
	v25 =	vcvt.s32.f32 v9;
	v6 =	vadd.f32 $5.000000000e-01, v6  }
0x5cb: {  	v10 =	vcvt.s32.f32 v10;
	v8 =	vadd.f32 $5.000000000e-01, v8;
	v12 =	vadd.f32 $-5.500000000e+00, v0;
	v0 =	vld.idx.msk [tilespmem:v16+s17+$0x0], $0xffff  }
0x5cc: {  	v26 =	vcvt.s32.f32 v14;
	v2 =	vadd.f32 $5.000000000e-01, v2;
	v7 =	vadd.f32 $5.000000000e-01, v7;
	v16 =	vld [tilespmem:s5+$0xFFFFFFE0]  }
0x5cd: {  	v22 =	vld [tilespmem:s5+$0x10];
	v11 =	vadd.f32 $5.000000000e-01, v11;
	v10 =	vadd.f32 $5.000000000e-01, v10;
	v6 =	vmul.f32 $2.685546880e-03, v6  }
0x5ce: {  	v15 =	vld.idx.msk [tilespmem:v15+s17+$0x0], $0xffff;
	v25 =	vadd.f32 $5.000000000e-01, v25;
	v8 =	vmul.f32 $2.685546880e-03, v8;
	v2 =	vmul.f32 $2.685546880e-03, v2  }
0x5cf: {  	v14 =	vld [tilespmem:s5+$0x20];
	v7 =	vmul.f32 $2.685546880e-03, v7;
	v9 =	vmul.f32 $2.685546880e-03, v11;
	v6 =	vadd.f32 $-5.500000000e+00, v6  }
0x5d0: {  	v11 =	vshra.s32 v21, $0x2;
	v28 =	vadd.f32 $-5.500000000e+00, v2;
	v2 =	vld.idx.msk [tilespmem:v17+s17+$0x0], $0xffff;
	v0 =	vsub.s32 v0, v5  }
0x5d1: {  	v63 =	vadd.f32 $-5.500000000e+00, v7;
	v7 =	vld.idx.msk [tilespmem:v18+s17+$0x0], $0xffff;
	[tilespmem:s8+$0x10] =	vst v6;
	v16 =	vshra.s32 v16, $0x2;
	v27 =	vcvt.s32.f32 v0  }
0x5d2: {  	v21 =	vsub.s32 v20, v5;
	v8 =	vadd.f32 $-5.500000000e+00, v8;
	v6 =	vadd.f32 $5.000000000e-01, v26;
	[tilespmem:s8+$0xFFFFFFE0] =	vst v12;
	v12 =	vld.idx.msk [tilespmem:v19+s17+$0x0], $0xffff  }
0x5d3: {  	v20 =	vmul.f32 $2.685546880e-03, v25;
	[tilespmem:s8+$0xFFFFFFD0] =	vst v28;
	v0 =	vld.idx.msk [tilespmem:v13+s17+$0x0], $0xffff;
	v13 =	vshra.s32 v22, $0x2;
	v18 =	vadd.f32 $5.000000000e-01, v27  }
0x5d4: {  	v19 =	vmul.f32 $2.685546880e-03, v10;
	[tilespmem:s8+$0xFFFFFFC0] =	vst v8;
	v8 =	vld [tilespmem:s5+$0x0];
	v10 =	vshra.s32 v24, $0x2;
	v17 =	vmul.f32 $2.685546880e-03, v6  }
0x5d5: {  	s15 =	simm.s32 $0x10;
	s7 =	smov.u32 s8;
	s18 =	sadd.s32 $0x80, s5;
	[tilespmem:s8+$0x30] =	vst v63;
	v6 =	vshra.s32 v23, $0x2;
	v22 =	vsub.s32 v15, v5;
	v15 =	vld [tilespmem:s5+$0xFFFFFFF0];
	v18 =	vmul.f32 $2.685546880e-03, v18  }
.LBB2_23:
0x5d6: {  	s15 =	sadd.s32 $0x8, s15;
	v16 =	vld.idx.msk [tilespmem:v16+s17+$0x0], $0xffff;
	v14 =	vshra.s32 v14, $0x2;
	v22 =	vcvt.s32.f32 v22;
	v19 =	vadd.f32 $-5.500000000e+00, v19  }
0x5d7: {  	v17 =	vadd.f32 $-5.500000000e+00, v17;
	v20 =	vadd.f32 $-5.500000000e+00, v20;
	p0 =	slt.u32 s15, $0xF8;
	v23 =	vld.idx.msk [tilespmem:v11+s17+$0x0], $0xffff;
	v11 =	vcvt.s32.f32 v21  }
0x5d8: {  	v9 =	vadd.f32 $-5.500000000e+00, v9;
	v12 =	vsub.s32 v12, v5;
	v13 =	vld.idx.msk [tilespmem:v13+s17+$0x0], $0xffff;
	v21 =	vadd.f32 $5.000000000e-01, v22;
	[tilespmem:s7+$0x0] =	vst v19  }
0x5d9: {  	v0 =	vsub.s32 v0, v5;
	v18 =	vadd.f32 $-5.500000000e+00, v18;
	v19 =	vld [tilespmem:s18+$0xFFFFFFD0];
	v11 =	vadd.f32 $5.000000000e-01, v11;
	[tilespmem:s7+$0x20] =	vst v20  }
0x5da: {  	v2 =	vsub.s32 v2, v5;
	v0 =	vcvt.s32.f32 v0;
	v12 =	vcvt.s32.f32 v12;
	v24 =	vld [tilespmem:s18+$0x30];
	[tilespmem:s7+$0xFFFFFFF0] =	vst v9;
	s7 =	smov.u32 s0;
	s0 =	smov.u32 s5;
	s5 =	smov.u32 s18  }
0x5db: {  	v15 =	vshra.s32 v15, $0x2;
	v9 =	vmul.f32 $2.685546880e-03, v21;
	v20 =	vld [tilespmem:s18+$0xFFFFFFE0];
	v11 =	vmul.f32 $2.685546880e-03, v11;
	[tilespmem:s7+$0x10] =	vst v18  }
0x5dc: {  	v7 =	vsub.s32 v7, v5;
	v16 =	vsub.s32 v16, v5;
	v18 =	vld [tilespmem:s18+$0xFFFFFFC0];
	[tilespmem:s7+$0xFFFFFFE0] =	vst v17;
	v17 =	vadd.f32 $5.000000000e-01, v0  }
0x5dd: {  	v22 =	vcvt.s32.f32 v2;
	v8 =	vshra.s32 v8, $0x2;
	v12 =	vadd.f32 $5.000000000e-01, v12;
	v21 =	vld [tilespmem:s18+$0x10]  }
0x5de: {  	v7 =	vcvt.s32.f32 v7;
	v25 =	vcvt.s32.f32 v16;
	v0 =	vsub.s32 v13, v5;
	v10 =	vld.idx.msk [tilespmem:v10+s17+$0x0], $0xffff  }
0x5df: {  	v26 =	vcvt.s32.f32 v0;
	v17 =	vmul.f32 $2.685546880e-03, v17;
	v0 =	vld.idx.msk [tilespmem:v6+s17+$0x0], $0xffff;
	v6 =	vadd.f32 $-5.500000000e+00, v11  }
0x5e0: {  	v28 =	vadd.f32 $5.000000000e-01, v7;
	v27 =	vadd.f32 $-5.500000000e+00, v9;
	v9 =	vmul.f32 $2.685546880e-03, v12;
	v2 =	vld.idx.msk [tilespmem:v14+s17+$0x0], $0xffff  }
.Ltmp15:
0x5e1: {  	v7 =	vadd.f32 $5.000000000e-01, v25;
	v16 =	vshra.s32 v20, $0x2;
	v14 =	vld [tilespmem:s18+$0x20];
	[tilespmem:s7+$0xFFFFFFD0] =	vst v6;
	v6 =	vadd.f32 $5.000000000e-01, v22;
	(pc) =	sbr.rel @p0 .LBB2_23-.Ltmp15, $4  }
0x5e2: {  	v11 =	vshra.s32 v19, $0x2;
	v13 =	vshra.s32 v21, $0x2;
	v12 =	vld.idx.msk [tilespmem:v15+s17+$0x0], $0xffff;
	[tilespmem:s7+$0xFFFFFFC0] =	vst v27;
	v15 =	vadd.f32 $-5.500000000e+00, v17  }
0x5e3: {  	v19 =	vmul.f32 $2.685546880e-03, v28;
	v25 =	vadd.f32 $5.000000000e-01, v26;
	v17 =	vmul.f32 $2.685546880e-03, v7;
	v7 =	vld.idx.msk [tilespmem:v8+s17+$0x0], $0xffff  }
0x5e4: {  	v21 =	vsub.s32 v23, v5;
	v22 =	vsub.s32 v10, v5;
	v20 =	vmul.f32 $2.685546880e-03, v6;
	v8 =	vld [tilespmem:s18+$0x0];
	[tilespmem:s7+$0x30] =	vst v15  }
0x5e5: {  	v10 =	vshra.s32 v18, $0x2;
	v6 =	vshra.s32 v24, $0x2;
	v18 =	vmul.f32 $2.685546880e-03, v25;
	s18 =	sadd.s32 $0x80, s18;
	v15 =	vld [tilespmem:s5+$0xFFFFFFF0]  }
0x5e6: {  	_ =	sdelay $0x1  }
0x5e7: {  	v22 =	vcvt.s32.f32 v22;
	v19 =	vadd.f32 $-5.500000000e+00, v19  }
0x5e8: {  	v21 =	vcvt.s32.f32 v21;
	v17 =	vadd.f32 $-5.500000000e+00, v17;
	v14 =	vshra.s32 v14, $0x2  }
0x5e9: {  	v16 =	vld.idx.msk [tilespmem:v16+s17+$0x0], $0xffff;
	v20 =	vadd.f32 $-5.500000000e+00, v20;
	v9 =	vadd.f32 $-5.500000000e+00, v9;
	v0 =	vsub.s32 v0, v5  }
0x5ea: {  	v13 =	vld.idx.msk [tilespmem:v13+s17+$0x0], $0xffff;
	v2 =	vsub.s32 v2, v5;
	v12 =	vsub.s32 v12, v5;
	v18 =	vadd.f32 $-5.500000000e+00, v18  }
0x5eb: {  	v10 =	vld.idx.msk [tilespmem:v10+s17+$0x0], $0xffff;
	v0 =	vcvt.s32.f32 v0;
	v2 =	vcvt.s32.f32 v2;
	v22 =	vadd.f32 $5.000000000e-01, v22  }
0x5ec: {  	v11 =	vld.idx.msk [tilespmem:v11+s17+$0x0], $0xffff;
	v21 =	vadd.f32 $5.000000000e-01, v21;
	v12 =	vcvt.s32.f32 v12;
	v7 =	vsub.s32 v7, v5  }
0x5ed: {  	v6 =	vld.idx.msk [tilespmem:v6+s17+$0x0], $0xffff;
	v0 =	vadd.f32 $5.000000000e-01, v0;
	v8 =	vshra.s32 v8, $0x2;
	v7 =	vcvt.s32.f32 v7  }
0x5ee: {  	v2 =	vadd.f32 $5.000000000e-01, v2;
	v15 =	vshra.s32 v15, $0x2;
	v22 =	vmul.f32 $2.685546880e-03, v22  }
0x5ef: {  	v21 =	vmul.f32 $2.685546880e-03, v21;
	v12 =	vadd.f32 $5.000000000e-01, v12;
	v16 =	vsub.s32 v16, v5  }
0x5f0: {  	v13 =	vsub.s32 v13, v5;
	v0 =	vmul.f32 $2.685546880e-03, v0;
	v7 =	vadd.f32 $5.000000000e-01, v7  }
0x5f1: {  	v10 =	vsub.s32 v10, v5;
	v11 =	vsub.s32 v11, v5;
	v2 =	vmul.f32 $2.685546880e-03, v2  }
0x5f2: {  	[tilespmem:s7+$0x0] =	vst v19;
	v6 =	vsub.s32 v6, v5;
	v16 =	vcvt.s32.f32 v16;
	v13 =	vcvt.s32.f32 v13  }
0x5f3: {  	[tilespmem:s7+$0x20] =	vst v20;
	v55 =	vld.idx.msk [tilespmem:v14+s17+$0x0], $0xffff;
	v21 =	vadd.f32 $-5.500000000e+00, v21;
	v53 =	vadd.f32 $-5.500000000e+00, v22;
	v12 =	vmul.f32 $2.685546880e-03, v12  }
0x5f4: {  	[tilespmem:s7+$0xFFFFFFF0] =	vst v9;
	v10 =	vcvt.s32.f32 v10;
	v11 =	vcvt.s32.f32 v11;
	v0 =	vadd.f32 $-5.500000000e+00, v0;
	v8 =	vld.idx.msk [tilespmem:v8+s17+$0x0], $0xffff  }
0x5f5: {  	[tilespmem:s0+$0xFFFFFFE0] =	vst v17;
	v6 =	vcvt.s32.f32 v6;
	v2 =	vadd.f32 $-5.500000000e+00, v2;
	v16 =	vadd.f32 $5.000000000e-01, v16;
	v15 =	vld.idx.msk [tilespmem:v15+s17+$0x0], $0xffff  }
0x5f6: {  	[tilespmem:s0+$0x10] =	vst v18;
	v7 =	vmul.f32 $2.685546880e-03, v7;
	v54 =	vadd.f32 $5.000000000e-01, v13;
	v10 =	vadd.f32 $5.000000000e-01, v10  }
0x5f7: {  	[tilespmem:s0+$0xFFFFFFD0] =	vst v21;
	v12 =	vadd.f32 $-5.500000000e+00, v12;
	v57 =	vadd.f32 $5.000000000e-01, v11  }
0x5f8: {  	[tilespmem:s0+$0xFFFFFFC0] =	vst v53;
	v58 =	vadd.f32 $5.000000000e-01, v6;
	v7 =	vadd.f32 $-5.500000000e+00, v7;
	v16 =	vmul.f32 $2.685546880e-03, v16  }
0x5f9: {  	[tilespmem:s0+$0x30] =	vst v0;
	v9 =	vmul.f32 $2.685546880e-03, v54;
	v0 =	vmul.f32 $2.685546880e-03, v57;
	v8 =	vsub.s32 v8, v5  }
0x5fa: {  	[tilespmem:s0+$0x20] =	vst v2;
	v15 =	vsub.s32 v15, v5;
	v5 =	vsub.s32 v55, v5;
	v8 =	vcvt.s32.f32 v8  }
0x5fb: {  	v2 =	vmul.f32 $2.685546880e-03, v58;
	[tilespmem:s0+$0x0] =	vst v7;
	v7 =	vadd.f32 $-5.500000000e+00, v9;
	v5 =	vcvt.s32.f32 v5  }
0x5fc: {  	[tilespmem:s0+$0xFFFFFFF0] =	vst v12;
	v56 =	vadd.f32 $-5.500000000e+00, v16;
	v6 =	vcvt.s32.f32 v15;
	v8 =	vadd.f32 $5.000000000e-01, v8  }
0x5fd: {  	v59 =	vmul.f32 $2.685546880e-03, v10;
	v0 =	vadd.f32 $-5.500000000e+00, v0;
	[tilespmem:s5+$0x10] =	vst v7;
	v5 =	vadd.f32 $5.000000000e-01, v5  }
0x5fe: {  	s6 =	sadd.s32 $0x1, s6;
	v60 =	vadd.f32 $-5.500000000e+00, v2;
	[tilespmem:s5+$0xFFFFFFE0] =	vst v56;
	v6 =	vadd.f32 $5.000000000e-01, v6;
	v8 =	vmul.f32 $2.685546880e-03, v8  }
0x5ff: {  	p0 =	sne.s32 s6, $0x8;
	v7 =	vadd.f32 $-5.500000000e+00, v59;
	[tilespmem:s5+$0xFFFFFFD0] =	vst v0;
	v61 =	vmul.f32 $2.685546880e-03, v5  }
.Ltmp16:
0x600: {  	[tilespmem:s5+$0x30] =	vst v60;
	v5 =	vmul.f32 $2.685546880e-03, v6;
	v6 =	vadd.f32 $-5.500000000e+00, v8;
	(pc) =	sbr.rel @p0 .LBB2_16-.Ltmp16, $4  }
0x601: {  	[tilespmem:s5+$0xFFFFFFC0] =	vst v7;
	v62 =	vadd.f32 $-5.500000000e+00, v61  }
0x602: {  	v63 =	vadd.f32 $-5.500000000e+00, v5;
	[tilespmem:s5+$0x0] =	vst v6  }
0x603: {  	s24 =	sadd.s32 $0x1000, s24;
	[tilespmem:s5+$0x20] =	vst v62  }
0x604: {  	s8 =	sadd.s32 $0x1000, s8;
	s10 =	sadd.s32 $0x1000, s10;
	s0 =	simm.s32 $0x0;
	[tilespmem:s5+$0xFFFFFFF0] =	vst v63  }
.Ltmp17:
0x605: {  	(pc) =	sbr.rel .LBB2_26-.Ltmp17, $2  }
0x606: {  	_ =	sdelay $0x2  }
0x607: {  	s6 =	simm.s32 $0x0  }
.LBB2_37:
0x608: {  	s4 =	simm.s32 $0x3;
	s6 =	sadd.s32 $0x1, s6  }
0x609: {  	_ =	swait.ge [sflag:s4], $0x1000;
	p0 =	sne.s32 s6, $0x8  }
.Ltmp18:
0x60a: {  	[sflag:s4] =	ssyncset.done $0x0;
	(pc) =	sbr.rel @!p0 .LBB2_38-.Ltmp18, $4  }
0x60b: {  	[sflag:s4] =	ssyncadd.s32 $0xFFFFF000  }
0x60c: {  	_ =	swait.ge [sflag:s21], $0x1000  }
0x60d: {  	[sflag:s21] =	ssyncset.done $0x0  }
0x60e: {  	[sflag:s21] =	ssyncadd.s32 $0xFFFFF000  }
.LBB2_26:
0x60f: {  	s4 =	sshll.u32 s6, $0x4;
	s5 =	rddreg [dreg:$0x5]  }
0x610: {  	s18 =	simm.s32 $0x17180;
	s4 =	sadd.s32 s5, s4  }
0x611: {  	[tilespmem:s18], [sflag:$0x5] =	stream.linear.gather [hbm4b:s4+s0], $0x80, $0x38;
	[tilespmem:$0x17280] =	vst v63  }
0x612: {  	_ =	swait.ge [sflag:s16], $0x80  }
0x613: {  	s23 =	smul.u32 $0x540000, s6;
	[sflag:s16] =	ssyncset.done $0x0  }
0x614: {  	s24 =	rddreg [dreg:$0xd];
	[sflag:s16] =	ssyncadd.s32 $0xFFFFFF80  }
0x615: {  	s29 =	sadd.s32 s24, s23;
	v0 =	vld [tilespmem:$0x17180]  }
0x616: {  	s28 =	sshll.u32 s6, $0xC;
	s26 =	rddreg [dreg:$0x8];
	s4 =	sshrl.u32 s29, $0x3  }
0x617: {  	s24 =	simm.s32 $0x0;
	s30 =	sadd.s32 $0x2000, s29;
	s25 =	sadd.s32 s1, s4  }
0x618: {  	[tilespmem:s11], [sflag:$0x1] =	stream.linear.gather [hbm4b:s25+s0], $0x1000, $0x38;
	[tilespmem:$0x17280] =	vst v63  }
0x619: {  	s31 =	sor.u32 $0x1000, s29;
	s10 =	sadd.s32 $0x3000, s29;
	s4 =	sadd.s32 s4, s26  }
0x61a: {  	v6 =	vmov s28;
	[tilespmem:s12], [sflag:$0x2] =	stream.linear.gather [hbm4b:s4+s0], $0x1000, $0x38;
	v5 =	vsub.f32 $1.000000000e+00, v0;
	[tilespmem:$0x17280] =	vst v63  }
.LBB2_27:
0x61b: {  	_ =	swait.ge [sflag:s13], $0x1000  }
0x61c: {  	p0 =	seq.s32 s24, $0x0;
	[sflag:s13] =	ssyncset.done $0x0  }
0x61d: {  	s4 =	simm.s32 @!p0 $0x3;
	[sflag:s13] =	ssyncadd.s32 $0xFFFFF000  }
0x61e: {  	s5 =	simm.s32 $0x0;
	_ =	swait.ge @!p0 [sflag:s4], $0x1000  }
0x61f: {  	s7 =	sand.u32 $0x800, s5;
	s5 =	sand.u32 $0x380, s5;
	[sflag:s4] =	ssyncset.done @!p0 $0x0  }
0x620: {  	[sflag:s4] =	ssyncadd.s32 @!p0 $0xFFFFF000;
	s4 =	sor.u32 s5, s7  }
0x621: {  	v0 =	vld [tilespmem:s4+$0x13180];
	_ =	sdelay $0x4  }
0x622: {  	v2 =	vadd.f32 $5.500000000e+00, v0;
	_ =	sdelay $0x1  }
0x623: {  	v2 =	vmul.f32 $3.723636470e+02, v2;
	_ =	sdelay $0x1  }
0x624: {  	v2 =	vmax.f32 v2, $0.0e+00  }
0x625: {  	v2 =	vmin.f32 v2, $4.095000000e+03  }
0x626: {  	v2 =	vtrunc.f32 v2  }
0x627: {  	v8 =	vld [tilespmem:s4+$0x13190];
	v2 =	vcvt.f32.s32 v2;
	_ =	sdelay $0x1  }
0x628: {  	v2 =	vadd.s32 v2, v6;
	_ =	sdelay $0x2  }
0x629: {  	v7 =	vadd.f32 $5.500000000e+00, v8;
	_ =	sdelay $0x1  }
0x62a: {  	v7 =	vmul.f32 $3.723636470e+02, v7;
	v2 =	vld.idx.msk [tilespmem:v2+s19+$0x0], $0xffff;
	_ =	sdelay $0x1  }
0x62b: {  	v7 =	vmax.f32 v7, $0.0e+00  }
0x62c: {  	v11 =	vmin.f32 v7, $4.095000000e+03  }
0x62d: {  	v12 =	vmul.f32 v0, v5;
	v11 =	vtrunc.f32 v11  }
0x62e: {  	v9 =	vld [tilespmem:s4+$0x131A0];
	v11 =	vcvt.f32.s32 v11;
	v2 =	vmul.f32 v2, v5;
	_ =	sdelay $0x1  }
0x62f: {  	v11 =	vadd.s32 v11, v6;
	v2 =	vsub.f32 v2, v12;
	_ =	sdelay $0x1  }
0x630: {  	v0 =	vadd.f32 v2, v0  }
0x631: {  	v12 =	vadd.f32 $5.500000000e+00, v9  }
0x632: {  	v10 =	vld [tilespmem:s4+$0x131B0];
	[tilespmem:s4+$0x15180] =	vst v0  }
0x633: {  	v2 =	vmul.f32 $3.723636470e+02, v12;
	v0 =	vld.idx.msk [tilespmem:v11+s19+$0x0], $0xffff  }
0x634: {  	v15 =	vld [tilespmem:s4+$0x131C0]  }
0x635: {  	v2 =	vmax.f32 v2, $0.0e+00  }
0x636: {  	v2 =	vmin.f32 v2, $4.095000000e+03  }
0x637: {  	v13 =	vld [tilespmem:s4+$0x131D0];
	v12 =	vmul.f32 v8, v5;
	v11 =	vadd.f32 $5.500000000e+00, v10;
	v2 =	vtrunc.f32 v2  }
0x638: {  	v14 =	vld [tilespmem:s4+$0x131E0];
	v2 =	vcvt.f32.s32 v2;
	v0 =	vmul.f32 v0, v5  }
0x639: {  	v17 =	vadd.f32 $5.500000000e+00, v15;
	v11 =	vmul.f32 $3.723636470e+02, v11  }
0x63a: {  	v16 =	vld [tilespmem:s4+$0x131F0];
	v2 =	vadd.s32 v2, v6;
	v0 =	vsub.f32 v0, v12  }
0x63b: {  	v26 =	vld [tilespmem:s4+$0x13580];
	v11 =	vmax.f32 v11, $0.0e+00;
	v12 =	vmul.f32 $3.723636470e+02, v17  }
0x63c: {  	v11 =	vmin.f32 v11, $4.095000000e+03;
	v17 =	vadd.f32 $5.500000000e+00, v13;
	v0 =	vadd.f32 v0, v8  }
0x63d: {  	v8 =	vtrunc.f32 v11;
	v11 =	vmax.f32 v12, $0.0e+00;
	v12 =	vadd.f32 $5.500000000e+00, v14  }
0x63e: {  	v20 =	vld [tilespmem:s4+$0x13590];
	v17 =	vmul.f32 $3.723636470e+02, v17;
	v8 =	vcvt.f32.s32 v8;
	v11 =	vmin.f32 v11, $4.095000000e+03;
	[tilespmem:s4+$0x15190] =	vst v0  }
0x63f: {  	v0 =	vtrunc.f32 v11;
	v11 =	vadd.f32 $5.500000000e+00, v16;
	v12 =	vmul.f32 $3.723636470e+02, v12;
	v2 =	vld.idx.msk [tilespmem:v2+s19+$0x0], $0xffff  }
0x640: {  	s15 =	simm.s32 $0x100;
	s18 =	simm.s32 $0x80;
	v23 =	vcvt.f32.s32 v0;
	v0 =	vmax.f32 v17, $0.0e+00;
	v17 =	vadd.f32 $5.500000000e+00, v26  }
0x641: {  	s5 =	sand.u32 $0x800, s15;
	s7 =	sand.u32 $0x380, s18;
	v0 =	vmin.f32 v0, $4.095000000e+03;
	v11 =	vmul.f32 $3.723636470e+02, v11;
	v12 =	vmax.f32 v12, $0.0e+00  }
0x642: {  	v25 =	vld [tilespmem:s4+$0x135A0];
	s8 =	sor.u32 s7, s5;
	v0 =	vtrunc.f32 v0;
	v17 =	vmul.f32 $3.723636470e+02, v17;
	v12 =	vmin.f32 v12, $4.095000000e+03  }
0x643: {  	v34 =	vld [tilespmem:s8+$0x13180];
	v18 =	vadd.f32 $5.500000000e+00, v20;
	v24 =	vcvt.f32.s32 v0;
	v0 =	vtrunc.f32 v12  }
0x644: {  	v11 =	vmax.f32 v11, $0.0e+00;
	v12 =	vmul.f32 v9, v5;
	v2 =	vmul.f32 v2, v5  }
0x645: {  	v18 =	vmul.f32 $3.723636470e+02, v18;
	v8 =	vadd.s32 v8, v6;
	v11 =	vmin.f32 v11, $4.095000000e+03  }
0x646: {  	v19 =	vmax.f32 v17, $0.0e+00;
	v11 =	vtrunc.f32 v11;
	v2 =	vsub.f32 v2, v12  }
0x647: {  	v3 =	vcvt.f32.s32 v11;
	v11 =	vmin.f32 v19, $4.095000000e+03;
	v12 =	vadd.f32 $5.500000000e+00, v25  }
0x648: {  	v1 =	vld [tilespmem:s4+$0x135D0];
	v11 =	vtrunc.f32 v11;
	v2 =	vadd.f32 v2, v9;
	v9 =	vadd.f32 $5.500000000e+00, v34  }
0x649: {  	v36 =	vld [tilespmem:s4+$0x135B0];
	v19 =	vcvt.f32.s32 v11  }
0x64a: {  	v48 =	vld [tilespmem:s4+$0x135C0];
	v11 =	vmax.f32 v18, $0.0e+00;
	v12 =	vmul.f32 $3.723636470e+02, v12;
	[tilespmem:s4+$0x151A0] =	vst v2;
	v2 =	vmul.f32 $3.723636470e+02, v9  }
0x64b: {  	v22 =	vld [tilespmem:s8+$0x131A0];
	v29 =	vmul.f32 v10, v5;
	v9 =	vmin.f32 v11, $4.095000000e+03  }
0x64c: {  	v12 =	vmax.f32 v12, $0.0e+00;
	v28 =	vld.idx.msk [tilespmem:v8+s19+$0x0], $0xffff;
	v8 =	vtrunc.f32 v9;
	v2 =	vmax.f32 v2, $0.0e+00  }
0x64d: {  	v38 =	vld [tilespmem:s8+$0x13190];
	v9 =	vmin.f32 v12, $4.095000000e+03;
	v18 =	vcvt.f32.s32 v8;
	v2 =	vmin.f32 v2, $4.095000000e+03  }
0x64e: {  	v8 =	vtrunc.f32 v9;
	v2 =	vtrunc.f32 v2  }
0x64f: {  	[tilespmem:$0x1FF70] =	vst v1;
	v9 =	vadd.f32 $5.500000000e+00, v1;
	v1 =	vmul.f32 v1, v5;
	v2 =	vcvt.f32.s32 v2  }
0x650: {  	v21 =	vadd.f32 $5.500000000e+00, v36;
	v43 =	vmul.f32 v15, v5;
	v51 =	vmul.f32 v14, v5  }
0x651: {  	v12 =	vadd.f32 $5.500000000e+00, v48;
	[tilespmem:$0x1FF80] =	vst v1;
	v28 =	vmul.f32 v28, v5;
	v2 =	vadd.s32 v2, v6  }
0x652: {  	v31 =	vadd.f32 $5.500000000e+00, v22;
	v35 =	vadd.f32 $5.500000000e+00, v38;
	v11 =	vmul.f32 $3.723636470e+02, v21;
	v21 =	vld [tilespmem:s8+$0x131B0]  }
0x653: {  	v23 =	vadd.s32 v23, v6;
	v12 =	vmul.f32 $3.723636470e+02, v12;
	v33 =	vsub.f32 v28, v29  }
0x654: {  	v41 =	vmul.f32 v34, v5;
	v46 =	vmul.f32 v38, v5;
	v11 =	vmax.f32 v11, $0.0e+00  }
0x655: {  	v11 =	vmin.f32 v11, $4.095000000e+03;
	v12 =	vmax.f32 v12, $0.0e+00;
	v10 =	vadd.f32 v33, v10  }
0x656: {  	v35 =	vmul.f32 $3.723636470e+02, v35;
	v11 =	vtrunc.f32 v11;
	v12 =	vmin.f32 v12, $4.095000000e+03;
	v2 =	vld.idx.msk [tilespmem:v2+s19+$0x0], $0xffff  }
0x657: {  	v30 =	vld [tilespmem:s8+$0x131D0];
	v29 =	vmul.f32 $3.723636470e+02, v9;
	v9 =	vmul.f32 $3.723636470e+02, v31;
	v37 =	vadd.f32 $5.500000000e+00, v21;
	[tilespmem:s4+$0x151B0] =	vst v10  }
0x658: {  	v31 =	vtrunc.f32 v12;
	v33 =	vcvt.f32.s32 v11;
	v11 =	vmax.f32 v35, $0.0e+00;
	v12 =	vld.idx.msk [tilespmem:v23+s19+$0x0], $0xffff  }
0x659: {  	v0 =	vcvt.f32.s32 v0;
	v11 =	vmin.f32 v11, $4.095000000e+03;
	v10 =	vmul.f32 $3.723636470e+02, v37;
	v37 =	vld [tilespmem:s8+$0x131E0]  }
0x65a: {  	v27 =	vcvt.f32.s32 v8;
	v44 =	vld [tilespmem:s8+$0x13590];
	v11 =	vtrunc.f32 v11  }
0x65b: {  	v8 =	vld [tilespmem:s8+$0x135A0];
	v11 =	vcvt.f32.s32 v11;
	v2 =	vmul.f32 v2, v5  }
0x65c: {  	v59 =	vmul.f32 v22, v5;
	v24 =	vadd.s32 v24, v6;
	v0 =	vadd.s32 v0, v6;
	v35 =	vld [tilespmem:s8+$0x131F0]  }
0x65d: {  	v4 =	vld [tilespmem:s8+$0x135B0];
	v62 =	vadd.s32 v11, v6;
	v42 =	vmul.f32 v12, v5;
	v2 =	vsub.f32 v2, v41  }
0x65e: {  	v60 =	vadd.s32 v3, v6;
	v39 =	vadd.f32 $5.500000000e+00, v30;
	v45 =	vadd.f32 $5.500000000e+00, v37  }
0x65f: {  	v31 =	vcvt.f32.s32 v31;
	v42 =	vsub.f32 v42, v43;
	v2 =	vadd.f32 v2, v34  }
0x660: {  	v9 =	vmax.f32 v9, $0.0e+00;
	v55 =	vadd.f32 $5.500000000e+00, v44;
	v56 =	vadd.f32 $5.500000000e+00, v8  }
0x661: {  	v47 =	vld [tilespmem:s8+$0x13580];
	v52 =	vadd.f32 $5.500000000e+00, v35;
	v45 =	vmul.f32 $3.723636470e+02, v45;
	v15 =	vadd.f32 v42, v15;
	[tilespmem:s8+$0x15180] =	vst v2  }
0x662: {  	v57 =	vadd.f32 $5.500000000e+00, v4;
	v9 =	vmin.f32 v9, $4.095000000e+03;
	v39 =	vmul.f32 $3.723636470e+02, v39;
	v41 =	vld.idx.msk [tilespmem:v62+s19+$0x0], $0xffff  }
0x663: {  	v7 =	vld [tilespmem:s8+$0x135C0];
	v9 =	vtrunc.f32 v9;
	v34 =	vmul.f32 $3.723636470e+02, v52;
	v53 =	vmax.f32 v45, $0.0e+00;
	[tilespmem:s4+$0x151C0] =	vst v15  }
0x664: {  	v40 =	vcvt.f32.s32 v9;
	v39 =	vmax.f32 v39, $0.0e+00;
	v15 =	vmin.f32 v53, $4.095000000e+03;
	v24 =	vld.idx.msk [tilespmem:v24+s19+$0x0], $0xffff  }
0x665: {  	v28 =	vld [tilespmem:s8+$0x131C0];
	v39 =	vmin.f32 v39, $4.095000000e+03;
	v34 =	vmax.f32 v34, $0.0e+00;
	v15 =	vtrunc.f32 v15  }
0x666: {  	v39 =	vtrunc.f32 v39;
	v54 =	vmin.f32 v34, $4.095000000e+03;
	v34 =	vcvt.f32.s32 v15  }
0x667: {  	v40 =	vadd.s32 v40, v6;
	v15 =	vtrunc.f32 v54;
	v41 =	vmul.f32 v41, v5  }
0x668: {  	v42 =	vcvt.f32.s32 v39;
	v2 =	vadd.f32 $5.500000000e+00, v47;
	v39 =	vcvt.f32.s32 v15  }
0x669: {  	v15 =	vmul.f32 v13, v5;
	v24 =	vmul.f32 v24, v5;
	v41 =	vsub.f32 v41, v46  }
0x66a: {  	v58 =	vadd.f32 $5.500000000e+00, v7;
	v23 =	vadd.f32 $5.500000000e+00, v28;
	v2 =	vmul.f32 $3.723636470e+02, v2  }
0x66b: {  	v1 =	vld [tilespmem:s8+$0x135D0];
	v10 =	vmax.f32 v10, $0.0e+00;
	v15 =	vsub.f32 v24, v15;
	v24 =	vadd.f32 v41, v38  }
0x66c: {  	s23 =	simm.s32 $0x200;
	s25 =	simm.s32 $0x100;
	v23 =	vmul.f32 $3.723636470e+02, v23;
	v10 =	vmin.f32 v10, $4.095000000e+03;
	[tilespmem:$0x1FF90] =	vst v8;
	v2 =	vmax.f32 v2, $0.0e+00  }
0x66d: {  	s5 =	sand.u32 $0x800, s23;
	s7 =	sand.u32 $0x380, s25;
	v45 =	vmul.f32 $3.723636470e+02, v55;
	v2 =	vmin.f32 v2, $4.095000000e+03;
	v13 =	vadd.f32 v15, v13;
	[tilespmem:s8+$0x15190] =	vst v24  }
0x66e: {  	s15 =	sor.u32 s7, s5;
	v10 =	vtrunc.f32 v10;
	v23 =	vmax.f32 v23, $0.0e+00;
	v2 =	vtrunc.f32 v2;
	v40 =	vld.idx.msk [tilespmem:v40+s19+$0x0], $0xffff  }
0x66f: {  	v46 =	vmul.f32 $3.723636470e+02, v56;
	v38 =	vcvt.f32.s32 v2;
	v2 =	vmax.f32 v45, $0.0e+00;
	v45 =	vld [tilespmem:s15+$0x13180];
	[tilespmem:s4+$0x151D0] =	vst v13  }
0x670: {  	v63 =	vcvt.f32.s32 v10;
	v10 =	vmul.f32 v1, v5;
	v2 =	vmin.f32 v2, $4.095000000e+03;
	v0 =	vld.idx.msk [tilespmem:v0+s19+$0x0], $0xffff  }
0x671: {  	v15 =	vmul.f32 $3.723636470e+02, v57;
	v24 =	vmax.f32 v46, $0.0e+00;
	v2 =	vtrunc.f32 v2  }
0x672: {  	v53 =	vadd.s32 v63, v6;
	v24 =	vmin.f32 v24, $4.095000000e+03;
	v49 =	vcvt.f32.s32 v2  }
0x673: {  	v15 =	vmax.f32 v15, $0.0e+00;
	v2 =	vtrunc.f32 v24;
	v50 =	vmul.f32 v40, v5  }
0x674: {  	v9 =	vcvt.f32.s32 v2;
	v2 =	vmin.f32 v15, $4.095000000e+03;
	v52 =	vadd.f32 $5.500000000e+00, v45  }
0x675: {  	v54 =	vld [tilespmem:s15+$0x13190];
	v2 =	vtrunc.f32 v2;
	v0 =	vmul.f32 v0, v5;
	v46 =	vsub.f32 v50, v59  }
0x676: {  	v23 =	vmin.f32 v23, $4.095000000e+03;
	v12 =	vcvt.f32.s32 v2;
	v2 =	vmul.f32 $3.723636470e+02, v52  }
0x677: {  	v23 =	vtrunc.f32 v23;
	v41 =	vld [tilespmem:s15+$0x131A0];
	v51 =	vsub.f32 v0, v51;
	v22 =	vadd.f32 v46, v22  }
0x678: {  	v23 =	vcvt.f32.s32 v23;
	v55 =	vmul.f32 v16, v5;
	v2 =	vmax.f32 v2, $0.0e+00  }
0x679: {  	v43 =	vld [tilespmem:s15+$0x131B0];
	v24 =	vmul.f32 $3.723636470e+02, v58;
	v2 =	vmin.f32 v2, $4.095000000e+03;
	v14 =	vadd.f32 v51, v14;
	[tilespmem:s8+$0x151A0] =	vst v22  }
0x67a: {  	v62 =	vadd.f32 $5.500000000e+00, v54;
	v15 =	vadd.f32 $5.500000000e+00, v1;
	v2 =	vtrunc.f32 v2;
	v61 =	vld.idx.msk [tilespmem:v53+s19+$0x0], $0xffff  }
0x67b: {  	v32 =	vmul.f32 v45, v5;
	v24 =	vmax.f32 v24, $0.0e+00;
	v2 =	vcvt.f32.s32 v2;
	[tilespmem:s4+$0x151E0] =	vst v14  }
0x67c: {  	v13 =	vmovc v1;
	v1 =	vmin.f32 v24, $4.095000000e+03;
	v24 =	vadd.f32 $5.500000000e+00, v41;
	v52 =	vmul.f32 v26, v5;
	v46 =	vld.idx.msk [tilespmem:v60+s19+$0x0], $0xffff  }
0x67d: {  	v40 =	vmul.f32 $3.723636470e+02, v15;
	v11 =	vtrunc.f32 v1;
	v2 =	vadd.s32 v2, v6  }
0x67e: {  	v24 =	vmul.f32 $3.723636470e+02, v24;
	v22 =	vmul.f32 v21, v5;
	v14 =	vadd.f32 $5.500000000e+00, v43  }
0x67f: {  	v19 =	vadd.s32 v19, v6;
	v50 =	vld [tilespmem:s15+$0x131C0];
	v53 =	vmul.f32 $3.723636470e+02, v62;
	v57 =	vmul.f32 v61, v5  }
0x680: {  	v58 =	vadd.s32 v23, v6;
	v0 =	vmul.f32 v20, v5;
	v14 =	vmul.f32 $3.723636470e+02, v14  }
0x681: {  	v23 =	vmax.f32 v53, $0.0e+00;
	v46 =	vmul.f32 v46, v5;
	v22 =	vsub.f32 v57, v22  }
0x682: {  	v24 =	vmax.f32 v24, $0.0e+00;
	v53 =	vmin.f32 v23, $4.095000000e+03;
	v14 =	vmax.f32 v14, $0.0e+00;
	v2 =	vld.idx.msk [tilespmem:v2+s19+$0x0], $0xffff  }
0x683: {  	v51 =	vld [tilespmem:s15+$0x131D0];
	v23 =	vmin.f32 v14, $4.095000000e+03;
	v46 =	vsub.f32 v46, v55;
	v21 =	vadd.f32 v22, v21  }
0x684: {  	v24 =	vmin.f32 v24, $4.095000000e+03;
	v56 =	vadd.f32 $5.500000000e+00, v50;
	v23 =	vtrunc.f32 v23  }
0x685: {  	v24 =	vtrunc.f32 v24;
	v59 =	vcvt.f32.s32 v23;
	v23 =	vld [tilespmem:s15+$0x131F0];
	v16 =	vadd.f32 v46, v16;
	[tilespmem:s8+$0x151B0] =	vst v21  }
0x686: {  	v42 =	vadd.s32 v42, v6;
	v56 =	vmul.f32 $3.723636470e+02, v56;
	v53 =	vtrunc.f32 v53;
	v55 =	vld.idx.msk [tilespmem:v58+s19+$0x0], $0xffff  }
0x687: {  	v34 =	vadd.s32 v34, v6;
	v57 =	vcvt.f32.s32 v24;
	v24 =	vld [tilespmem:s15+$0x131E0];
	[tilespmem:s4+$0x151F0] =	vst v16;
	v16 =	vmul.f32 v2, v5  }
0x688: {  	v53 =	vcvt.f32.s32 v53;
	v22 =	vmax.f32 v56, $0.0e+00;
	v21 =	vadd.f32 $5.500000000e+00, v51;
	v58 =	vld.idx.msk [tilespmem:v19+s19+$0x0], $0xffff  }
0x689: {  	v62 =	vmul.f32 v28, v5;
	v22 =	vmin.f32 v22, $4.095000000e+03;
	v16 =	vsub.f32 v16, v32  }
0x68a: {  	v53 =	vadd.s32 v53, v6;
	v63 =	vtrunc.f32 v22;
	v46 =	vmul.f32 $3.723636470e+02, v21  }
0x68b: {  	v22 =	vld [tilespmem:s15+$0x13580];
	v32 =	vadd.f32 $5.500000000e+00, v23;
	v45 =	vadd.f32 v16, v45;
	v55 =	vmul.f32 v55, v5  }
0x68c: {  	v61 =	vadd.s32 v18, v6;
	v60 =	vadd.f32 $5.500000000e+00, v24;
	v46 =	vmax.f32 v46, $0.0e+00  }
0x68d: {  	v58 =	vmul.f32 v58, v5;
	[tilespmem:s15+$0x15180] =	vst v45;
	v45 =	vmul.f32 $3.723636470e+02, v32;
	v55 =	vsub.f32 v55, v62  }
0x68e: {  	v2 =	vcvt.f32.s32 v63;
	v21 =	vld [tilespmem:s15+$0x13590];
	v60 =	vmul.f32 $3.723636470e+02, v60;
	v46 =	vmin.f32 v46, $4.095000000e+03  }
0x68f: {  	v53 =	vld.idx.msk [tilespmem:v53+s19+$0x0], $0xffff;
	v58 =	vsub.f32 v58, v52;
	v45 =	vmax.f32 v45, $0.0e+00;
	v28 =	vadd.f32 v55, v28  }
0x690: {  	v1 =	vld [tilespmem:s15+$0x135A0];
	v63 =	vadd.f32 $5.500000000e+00, v22;
	v46 =	vtrunc.f32 v46;
	v45 =	vmin.f32 v45, $4.095000000e+03  }
0x691: {  	v14 =	vld [tilespmem:s15+$0x135D0];
	v32 =	vmax.f32 v60, $0.0e+00;
	v26 =	vadd.f32 v58, v26;
	[tilespmem:s8+$0x151C0] =	vst v28;
	v28 =	vtrunc.f32 v45  }
0x692: {  	v60 =	vmul.f32 $3.723636470e+02, v63;
	v63 =	vmin.f32 v32, $4.095000000e+03;
	v42 =	vld.idx.msk [tilespmem:v42+s19+$0x0], $0xffff;
	v3 =	vcvt.f32.s32 v28  }
0x693: {  	v19 =	vld [tilespmem:s15+$0x135B0];
	v32 =	vadd.f32 $5.500000000e+00, v21;
	v62 =	vmul.f32 v54, v5;
	v52 =	vcvt.f32.s32 v46;
	[tilespmem:s4+$0x15580] =	vst v26  }
0x694: {  	v18 =	vld [tilespmem:s15+$0x135C0];
	v46 =	vtrunc.f32 v63;
	v63 =	vmax.f32 v60, $0.0e+00;
	v26 =	vmul.f32 v53, v5;
	[tilespmem:$0x1FFA0] =	vst v3  }
0x695: {  	v56 =	vmul.f32 v30, v5;
	v57 =	vadd.s32 v57, v6;
	v53 =	vmin.f32 v63, $4.095000000e+03;
	v58 =	vld.idx.msk [tilespmem:v61+s19+$0x0], $0xffff  }
0x696: {  	v45 =	vmul.f32 $3.723636470e+02, v32;
	v53 =	vtrunc.f32 v53;
	v26 =	vsub.f32 v26, v62  }
0x697: {  	v32 =	vadd.f32 $5.500000000e+00, v1;
	[tilespmem:$0x1FFB0] =	vst v1;
	v1 =	vcvt.f32.s32 v53;
	v42 =	vmul.f32 v42, v5  }
0x698: {  	v60 =	vadd.f32 $5.500000000e+00, v19;
	v55 =	vcvt.f32.s32 v46;
	v54 =	vadd.f32 v26, v54  }
0x699: {  	s26 =	simm.s32 $0x300;
	s28 =	simm.s32 $0x180;
	v45 =	vmax.f32 v45, $0.0e+00;
	v46 =	vmul.f32 $3.723636470e+02, v32;
	[tilespmem:$0x1FFC0] =	vst v1;
	v42 =	vsub.f32 v42, v56  }
0x69a: {  	s5 =	sand.u32 $0x800, s26;
	s7 =	sand.u32 $0x380, s28;
	v28 =	vmul.f32 v14, v5;
	v45 =	vmin.f32 v45, $4.095000000e+03;
	[tilespmem:s15+$0x15190] =	vst v54;
	v61 =	vmul.f32 v58, v5  }
0x69b: {  	s18 =	sor.u32 s7, s5;
	v46 =	vmax.f32 v46, $0.0e+00;
	v63 =	vld.idx.msk [tilespmem:v57+s19+$0x0], $0xffff;
	v57 =	vadd.s32 v27, v6;
	v27 =	vadd.f32 v42, v30  }
0x69c: {  	v62 =	vmul.f32 $3.723636470e+02, v60;
	v60 =	vmin.f32 v46, $4.095000000e+03;
	v46 =	vld [tilespmem:s18+$0x13180];
	v0 =	vsub.f32 v61, v0  }
0x69d: {  	v58 =	vadd.f32 $5.500000000e+00, v18;
	v30 =	vtrunc.f32 v45;
	v45 =	vtrunc.f32 v60;
	[tilespmem:s8+$0x151D0] =	vst v27  }
0x69e: {  	v54 =	vmul.f32 v44, v5;
	v27 =	vcvt.f32.s32 v45;
	v0 =	vadd.f32 v0, v20;
	v45 =	vld.idx.msk [tilespmem:v34+s19+$0x0], $0xffff  }
0x69f: {  	v30 =	vcvt.f32.s32 v30;
	v42 =	vmul.f32 $3.723636470e+02, v58;
	v58 =	vadd.s32 v39, v6  }
0x6a0: {  	v20 =	vmax.f32 v62, $0.0e+00;
	v62 =	vmul.f32 v63, v5;
	[tilespmem:s4+$0x15590] =	vst v0;
	v0 =	vmul.f32 v41, v5  }
0x6a1: {  	v60 =	vadd.f32 $5.500000000e+00, v46;
	v63 =	vadd.f32 $5.500000000e+00, v14;
	v61 =	vmin.f32 v20, $4.095000000e+03;
	v56 =	vld.idx.msk [tilespmem:v57+s19+$0x0], $0xffff  }
0x6a2: {  	v34 =	vtrunc.f32 v61;
	v57 =	vadd.s32 v59, v6;
	v0 =	vsub.f32 v62, v0  }
0x6a3: {  	v42 =	vmax.f32 v42, $0.0e+00;
	v61 =	vmul.f32 v37, v5;
	v45 =	vmul.f32 v45, v5  }
0x6a4: {  	v60 =	vmul.f32 $3.723636470e+02, v60;
	v53 =	vmul.f32 $3.723636470e+02, v63;
	v0 =	vadd.f32 v0, v41  }
0x6a5: {  	v63 =	vmul.f32 v25, v5;
	v62 =	vmin.f32 v42, $4.095000000e+03;
	v45 =	vsub.f32 v45, v61  }
0x6a6: {  	v1 =	vtrunc.f32 v62;
	v61 =	vmax.f32 v60, $0.0e+00;
	v56 =	vmul.f32 v56, v5;
	[tilespmem:s15+$0x151A0] =	vst v0  }
0x6a7: {  	v0 =	vadd.s32 v33, v6;
	v33 =	vmin.f32 v61, $4.095000000e+03;
	v57 =	vld.idx.msk [tilespmem:v57+s19+$0x0], $0xffff;
	v37 =	vadd.f32 v45, v37;
	[tilespmem:$0x1FFD0] =	vst v1  }
0x6a8: {  	v34 =	vcvt.f32.s32 v34;
	v33 =	vtrunc.f32 v33;
	v42 =	vsub.f32 v56, v63;
	v56 =	vld [tilespmem:s18+$0x13190]  }
0x6a9: {  	v2 =	vadd.s32 v2, v6;
	v59 =	vmul.f32 v36, v5;
	[tilespmem:s8+$0x151E0] =	vst v37;
	v37 =	vcvt.f32.s32 v33  }
0x6aa: {  	v41 =	vmul.f32 v43, v5;
	v60 =	vmul.f32 v48, v5;
	v25 =	vadd.f32 v42, v25;
	v58 =	vld.idx.msk [tilespmem:v58+s19+$0x0], $0xffff  }
0x6ab: {  	v61 =	vadd.s32 v31, v6;
	v45 =	vmax.f32 v29, $0.0e+00;
	v39 =	vld [tilespmem:s18+$0x131A0];
	v37 =	vadd.s32 v37, v6  }
0x6ac: {  	v1 =	vmax.f32 v53, $0.0e+00;
	v62 =	vmin.f32 v45, $4.095000000e+03;
	[tilespmem:s4+$0x155A0] =	vst v25;
	v63 =	vmul.f32 v57, v5  }
0x6ad: {  	v33 =	vmax.f32 v40, $0.0e+00;
	v40 =	vld [tilespmem:s18+$0x131B0];
	v32 =	vtrunc.f32 v62;
	[tilespmem:$0x1FFE0] =	vst v1;
	v31 =	vadd.f32 $5.500000000e+00, v56  }
0x6ae: {  	v53 =	vmul.f32 v35, v5;
	v62 =	vcvt.f32.s32 v32;
	v0 =	vld.idx.msk [tilespmem:v0+s19+$0x0], $0xffff;
	v45 =	vsub.f32 v63, v41  }
0x6af: {  	v55 =	vadd.s32 v55, v6;
	v42 =	vld [tilespmem:s18+$0x131C0];
	v58 =	vmul.f32 v58, v5;
	v3 =	vmul.f32 $3.723636470e+02, v31  }
0x6b0: {  	v32 =	vadd.s32 v38, v6;
	v63 =	vadd.f32 $5.500000000e+00, v39;
	v43 =	vadd.f32 v45, v43;
	v37 =	vld.idx.msk [tilespmem:v37+s19+$0x0], $0xffff  }
0x6b1: {  	v57 =	vmul.f32 v47, v5;
	v58 =	vsub.f32 v58, v53;
	v3 =	vmax.f32 v3, $0.0e+00  }
0x6b2: {  	v41 =	vld [tilespmem:s18+$0x131D0];
	v45 =	vadd.f32 $5.500000000e+00, v40;
	v63 =	vmul.f32 $3.723636470e+02, v63;
	[tilespmem:s15+$0x151B0] =	vst v43;
	v3 =	vmin.f32 v3, $4.095000000e+03  }
0x6b3: {  	v0 =	vmul.f32 v0, v5;
	v2 =	vld.idx.msk [tilespmem:v2+s19+$0x0], $0xffff;
	v35 =	vadd.f32 v58, v35;
	v3 =	vtrunc.f32 v3  }
0x6b4: {  	v53 =	vmul.f32 $3.723636470e+02, v45;
	v58 =	vadd.f32 $5.500000000e+00, v42;
	v3 =	vcvt.f32.s32 v3  }
0x6b5: {  	v0 =	vsub.f32 v0, v59;
	v59 =	vmax.f32 v63, $0.0e+00;
	[tilespmem:s8+$0x151F0] =	vst v35;
	v35 =	vmul.f32 v37, v5  }
0x6b6: {  	v63 =	vmul.f32 v46, v5;
	v58 =	vmul.f32 $3.723636470e+02, v58;
	v59 =	vmin.f32 v59, $4.095000000e+03  }
0x6b7: {  	v32 =	vld.idx.msk [tilespmem:v32+s19+$0x0], $0xffff;
	v3 =	vadd.s32 v3, v6;
	v0 =	vadd.f32 v0, v36;
	v36 =	vadd.f32 $5.500000000e+00, v41  }
0x6b8: {  	v63 =	vsub.f32 v35, v63;
	v59 =	vtrunc.f32 v59;
	v2 =	vmul.f32 v2, v5  }
0x6b9: {  	v43 =	vld [tilespmem:s18+$0x131F0];
	v35 =	vmax.f32 v53, $0.0e+00;
	v59 =	vcvt.f32.s32 v59;
	[tilespmem:s4+$0x155B0] =	vst v0;
	v0 =	vmul.f32 v50, v5  }
0x6ba: {  	v58 =	vmax.f32 v58, $0.0e+00;
	v36 =	vmul.f32 $3.723636470e+02, v36;
	v53 =	vld.idx.msk [tilespmem:v61+s19+$0x0], $0xffff;
	v61 =	vmin.f32 v35, $4.095000000e+03  }
0x6bb: {  	v45 =	vld [tilespmem:s18+$0x131E0];
	v59 =	vadd.s32 v59, v6;
	v0 =	vsub.f32 v2, v0;
	v2 =	vtrunc.f32 v61  }
0x6bc: {  	v17 =	vmovc v4;
	v38 =	vld [tilespmem:s18+$0x13580];
	v61 =	vadd.f32 v63, v46;
	v63 =	vadd.s32 v52, v6;
	v4 =	vmul.f32 v32, v5  }
0x6bd: {  	v36 =	vmax.f32 v36, $0.0e+00;
	v52 =	vcvt.f32.s32 v2;
	v2 =	vmin.f32 v58, $4.095000000e+03  }
0x6be: {  	v31 =	vld [tilespmem:s18+$0x135D0];
	v58 =	vadd.f32 $5.500000000e+00, v43;
	v0 =	vadd.f32 v0, v50;
	[tilespmem:s18+$0x15180] =	vst v61;
	v2 =	vtrunc.f32 v2  }
0x6bf: {  	v36 =	vmin.f32 v36, $4.095000000e+03;
	v4 =	vsub.f32 v4, v57;
	v3 =	vld.idx.msk [tilespmem:v3+s19+$0x0], $0xffff;
	v50 =	vcvt.f32.s32 v2  }
0x6c0: {  	v2 =	vadd.s32 v49, v6;
	v53 =	vmul.f32 v53, v5;
	[tilespmem:s15+$0x151C0] =	vst v0;
	v0 =	vadd.f32 $5.500000000e+00, v45  }
0x6c1: {  	v36 =	vtrunc.f32 v36;
	v4 =	vadd.f32 v4, v47;
	v47 =	vadd.f32 $5.500000000e+00, v38;
	v49 =	vld.idx.msk [tilespmem:v63+s19+$0x0], $0xffff  }
0x6c2: {  	v61 =	vmul.f32 v51, v5;
	v53 =	vsub.f32 v53, v60;
	v0 =	vmul.f32 $3.723636470e+02, v0  }
0x6c3: {  	v37 =	vld [tilespmem:s18+$0x13590];
	v57 =	vadd.f32 $5.500000000e+00, v31;
	[tilespmem:s8+$0x15580] =	vst v4;
	v4 =	vmul.f32 $3.723636470e+02, v58;
	v58 =	vmul.f32 $3.723636470e+02, v47  }
0x6c4: {  	v46 =	vld [tilespmem:s18+$0x135A0];
	v47 =	vcvt.f32.s32 v36;
	v3 =	vmul.f32 v3, v5;
	v60 =	vadd.f32 v53, v48  }
0x6c5: {  	v53 =	vmul.f32 v56, v5;
	v0 =	vmax.f32 v0, $0.0e+00;
	v2 =	vld.idx.msk [tilespmem:v2+s19+$0x0], $0xffff;
	v4 =	vmax.f32 v4, $0.0e+00  }
0x6c6: {  	v35 =	vld [tilespmem:s18+$0x135B0];
	v0 =	vmin.f32 v0, $4.095000000e+03;
	v4 =	vmin.f32 v4, $4.095000000e+03;
	v49 =	vmul.f32 v49, v5  }
0x6c7: {  	v3 =	vsub.f32 v3, v53;
	v0 =	vtrunc.f32 v0;
	v4 =	vtrunc.f32 v4  }
0x6c8: {  	v36 =	vsub.f32 v49, v61;
	v49 =	vadd.f32 $5.500000000e+00, v37;
	v61 =	vmax.f32 v58, $0.0e+00  }
0x6c9: {  	v48 =	vcvt.f32.s32 v0;
	v53 =	vcvt.f32.s32 v4;
	v0 =	vmin.f32 v61, $4.095000000e+03  }
0x6ca: {  	v32 =	vld [tilespmem:s18+$0x135C0];
	v2 =	vmul.f32 v2, v5;
	v4 =	vmul.f32 $3.723636470e+02, v49;
	v49 =	vadd.f32 $5.500000000e+00, v46  }
0x6cb: {  	v3 =	vadd.f32 v3, v56;
	v61 =	vadd.f32 $5.500000000e+00, v35;
	v0 =	vtrunc.f32 v0  }
0x6cc: {  	v2 =	vsub.f32 v2, v54;
	v54 =	vcvt.f32.s32 v0;
	v0 =	vmul.f32 $3.723636470e+02, v49  }
0x6cd: {  	v58 =	vadd.s32 v62, v6;
	v62 =	vadd.f32 v36, v51;
	v4 =	vmax.f32 v4, $0.0e+00  }
0x6ce: {  	v49 =	vmul.f32 $3.723636470e+02, v61;
	v4 =	vmin.f32 v4, $4.095000000e+03;
	v0 =	vmax.f32 v0, $0.0e+00  }
0x6cf: {  	v61 =	vadd.f32 $5.500000000e+00, v32;
	v4 =	vtrunc.f32 v4;
	v0 =	vmin.f32 v0, $4.095000000e+03  }
0x6d0: {  	v51 =	vcvt.f32.s32 v4;
	v4 =	vadd.s32 v9, v6;
	v0 =	vtrunc.f32 v0  }
0x6d1: {  	[tilespmem:s4+$0x155C0] =	vst v60;
	v60 =	vmul.f32 $3.723636470e+02, v61;
	v36 =	vcvt.f32.s32 v0;
	v0 =	vmax.f32 v49, $0.0e+00  }
0x6d2: {  	[tilespmem:s18+$0x15190] =	vst v3;
	v2 =	vadd.f32 v2, v44;
	v56 =	vld.idx.msk [tilespmem:v58+s19+$0x0], $0xffff;
	v44 =	vmul.f32 v21, v5;
	v0 =	vmin.f32 v0, $4.095000000e+03  }
0x6d3: {  	[tilespmem:s15+$0x151D0] =	vst v62;
	v61 =	vld.idx.msk [tilespmem:v59+s19+$0x0], $0xffff;
	v3 =	vmax.f32 v60, $0.0e+00;
	v60 =	vmul.f32 $3.723636470e+02, v57;
	v0 =	vtrunc.f32 v0  }
0x6d4: {  	[tilespmem:s8+$0x15590] =	vst v2;
	v57 =	vld.idx.msk [tilespmem:v55+s19+$0x0], $0xffff;
	v49 =	vmul.f32 v31, v5;
	v59 =	vcvt.f32.s32 v0;
	v0 =	vmin.f32 v3, $4.095000000e+03  }
0x6d5: {  	s7 =	simm.s32 $0x400;
	s5 =	simm.s32 $0x200;
	v63 =	vmovc v7;
	v55 =	vmax.f32 v60, $0.0e+00;
	v60 =	vmul.f32 v24, v5;
	v2 =	vld.idx.msk [tilespmem:v4+s19+$0x0], $0xffff;
	v58 =	vtrunc.f32 v0  }
.LBB2_28:
0x6d6: {  	v8 =	vld [tilespmem:$0x1FF80];
	_ =	sdelay $0x1  }
0x6d7: {  	v9 =	vld [tilespmem:$0x1FF70]  }
0x6d8: {  	s9 =	sand.u32 $0x800, s7;
	s23 =	sand.u32 $0x380, s5;
	v4 =	vmul.f32 v56, v5;
	v16 =	vld [tilespmem:$0x1FF90]  }
0x6d9: {  	v1 =	vadd.s32 v12, v6;
	v15 =	vld [tilespmem:$0x1FFD0];
	s9 =	sor.u32 s23, s9  }
0x6da: {  	v29 =	vmovc v27;
	v27 =	vmovc v19;
	v56 =	vmul.f32 v63, v5;
	v12 =	vmov v34;
	v34 =	vld [tilespmem:s9+$0x131A0];
	v4 =	vsub.f32 v4, v8  }
0x6db: {  	v62 =	vmul.f32 v39, v5;
	v25 =	vmovc v18;
	v18 =	vmovc v63;
	v63 =	vmul.f32 v61, v5;
	v61 =	vld [tilespmem:s9+$0x13180];
	v8 =	vmov v10  }
0x6dc: {  	v19 =	vmovc v17;
	v26 =	vmovc v28;
	v28 =	vmov v49;
	v49 =	vld [tilespmem:s9+$0x13190];
	[tilespmem:$0x1FF80] =	vst v8;
	v4 =	vadd.f32 v4, v9;
	v9 =	vmov v13  }
0x6dd: {  	v57 =	vmul.f32 v57, v5;
	v7 =	vmul.f32 v16, v5;
	v8 =	vld [tilespmem:s9+$0x131B0];
	[tilespmem:$0x1FF70] =	vst v9;
	v9 =	vsub.f32 v63, v62  }
0x6de: {  	v0 =	vmul.f32 v17, v5;
	v17 =	vcvt.f32.s32 v11;
	v52 =	vadd.s32 v52, v6;
	v20 =	vmovc v31;
	v62 =	vld [tilespmem:s9+$0x131C0];
	[tilespmem:s4+$0x155D0] =	vst v4  }
0x6df: {  	v11 =	vmovc v53;
	v31 =	vsub.f32 v57, v60;
	v13 =	vmul.f32 v2, v5;
	v57 =	vld [tilespmem:s9+$0x131D0];
	v4 =	vadd.f32 v9, v39  }
0x6e0: {  	v33 =	vmin.f32 v33, $4.095000000e+03;
	s4 =	smov.u32 s8;
	s8 =	smov.u32 s15;
	s15 =	smov.u32 s18;
	v9 =	vld [tilespmem:$0x1FFA0];
	[tilespmem:$0x1FFA0] =	vst v11  }
0x6e1: {  	v33 =	vtrunc.f32 v33;
	v11 =	vld [tilespmem:$0x1FFC0];
	[tilespmem:s15+$0x151A0] =	vst v4;
	v4 =	vsub.f32 v13, v7;
	v7 =	vmov v58  }
0x6e2: {  	v60 =	vcvt.f32.s32 v33;
	v31 =	vadd.f32 v31, v24;
	[tilespmem:$0x1FFD0] =	vst v7;
	v7 =	vld [tilespmem:$0x1FFE0]  }
0x6e3: {  	v2 =	vadd.s32 v17, v6;
	v17 =	vmovc v54;
	v54 =	vadd.f32 $5.500000000e+00, v49;
	v39 =	vmovc v34;
	v33 =	vadd.f32 $5.500000000e+00, v8  }
0x6e4: {  	v3 =	vmul.f32 v40, v5;
	v53 =	vmul.f32 v23, v5;
	v34 =	vmovc v59;
	v59 =	vadd.f32 $5.500000000e+00, v39;
	v52 =	vld.idx.msk [tilespmem:v52+s19+$0x0], $0xffff  }
0x6e5: {  	v10 =	vmovc v14;
	v24 =	vmovc v45;
	v45 =	vadd.f32 $5.500000000e+00, v61;
	v63 =	vmul.f32 v22, v5;
	[tilespmem:s8+$0x151E0] =	vst v31;
	v31 =	vmul.f32 $3.723636470e+02, v54  }
0x6e6: {  	s18 =	smov.u32 s9;
	[tilespmem:$0x1FFC0] =	vst v17;
	v17 =	vmovc v55;
	v13 =	vmul.f32 $3.723636470e+02, v59;
	v9 =	vadd.s32 v9, v6;
	v14 =	vadd.s32 v11, v6  }
0x6e7: {  	v11 =	vmovc v15;
	v15 =	vmul.f32 $3.723636470e+02, v33;
	v55 =	vmax.f32 v31, $0.0e+00;
	v31 =	vld [tilespmem:s18+$0x135D0];
	v33 =	vmovc v7;
	v7 =	vmul.f32 $3.723636470e+02, v45  }
0x6e8: {  	v4 =	vadd.f32 v4, v16;
	v16 =	vmovc v46;
	v46 =	vadd.s32 v50, v6;
	v54 =	vadd.f32 $5.500000000e+00, v57  }
0x6e9: {  	v13 =	vmax.f32 v13, $0.0e+00;
	v58 =	vmul.f32 v52, v5;
	v7 =	vmax.f32 v7, $0.0e+00  }
0x6ea: {  	v13 =	vmin.f32 v13, $4.095000000e+03;
	v45 =	vadd.f32 $5.500000000e+00, v62;
	v7 =	vmin.f32 v7, $4.095000000e+03  }
0x6eb: {  	v9 =	vld.idx.msk [tilespmem:v9+s19+$0x0], $0xffff;
	[tilespmem:s4+$0x155A0] =	vst v4;
	v3 =	vsub.f32 v58, v3;
	v4 =	vtrunc.f32 v7;
	v7 =	vtrunc.f32 v13  }
0x6ec: {  	v1 =	vld.idx.msk [tilespmem:v1+s19+$0x0], $0xffff;
	v13 =	vmax.f32 v15, $0.0e+00;
	v15 =	vmin.f32 v55, $4.095000000e+03;
	v55 =	vadd.f32 $5.500000000e+00, v31  }
0x6ed: {  	[tilespmem:$0x1FFE0] =	vst v17;
	v17 =	vld [tilespmem:$0x1FFB0];
	v3 =	vadd.f32 v3, v40;
	v4 =	vcvt.f32.s32 v4;
	v59 =	vcvt.f32.s32 v7  }
0x6ee: {  	v7 =	vmin.f32 v13, $4.095000000e+03;
	v13 =	vmul.f32 $3.723636470e+02, v45;
	v45 =	vld [tilespmem:s18+$0x131E0];
	v15 =	vtrunc.f32 v15  }
0x6ef: {  	[tilespmem:$0x1FFB0] =	vst v16;
	v16 =	vld [tilespmem:s18+$0x13580];
	v40 =	vmovc v8;
	v7 =	vtrunc.f32 v7;
	v8 =	vcvt.f32.s32 v15;
	v4 =	vadd.s32 v4, v6  }
0x6f0: {  	v9 =	vmul.f32 v9, v5;
	v52 =	vcvt.f32.s32 v7;
	v7 =	vmax.f32 v13, $0.0e+00;
	v13 =	vld [tilespmem:s18+$0x131F0]  }
0x6f1: {  	v58 =	vld [tilespmem:s18+$0x13590];
	v59 =	vadd.s32 v59, v6;
	v7 =	vmin.f32 v7, $4.095000000e+03;
	v1 =	vmul.f32 v1, v5  }
0x6f2: {  	v8 =	vadd.s32 v8, v6;
	v9 =	vsub.f32 v9, v53;
	v7 =	vtrunc.f32 v7  }
0x6f3: {  	v50 =	vcvt.f32.s32 v7;
	v7 =	vmul.f32 $3.723636470e+02, v54;
	v15 =	vadd.f32 $5.500000000e+00, v45  }
0x6f4: {  	v0 =	vsub.f32 v1, v0;
	v54 =	vmul.f32 v42, v5;
	v9 =	vadd.f32 v9, v23;
	v4 =	vld.idx.msk [tilespmem:v4+s19+$0x0], $0xffff  }
0x6f5: {  	v23 =	vmovc v43;
	[tilespmem:s15+$0x151B0] =	vst v3;
	v3 =	vadd.f32 $5.500000000e+00, v13;
	v1 =	vmax.f32 v7, $0.0e+00;
	v7 =	vmul.f32 $3.723636470e+02, v15  }
0x6f6: {  	v15 =	vadd.f32 $5.500000000e+00, v16;
	v43 =	vmovc v13;
	v13 =	vadd.f32 $5.500000000e+00, v58;
	v46 =	vld.idx.msk [tilespmem:v46+s19+$0x0], $0xffff;
	[tilespmem:s8+$0x151F0] =	vst v9;
	v9 =	vadd.s32 v30, v6  }
0x6f7: {  	v30 =	vmovc v51;
	v1 =	vmin.f32 v1, $4.095000000e+03;
	v51 =	vmul.f32 v61, v5;
	v14 =	vld.idx.msk [tilespmem:v14+s19+$0x0], $0xffff;
	v3 =	vmul.f32 $3.723636470e+02, v3  }
0x6f8: {  	v0 =	vadd.f32 v0, v19;
	v1 =	vtrunc.f32 v1;
	v15 =	vmul.f32 $3.723636470e+02, v15  }
0x6f9: {  	v7 =	vmax.f32 v7, $0.0e+00;
	v13 =	vmul.f32 $3.723636470e+02, v13;
	v4 =	vmul.f32 v4, v5  }
0x6fa: {  	v19 =	vmovc v35;
	v35 =	vld [tilespmem:s18+$0x135B0];
	v1 =	vcvt.f32.s32 v1;
	v7 =	vmin.f32 v7, $4.095000000e+03;
	v3 =	vmax.f32 v3, $0.0e+00  }
0x6fb: {  	v15 =	vmax.f32 v15, $0.0e+00;
	v53 =	vmul.f32 v46, v5;
	v46 =	vld [tilespmem:s18+$0x135A0];
	[tilespmem:s4+$0x155B0] =	vst v0;
	v4 =	vsub.f32 v4, v51  }
0x6fc: {  	v3 =	vmin.f32 v3, $4.095000000e+03;
	v0 =	vtrunc.f32 v7;
	v14 =	vmul.f32 v14, v5;
	v2 =	vld.idx.msk [tilespmem:v2+s19+$0x0], $0xffff  }
0x6fd: {  	v51 =	vadd.s32 v47, v6;
	v47 =	vmovc v1;
	v7 =	vsub.f32 v53, v54;
	v1 =	vadd.f32 v4, v61  }
0x6fe: {  	v3 =	vtrunc.f32 v3;
	v0 =	vcvt.f32.s32 v0;
	v4 =	vsub.f32 v14, v63  }
0x6ff: {  	v53 =	vcvt.f32.s32 v3;
	v14 =	vld [tilespmem:s18+$0x135C0];
	v7 =	vadd.f32 v7, v42;
	v42 =	vmovc v62;
	v62 =	vadd.s32 v29, v6;
	[tilespmem:s18+$0x15180] =	vst v1  }
0x700: {  	v1 =	vmul.f32 v41, v5;
	v3 =	vadd.f32 v4, v22;
	v4 =	vld.idx.msk [tilespmem:v8+s19+$0x0], $0xffff;
	v8 =	vmin.f32 v15, $4.095000000e+03  }
0x701: {  	v22 =	vmovc v38;
	v38 =	vmovc v16;
	v15 =	vadd.f32 $5.500000000e+00, v46;
	[tilespmem:s15+$0x151C0] =	vst v7;
	v2 =	vmul.f32 v2, v5;
	v7 =	vtrunc.f32 v8  }
0x702: {  	v8 =	vadd.f32 $5.500000000e+00, v35;
	v16 =	vld.idx.msk [tilespmem:v51+s19+$0x0], $0xffff;
	[tilespmem:s8+$0x15580] =	vst v3;
	v3 =	vadd.s32 v60, v6;
	v60 =	vmul.f32 v24, v5  }
0x703: {  	v54 =	vcvt.f32.s32 v7;
	v7 =	vmax.f32 v13, $0.0e+00;
	v13 =	vmul.f32 $3.723636470e+02, v15;
	v9 =	vld.idx.msk [tilespmem:v9+s19+$0x0], $0xffff  }
0x704: {  	v2 =	vsub.f32 v2, v56;
	v56 =	vmul.f32 v49, v5;
	v7 =	vmin.f32 v7, $4.095000000e+03  }
0x705: {  	v15 =	vadd.f32 $5.500000000e+00, v14;
	v8 =	vmul.f32 $3.723636470e+02, v8;
	v7 =	vtrunc.f32 v7  }
0x706: {  	v17 =	vmovc v17;
	v13 =	vmax.f32 v13, $0.0e+00;
	v2 =	vadd.f32 v2, v18;
	v4 =	vmul.f32 v4, v5  }
0x707: {  	v51 =	vcvt.f32.s32 v7;
	v7 =	vmin.f32 v13, $4.095000000e+03;
	v16 =	vmul.f32 v16, v5  }
0x708: {  	[tilespmem:$0x1FF90] =	vst v17;
	v7 =	vtrunc.f32 v7;
	v4 =	vsub.f32 v4, v56;
	v9 =	vmul.f32 v9, v5  }
0x709: {  	v17 =	vmovc v27;
	v27 =	vmovc v36;
	v36 =	vcvt.f32.s32 v7;
	v7 =	vadd.s32 v48, v6;
	v1 =	vsub.f32 v16, v1  }
0x70a: {  	p1 =	sne.s32 s7, $0xF00;
	[tilespmem:s4+$0x155C0] =	vst v2;
	v48 =	vmov v0;
	v0 =	vadd.f32 v4, v49;
	v2 =	vsub.f32 v9, v44  }
.Ltmp19:
0x70b: {  	v63 =	vmovc v25;
	v56 =	vld.idx.msk [tilespmem:v3+s19+$0x0], $0xffff;
	v3 =	vmax.f32 v8, $0.0e+00;
	v4 =	vmul.f32 $3.723636470e+02, v15;
	v1 =	vadd.f32 v1, v41;
	(pc) =	sbr.rel @p1 .LBB2_28-.Ltmp19, $4  }
0x70c: {  	v18 =	vmovc v32;
	v49 =	vmul.f32 v31, v5;
	[tilespmem:s18+$0x15190] =	vst v0;
	v0 =	vmin.f32 v3, $4.095000000e+03;
	v2 =	vadd.f32 v2, v21  }
0x70d: {  	s25 =	smov.u32 s7;
	v32 =	vmovc v14;
	v14 =	vmovc v20;
	v3 =	vmax.f32 v4, $0.0e+00;
	v4 =	vmul.f32 $3.723636470e+02, v55;
	v61 =	vld.idx.msk [tilespmem:v59+s19+$0x0], $0xffff;
	v0 =	vtrunc.f32 v0;
	[tilespmem:s15+$0x151D0] =	vst v1  }
0x70e: {  	s25 =	sadd.s32 $0x100, s7;
	v13 =	vmovc v10;
	v41 =	vmovc v57;
	v21 =	vmov v37;
	v59 =	vcvt.f32.s32 v0;
	v0 =	vmin.f32 v3, $4.095000000e+03;
	v57 =	vld.idx.msk [tilespmem:v7+s19+$0x0], $0xffff;
	[tilespmem:s8+$0x15590] =	vst v2  }
0x70f: {  	s5 =	sadd.s32 $0x80, s5;
	s7 =	smov.u32 s25;
	v10 =	vmovc v26;
	v37 =	vmovc v58;
	v44 =	vmul.f32 v21, v5;
	v55 =	vmax.f32 v4, $0.0e+00;
	v58 =	vtrunc.f32 v0;
	v2 =	vld.idx.msk [tilespmem:v62+s19+$0x0], $0xffff  }
0x710: {  	_ =	sdelay $0x1  }
0x711: {  	v0 =	vmul.f32 v39, v5;
	v1 =	vmul.f32 v61, v5;
	_ =	sdelay $0x1  }
0x712: {  	v3 =	vadd.s32 v52, v6;
	v0 =	vsub.f32 v1, v0;
	_ =	sdelay $0x1  }
0x713: {  	v0 =	vadd.f32 v0, v39;
	_ =	sdelay $0x1  }
0x714: {  	[tilespmem:s18+$0x151A0] =	vst v0  }
0x715: {  	v0 =	vld.idx.msk [tilespmem:v3+s19+$0x0], $0xffff;
	_ =	sdelay $0x4  }
0x716: {  	v25 =	vmul.f32 v40, v5;
	v0 =	vmul.f32 v0, v5;
	_ =	sdelay $0x1  }
0x717: {  	v3 =	vadd.s32 v50, v6;
	v0 =	vsub.f32 v0, v25;
	_ =	sdelay $0x1  }
0x718: {  	v0 =	vadd.f32 v0, v40;
	_ =	sdelay $0x1  }
0x719: {  	[tilespmem:s18+$0x151B0] =	vst v0  }
0x71a: {  	v0 =	vld.idx.msk [tilespmem:v3+s19+$0x0], $0xffff;
	_ =	sdelay $0x4  }
0x71b: {  	v26 =	vmul.f32 v42, v5;
	v0 =	vmul.f32 v0, v5;
	_ =	sdelay $0x1  }
0x71c: {  	v29 =	vadd.s32 v47, v6;
	v0 =	vsub.f32 v0, v26;
	_ =	sdelay $0x1  }
0x71d: {  	v0 =	vadd.f32 v0, v42;
	_ =	sdelay $0x1  }
0x71e: {  	[tilespmem:s18+$0x151C0] =	vst v0  }
0x71f: {  	v0 =	vld.idx.msk [tilespmem:v29+s19+$0x0], $0xffff;
	_ =	sdelay $0x4  }
0x720: {  	v39 =	vmul.f32 v41, v5;
	v0 =	vmul.f32 v0, v5;
	_ =	sdelay $0x1  }
0x721: {  	v40 =	vadd.s32 v48, v6;
	v0 =	vsub.f32 v0, v39;
	_ =	sdelay $0x1  }
0x722: {  	v0 =	vadd.f32 v0, v41;
	_ =	sdelay $0x1  }
0x723: {  	[tilespmem:s18+$0x151D0] =	vst v0  }
0x724: {  	v0 =	vld.idx.msk [tilespmem:v40+s19+$0x0], $0xffff  }
0x725: {  	v3 =	vld [tilespmem:$0x1FFA0];
	_ =	sdelay $0x2  }
0x726: {  	v42 =	vmul.f32 v57, v5  }
0x727: {  	v4 =	vmul.f32 v45, v5;
	v0 =	vmul.f32 v0, v5  }
0x728: {  	v1 =	vsub.f32 v42, v60;
	v3 =	vadd.s32 v3, v6  }
0x729: {  	v0 =	vsub.f32 v0, v4;
	v4 =	vadd.s32 v53, v6  }
0x72a: {  	v1 =	vadd.f32 v1, v24  }
0x72b: {  	v0 =	vadd.f32 v0, v45  }
0x72c: {  	[tilespmem:s15+$0x151E0] =	vst v1  }
0x72d: {  	v1 =	vld.idx.msk [tilespmem:v3+s19+$0x0], $0xffff;
	[tilespmem:s18+$0x151E0] =	vst v0  }
0x72e: {  	v0 =	vld.idx.msk [tilespmem:v4+s19+$0x0], $0xffff  }
0x72f: {  	v4 =	vld [tilespmem:$0x1FFC0];
	_ =	sdelay $0x3  }
0x730: {  	v3 =	vmul.f32 v23, v5;
	v1 =	vmul.f32 v1, v5  }
0x731: {  	v4 =	vadd.s32 v4, v6  }
0x732: {  	v1 =	vsub.f32 v1, v3;
	v3 =	vmul.f32 v43, v5;
	v0 =	vmul.f32 v0, v5;
	_ =	sdelay $0x1  }
0x733: {  	v7 =	vadd.s32 v54, v6;
	v1 =	vadd.f32 v1, v23;
	v0 =	vsub.f32 v0, v3;
	_ =	sdelay $0x1  }
0x734: {  	[tilespmem:s15+$0x151F0] =	vst v1;
	v0 =	vadd.f32 v0, v43  }
0x735: {  	v1 =	vld.idx.msk [tilespmem:v4+s19+$0x0], $0xffff  }
0x736: {  	[tilespmem:s18+$0x151F0] =	vst v0  }
0x737: {  	v0 =	vld.idx.msk [tilespmem:v7+s19+$0x0], $0xffff;
	_ =	sdelay $0x2  }
0x738: {  	v3 =	vmul.f32 v22, v5;
	v1 =	vmul.f32 v1, v5;
	_ =	sdelay $0x1  }
0x739: {  	v1 =	vsub.f32 v1, v3;
	v3 =	vmul.f32 v38, v5;
	v0 =	vmul.f32 v0, v5  }
0x73a: {  	v4 =	vadd.s32 v30, v6  }
0x73b: {  	v7 =	vadd.s32 v51, v6;
	v0 =	vsub.f32 v0, v3  }
0x73c: {  	v1 =	vadd.f32 v1, v22  }
0x73d: {  	v0 =	vadd.f32 v0, v38  }
0x73e: {  	[tilespmem:s15+$0x15580] =	vst v1  }
0x73f: {  	v1 =	vld.idx.msk [tilespmem:v4+s19+$0x0], $0xffff;
	[tilespmem:s18+$0x15580] =	vst v0  }
0x740: {  	v0 =	vld.idx.msk [tilespmem:v7+s19+$0x0], $0xffff;
	_ =	sdelay $0x3  }
0x741: {  	v1 =	vmul.f32 v1, v5  }
0x742: {  	v4 =	vmul.f32 v37, v5;
	v0 =	vmul.f32 v0, v5  }
0x743: {  	v1 =	vsub.f32 v1, v44  }
0x744: {  	v0 =	vsub.f32 v0, v4  }
0x745: {  	v1 =	vadd.f32 v1, v21  }
0x746: {  	v3 =	vadd.s32 v27, v6;
	v0 =	vadd.f32 v0, v37  }
0x747: {  	[tilespmem:s15+$0x15590] =	vst v1  }
0x748: {  	[tilespmem:s18+$0x15590] =	vst v0  }
0x749: {  	v7 =	vadd.s32 v36, v6;
	v9 =	vld [tilespmem:$0x1FF90];
	_ =	sdelay $0x1  }
0x74a: {  	v1 =	vld.idx.msk [tilespmem:v3+s19+$0x0], $0xffff  }
0x74b: {  	v8 =	vld [tilespmem:$0x1FFB0];
	_ =	sdelay $0x1  }
0x74c: {  	v2 =	vmul.f32 v2, v5;
	v3 =	vld.idx.msk [tilespmem:v7+s19+$0x0], $0xffff;
	v45 =	vmul.f32 v9, v5;
	_ =	sdelay $0x1  }
0x74d: {  	v4 =	vadd.s32 v12, v6;
	v0 =	vsub.f32 v2, v45  }
0x74e: {  	v1 =	vmul.f32 v1, v5;
	v47 =	vmul.f32 v8, v5  }
0x74f: {  	v48 =	vmul.f32 v46, v5;
	v0 =	vadd.f32 v0, v9  }
0x750: {  	v7 =	vadd.s32 v34, v6;
	v3 =	vmul.f32 v3, v5;
	v1 =	vsub.f32 v1, v47  }
0x751: {  	[tilespmem:s8+$0x155A0] =	vst v0  }
0x752: {  	v2 =	vsub.f32 v3, v48;
	v1 =	vadd.f32 v1, v8;
	v0 =	vld.idx.msk [tilespmem:v4+s19+$0x0], $0xffff;
	v4 =	vadd.s32 v59, v6;
	_ =	sdelay $0x1  }
0x753: {  	v50 =	vadd.f32 v2, v46;
	[tilespmem:s15+$0x155A0] =	vst v1  }
0x754: {  	v51 =	vld.idx.msk [tilespmem:v7+s19+$0x0], $0xffff  }
0x755: {  	[tilespmem:s18+$0x155A0] =	vst v50  }
0x756: {  	v3 =	vld.idx.msk [tilespmem:v4+s19+$0x0], $0xffff  }
0x757: {  	v52 =	vmul.f32 v17, v5;
	v53 =	vld [tilespmem:$0x1FFD0]  }
0x758: {  	v0 =	vmul.f32 v0, v5;
	v4 =	vcvt.f32.s32 v11  }
0x759: {  	v7 =	vmul.f32 v19, v5;
	v2 =	vmul.f32 v51, v5  }
0x75a: {  	v8 =	vmul.f32 v35, v5;
	v0 =	vsub.f32 v0, v52;
	v4 =	vadd.s32 v4, v6  }
0x75b: {  	v2 =	vsub.f32 v2, v7;
	v7 =	vcvt.f32.s32 v58;
	v3 =	vmul.f32 v3, v5  }
0x75c: {  	v1 =	vcvt.f32.s32 v53  }
0x75d: {  	v0 =	vadd.f32 v0, v17;
	v57 =	vadd.s32 v7, v6;
	v3 =	vsub.f32 v3, v8  }
0x75e: {  	v1 =	vadd.s32 v1, v6  }
0x75f: {  	[tilespmem:s8+$0x155B0] =	vst v0;
	v58 =	vadd.f32 v3, v35  }
0x760: {  	v54 =	vadd.f32 v2, v19;
	v4 =	vld.idx.msk [tilespmem:v4+s19+$0x0], $0xffff  }
0x761: {  	[tilespmem:s18+$0x155B0] =	vst v58  }
0x762: {  	[tilespmem:s15+$0x155B0] =	vst v54;
	v2 =	vld.idx.msk [tilespmem:v57+s19+$0x0], $0xffff  }
0x763: {  	v1 =	vld.idx.msk [tilespmem:v1+s19+$0x0], $0xffff  }
0x764: {  	v61 =	vmul.f32 v32, v5  }
0x765: {  	v60 =	vmin.f32 v55, $4.095000000e+03;
	v59 =	vmul.f32 v63, v5;
	v4 =	vmul.f32 v4, v5;
	v7 =	vld [tilespmem:$0x1FFE0]  }
0x766: {  	v9 =	vtrunc.f32 v60;
	v8 =	vmul.f32 v18, v5;
	v3 =	vmin.f32 v33, $4.095000000e+03  }
0x767: {  	v0 =	vsub.f32 v4, v59;
	v4 =	vcvt.f32.s32 v9;
	v2 =	vmul.f32 v2, v5  }
0x768: {  	v3 =	vtrunc.f32 v3;
	v1 =	vmul.f32 v1, v5  }
0x769: {  	v3 =	vcvt.f32.s32 v3;
	v4 =	vadd.s32 v4, v6;
	v2 =	vsub.f32 v2, v61  }
0x76a: {  	v1 =	vsub.f32 v1, v8;
	v0 =	vadd.f32 v0, v63;
	v7 =	vmin.f32 v7, $4.095000000e+03  }
0x76b: {  	v7 =	vtrunc.f32 v7;
	v62 =	vadd.f32 v2, v32  }
0x76c: {  	v3 =	vadd.s32 v3, v6;
	v1 =	vadd.f32 v1, v18;
	[tilespmem:s8+$0x155C0] =	vst v0;
	v7 =	vcvt.f32.s32 v7  }
0x76d: {  	[tilespmem:s18+$0x155C0] =	vst v62  }
0x76e: {  	[tilespmem:s15+$0x155C0] =	vst v1;
	v7 =	vadd.s32 v7, v6;
	v0 =	vld.idx.msk [tilespmem:v4+s19+$0x0], $0xffff  }
0x76f: {  	v4 =	vld [tilespmem:$0x1FF80];
	_ =	sdelay $0x1  }
0x770: {  	v63 =	vld.idx.msk [tilespmem:v3+s19+$0x0], $0xffff  }
0x771: {  	v3 =	vmul.f32 v56, v5  }
0x772: {  	v1 =	vld.idx.msk [tilespmem:v7+s19+$0x0], $0xffff  }
0x773: {  	v3 =	vsub.f32 v3, v4;
	v4 =	vld [tilespmem:$0x1FF70];
	_ =	sdelay $0x1  }
0x774: {  	v2 =	vmul.f32 v63, v5  }
0x775: {  	v0 =	vmul.f32 v0, v5  }
0x776: {  	v2 =	vsub.f32 v2, v10;
	v1 =	vmul.f32 v1, v5  }
0x777: {  	v0 =	vsub.f32 v0, v49;
	v3 =	vadd.f32 v3, v4  }
0x778: {  	p1 =	sne.s32 s24, $0x6;
	v2 =	vadd.f32 v2, v13;
	v1 =	vsub.f32 v1, v28  }
.Ltmp20:
0x779: {  	v0 =	vadd.f32 v0, v31;
	[tilespmem:s4+$0x155D0] =	vst v3;
	s4 =	sshll.u32 s24, $0xD;
	(pc) =	sbr.rel @p1 .LBB2_31-.Ltmp20, $4  }
0x77a: {  	[tilespmem:s8+$0x155D0] =	vst v2;
	v1 =	vadd.f32 v1, v14;
	s5 =	sadd.s32 s29, s4  }
0x77b: {  	[tilespmem:s18+$0x155D0] =	vst v0;
	s5 =	sshrl.u32 s5, $0x3  }
0x77c: {  	[tilespmem:s15+$0x155D0] =	vst v1;
	s5 =	sadd.s32 s2, s5  }
0x77d: {  	[hbm4b:s5+s3] =	stream.linear.scatter [tilespmem:s20], [sflag:$0x3], $0x1000, $0x38;
	[tilespmem:$0x17280] =	vst v63  }
.Ltmp21:
0x77e: {  	(pc) =	sbr.rel .LBB2_32-.Ltmp21, $4  }
0x77f: {  	_ = 	snop  }
0x780: {  	_ =	swait.ge [sflag:s14], $0x1000  }
0x781: {  	[sflag:s14] =	ssyncset.done $0x0  }
0x782: {  	[sflag:s14] =	ssyncadd.s32 $0xFFFFF000  }
.LBB2_31:
0x783: {  	s5 =	sadd.s32 s4, s30  }
0x784: {  	s5 =	sshrl.u32 s5, $0x3  }
.Ltmp22:
0x785: {  	s5 =	sadd.s32 s1, s5;
	(pc) =	sbr.rel @p0 .LBB2_33-.Ltmp22, $4  }
0x786: {  	[tilespmem:s11], [sflag:$0x1] =	stream.linear.gather [hbm4b:s5+s3], $0x1000, $0x38;
	[tilespmem:$0x17280] =	vst v63  }
0x787: {  	_ =	swait.ge [sflag:s14], $0x1000  }
0x788: {  	[sflag:s14] =	ssyncset.done $0x0  }
0x789: {  	[sflag:s14] =	ssyncadd.s32 $0xFFFFF000  }
.LBB2_32:
0x78a: {  	_ =	swait.ge [sflag:s21], $0x1000  }
0x78b: {  	[sflag:s21] =	ssyncset.done $0x0  }
0x78c: {  	[sflag:s21] =	ssyncadd.s32 $0xFFFFF000  }
.LBB2_33:
0x78d: {  	s5 =	simm.s32 $0x0  }
0x78e: {  	s7 =	sand.u32 $0x800, s5;
	s5 =	sand.u32 $0x380, s5  }
0x78f: {  	s8 =	sor.u32 s5, s7  }
0x790: {  	v0 =	vld [tilespmem:s8+$0x14180];
	_ =	sdelay $0x4  }
0x791: {  	v1 =	vadd.f32 $5.500000000e+00, v0;
	_ =	sdelay $0x1  }
0x792: {  	v1 =	vmul.f32 $3.723636470e+02, v1;
	_ =	sdelay $0x1  }
0x793: {  	v1 =	vmax.f32 v1, $0.0e+00  }
0x794: {  	v1 =	vmin.f32 v1, $4.095000000e+03  }
0x795: {  	v1 =	vtrunc.f32 v1  }
0x796: {  	v2 =	vld [tilespmem:s8+$0x14190];
	v1 =	vcvt.f32.s32 v1;
	_ =	sdelay $0x1  }
0x797: {  	v1 =	vadd.s32 v1, v6;
	_ =	sdelay $0x2  }
0x798: {  	v3 =	vadd.f32 $5.500000000e+00, v2;
	_ =	sdelay $0x1  }
0x799: {  	v3 =	vmul.f32 $3.723636470e+02, v3;
	v1 =	vld.idx.msk [tilespmem:v1+s19+$0x0], $0xffff;
	_ =	sdelay $0x1  }
0x79a: {  	v3 =	vmax.f32 v3, $0.0e+00  }
0x79b: {  	v3 =	vmin.f32 v3, $4.095000000e+03  }
0x79c: {  	v8 =	vmul.f32 v0, v5;
	v3 =	vtrunc.f32 v3  }
0x79d: {  	v4 =	vld [tilespmem:s8+$0x141A0];
	v3 =	vcvt.f32.s32 v3;
	v1 =	vmul.f32 v1, v5;
	_ =	sdelay $0x1  }
0x79e: {  	v3 =	vadd.s32 v3, v6;
	v1 =	vsub.f32 v1, v8;
	_ =	sdelay $0x1  }
0x79f: {  	v0 =	vadd.f32 v1, v0  }
0x7a0: {  	v8 =	vadd.f32 $5.500000000e+00, v4  }
0x7a1: {  	v9 =	vld [tilespmem:s8+$0x141B0];
	[tilespmem:s8+$0x16180] =	vst v0  }
0x7a2: {  	v1 =	vmul.f32 $3.723636470e+02, v8;
	v0 =	vld.idx.msk [tilespmem:v3+s19+$0x0], $0xffff  }
0x7a3: {  	v15 =	vld [tilespmem:s8+$0x141C0]  }
0x7a4: {  	v1 =	vmax.f32 v1, $0.0e+00  }
0x7a5: {  	v1 =	vmin.f32 v1, $4.095000000e+03  }
0x7a6: {  	v13 =	vld [tilespmem:s8+$0x141D0];
	v8 =	vmul.f32 v2, v5;
	v3 =	vadd.f32 $5.500000000e+00, v9;
	v1 =	vtrunc.f32 v1  }
0x7a7: {  	v14 =	vld [tilespmem:s8+$0x141E0];
	v1 =	vcvt.f32.s32 v1;
	v0 =	vmul.f32 v0, v5  }
0x7a8: {  	v10 =	vadd.f32 $5.500000000e+00, v15;
	v3 =	vmul.f32 $3.723636470e+02, v3  }
0x7a9: {  	v16 =	vld [tilespmem:s8+$0x141F0];
	v1 =	vadd.s32 v1, v6;
	v0 =	vsub.f32 v0, v8  }
0x7aa: {  	v26 =	vld [tilespmem:s8+$0x14580];
	v3 =	vmax.f32 v3, $0.0e+00;
	v8 =	vmul.f32 $3.723636470e+02, v10  }
0x7ab: {  	v3 =	vmin.f32 v3, $4.095000000e+03;
	v10 =	vadd.f32 $5.500000000e+00, v13;
	v0 =	vadd.f32 v0, v2  }
0x7ac: {  	v2 =	vtrunc.f32 v3;
	v3 =	vmax.f32 v8, $0.0e+00;
	v8 =	vadd.f32 $5.500000000e+00, v14  }
0x7ad: {  	v10 =	vmul.f32 $3.723636470e+02, v10;
	v2 =	vcvt.f32.s32 v2;
	v3 =	vmin.f32 v3, $4.095000000e+03;
	[tilespmem:s8+$0x16190] =	vst v0  }
0x7ae: {  	v0 =	vtrunc.f32 v3;
	v3 =	vadd.f32 $5.500000000e+00, v16;
	v8 =	vmul.f32 $3.723636470e+02, v8;
	v1 =	vld.idx.msk [tilespmem:v1+s19+$0x0], $0xffff  }
0x7af: {  	s9 =	simm.s32 $0x100;
	s15 =	simm.s32 $0x80;
	v20 =	vld [tilespmem:s8+$0x14590];
	v11 =	vcvt.f32.s32 v0;
	v0 =	vmax.f32 v10, $0.0e+00;
	v10 =	vadd.f32 $5.500000000e+00, v26  }
0x7b0: {  	s5 =	sand.u32 $0x800, s9;
	s7 =	sand.u32 $0x380, s15;
	v0 =	vmin.f32 v0, $4.095000000e+03;
	v3 =	vmul.f32 $3.723636470e+02, v3;
	v8 =	vmax.f32 v8, $0.0e+00  }
0x7b1: {  	v25 =	vld [tilespmem:s8+$0x145A0];
	s25 =	sor.u32 s7, s5;
	v0 =	vtrunc.f32 v0;
	v10 =	vmul.f32 $3.723636470e+02, v10;
	v8 =	vmin.f32 v8, $4.095000000e+03  }
0x7b2: {  	v24 =	vld [tilespmem:s25+$0x14180];
	v23 =	vcvt.f32.s32 v0;
	v0 =	vtrunc.f32 v8;
	v3 =	vmax.f32 v3, $0.0e+00  }
0x7b3: {  	v8 =	vmul.f32 v4, v5;
	v3 =	vmin.f32 v3, $4.095000000e+03;
	v1 =	vmul.f32 v1, v5  }
0x7b4: {  	v12 =	vadd.f32 $5.500000000e+00, v20;
	v2 =	vadd.s32 v2, v6;
	v3 =	vtrunc.f32 v3  }
0x7b5: {  	v10 =	vmax.f32 v10, $0.0e+00;
	v36 =	vcvt.f32.s32 v3;
	v1 =	vsub.f32 v1, v8  }
0x7b6: {  	v3 =	vmin.f32 v10, $4.095000000e+03;
	v10 =	vmul.f32 $3.723636470e+02, v12;
	v8 =	vadd.f32 $5.500000000e+00, v25  }
0x7b7: {  	v3 =	vtrunc.f32 v3;
	v1 =	vadd.f32 v1, v4;
	v4 =	vadd.f32 $5.500000000e+00, v24  }
0x7b8: {  	v7 =	vld [tilespmem:s8+$0x145D0];
	v19 =	vcvt.f32.s32 v3  }
0x7b9: {  	v32 =	vld [tilespmem:s8+$0x145B0];
	v3 =	vmax.f32 v10, $0.0e+00;
	v8 =	vmul.f32 $3.723636470e+02, v8;
	[tilespmem:s8+$0x161A0] =	vst v1;
	v1 =	vmul.f32 $3.723636470e+02, v4  }
0x7ba: {  	v22 =	vld [tilespmem:s25+$0x141A0];
	v28 =	vmul.f32 v9, v5;
	v39 =	vmul.f32 v15, v5;
	v3 =	vmin.f32 v3, $4.095000000e+03  }
0x7bb: {  	v3 =	vtrunc.f32 v3;
	v8 =	vmax.f32 v8, $0.0e+00;
	v2 =	vld.idx.msk [tilespmem:v2+s19+$0x0], $0xffff;
	v1 =	vmax.f32 v1, $0.0e+00  }
0x7bc: {  	v48 =	vld [tilespmem:s8+$0x145C0];
	v18 =	vcvt.f32.s32 v3;
	v8 =	vmin.f32 v8, $4.095000000e+03;
	v1 =	vmin.f32 v1, $4.095000000e+03  }
0x7bd: {  	v3 =	vtrunc.f32 v8;
	v1 =	vtrunc.f32 v1  }
0x7be: {  	v27 =	vcvt.f32.s32 v3;
	v3 =	vld [tilespmem:s25+$0x14190];
	v1 =	vcvt.f32.s32 v1  }
0x7bf: {  	v12 =	vadd.f32 $5.500000000e+00, v32;
	v10 =	vadd.f32 $5.500000000e+00, v7;
	[tilespmem:$0x1FEF0] =	vst v7;
	v7 =	vmul.f32 v7, v5  }
0x7c0: {  	v31 =	vadd.f32 $5.500000000e+00, v22;
	v2 =	vmul.f32 v2, v5;
	v1 =	vadd.s32 v1, v6  }
0x7c1: {  	v38 =	vmul.f32 v24, v5;
	v4 =	vmul.f32 $3.723636470e+02, v12;
	v12 =	vadd.f32 $5.500000000e+00, v48;
	[tilespmem:$0x1FF00] =	vst v7  }
0x7c2: {  	v11 =	vadd.s32 v11, v6;
	v29 =	vmul.f32 $3.723636470e+02, v10;
	v21 =	vld [tilespmem:s25+$0x141B0];
	v2 =	vsub.f32 v2, v28  }
0x7c3: {  	v4 =	vmax.f32 v4, $0.0e+00;
	v12 =	vmul.f32 $3.723636470e+02, v12;
	v37 =	vld [tilespmem:s25+$0x141E0];
	v33 =	vadd.f32 $5.500000000e+00, v3  }
0x7c4: {  	v10 =	vmul.f32 $3.723636470e+02, v31;
	v4 =	vmin.f32 v4, $4.095000000e+03;
	v35 =	vld [tilespmem:s25+$0x141F0];
	v2 =	vadd.f32 v2, v9  }
0x7c5: {  	v4 =	vtrunc.f32 v4;
	v12 =	vmax.f32 v12, $0.0e+00;
	v34 =	vmul.f32 $3.723636470e+02, v33;
	v1 =	vld.idx.msk [tilespmem:v1+s19+$0x0], $0xffff  }
0x7c6: {  	v0 =	vcvt.f32.s32 v0;
	v44 =	vld [tilespmem:s25+$0x14590];
	v9 =	vmin.f32 v12, $4.095000000e+03;
	v33 =	vcvt.f32.s32 v4;
	[tilespmem:s8+$0x161B0] =	vst v2  }
0x7c7: {  	v4 =	vmax.f32 v10, $0.0e+00;
	v31 =	vtrunc.f32 v9;
	v9 =	vmax.f32 v34, $0.0e+00;
	v10 =	vld.idx.msk [tilespmem:v11+s19+$0x0], $0xffff  }
0x7c8: {  	v23 =	vadd.s32 v23, v6;
	v0 =	vadd.s32 v0, v6;
	v28 =	vld [tilespmem:s25+$0x141C0];
	v9 =	vmin.f32 v9, $4.095000000e+03  }
0x7c9: {  	v59 =	vmul.f32 v3, v5;
	v12 =	vadd.f32 $5.500000000e+00, v21;
	v51 =	vtrunc.f32 v9  }
0x7ca: {  	v30 =	vld [tilespmem:s25+$0x141D0];
	v41 =	vadd.f32 $5.500000000e+00, v37;
	v34 =	vcvt.f32.s32 v51;
	v1 =	vmul.f32 v1, v5  }
0x7cb: {  	v4 =	vmin.f32 v4, $4.095000000e+03;
	v53 =	vadd.f32 $5.500000000e+00, v35;
	v58 =	vadd.f32 $5.500000000e+00, v44  }
0x7cc: {  	v34 =	vadd.s32 v34, v6;
	v10 =	vmul.f32 v10, v5;
	v1 =	vsub.f32 v1, v38  }
0x7cd: {  	v4 =	vtrunc.f32 v4;
	v2 =	vmul.f32 $3.723636470e+02, v12;
	v11 =	vadd.f32 $5.500000000e+00, v28  }
0x7ce: {  	v47 =	vld [tilespmem:s25+$0x14580];
	v4 =	vcvt.f32.s32 v4;
	v39 =	vsub.f32 v10, v39;
	v1 =	vadd.f32 v1, v24  }
0x7cf: {  	v12 =	vadd.f32 $5.500000000e+00, v30;
	v41 =	vmul.f32 $3.723636470e+02, v41;
	v60 =	vmul.f32 $3.723636470e+02, v58  }
0x7d0: {  	v2 =	vmax.f32 v2, $0.0e+00;
	v11 =	vmul.f32 $3.723636470e+02, v11;
	v15 =	vadd.f32 v39, v15;
	[tilespmem:s25+$0x16180] =	vst v1  }
0x7d1: {  	v40 =	vmul.f32 $3.723636470e+02, v12;
	v57 =	vmax.f32 v41, $0.0e+00;
	v4 =	vadd.s32 v4, v6;
	v55 =	vld.idx.msk [tilespmem:v34+s19+$0x0], $0xffff  }
0x7d2: {  	v2 =	vmin.f32 v2, $4.095000000e+03;
	v11 =	vmax.f32 v11, $0.0e+00;
	v38 =	vmul.f32 $3.723636470e+02, v53;
	[tilespmem:s8+$0x161C0] =	vst v15  }
0x7d3: {  	v40 =	vmax.f32 v40, $0.0e+00;
	v1 =	vadd.f32 $5.500000000e+00, v47;
	v15 =	vmin.f32 v57, $4.095000000e+03;
	v23 =	vld.idx.msk [tilespmem:v23+s19+$0x0], $0xffff  }
0x7d4: {  	v52 =	vmin.f32 v11, $4.095000000e+03;
	v11 =	vld [tilespmem:s25+$0x145A0];
	v38 =	vmax.f32 v38, $0.0e+00;
	v15 =	vtrunc.f32 v15  }
0x7d5: {  	v38 =	vmin.f32 v38, $4.095000000e+03;
	v1 =	vmul.f32 $3.723636470e+02, v1;
	v34 =	vcvt.f32.s32 v15  }
0x7d6: {  	v54 =	vmin.f32 v40, $4.095000000e+03;
	v15 =	vtrunc.f32 v38;
	v40 =	vmul.f32 v55, v5  }
0x7d7: {  	v9 =	vld [tilespmem:s25+$0x145B0];
	v2 =	vtrunc.f32 v2;
	v1 =	vmax.f32 v1, $0.0e+00;
	v39 =	vcvt.f32.s32 v15  }
0x7d8: {  	v15 =	vmul.f32 v13, v5;
	v23 =	vmul.f32 v23, v5;
	v40 =	vsub.f32 v40, v59  }
0x7d9: {  	v2 =	vcvt.f32.s32 v2;
	v61 =	vadd.f32 $5.500000000e+00, v11;
	v1 =	vmin.f32 v1, $4.095000000e+03  }
0x7da: {  	v8 =	vld [tilespmem:s25+$0x145C0];
	v1 =	vtrunc.f32 v1;
	v15 =	vsub.f32 v23, v15;
	v3 =	vadd.f32 v40, v3  }
0x7db: {  	s18 =	simm.s32 $0x200;
	s23 =	simm.s32 $0x100;
	v7 =	vld [tilespmem:s25+$0x145D0];
	[tilespmem:$0x1FF10] =	vst v11;
	v62 =	vmul.f32 $3.723636470e+02, v61;
	v38 =	vcvt.f32.s32 v1  }
0x7dc: {  	s5 =	sand.u32 $0x800, s18;
	s7 =	sand.u32 $0x380, s23;
	v1 =	vmax.f32 v60, $0.0e+00;
	v23 =	vadd.f32 $5.500000000e+00, v9;
	v13 =	vadd.f32 v15, v13;
	[tilespmem:s25+$0x16190] =	vst v3  }
0x7dd: {  	s15 =	sor.u32 s7, s5;
	v56 =	vtrunc.f32 v54;
	v1 =	vmin.f32 v1, $4.095000000e+03;
	v15 =	vmax.f32 v62, $0.0e+00;
	v4 =	vld.idx.msk [tilespmem:v4+s19+$0x0], $0xffff  }
0x7de: {  	v45 =	vld [tilespmem:s15+$0x14180];
	v1 =	vtrunc.f32 v1;
	v3 =	vmul.f32 $3.723636470e+02, v23;
	v15 =	vmin.f32 v15, $4.095000000e+03;
	[tilespmem:s8+$0x161D0] =	vst v13  }
0x7df: {  	v49 =	vcvt.f32.s32 v1;
	v23 =	vadd.f32 $5.500000000e+00, v8;
	v1 =	vtrunc.f32 v15;
	v0 =	vld.idx.msk [tilespmem:v0+s19+$0x0], $0xffff  }
0x7e0: {  	v53 =	vmul.f32 v16, v5;
	v3 =	vmax.f32 v3, $0.0e+00;
	v12 =	vcvt.f32.s32 v1  }
0x7e1: {  	v15 =	vmul.f32 $3.723636470e+02, v23;
	v1 =	vmin.f32 v3, $4.095000000e+03;
	v3 =	vadd.f32 $5.500000000e+00, v7  }
0x7e2: {  	v23 =	vmul.f32 v22, v5;
	v4 =	vmul.f32 v4, v5  }
0x7e3: {  	v46 =	vadd.f32 $5.500000000e+00, v45;
	v1 =	vtrunc.f32 v1;
	v40 =	vmul.f32 $3.723636470e+02, v3  }
0x7e4: {  	v3 =	vmul.f32 v14, v5;
	v0 =	vmul.f32 v0, v5;
	v4 =	vsub.f32 v4, v23  }
0x7e5: {  	v17 =	vmovc v9;
	v2 =	vadd.s32 v2, v6;
	v9 =	vcvt.f32.s32 v1;
	v1 =	vmul.f32 $3.723636470e+02, v46  }
0x7e6: {  	v41 =	vld [tilespmem:s15+$0x141A0];
	v3 =	vsub.f32 v0, v3;
	v4 =	vadd.f32 v4, v22;
	v22 =	vadd.s32 v36, v6  }
0x7e7: {  	v42 =	vcvt.f32.s32 v56;
	v10 =	vmul.f32 v7, v5;
	v43 =	vld [tilespmem:s15+$0x141B0];
	v1 =	vmax.f32 v1, $0.0e+00  }
0x7e8: {  	v24 =	vtrunc.f32 v52;
	v46 =	vld [tilespmem:s15+$0x14190];
	v1 =	vmin.f32 v1, $4.095000000e+03;
	v3 =	vadd.f32 v3, v14  }
0x7e9: {  	v52 =	vmul.f32 v26, v5;
	v50 =	vld [tilespmem:s15+$0x141C0];
	v1 =	vtrunc.f32 v1;
	[tilespmem:s25+$0x161A0] =	vst v4  }
0x7ea: {  	v19 =	vadd.s32 v19, v6;
	v24 =	vcvt.f32.s32 v24;
	v1 =	vcvt.f32.s32 v1;
	v2 =	vld.idx.msk [tilespmem:v2+s19+$0x0], $0xffff;
	[tilespmem:s8+$0x161E0] =	vst v3  }
0x7eb: {  	v42 =	vadd.s32 v42, v6;
	v34 =	vadd.s32 v34, v6;
	v23 =	vmax.f32 v15, $0.0e+00;
	v22 =	vld.idx.msk [tilespmem:v22+s19+$0x0], $0xffff  }
0x7ec: {  	v13 =	vmovc v7;
	v7 =	vmin.f32 v23, $4.095000000e+03;
	v14 =	vadd.f32 $5.500000000e+00, v41;
	v1 =	vadd.s32 v1, v6  }
0x7ed: {  	v55 =	vadd.s32 v24, v6;
	v11 =	vtrunc.f32 v7;
	v23 =	vadd.f32 $5.500000000e+00, v46  }
0x7ee: {  	v4 =	vmul.f32 v21, v5;
	v3 =	vadd.f32 $5.500000000e+00, v43;
	v14 =	vmul.f32 $3.723636470e+02, v14  }
0x7ef: {  	v54 =	vadd.f32 $5.500000000e+00, v50;
	v23 =	vmul.f32 $3.723636470e+02, v23;
	v2 =	vmul.f32 v2, v5  }
0x7f0: {  	v51 =	vld [tilespmem:s15+$0x141D0];
	v3 =	vmul.f32 $3.723636470e+02, v3;
	v14 =	vmax.f32 v14, $0.0e+00;
	v22 =	vmul.f32 v22, v5  }
0x7f1: {  	v23 =	vmax.f32 v23, $0.0e+00;
	v14 =	vmin.f32 v14, $4.095000000e+03;
	v1 =	vld.idx.msk [tilespmem:v1+s19+$0x0], $0xffff;
	v2 =	vsub.f32 v2, v4  }
0x7f2: {  	v24 =	vtrunc.f32 v14;
	v3 =	vmax.f32 v3, $0.0e+00;
	v22 =	vsub.f32 v22, v53  }
0x7f3: {  	v7 =	vld [tilespmem:s15+$0x145A0];
	v4 =	vmin.f32 v23, $4.095000000e+03;
	v23 =	vmul.f32 $3.723636470e+02, v54;
	v2 =	vadd.f32 v2, v21  }
0x7f4: {  	v3 =	vmin.f32 v3, $4.095000000e+03;
	v53 =	vcvt.f32.s32 v24;
	v24 =	vld [tilespmem:s15+$0x141E0];
	v16 =	vadd.f32 v22, v16  }
0x7f5: {  	v0 =	vmul.f32 v20, v5;
	v3 =	vtrunc.f32 v3;
	v21 =	vmax.f32 v23, $0.0e+00;
	v23 =	vld [tilespmem:s15+$0x141F0];
	[tilespmem:s25+$0x161B0] =	vst v2  }
0x7f6: {  	v63 =	vadd.f32 $5.500000000e+00, v51;
	v1 =	vmul.f32 v1, v5;
	v55 =	vld.idx.msk [tilespmem:v55+s19+$0x0], $0xffff;
	[tilespmem:s8+$0x161F0] =	vst v16;
	v16 =	vmul.f32 v45, v5  }
0x7f7: {  	v59 =	vadd.s32 v18, v6;
	v3 =	vcvt.f32.s32 v3;
	v4 =	vtrunc.f32 v4;
	v56 =	vld.idx.msk [tilespmem:v19+s19+$0x0], $0xffff  }
0x7f8: {  	v4 =	vcvt.f32.s32 v4;
	v21 =	vmin.f32 v21, $4.095000000e+03;
	v22 =	vld [tilespmem:s15+$0x14580];
	v1 =	vsub.f32 v1, v16  }
0x7f9: {  	v62 =	vadd.f32 $5.500000000e+00, v7;
	v54 =	vmul.f32 $3.723636470e+02, v63;
	v2 =	vtrunc.f32 v21  }
0x7fa: {  	v4 =	vadd.s32 v4, v6;
	v58 =	vadd.f32 $5.500000000e+00, v23;
	v1 =	vadd.f32 v1, v45  }
0x7fb: {  	v16 =	vmax.f32 v54, $0.0e+00;
	v54 =	vmul.f32 v55, v5;
	v55 =	vmul.f32 v28, v5  }
0x7fc: {  	v57 =	vadd.f32 $5.500000000e+00, v24;
	v56 =	vmul.f32 v56, v5;
	[tilespmem:s15+$0x16180] =	vst v1;
	v1 =	vmul.f32 $3.723636470e+02, v58  }
0x7fd: {  	v2 =	vcvt.f32.s32 v2;
	v36 =	vadd.f32 $5.500000000e+00, v22;
	v54 =	vsub.f32 v54, v55  }
0x7fe: {  	v21 =	vld [tilespmem:s15+$0x14590];
	v45 =	vmul.f32 $3.723636470e+02, v57;
	v56 =	vsub.f32 v56, v52;
	v1 =	vmax.f32 v1, $0.0e+00  }
0x7ff: {  	v60 =	vmin.f32 v16, $4.095000000e+03;
	v4 =	vld.idx.msk [tilespmem:v4+s19+$0x0], $0xffff;
	v28 =	vadd.f32 v54, v28;
	v1 =	vmin.f32 v1, $4.095000000e+03  }
0x800: {  	v18 =	vld [tilespmem:s15+$0x145C0];
	v45 =	vmax.f32 v45, $0.0e+00;
	v26 =	vadd.f32 v56, v26;
	v1 =	vtrunc.f32 v1  }
0x801: {  	v19 =	vld [tilespmem:s15+$0x145B0];
	v63 =	vtrunc.f32 v60;
	v45 =	vmin.f32 v45, $4.095000000e+03;
	[tilespmem:s25+$0x161C0] =	vst v28;
	v1 =	vcvt.f32.s32 v1  }
0x802: {  	v53 =	vadd.s32 v53, v6;
	v57 =	vmul.f32 $3.723636470e+02, v36;
	v45 =	vtrunc.f32 v45;
	v42 =	vld.idx.msk [tilespmem:v42+s19+$0x0], $0xffff;
	[tilespmem:s8+$0x16580] =	vst v26  }
0x803: {  	v14 =	vld [tilespmem:s15+$0x145D0];
	v36 =	vadd.f32 $5.500000000e+00, v21;
	v52 =	vcvt.f32.s32 v63;
	v55 =	vcvt.f32.s32 v45;
	[tilespmem:$0x1FF20] =	vst v1  }
0x804: {  	v60 =	vmax.f32 v57, $0.0e+00;
	v4 =	vmul.f32 v4, v5;
	v26 =	vmul.f32 v46, v5;
	v61 =	vld.idx.msk [tilespmem:v59+s19+$0x0], $0xffff  }
0x805: {  	v54 =	vmin.f32 v60, $4.095000000e+03;
	v45 =	vmul.f32 $3.723636470e+02, v36;
	v36 =	vmul.f32 $3.723636470e+02, v62  }
0x806: {  	v1 =	vmul.f32 v30, v5;
	v4 =	vsub.f32 v4, v26;
	v26 =	vtrunc.f32 v54  }
0x807: {  	v63 =	vadd.f32 $5.500000000e+00, v19;
	[tilespmem:$0x1FF30] =	vst v7;
	v7 =	vcvt.f32.s32 v26;
	v42 =	vmul.f32 v42, v5  }
0x808: {  	v60 =	vadd.s32 v27, v6;
	v45 =	vmax.f32 v45, $0.0e+00;
	v4 =	vadd.f32 v4, v46  }
0x809: {  	s26 =	simm.s32 $0x300;
	s28 =	simm.s32 $0x180;
	v58 =	vmax.f32 v36, $0.0e+00;
	[tilespmem:$0x1FF40] =	vst v7;
	v1 =	vsub.f32 v42, v1;
	v56 =	vmul.f32 v61, v5  }
0x80a: {  	s5 =	sand.u32 $0x800, s26;
	s7 =	sand.u32 $0x380, s28;
	v57 =	vmul.f32 $3.723636470e+02, v63;
	v27 =	vmin.f32 v58, $4.095000000e+03;
	[tilespmem:s15+$0x16190] =	vst v4;
	v4 =	vmin.f32 v45, $4.095000000e+03  }
0x80b: {  	s18 =	sor.u32 s7, s5;
	v59 =	vld.idx.msk [tilespmem:v53+s19+$0x0], $0xffff;
	v4 =	vtrunc.f32 v4;
	v1 =	vadd.f32 v1, v30;
	v0 =	vsub.f32 v56, v0  }
0x80c: {  	v36 =	vld [tilespmem:s18+$0x14180];
	v30 =	vcvt.f32.s32 v4;
	v4 =	vtrunc.f32 v27  }
0x80d: {  	v27 =	vcvt.f32.s32 v4;
	v4 =	vmax.f32 v57, $0.0e+00;
	[tilespmem:s25+$0x161D0] =	vst v1;
	v0 =	vadd.f32 v0, v20  }
0x80e: {  	v31 =	vcvt.f32.s32 v31;
	v4 =	vmin.f32 v4, $4.095000000e+03;
	v63 =	vld.idx.msk [tilespmem:v34+s19+$0x0], $0xffff  }
0x80f: {  	v3 =	vadd.s32 v3, v6;
	v2 =	vadd.s32 v2, v6;
	v4 =	vtrunc.f32 v4;
	[tilespmem:s8+$0x16590] =	vst v0  }
0x810: {  	v61 =	vadd.f32 $5.500000000e+00, v18;
	v57 =	vmul.f32 v59, v5;
	v0 =	vmul.f32 v41, v5;
	v53 =	vld.idx.msk [tilespmem:v60+s19+$0x0], $0xffff  }
0x811: {  	v28 =	vmul.f32 v14, v5;
	v34 =	vcvt.f32.s32 v4;
	v4 =	vadd.f32 $5.500000000e+00, v36  }
0x812: {  	v62 =	vmul.f32 $3.723636470e+02, v61;
	v59 =	vmul.f32 v37, v5;
	v0 =	vsub.f32 v57, v0  }
0x813: {  	v56 =	vadd.s32 v39, v6;
	v4 =	vmul.f32 $3.723636470e+02, v4;
	v45 =	vmul.f32 v63, v5  }
0x814: {  	v42 =	vmax.f32 v62, $0.0e+00;
	v60 =	vmul.f32 v25, v5;
	v0 =	vadd.f32 v0, v41  }
0x815: {  	v4 =	vmax.f32 v4, $0.0e+00;
	v45 =	vsub.f32 v45, v59;
	v53 =	vmul.f32 v53, v5  }
0x816: {  	v58 =	vadd.f32 $5.500000000e+00, v14;
	v41 =	vmin.f32 v42, $4.095000000e+03;
	v4 =	vmin.f32 v4, $4.095000000e+03;
	[tilespmem:s15+$0x161A0] =	vst v0  }
0x817: {  	v1 =	vtrunc.f32 v41;
	v3 =	vld.idx.msk [tilespmem:v3+s19+$0x0], $0xffff;
	v61 =	vadd.f32 v45, v37;
	v62 =	vsub.f32 v53, v60  }
0x818: {  	v54 =	vmul.f32 v44, v5;
	v4 =	vtrunc.f32 v4;
	v0 =	vadd.s32 v33, v6;
	[tilespmem:$0x1FF50] =	vst v1  }
0x819: {  	v46 =	vmul.f32 $3.723636470e+02, v58;
	v4 =	vcvt.f32.s32 v4;
	v57 =	vld [tilespmem:s18+$0x14190];
	[tilespmem:s25+$0x161E0] =	vst v61;
	v25 =	vadd.f32 v62, v25  }
0x81a: {  	v63 =	vmax.f32 v29, $0.0e+00;
	v33 =	vmax.f32 v40, $0.0e+00;
	v37 =	vmul.f32 v32, v5;
	v61 =	vld.idx.msk [tilespmem:v56+s19+$0x0], $0xffff  }
0x81b: {  	v1 =	vmax.f32 v46, $0.0e+00;
	v46 =	vmul.f32 v35, v5;
	v40 =	vld [tilespmem:s18+$0x141B0];
	v4 =	vadd.s32 v4, v6;
	[tilespmem:s8+$0x165A0] =	vst v25  }
0x81c: {  	v42 =	vmin.f32 v63, $4.095000000e+03;
	v39 =	vld [tilespmem:s18+$0x141A0];
	v60 =	vmul.f32 v43, v5;
	v3 =	vmul.f32 v3, v5;
	[tilespmem:$0x1FF60] =	vst v1  }
0x81d: {  	v58 =	vadd.s32 v31, v6;
	v53 =	vmul.f32 v48, v5;
	v62 =	vtrunc.f32 v42;
	v0 =	vld.idx.msk [tilespmem:v0+s19+$0x0], $0xffff  }
0x81e: {  	v56 =	vmul.f32 v47, v5;
	v31 =	vadd.f32 $5.500000000e+00, v57;
	v3 =	vsub.f32 v3, v60;
	v42 =	vld [tilespmem:s18+$0x141C0]  }
0x81f: {  	v55 =	vadd.s32 v55, v6;
	v59 =	vcvt.f32.s32 v62;
	v41 =	vld [tilespmem:s18+$0x141D0];
	v45 =	vmul.f32 v61, v5  }
0x820: {  	v4 =	vld.idx.msk [tilespmem:v4+s19+$0x0], $0xffff;
	v61 =	vmul.f32 $3.723636470e+02, v31;
	v3 =	vadd.f32 v3, v43;
	v43 =	vadd.f32 $5.500000000e+00, v40  }
0x821: {  	v62 =	vadd.s32 v38, v6;
	v60 =	vadd.f32 $5.500000000e+00, v39;
	v38 =	vsub.f32 v45, v46  }
0x822: {  	v63 =	vmax.f32 v61, $0.0e+00;
	[tilespmem:s15+$0x161B0] =	vst v3;
	v3 =	vmul.f32 $3.723636470e+02, v43;
	v0 =	vmul.f32 v0, v5  }
0x823: {  	v43 =	vmul.f32 $3.723636470e+02, v60;
	v46 =	vmin.f32 v63, $4.095000000e+03;
	v2 =	vld.idx.msk [tilespmem:v2+s19+$0x0], $0xffff;
	v35 =	vadd.f32 v38, v35  }
0x824: {  	v60 =	vadd.f32 $5.500000000e+00, v42;
	v46 =	vtrunc.f32 v46;
	v0 =	vsub.f32 v0, v37  }
0x825: {  	v4 =	vmul.f32 v4, v5;
	v61 =	vadd.f32 $5.500000000e+00, v41;
	v3 =	vmax.f32 v3, $0.0e+00;
	[tilespmem:s25+$0x161F0] =	vst v35  }
0x826: {  	v37 =	vmax.f32 v43, $0.0e+00;
	v35 =	vmul.f32 v36, v5;
	v62 =	vld.idx.msk [tilespmem:v62+s19+$0x0], $0xffff;
	v0 =	vadd.f32 v0, v32  }
0x827: {  	v46 =	vcvt.f32.s32 v46;
	v3 =	vmin.f32 v3, $4.095000000e+03;
	v32 =	vmin.f32 v37, $4.095000000e+03  }
0x828: {  	v31 =	vld [tilespmem:s18+$0x145D0];
	v4 =	vsub.f32 v4, v35;
	v2 =	vmul.f32 v2, v5;
	[tilespmem:s8+$0x165B0] =	vst v0;
	v0 =	vmul.f32 v50, v5  }
0x829: {  	v45 =	vld [tilespmem:s18+$0x141E0];
	v60 =	vmul.f32 $3.723636470e+02, v60;
	v1 =	vadd.s32 v46, v6;
	v63 =	vtrunc.f32 v32  }
0x82a: {  	v58 =	vld.idx.msk [tilespmem:v58+s19+$0x0], $0xffff;
	v0 =	vsub.f32 v2, v0;
	v2 =	vtrunc.f32 v3;
	v3 =	vadd.f32 v4, v36  }
0x82b: {  	v38 =	vld [tilespmem:s18+$0x14580];
	v4 =	vadd.s32 v52, v6;
	v36 =	vmax.f32 v60, $0.0e+00;
	v60 =	vmul.f32 v62, v5  }
0x82c: {  	v32 =	vld [tilespmem:s18+$0x145C0];
	v62 =	vmul.f32 $3.723636470e+02, v61;
	v52 =	vcvt.f32.s32 v2;
	v2 =	vmin.f32 v36, $4.095000000e+03  }
0x82d: {  	v43 =	vld [tilespmem:s18+$0x141F0];
	v0 =	vadd.f32 v0, v50;
	[tilespmem:s18+$0x16180] =	vst v3;
	v3 =	vcvt.f32.s32 v63;
	v36 =	vsub.f32 v60, v56  }
0x82e: {  	v60 =	vadd.f32 $5.500000000e+00, v31;
	v2 =	vtrunc.f32 v2;
	v62 =	vmax.f32 v62, $0.0e+00;
	v1 =	vld.idx.msk [tilespmem:v1+s19+$0x0], $0xffff  }
0x82f: {  	v50 =	vcvt.f32.s32 v2;
	v56 =	vmul.f32 v58, v5;
	[tilespmem:s15+$0x161C0] =	vst v0;
	v0 =	vadd.f32 $5.500000000e+00, v45  }
0x830: {  	v2 =	vadd.s32 v49, v6;
	v36 =	vadd.f32 v36, v47;
	v47 =	vadd.f32 $5.500000000e+00, v38  }
0x831: {  	v3 =	vadd.s32 v3, v6;
	v58 =	vadd.f32 $5.500000000e+00, v32;
	v4 =	vld.idx.msk [tilespmem:v4+s19+$0x0], $0xffff;
	v61 =	vsub.f32 v56, v53  }
0x832: {  	v53 =	vadd.f32 $5.500000000e+00, v43;
	v0 =	vmul.f32 $3.723636470e+02, v0;
	v56 =	vmin.f32 v62, $4.095000000e+03  }
0x833: {  	v37 =	vld [tilespmem:s18+$0x14590];
	v1 =	vmul.f32 v1, v5;
	v49 =	vadd.f32 v61, v48;
	v61 =	vmul.f32 v57, v5  }
0x834: {  	v46 =	vld [tilespmem:s18+$0x145A0];
	[tilespmem:s25+$0x16580] =	vst v36;
	v62 =	vmul.f32 v51, v5;
	v36 =	vmul.f32 $3.723636470e+02, v53;
	v0 =	vmax.f32 v0, $0.0e+00  }
0x835: {  	v53 =	vtrunc.f32 v56;
	v2 =	vld.idx.msk [tilespmem:v2+s19+$0x0], $0xffff;
	v0 =	vmin.f32 v0, $4.095000000e+03;
	v1 =	vsub.f32 v1, v61  }
0x836: {  	v4 =	vmul.f32 v4, v5;
	v61 =	vmul.f32 $3.723636470e+02, v47;
	v36 =	vmax.f32 v36, $0.0e+00  }
0x837: {  	v47 =	vcvt.f32.s32 v53;
	v0 =	vtrunc.f32 v0;
	v36 =	vmin.f32 v36, $4.095000000e+03  }
0x838: {  	v35 =	vld [tilespmem:s18+$0x145B0];
	v48 =	vcvt.f32.s32 v0;
	v4 =	vsub.f32 v4, v62;
	v62 =	vadd.f32 $5.500000000e+00, v37  }
0x839: {  	v36 =	vtrunc.f32 v36;
	v56 =	vmax.f32 v61, $0.0e+00;
	v61 =	vadd.f32 $5.500000000e+00, v46  }
0x83a: {  	v53 =	vcvt.f32.s32 v36;
	v0 =	vmin.f32 v56, $4.095000000e+03;
	v2 =	vmul.f32 v2, v5  }
0x83b: {  	v1 =	vadd.f32 v1, v57;
	v36 =	vmul.f32 $3.723636470e+02, v62;
	v0 =	vtrunc.f32 v0  }
0x83c: {  	v2 =	vsub.f32 v2, v54;
	v54 =	vcvt.f32.s32 v0;
	v0 =	vmul.f32 $3.723636470e+02, v61  }
0x83d: {  	v56 =	vadd.s32 v59, v6;
	v62 =	vadd.f32 $5.500000000e+00, v35;
	v36 =	vmax.f32 v36, $0.0e+00  }
0x83e: {  	v4 =	vadd.f32 v4, v51;
	v36 =	vmin.f32 v36, $4.095000000e+03;
	v0 =	vmax.f32 v0, $0.0e+00  }
0x83f: {  	v57 =	vmul.f32 $3.723636470e+02, v62;
	v36 =	vtrunc.f32 v36;
	v0 =	vmin.f32 v0, $4.095000000e+03  }
0x840: {  	v62 =	vadd.s32 v12, v6;
	v51 =	vcvt.f32.s32 v36;
	v0 =	vtrunc.f32 v0  }
0x841: {  	[tilespmem:s18+$0x16190] =	vst v1;
	v36 =	vcvt.f32.s32 v0;
	v0 =	vmax.f32 v57, $0.0e+00;
	v57 =	vmul.f32 $3.723636470e+02, v58  }
0x842: {  	[tilespmem:s8+$0x165C0] =	vst v49;
	v49 =	vmul.f32 v31, v5;
	v61 =	vld.idx.msk [tilespmem:v3+s19+$0x0], $0xffff;
	v1 =	vadd.f32 v2, v44;
	v0 =	vmin.f32 v0, $4.095000000e+03  }
0x843: {  	v3 =	vmul.f32 $3.723636470e+02, v60;
	[tilespmem:s15+$0x161D0] =	vst v4;
	v56 =	vld.idx.msk [tilespmem:v56+s19+$0x0], $0xffff;
	v0 =	vtrunc.f32 v0;
	v2 =	vmax.f32 v57, $0.0e+00  }
0x844: {  	v60 =	vmul.f32 v24, v5;
	[tilespmem:s25+$0x16590] =	vst v1;
	v57 =	vld.idx.msk [tilespmem:v55+s19+$0x0], $0xffff;
	v59 =	vcvt.f32.s32 v0;
	v0 =	vmin.f32 v2, $4.095000000e+03  }
0x845: {  	s7 =	simm.s32 $0x400;
	s5 =	simm.s32 $0x200;
	v63 =	vmovc v8;
	v44 =	vmul.f32 v21, v5;
	v55 =	vmax.f32 v3, $0.0e+00;
	v2 =	vld.idx.msk [tilespmem:v62+s19+$0x0], $0xffff;
	v58 =	vtrunc.f32 v0  }
.LBB2_34:
0x846: {  	v8 =	vld [tilespmem:$0x1FF00];
	_ =	sdelay $0x1  }
0x847: {  	v4 =	vadd.s32 v9, v6;
	v9 =	vld [tilespmem:$0x1FEF0]  }
0x848: {  	s9 =	sand.u32 $0x800, s7;
	s23 =	sand.u32 $0x380, s5;
	v3 =	vmul.f32 v56, v5;
	v16 =	vld [tilespmem:$0x1FF10]  }
0x849: {  	v15 =	vld [tilespmem:$0x1FF50];
	s9 =	sor.u32 s23, s9  }
0x84a: {  	v29 =	vmovc v27;
	v27 =	vmovc v19;
	v56 =	vmul.f32 v63, v5;
	v12 =	vmov v34;
	v34 =	vld [tilespmem:s9+$0x141A0];
	v3 =	vsub.f32 v3, v8  }
0x84b: {  	v62 =	vmul.f32 v39, v5;
	v25 =	vmovc v18;
	v18 =	vmovc v63;
	v63 =	vmul.f32 v61, v5;
	v61 =	vld [tilespmem:s9+$0x14180];
	v8 =	vmov v10  }
0x84c: {  	v19 =	vmovc v17;
	v26 =	vmovc v28;
	v28 =	vmov v49;
	v49 =	vld [tilespmem:s9+$0x14190];
	[tilespmem:$0x1FF00] =	vst v8;
	v3 =	vadd.f32 v3, v9;
	v9 =	vmov v13  }
0x84d: {  	v57 =	vmul.f32 v57, v5;
	v7 =	vmul.f32 v16, v5;
	v8 =	vld [tilespmem:s9+$0x141B0];
	[tilespmem:$0x1FEF0] =	vst v9;
	v9 =	vsub.f32 v63, v62  }
0x84e: {  	v0 =	vmul.f32 v17, v5;
	v17 =	vcvt.f32.s32 v11;
	v52 =	vadd.s32 v52, v6;
	v20 =	vmovc v31;
	v62 =	vld [tilespmem:s9+$0x141C0];
	[tilespmem:s8+$0x165D0] =	vst v3  }
0x84f: {  	v11 =	vmovc v53;
	v31 =	vsub.f32 v57, v60;
	v13 =	vmul.f32 v2, v5;
	v57 =	vld [tilespmem:s9+$0x141D0];
	v3 =	vadd.f32 v9, v39  }
0x850: {  	v33 =	vmin.f32 v33, $4.095000000e+03;
	s8 =	smov.u32 s25;
	s25 =	smov.u32 s15;
	s15 =	smov.u32 s18;
	v9 =	vld [tilespmem:$0x1FF20];
	[tilespmem:$0x1FF20] =	vst v11  }
0x851: {  	v33 =	vtrunc.f32 v33;
	v11 =	vld [tilespmem:$0x1FF40];
	[tilespmem:s15+$0x161A0] =	vst v3;
	v3 =	vsub.f32 v13, v7;
	v7 =	vmov v58  }
0x852: {  	v60 =	vcvt.f32.s32 v33;
	v31 =	vadd.f32 v31, v24;
	[tilespmem:$0x1FF50] =	vst v7;
	v7 =	vld [tilespmem:$0x1FF60]  }
0x853: {  	v2 =	vadd.s32 v17, v6;
	v17 =	vmovc v54;
	v54 =	vadd.f32 $5.500000000e+00, v49;
	v39 =	vmovc v34;
	v33 =	vadd.f32 $5.500000000e+00, v8  }
0x854: {  	v1 =	vmul.f32 v40, v5;
	v53 =	vmul.f32 v23, v5;
	v34 =	vmovc v59;
	v59 =	vadd.f32 $5.500000000e+00, v39;
	v52 =	vld.idx.msk [tilespmem:v52+s19+$0x0], $0xffff  }
0x855: {  	v10 =	vmovc v14;
	v24 =	vmovc v45;
	v45 =	vadd.f32 $5.500000000e+00, v61;
	v63 =	vmul.f32 v22, v5;
	[tilespmem:s25+$0x161E0] =	vst v31;
	v31 =	vmul.f32 $3.723636470e+02, v54  }
0x856: {  	s18 =	smov.u32 s9;
	[tilespmem:$0x1FF40] =	vst v17;
	v17 =	vmovc v55;
	v13 =	vmul.f32 $3.723636470e+02, v59;
	v9 =	vadd.s32 v9, v6;
	v14 =	vadd.s32 v11, v6  }
0x857: {  	v11 =	vmovc v15;
	v15 =	vmul.f32 $3.723636470e+02, v33;
	v55 =	vmax.f32 v31, $0.0e+00;
	v31 =	vld [tilespmem:s18+$0x145D0];
	v33 =	vmovc v7;
	v7 =	vmul.f32 $3.723636470e+02, v45  }
0x858: {  	v3 =	vadd.f32 v3, v16;
	v16 =	vmovc v46;
	v46 =	vadd.s32 v50, v6;
	v54 =	vadd.f32 $5.500000000e+00, v57  }
0x859: {  	v13 =	vmax.f32 v13, $0.0e+00;
	v58 =	vmul.f32 v52, v5;
	v7 =	vmax.f32 v7, $0.0e+00  }
0x85a: {  	v13 =	vmin.f32 v13, $4.095000000e+03;
	v45 =	vadd.f32 $5.500000000e+00, v62;
	v7 =	vmin.f32 v7, $4.095000000e+03  }
0x85b: {  	v9 =	vld.idx.msk [tilespmem:v9+s19+$0x0], $0xffff;
	[tilespmem:s8+$0x165A0] =	vst v3;
	v1 =	vsub.f32 v58, v1;
	v3 =	vtrunc.f32 v7;
	v7 =	vtrunc.f32 v13  }
0x85c: {  	v4 =	vld.idx.msk [tilespmem:v4+s19+$0x0], $0xffff;
	v13 =	vmax.f32 v15, $0.0e+00;
	v15 =	vmin.f32 v55, $4.095000000e+03;
	v55 =	vadd.f32 $5.500000000e+00, v31  }
0x85d: {  	[tilespmem:$0x1FF60] =	vst v17;
	v17 =	vld [tilespmem:$0x1FF30];
	v1 =	vadd.f32 v1, v40;
	v3 =	vcvt.f32.s32 v3;
	v59 =	vcvt.f32.s32 v7  }
0x85e: {  	v7 =	vmin.f32 v13, $4.095000000e+03;
	v13 =	vmul.f32 $3.723636470e+02, v45;
	v45 =	vld [tilespmem:s18+$0x141E0];
	v15 =	vtrunc.f32 v15  }
0x85f: {  	[tilespmem:$0x1FF30] =	vst v16;
	v16 =	vld [tilespmem:s18+$0x14580];
	v40 =	vmovc v8;
	v7 =	vtrunc.f32 v7;
	v8 =	vcvt.f32.s32 v15;
	v3 =	vadd.s32 v3, v6  }
0x860: {  	v9 =	vmul.f32 v9, v5;
	v52 =	vcvt.f32.s32 v7;
	v7 =	vmax.f32 v13, $0.0e+00;
	v13 =	vld [tilespmem:s18+$0x141F0]  }
0x861: {  	v58 =	vld [tilespmem:s18+$0x14590];
	v59 =	vadd.s32 v59, v6;
	v7 =	vmin.f32 v7, $4.095000000e+03;
	v4 =	vmul.f32 v4, v5  }
0x862: {  	v8 =	vadd.s32 v8, v6;
	v9 =	vsub.f32 v9, v53;
	v7 =	vtrunc.f32 v7  }
0x863: {  	v50 =	vcvt.f32.s32 v7;
	v7 =	vmul.f32 $3.723636470e+02, v54;
	v15 =	vadd.f32 $5.500000000e+00, v45  }
0x864: {  	v0 =	vsub.f32 v4, v0;
	v54 =	vmul.f32 v42, v5;
	v9 =	vadd.f32 v9, v23;
	v3 =	vld.idx.msk [tilespmem:v3+s19+$0x0], $0xffff  }
0x865: {  	v23 =	vmovc v43;
	[tilespmem:s15+$0x161B0] =	vst v1;
	v1 =	vadd.f32 $5.500000000e+00, v13;
	v4 =	vmax.f32 v7, $0.0e+00;
	v7 =	vmul.f32 $3.723636470e+02, v15  }
0x866: {  	v15 =	vadd.f32 $5.500000000e+00, v16;
	v43 =	vmovc v13;
	v13 =	vadd.f32 $5.500000000e+00, v58;
	v46 =	vld.idx.msk [tilespmem:v46+s19+$0x0], $0xffff;
	[tilespmem:s25+$0x161F0] =	vst v9;
	v9 =	vadd.s32 v30, v6  }
0x867: {  	v30 =	vmovc v51;
	v4 =	vmin.f32 v4, $4.095000000e+03;
	v51 =	vmul.f32 v61, v5;
	v14 =	vld.idx.msk [tilespmem:v14+s19+$0x0], $0xffff;
	v1 =	vmul.f32 $3.723636470e+02, v1  }
0x868: {  	v0 =	vadd.f32 v0, v19;
	v4 =	vtrunc.f32 v4;
	v15 =	vmul.f32 $3.723636470e+02, v15  }
0x869: {  	v7 =	vmax.f32 v7, $0.0e+00;
	v13 =	vmul.f32 $3.723636470e+02, v13;
	v3 =	vmul.f32 v3, v5  }
0x86a: {  	v19 =	vmovc v35;
	v35 =	vld [tilespmem:s18+$0x145B0];
	v4 =	vcvt.f32.s32 v4;
	v7 =	vmin.f32 v7, $4.095000000e+03;
	v1 =	vmax.f32 v1, $0.0e+00  }
0x86b: {  	v15 =	vmax.f32 v15, $0.0e+00;
	v53 =	vmul.f32 v46, v5;
	v46 =	vld [tilespmem:s18+$0x145A0];
	[tilespmem:s8+$0x165B0] =	vst v0;
	v3 =	vsub.f32 v3, v51  }
0x86c: {  	v1 =	vmin.f32 v1, $4.095000000e+03;
	v0 =	vtrunc.f32 v7;
	v14 =	vmul.f32 v14, v5;
	v2 =	vld.idx.msk [tilespmem:v2+s19+$0x0], $0xffff  }
0x86d: {  	v51 =	vadd.s32 v47, v6;
	v7 =	vsub.f32 v53, v54;
	v3 =	vadd.f32 v3, v61  }
0x86e: {  	v1 =	vtrunc.f32 v1;
	v47 =	vmovc v4;
	v0 =	vcvt.f32.s32 v0;
	v4 =	vsub.f32 v14, v63  }
0x86f: {  	v53 =	vcvt.f32.s32 v1;
	v1 =	vmul.f32 v41, v5;
	v14 =	vld [tilespmem:s18+$0x145C0];
	v7 =	vadd.f32 v7, v42;
	[tilespmem:s18+$0x16180] =	vst v3  }
0x870: {  	v42 =	vmovc v62;
	v62 =	vadd.s32 v29, v6;
	v3 =	vadd.f32 v4, v22;
	v4 =	vld.idx.msk [tilespmem:v8+s19+$0x0], $0xffff;
	v8 =	vmin.f32 v15, $4.095000000e+03  }
0x871: {  	v22 =	vmovc v38;
	v38 =	vmovc v16;
	v15 =	vadd.f32 $5.500000000e+00, v46;
	[tilespmem:s15+$0x161C0] =	vst v7;
	v2 =	vmul.f32 v2, v5;
	v7 =	vtrunc.f32 v8  }
0x872: {  	v8 =	vadd.f32 $5.500000000e+00, v35;
	v16 =	vld.idx.msk [tilespmem:v51+s19+$0x0], $0xffff;
	[tilespmem:s25+$0x16580] =	vst v3;
	v3 =	vadd.s32 v60, v6;
	v60 =	vmul.f32 v24, v5  }
0x873: {  	v54 =	vcvt.f32.s32 v7;
	v7 =	vmax.f32 v13, $0.0e+00;
	v13 =	vmul.f32 $3.723636470e+02, v15;
	v9 =	vld.idx.msk [tilespmem:v9+s19+$0x0], $0xffff  }
0x874: {  	v2 =	vsub.f32 v2, v56;
	v56 =	vmul.f32 v49, v5;
	v7 =	vmin.f32 v7, $4.095000000e+03  }
0x875: {  	v15 =	vadd.f32 $5.500000000e+00, v14;
	v8 =	vmul.f32 $3.723636470e+02, v8;
	v7 =	vtrunc.f32 v7  }
0x876: {  	v17 =	vmovc v17;
	v13 =	vmax.f32 v13, $0.0e+00;
	v2 =	vadd.f32 v2, v18;
	v4 =	vmul.f32 v4, v5  }
0x877: {  	v51 =	vcvt.f32.s32 v7;
	v7 =	vmin.f32 v13, $4.095000000e+03;
	v16 =	vmul.f32 v16, v5  }
0x878: {  	[tilespmem:$0x1FF10] =	vst v17;
	v63 =	vmovc v25;
	v7 =	vtrunc.f32 v7;
	v4 =	vsub.f32 v4, v56;
	v25 =	vmul.f32 v9, v5  }
0x879: {  	v17 =	vmovc v27;
	v27 =	vmovc v36;
	v36 =	vcvt.f32.s32 v7;
	v7 =	vadd.s32 v48, v6;
	v1 =	vsub.f32 v16, v1  }
0x87a: {  	p0 =	sne.s32 s7, $0xF00;
	[tilespmem:s8+$0x165C0] =	vst v2;
	v48 =	vmov v0;
	v0 =	vadd.f32 v4, v49;
	v2 =	vsub.f32 v25, v44  }
.Ltmp23:
0x87b: {  	v18 =	vmovc v32;
	v56 =	vld.idx.msk [tilespmem:v3+s19+$0x0], $0xffff;
	v3 =	vmax.f32 v8, $0.0e+00;
	v4 =	vmul.f32 $3.723636470e+02, v15;
	v1 =	vadd.f32 v1, v41;
	(pc) =	sbr.rel @p0 .LBB2_34-.Ltmp23, $4  }
0x87c: {  	v32 =	vmovc v14;
	v49 =	vmul.f32 v31, v5;
	[tilespmem:s18+$0x16190] =	vst v0;
	v0 =	vmin.f32 v3, $4.095000000e+03;
	v2 =	vadd.f32 v2, v21  }
0x87d: {  	s26 =	smov.u32 s7;
	v14 =	vmovc v20;
	v13 =	vmovc v10;
	v3 =	vmax.f32 v4, $0.0e+00;
	v4 =	vmul.f32 $3.723636470e+02, v55;
	v61 =	vld.idx.msk [tilespmem:v59+s19+$0x0], $0xffff;
	v0 =	vtrunc.f32 v0;
	[tilespmem:s15+$0x161D0] =	vst v1  }
0x87e: {  	s26 =	sadd.s32 $0x100, s7;
	v10 =	vmovc v26;
	v41 =	vmovc v57;
	v21 =	vmov v37;
	v59 =	vcvt.f32.s32 v0;
	v0 =	vmin.f32 v3, $4.095000000e+03;
	v57 =	vld.idx.msk [tilespmem:v7+s19+$0x0], $0xffff;
	[tilespmem:s25+$0x16590] =	vst v2  }
0x87f: {  	s5 =	sadd.s32 $0x80, s5;
	s7 =	smov.u32 s26;
	v9 =	vmovc v12;
	v37 =	vmovc v58;
	v44 =	vmul.f32 v21, v5;
	v55 =	vmax.f32 v4, $0.0e+00;
	v58 =	vtrunc.f32 v0;
	v2 =	vld.idx.msk [tilespmem:v62+s19+$0x0], $0xffff  }
0x880: {  	_ =	sdelay $0x1  }
0x881: {  	v0 =	vmul.f32 v39, v5;
	v1 =	vmul.f32 v61, v5;
	_ =	sdelay $0x1  }
0x882: {  	v3 =	vadd.s32 v52, v6;
	v0 =	vsub.f32 v1, v0;
	_ =	sdelay $0x1  }
0x883: {  	v0 =	vadd.f32 v0, v39;
	_ =	sdelay $0x1  }
0x884: {  	[tilespmem:s18+$0x161A0] =	vst v0  }
0x885: {  	v0 =	vld.idx.msk [tilespmem:v3+s19+$0x0], $0xffff;
	_ =	sdelay $0x4  }
0x886: {  	v25 =	vmul.f32 v40, v5;
	v0 =	vmul.f32 v0, v5;
	_ =	sdelay $0x1  }
0x887: {  	v3 =	vadd.s32 v50, v6;
	v0 =	vsub.f32 v0, v25;
	_ =	sdelay $0x1  }
0x888: {  	v0 =	vadd.f32 v0, v40;
	_ =	sdelay $0x1  }
0x889: {  	[tilespmem:s18+$0x161B0] =	vst v0  }
0x88a: {  	v0 =	vld.idx.msk [tilespmem:v3+s19+$0x0], $0xffff;
	_ =	sdelay $0x4  }
0x88b: {  	v26 =	vmul.f32 v42, v5;
	v0 =	vmul.f32 v0, v5;
	_ =	sdelay $0x1  }
0x88c: {  	v29 =	vadd.s32 v47, v6;
	v0 =	vsub.f32 v0, v26;
	_ =	sdelay $0x1  }
0x88d: {  	v0 =	vadd.f32 v0, v42;
	_ =	sdelay $0x1  }
0x88e: {  	[tilespmem:s18+$0x161C0] =	vst v0  }
0x88f: {  	v0 =	vld.idx.msk [tilespmem:v29+s19+$0x0], $0xffff;
	_ =	sdelay $0x4  }
0x890: {  	v39 =	vmul.f32 v41, v5;
	v0 =	vmul.f32 v0, v5;
	_ =	sdelay $0x1  }
0x891: {  	v40 =	vadd.s32 v48, v6;
	v0 =	vsub.f32 v0, v39;
	_ =	sdelay $0x1  }
0x892: {  	v0 =	vadd.f32 v0, v41;
	_ =	sdelay $0x1  }
0x893: {  	[tilespmem:s18+$0x161D0] =	vst v0  }
0x894: {  	v0 =	vld.idx.msk [tilespmem:v40+s19+$0x0], $0xffff  }
0x895: {  	v3 =	vld [tilespmem:$0x1FF20];
	_ =	sdelay $0x2  }
0x896: {  	v42 =	vmul.f32 v57, v5  }
0x897: {  	v4 =	vmul.f32 v45, v5;
	v0 =	vmul.f32 v0, v5  }
0x898: {  	v1 =	vsub.f32 v42, v60;
	v3 =	vadd.s32 v3, v6  }
0x899: {  	v0 =	vsub.f32 v0, v4;
	v4 =	vadd.s32 v53, v6  }
0x89a: {  	v1 =	vadd.f32 v1, v24  }
0x89b: {  	v0 =	vadd.f32 v0, v45  }
0x89c: {  	[tilespmem:s15+$0x161E0] =	vst v1  }
0x89d: {  	v1 =	vld.idx.msk [tilespmem:v3+s19+$0x0], $0xffff;
	[tilespmem:s18+$0x161E0] =	vst v0  }
0x89e: {  	v0 =	vld.idx.msk [tilespmem:v4+s19+$0x0], $0xffff  }
0x89f: {  	v4 =	vld [tilespmem:$0x1FF40];
	_ =	sdelay $0x3  }
0x8a0: {  	v3 =	vmul.f32 v23, v5;
	v1 =	vmul.f32 v1, v5  }
0x8a1: {  	v4 =	vadd.s32 v4, v6  }
0x8a2: {  	v1 =	vsub.f32 v1, v3;
	v3 =	vmul.f32 v43, v5;
	v0 =	vmul.f32 v0, v5;
	_ =	sdelay $0x1  }
0x8a3: {  	v7 =	vadd.s32 v54, v6;
	v1 =	vadd.f32 v1, v23;
	v0 =	vsub.f32 v0, v3;
	_ =	sdelay $0x1  }
0x8a4: {  	[tilespmem:s15+$0x161F0] =	vst v1;
	v0 =	vadd.f32 v0, v43  }
0x8a5: {  	v1 =	vld.idx.msk [tilespmem:v4+s19+$0x0], $0xffff  }
0x8a6: {  	[tilespmem:s18+$0x161F0] =	vst v0  }
0x8a7: {  	v0 =	vld.idx.msk [tilespmem:v7+s19+$0x0], $0xffff;
	_ =	sdelay $0x2  }
0x8a8: {  	v3 =	vmul.f32 v22, v5;
	v1 =	vmul.f32 v1, v5;
	_ =	sdelay $0x1  }
0x8a9: {  	v1 =	vsub.f32 v1, v3;
	v3 =	vmul.f32 v38, v5;
	v0 =	vmul.f32 v0, v5  }
0x8aa: {  	v4 =	vadd.s32 v30, v6  }
0x8ab: {  	v7 =	vadd.s32 v51, v6;
	v0 =	vsub.f32 v0, v3  }
0x8ac: {  	v1 =	vadd.f32 v1, v22  }
0x8ad: {  	v0 =	vadd.f32 v0, v38  }
0x8ae: {  	[tilespmem:s15+$0x16580] =	vst v1  }
0x8af: {  	v1 =	vld.idx.msk [tilespmem:v4+s19+$0x0], $0xffff;
	[tilespmem:s18+$0x16580] =	vst v0  }
0x8b0: {  	v0 =	vld.idx.msk [tilespmem:v7+s19+$0x0], $0xffff;
	_ =	sdelay $0x3  }
0x8b1: {  	v1 =	vmul.f32 v1, v5  }
0x8b2: {  	v4 =	vmul.f32 v37, v5;
	v0 =	vmul.f32 v0, v5  }
0x8b3: {  	v1 =	vsub.f32 v1, v44  }
0x8b4: {  	v0 =	vsub.f32 v0, v4  }
0x8b5: {  	v1 =	vadd.f32 v1, v21  }
0x8b6: {  	v3 =	vadd.s32 v27, v6;
	v0 =	vadd.f32 v0, v37  }
0x8b7: {  	[tilespmem:s15+$0x16590] =	vst v1  }
0x8b8: {  	v7 =	vadd.s32 v36, v6;
	[tilespmem:s18+$0x16590] =	vst v0  }
0x8b9: {  	v8 =	vld [tilespmem:$0x1FF10];
	_ =	sdelay $0x1  }
0x8ba: {  	v1 =	vld.idx.msk [tilespmem:v3+s19+$0x0], $0xffff  }
0x8bb: {  	v45 =	vld [tilespmem:$0x1FF30]  }
0x8bc: {  	v3 =	vld.idx.msk [tilespmem:v7+s19+$0x0], $0xffff  }
0x8bd: {  	v2 =	vmul.f32 v2, v5;
	v44 =	vmul.f32 v8, v5;
	_ =	sdelay $0x1  }
0x8be: {  	v4 =	vadd.s32 v9, v6;
	v0 =	vsub.f32 v2, v44  }
0x8bf: {  	v1 =	vmul.f32 v1, v5;
	v47 =	vmul.f32 v45, v5  }
0x8c0: {  	v48 =	vmul.f32 v46, v5;
	v3 =	vmul.f32 v3, v5;
	v0 =	vadd.f32 v0, v8  }
0x8c1: {  	v7 =	vadd.s32 v34, v6;
	v1 =	vsub.f32 v1, v47  }
0x8c2: {  	v2 =	vsub.f32 v3, v48;
	[tilespmem:s25+$0x165A0] =	vst v0  }
0x8c3: {  	v1 =	vadd.f32 v1, v45;
	v0 =	vld.idx.msk [tilespmem:v4+s19+$0x0], $0xffff;
	v4 =	vadd.s32 v59, v6  }
0x8c4: {  	v50 =	vadd.f32 v2, v46  }
0x8c5: {  	[tilespmem:s15+$0x165A0] =	vst v1  }
0x8c6: {  	[tilespmem:s18+$0x165A0] =	vst v50;
	v51 =	vld.idx.msk [tilespmem:v7+s19+$0x0], $0xffff  }
0x8c7: {  	v53 =	vld [tilespmem:$0x1FF50]  }
0x8c8: {  	v3 =	vld.idx.msk [tilespmem:v4+s19+$0x0], $0xffff  }
0x8c9: {  	v52 =	vmul.f32 v17, v5;
	v8 =	vmul.f32 v35, v5  }
0x8ca: {  	v0 =	vmul.f32 v0, v5;
	v4 =	vcvt.f32.s32 v11  }
0x8cb: {  	v7 =	vmul.f32 v19, v5;
	v2 =	vmul.f32 v51, v5  }
0x8cc: {  	v1 =	vcvt.f32.s32 v53;
	v0 =	vsub.f32 v0, v52;
	v4 =	vadd.s32 v4, v6  }
0x8cd: {  	v2 =	vsub.f32 v2, v7;
	v7 =	vcvt.f32.s32 v58;
	v3 =	vmul.f32 v3, v5  }
0x8ce: {  	v1 =	vadd.s32 v1, v6  }
0x8cf: {  	v0 =	vadd.f32 v0, v17;
	v57 =	vadd.s32 v7, v6;
	v3 =	vsub.f32 v3, v8  }
0x8d0: {  	v54 =	vadd.f32 v2, v19  }
0x8d1: {  	[tilespmem:s25+$0x165B0] =	vst v0;
	v58 =	vadd.f32 v3, v35  }
0x8d2: {  	[tilespmem:s15+$0x165B0] =	vst v54;
	v4 =	vld.idx.msk [tilespmem:v4+s19+$0x0], $0xffff  }
0x8d3: {  	v1 =	vld.idx.msk [tilespmem:v1+s19+$0x0], $0xffff;
	[tilespmem:s18+$0x165B0] =	vst v58  }
0x8d4: {  	v2 =	vld.idx.msk [tilespmem:v57+s19+$0x0], $0xffff  }
0x8d5: {  	v61 =	vmul.f32 v32, v5;
	v60 =	vmin.f32 v55, $4.095000000e+03;
	v7 =	vld [tilespmem:$0x1FF60]  }
0x8d6: {  	v9 =	vtrunc.f32 v60;
	v59 =	vmul.f32 v63, v5;
	v3 =	vmin.f32 v33, $4.095000000e+03  }
0x8d7: {  	v3 =	vtrunc.f32 v3;
	v4 =	vmul.f32 v4, v5  }
0x8d8: {  	v8 =	vmul.f32 v18, v5;
	v3 =	vcvt.f32.s32 v3  }
0x8d9: {  	v0 =	vsub.f32 v4, v59;
	v4 =	vcvt.f32.s32 v9;
	v2 =	vmul.f32 v2, v5  }
0x8da: {  	v1 =	vmul.f32 v1, v5;
	v3 =	vadd.s32 v3, v6;
	v7 =	vmin.f32 v7, $4.095000000e+03  }
0x8db: {  	v4 =	vadd.s32 v4, v6;
	v7 =	vtrunc.f32 v7;
	v2 =	vsub.f32 v2, v61  }
0x8dc: {  	v1 =	vsub.f32 v1, v8;
	v0 =	vadd.f32 v0, v63;
	v7 =	vcvt.f32.s32 v7  }
0x8dd: {  	v62 =	vadd.f32 v2, v32  }
0x8de: {  	v1 =	vadd.f32 v1, v18;
	[tilespmem:s25+$0x165C0] =	vst v0;
	v7 =	vadd.s32 v7, v6  }
0x8df: {  	v63 =	vld.idx.msk [tilespmem:v3+s19+$0x0], $0xffff;
	[tilespmem:s18+$0x165C0] =	vst v62  }
0x8e0: {  	[tilespmem:s15+$0x165C0] =	vst v1;
	v0 =	vld.idx.msk [tilespmem:v4+s19+$0x0], $0xffff  }
0x8e1: {  	v4 =	vld [tilespmem:$0x1FF00];
	_ =	sdelay $0x1  }
0x8e2: {  	v1 =	vld.idx.msk [tilespmem:v7+s19+$0x0], $0xffff  }
0x8e3: {  	v3 =	vmul.f32 v56, v5  }
0x8e4: {  	v2 =	vmul.f32 v63, v5  }
0x8e5: {  	v3 =	vsub.f32 v3, v4;
	v0 =	vmul.f32 v0, v5;
	v4 =	vld [tilespmem:$0x1FEF0]  }
0x8e6: {  	v2 =	vsub.f32 v2, v10  }
0x8e7: {  	v1 =	vmul.f32 v1, v5;
	v0 =	vsub.f32 v0, v49  }
0x8e8: {  	v2 =	vadd.f32 v2, v13  }
0x8e9: {  	p0 =	seq.s32 s24, $0x6;
	v1 =	vsub.f32 v1, v28;
	v0 =	vadd.f32 v0, v31  }
.Ltmp24:
0x8ea: {  	[tilespmem:s25+$0x165D0] =	vst v2;
	v3 =	vadd.f32 v3, v4;
	(pc) =	sbr.rel @p0 .LBB2_37-.Ltmp24, $4  }
0x8eb: {  	s5 =	sadd.s32 s4, s31;
	v1 =	vadd.f32 v1, v14;
	[tilespmem:s18+$0x165D0] =	vst v0  }
0x8ec: {  	s5 =	sshrl.u32 s5, $0x3;
	[tilespmem:s8+$0x165D0] =	vst v3  }
0x8ed: {  	s5 =	sadd.s32 s2, s5;
	[tilespmem:s15+$0x165D0] =	vst v1  }
0x8ee: {  	[hbm4b:s5+s3] =	stream.linear.scatter [tilespmem:s22], [sflag:$0x4], $0x1000, $0x38;
	[tilespmem:$0x17280] =	vst v63  }
.Ltmp25:
0x8ef: {  	(pc) =	sbr.rel .LBB2_27-.Ltmp25, $4  }
0x8f0: {  	s4 =	sadd.s32 s4, s10  }
0x8f1: {  	s4 =	sshrl.u32 s4, $0x3  }
0x8f2: {  	s24 =	sadd.s32 $0x1, s24;
	s4 =	sadd.s32 s1, s4  }
0x8f3: {  	[tilespmem:s12], [sflag:$0x2] =	stream.linear.gather [hbm4b:s4+s3], $0x1000, $0x38;
	[tilespmem:$0x17280] =	vst v63  }
.LBB2_40:
0x8f4: {  	_ =	sfence.sel $0x180000  }
0x8f5: {  	[bflag:$0x0] =	sbarrier.arrive $0xFFFF  }
0x8f6: {  	_ =	strace $0x90000047  }
0x8f7: {  	s0 =	stileid.u32;
	[bflag:$0x2] =	sbarrier.arrive $0xFFFF  }
0x8f8: {  	p0 =	sne.s32 s0, $0x0;
	s0 =	rddreg [dreg:$0x3]  }
0x8f9: {  	s0 =	sadd.s32 @!p0 $0x100000, s0  }
0x8fa: {  	[sflag:s0] =	ssyncadd.tile.s32 @!p0 $0x1;
	_ =	shalt  }
.Lfunc_end2:
_tile_overlayer_lowered:
.L_overlay_start_2:
0x8fb: {  	(tag) =	ssettag $0x2  }
0x8fc: {  	s0 =	rddreg [dreg:$0x0];
	s2 =	stileid.u32  }
0x8fd: {  	s1 =	rddreg [dreg:$0x1];
	p0 =	sne.s32 s2, $0x0  }
0x8fe: {  	s3 =	rddreg [dreg:$0x2];
	[bflag:$0x3] =	sbarrier.arrive $0xFFFF;
	s2 =	simm.s32 @!p0 $0x1C05  }
0x8ff: {  	[timem:s3], [sflag:s2] =	dma.local @!p0 [hbm:s0], s1  }
0x900: {  	s0 =	simm.s32 @!p0 $0x5  }
0x901: {  	_ =	swait.ge @!p0 [sflag:s0], s1  }
0x902: {  	s1 =	ssub.s32 @!p0 $0x0, s1;
	[sflag:s0] =	ssyncset.done @!p0 $0x0  }
0x903: {  	[sflag:s0] =	ssyncadd.s32 @!p0 s1  }
0x904: {  	[bflag:$0x3] =	sbarrier.arrive $0xFFFF  }
0x905: {  	_ =	shalt  }

</sc_bundles>
